<compile_context>
chip_gen: v7x
topology: tpu7x:2x2x1
jax: 0.10.2.dev20260603
libtpu: 0.0.44.dev20260713+nightly
codegen_flags: <defaults>
</compile_context>

<pallas_src>
import math

import jax
import jax.numpy as jnp
from jax import lax
from jax.experimental import pallas as pl
from jax.experimental.pallas import tpu as pltpu
from jax.experimental.pallas import tpu_sc as plsc

N = 10000
E = 320000
D0 = 128
DP = 16
NP = 10240
NCORE = 2
NSUB = 16
NW = NCORE * NSUB
EPW = 10080
EP = EPW * NW
KB = 7
CH = 24
NGRP = EPW // (CH * KB)
CH1 = 96
NGRP1 = EPW // (CH1 * KB)
RPT = NP // NSUB
_BNI = 1.0 / math.sqrt(1.0 + 1e-5)

_sc_mesh = plsc.VectorSubcoreMesh(
    core_axis_name="c", subcore_axis_name="s", num_cores=NCORE,
    num_subcores=NSUB)


def _ring(tbl, src_hbm, dst_hbm, acc, src_v, dst_v, rows_v, isem, gsem, ssem,
          ebase, ngrp, ch, ones_v=None, accd=None, osem=None):

    def fire_idx(g, poff):
        for b in range(KB):
            off = ebase + (g * KB + b) * ch
            pltpu.async_copy(src_hbm.at[pl.ds(off, ch)], src_v.at[poff + b],
                             isem)
            pltpu.async_copy(dst_hbm.at[pl.ds(off, ch)], dst_v.at[poff + b],
                             isem)

    def drain_idx(poff):
        for b in range(KB):
            pltpu.make_async_copy(src_hbm.at[pl.ds(ebase, ch)],
                                  src_v.at[poff + b], isem).wait()
            pltpu.make_async_copy(dst_hbm.at[pl.ds(ebase, ch)],
                                  dst_v.at[poff + b], isem).wait()

    def drain_scatter(poff):
        for b in range(KB):
            pltpu.make_async_copy(rows_v.at[poff + b],
                                  acc.at[dst_v.at[poff + b]], ssem).wait()
            if accd is not None:
                pltpu.make_async_copy(ones_v,
                                      accd.at[dst_v.at[poff + b]], osem).wait()

    fire_idx(0, 0)

    def group(g, carry):
        poff = lax.rem(g, 2) * KB
        pnoff = KB - poff
        drain_idx(poff)
        gc = []
        for b in range(KB):
            gc.append(pltpu.async_copy(tbl.at[src_v.at[poff + b]],
                                       rows_v.at[poff + b], gsem[b]))

        @pl.when(g > 0)
        def _():
            drain_scatter(pnoff)

        fire_idx(jnp.minimum(g + 1, ngrp - 1), pnoff)
        for b in range(KB):
            gc[b].wait()
            pltpu.async_copy(rows_v.at[poff + b], acc.at[dst_v.at[poff + b]],
                             ssem, add=True)
            if accd is not None:
                pltpu.async_copy(ones_v, accd.at[dst_v.at[poff + b]], osem,
                                 add=True)
        return carry

    lax.fori_loop(0, ngrp, group, 0)
    last_poff = ((ngrp - 1) % 2) * KB
    drain_scatter(last_poff)
    drain_idx(KB - last_poff)


def _agg_body(h_hbm, src_hbm, dst_hbm, zrow_hbm, zdeg_hbm,
              p_out, deg_out, acc, accd, src_v, dst_v, ones_v, rows_v,
              isem, gsem, ssem, osem):
    cid = lax.axis_index("c")
    sid = lax.axis_index("s")
    wid = cid * NSUB + sid

    pltpu.sync_copy(zrow_hbm, acc.at[pl.ds(sid * RPT, RPT)])
    pltpu.sync_copy(zdeg_hbm, accd.at[pl.ds(sid * RPT, RPT)])
    ones_v[...] = jnp.ones((CH,), jnp.float32)
    plsc.subcore_barrier()

    _ring(h_hbm, src_hbm, dst_hbm, acc, src_v, dst_v, rows_v, isem, gsem,
          ssem, wid * EPW, NGRP, CH, ones_v=ones_v, accd=accd, osem=osem)
    plsc.subcore_barrier()

    pltpu.sync_copy(acc.at[pl.ds(sid * RPT, RPT)],
                    p_out.at[cid, pl.ds(sid * RPT, RPT)])
    pltpu.sync_copy(accd.at[pl.ds(sid * RPT, RPT)],
                    deg_out.at[cid, pl.ds(sid * RPT, RPT)])


def _agg128(h, src, dst, zrow, zdeg):
    return pl.kernel(
        _agg_body,
        out_type=(jax.ShapeDtypeStruct((NCORE, NP, D0), jnp.float32),
                  jax.ShapeDtypeStruct((NCORE, NP), jnp.float32)),
        mesh=_sc_mesh,
        scratch_types=[
            pltpu.VMEM_SHARED((NP, D0), jnp.float32),
            pltpu.VMEM_SHARED((NP,), jnp.float32),
            pltpu.VMEM((2 * KB, CH), jnp.int32),
            pltpu.VMEM((2 * KB, CH), jnp.int32),
            pltpu.VMEM((CH,), jnp.float32),
            pltpu.VMEM((2 * KB, CH, D0), jnp.float32),
            pltpu.SemaphoreType.DMA,
            [pltpu.SemaphoreType.DMA] * KB,
            pltpu.SemaphoreType.DMA,
            pltpu.SemaphoreType.DMA,
        ],
    )(h, src, dst, zrow, zdeg)


def _agg16_body(z_hbm, src_hbm, dst_hbm, z16_hbm, q_out,
                acc, src_v, dst_v, rows_v, isem, gsem, ssem):
    cid = lax.axis_index("c")
    sid = lax.axis_index("s")
    wid = cid * NSUB + sid

    pltpu.sync_copy(z16_hbm, acc.at[pl.ds(sid * RPT, RPT)])
    plsc.subcore_barrier()

    _ring(z_hbm, src_hbm, dst_hbm, acc, src_v, dst_v, rows_v, isem, gsem,
          ssem, wid * EPW, NGRP1, CH1)
    plsc.subcore_barrier()

    pltpu.sync_copy(acc.at[pl.ds(sid * RPT, RPT)],
                    q_out.at[cid, pl.ds(sid * RPT, RPT)])


def _agg16(z1, src, dst, z16):
    return pl.kernel(
        _agg16_body,
        out_type=jax.ShapeDtypeStruct((NCORE, NP, DP), jnp.float32),
        mesh=_sc_mesh,
        compiler_params=pltpu.CompilerParams(use_tc_tiling_on_sc=False),
        scratch_types=[
            pltpu.VMEM_SHARED((NP, DP), jnp.float32),
            pltpu.VMEM((2 * KB, CH1), jnp.int32),
            pltpu.VMEM((2 * KB, CH1), jnp.int32),
            pltpu.VMEM((2 * KB, CH1, DP), jnp.float32),
            pltpu.SemaphoreType.DMA,
            [pltpu.SemaphoreType.DMA] * KB,
            pltpu.SemaphoreType.DMA,
        ],
    )(z1, src, dst, z16)


def _mid_body(eps_ref, h_r, p0_r, p1_r, deg_r, w0_r, b0_r, g0_r, be0_r,
              w1_r, wp_r, z1_o, zp_o, dinv_o):
    deg = deg_r[0, :] + deg_r[1, :]
    dinv = 1.0 / jnp.maximum(deg, 1.0)
    neigh = (p0_r[...] + p1_r[...]) * dinv[:, None]
    t0 = (1.0 + eps_ref[0]) * h_r[...] + neigh
    a = jnp.dot(t0, w0_r[...], preferred_element_type=jnp.float32) + b0_r[...]
    h0 = jnp.maximum(a * (g0_r[...] * _BNI) + be0_r[...], 0.0)
    z1_o[...] = jnp.dot(h0, w1_r[...], preferred_element_type=jnp.float32)
    zp_o[...] = jnp.dot(h0, wp_r[...], preferred_element_type=jnp.float32)
    dinv_o[...] = jnp.broadcast_to(dinv[:, None], dinv_o.shape)


def _mid(hp, p, degp, eps0, W0, b0, g0, be0, W1p, Wpp):
    R = 1024
    grid = NP // R
    row = lambda i: (i, 0)
    full = lambda i: (0, 0)
    return pl.pallas_call(
        _mid_body,
        grid=(grid,),
        in_specs=[
            pl.BlockSpec(memory_space=pltpu.SMEM),
            pl.BlockSpec((R, D0), row),
            pl.BlockSpec((R, D0), row),
            pl.BlockSpec((R, D0), row),
            pl.BlockSpec((NCORE, R), lambda i: (0, i)),
            pl.BlockSpec((D0, D0), full),
            pl.BlockSpec((1, D0), full),
            pl.BlockSpec((1, D0), full),
            pl.BlockSpec((1, D0), full),
            pl.BlockSpec((D0, DP), full),
            pl.BlockSpec((D0, DP), full),
        ],
        out_specs=[
            pl.BlockSpec((R, DP), row),
            pl.BlockSpec((R, DP), row),
            pl.BlockSpec((R, DP), row),
        ],
        out_shape=[
            jax.ShapeDtypeStruct((NP, DP), jnp.float32),
            jax.ShapeDtypeStruct((NP, DP), jnp.float32),
            jax.ShapeDtypeStruct((NP, DP), jnp.float32),
        ],
    )(eps0, hp, p[0], p[1], degp, W0, b0, g0, be0, W1p, Wpp)


def _fin_body(eps_ref, z1_r, q0_r, q1_r, dinv_r, zp_r, b1_r, g1_r, be1_r, o_r):
    t1 = (1.0 + eps_ref[0]) * z1_r[...] + (q0_r[...] + q1_r[...]) * dinv_r[...]
    h1 = jnp.maximum((t1 + b1_r[...]) * (g1_r[...] * _BNI) + be1_r[...], 0.0)
    o_r[...] = (zp_r[...] + h1) * 0.5


def _fin(z1, q, dinv, zp, eps1, b1p, g1p, be1p):
    R = 1024
    grid = NP // R
    row = lambda i: (i, 0)
    full = lambda i: (0, 0)
    return pl.pallas_call(
        _fin_body,
        grid=(grid,),
        in_specs=[
            pl.BlockSpec(memory_space=pltpu.SMEM),
            pl.BlockSpec((R, DP), row),
            pl.BlockSpec((R, DP), row),
            pl.BlockSpec((R, DP), row),
            pl.BlockSpec((R, DP), row),
            pl.BlockSpec((R, DP), row),
            pl.BlockSpec((1, DP), full),
            pl.BlockSpec((1, DP), full),
            pl.BlockSpec((1, DP), full),
        ],
        out_specs=pl.BlockSpec((R, DP), row),
        out_shape=jax.ShapeDtypeStruct((NP, DP), jnp.float32),
    )(eps1, z1, q[0], q[1], dinv, zp, b1p, g1p, be1p)


def kernel(g, h, snorm_n, snorm_e, eps0, W0, b0, bn0_g, bn0_b,
           eps1, W1, b1, bn1_g, bn1_b, Wp):
    del snorm_n, snorm_e
    f32 = jnp.float32
    npad = EP - E
    fill = jnp.arange(npad, dtype=jnp.int32)
    src = jnp.concatenate([g[0], fill % 997])
    dst = jnp.concatenate([g[1], N + fill % (NP - N)])
    hp = jnp.pad(h, ((0, NP - N), (0, 0)))
    zrow = jnp.zeros((RPT, D0), f32)
    zdeg = jnp.zeros((RPT,), f32)
    z16 = jnp.zeros((RPT, DP), f32)
    W1p = jnp.pad(W1, ((0, 0), (0, DP - W1.shape[1])))
    Wpp = jnp.pad(Wp, ((0, 0), (0, DP - Wp.shape[1])))
    b1p = jnp.pad(b1, (0, DP - b1.shape[0])).reshape(1, DP)
    g1p = jnp.pad(bn1_g, (0, DP - bn1_g.shape[0])).reshape(1, DP)
    be1p = jnp.pad(bn1_b, (0, DP - bn1_b.shape[0])).reshape(1, DP)

    p, degp = _agg128(h, src, dst, zrow, zdeg)
    z1, zp, dinv = _mid(hp, p, degp, eps0, W0, b0.reshape(1, D0),
                        bn0_g.reshape(1, D0), bn0_b.reshape(1, D0), W1p, Wpp)
    q = _agg16(z1, src, dst, z16)
    out = _fin(z1, q, dinv, zp, eps1, b1p, g1p, be1p)
    return out[:N, :Wp.shape[1]]

# --- scband reference (transcript-rebuilt; emitter-appended) ---
"""Pipeline reference for scband-ginnet-74749610819913 (READ-ONLY COPY).

The authoritative reference and input builder live on the scoring server;
editing this copy changes nothing except your own understanding.
"""

import jax, jax.numpy as jnp
import numpy as np

N = 10000
E = 320000
IN_DIM = 128
HID = 128
NC = 10


def setup_inputs(seed: int = 0):
    key = jax.random.key(seed)
    ks = jax.random.split(key, 16)
    g = jax.random.randint(ks[0], (2, E), 0, N, dtype=jnp.int32)
    h = jax.random.normal(ks[1], (N, IN_DIM), dtype=jnp.float32)
    snorm_n = jax.random.uniform(ks[2], (N, 1), dtype=jnp.float32)
    snorm_e = jax.random.uniform(ks[3], (E, 1), dtype=jnp.float32)
    # GIN layer 0: MLP(1 layer) = Linear(in_dim, hidden_dim); ApplyNodeFunc BN over hidden_dim
    eps0 = jnp.zeros((1,), dtype=jnp.float32)
    W0 = jax.random.normal(ks[4], (IN_DIM, HID), dtype=jnp.float32) * 0.05
    b0 = jax.random.normal(ks[5], (HID,), dtype=jnp.float32) * 0.05
    bn0_g = jnp.ones((HID,), dtype=jnp.float32)
    bn0_b = jnp.zeros((HID,), dtype=jnp.float32)
    # GIN layer 1: MLP(1 layer) = Linear(hidden_dim, n_classes); BN over n_classes
    eps1 = jnp.zeros((1,), dtype=jnp.float32)
    W1 = jax.random.normal(ks[6], (HID, NC), dtype=jnp.float32) * 0.05
    b1 = jax.random.normal(ks[7], (NC,), dtype=jnp.float32) * 0.05
    bn1_g = jnp.ones((NC,), dtype=jnp.float32)
    bn1_b = jnp.zeros((NC,), dtype=jnp.float32)
    # prediction head Linear(hidden_dim, n_classes, bias=False)
    Wp = jax.random.normal(ks[8], (HID, NC), dtype=jnp.float32) * 0.05
    return {"g": g, "h": h, "snorm_n": snorm_n, "snorm_e": snorm_e,
            "eps0": eps0, "W0": W0, "b0": b0, "bn0_g": bn0_g, "bn0_b": bn0_b,
            "eps1": eps1, "W1": W1, "b1": b1, "bn1_g": bn1_g, "bn1_b": bn1_b,
            "Wp": Wp}


def _gin_layer(h, src, dst, eps, W, b, gamma, beta):
    # message passing: copy_u + mean reduce over incoming edges
    msgs = jnp.take(h, src, axis=0)
    sums = jax.ops.segment_sum(msgs, dst, num_segments=N)
    deg = jax.ops.segment_sum(jnp.ones((E,), dtype=h.dtype), dst, num_segments=N)
    neigh = sums / jnp.maximum(deg, 1.0)[:, None]
    # (1 + eps) * h + aggregated neighbors (learn_eps)
    h = (1.0 + eps[0]) * h + neigh
    # ApplyNodeFunc: MLP (single Linear) -> BatchNorm (eval mode, running mean 0 / var 1) -> ReLU
    h = h @ W + b
    h = h / jnp.sqrt(1.0 + 1e-5) * gamma + beta
    h = jax.nn.relu(h)
    # GINLayer: graph_norm=False, batch_norm=False, then ReLU, residual=False, dropout eval = identity
    h = jax.nn.relu(h)
    return h


def reference(g, h, snorm_n, snorm_e, eps0, W0, b0, bn0_g, bn0_b, eps1, W1, b1, bn1_g, bn1_b, Wp):
    src = g[0]
    dst = g[1]
    h0 = _gin_layer(h, src, dst, eps0, W0, b0, bn0_g, bn0_b)
    h1 = _gin_layer(h0, src, dst, eps1, W1, b1, bn1_g, bn1_b)
    score_over_layer = (h0 @ Wp + h1) / 2.0
    return score_over_layer

if __name__ == "__main__":
    import jax
    _d = setup_inputs()
    print(jax.jit(kernel)(*tuple(_d.values())))

</pallas_src>

<mosaic_0001>
#map = affine_map<(d0, d1) -> (0, 0)>
#map1 = affine_map<(d0, d1) -> (0)>
#map2 = affine_map<(d0, d1) -> (0, 0, 0)>
module attributes {stable_mosaic.version = 14 : i64} {
  func.func @_agg_body(%arg0: i32, %arg1: i32, %arg2: memref<10000x128xf32, #tpu.memory_space<hbm>>, %arg3: memref<322560xi32, #tpu.memory_space<hbm>>, %arg4: memref<322560xi32, #tpu.memory_space<hbm>>, %arg5: memref<640x128xf32, #tpu.memory_space<hbm>>, %arg6: memref<640xf32, #tpu.memory_space<hbm>>, %arg7: memref<2x10240x128xf32, #tpu.memory_space<hbm>>, %arg8: memref<2x10240xf32, #tpu.memory_space<hbm>>, %arg9: memref<10240x128xf32, #tpu.memory_space<vmem_shared>>, %arg10: memref<10240xf32, #tpu.memory_space<vmem_shared>>, %arg11: memref<14x24xi32, #tpu.memory_space<vmem>>, %arg12: memref<14x24xi32, #tpu.memory_space<vmem>>, %arg13: memref<24xf32, #tpu.memory_space<vmem>>, %arg14: memref<14x24x128xf32, #tpu.memory_space<vmem>>, %arg15: memref<!tpu.dma_semaphore, #tpu.memory_space<semaphore_mem>>, %arg16: memref<!tpu.dma_semaphore, #tpu.memory_space<semaphore_mem>>, %arg17: memref<!tpu.dma_semaphore, #tpu.memory_space<semaphore_mem>>, %arg18: memref<!tpu.dma_semaphore, #tpu.memory_space<semaphore_mem>>, %arg19: memref<!tpu.dma_semaphore, #tpu.memory_space<semaphore_mem>>, %arg20: memref<!tpu.dma_semaphore, #tpu.memory_space<semaphore_mem>>, %arg21: memref<!tpu.dma_semaphore, #tpu.memory_space<semaphore_mem>>, %arg22: memref<!tpu.dma_semaphore, #tpu.memory_space<semaphore_mem>>, %arg23: memref<!tpu.dma_semaphore, #tpu.memory_space<semaphore_mem>>, %arg24: memref<!tpu.dma_semaphore, #tpu.memory_space<semaphore_mem>>) attributes {dimension_semantics = [#tpu.dimension_semantics<core_parallel>, #tpu.dimension_semantics<subcore_parallel>], iteration_bounds = array<i64: 2, 16>, scalar_prefetch = 0 : i64, scratch_operands = 16 : i64, tpu.core_type = #tpu.core_type<sc_vector_subcore>, window_params = [{transform_indices = #map}, {transform_indices = #map1}, {transform_indices = #map1}, {transform_indices = #map}, {transform_indices = #map1}, {transform_indices = #map2}, {transform_indices = #map}]} {
    %mul3A = arith.constant 16 : i32
    %mul3A_0 = arith.muli %arg0, %mul3A : i32
    %add3A = arith.addi %mul3A_0, %arg1 : i32
    %mul3A_1 = arith.constant 640 : i32
    %mul3A_2 = arith.muli %arg1, %mul3A_1 : i32
    "tpu.region"() ({
      %run_scoped3A = tpu.sem_alloc : memref<!tpu.dma_semaphore, #tpu.memory_space<semaphore_mem>>
      %dma_start3A_415 = arith.constant 0 : i32
      %dma_start3A_416 = tpu.memref_slice %arg9[%mul3A_2, %dma_start3A_415] : memref<10240x128xf32, #tpu.memory_space<vmem_shared>> -> memref<640x128xf32, #tpu.memory_space<vmem_shared>>
      tpu.enqueue_dma source(%arg5 : memref<640x128xf32, #tpu.memory_space<hbm>>) target(%dma_start3A_416 : memref<640x128xf32, #tpu.memory_space<vmem_shared>>) target_semaphore(%run_scoped3A : memref<!tpu.dma_semaphore, #tpu.memory_space<semaphore_mem>>)
      %dma_wait3A_417 = arith.constant 0 : i32
      %dma_wait3A_418 = tpu.memref_slice %arg9[%mul3A_2, %dma_wait3A_417] : memref<10240x128xf32, #tpu.memory_space<vmem_shared>> -> memref<640x128xf32, #tpu.memory_space<vmem_shared>>
      tpu.wait_dma2 semaphore(%run_scoped3A : memref<!tpu.dma_semaphore, #tpu.memory_space<semaphore_mem>>) src(%arg5 : memref<640x128xf32, #tpu.memory_space<hbm>>) dst(%dma_wait3A_418 : memref<640x128xf32, #tpu.memory_space<vmem_shared>>)
      tpu.yield
    }) : () -> ()
    %mul3A_3 = arith.constant 640 : i32
    %mul3A_4 = arith.muli %arg1, %mul3A_3 : i32
    "tpu.region"() ({
      %run_scoped3A = tpu.sem_alloc : memref<!tpu.dma_semaphore, #tpu.memory_space<semaphore_mem>>
      %dma_start3A_415 = tpu.memref_slice %arg10[%mul3A_4] : memref<10240xf32, #tpu.memory_space<vmem_shared>> -> memref<640xf32, #tpu.memory_space<vmem_shared>>
      tpu.enqueue_dma source(%arg6 : memref<640xf32, #tpu.memory_space<hbm>>) target(%dma_start3A_415 : memref<640xf32, #tpu.memory_space<vmem_shared>>) target_semaphore(%run_scoped3A : memref<!tpu.dma_semaphore, #tpu.memory_space<semaphore_mem>>)
      %dma_wait3A_416 = tpu.memref_slice %arg10[%mul3A_4] : memref<10240xf32, #tpu.memory_space<vmem_shared>> -> memref<640xf32, #tpu.memory_space<vmem_shared>>
      tpu.wait_dma2 semaphore(%run_scoped3A : memref<!tpu.dma_semaphore, #tpu.memory_space<semaphore_mem>>) src(%arg6 : memref<640xf32, #tpu.memory_space<hbm>>) dst(%dma_wait3A_416 : memref<640xf32, #tpu.memory_space<vmem_shared>>)
      tpu.yield
    }) : () -> ()
    %broadcast_in_dim3A = arith.constant 1.000000e+00 : f32
    %broadcast_in_dim3A_5 = vector.broadcast %broadcast_in_dim3A : f32 to vector<24xf32>
    %swap3A = arith.constant 0 : index
    %swap3A_6 = tpu.vector_load %arg13[%swap3A] {strides = array<i32>} : memref<24xf32, #tpu.memory_space<vmem>>, vector<24xf32>,
    %swap3A_7 = vector.shape_cast %swap3A_6 : vector<24xf32> to vector<24xf32>
    %swap3A_8 = vector.shape_cast %broadcast_in_dim3A_5 : vector<24xf32> to vector<24xf32>
    tpu.vector_store %arg13[%swap3A], %swap3A_8 {strides = array<i32>} : memref<24xf32, #tpu.memory_space<vmem>>, vector<24xf32>,
    %barrier3A = arith.constant 0 : index
    tpu.barrier barrier_id(%barrier3A)
    %mul3A_9 = arith.constant 10080 : i32
    %mul3A_10 = arith.muli %add3A, %mul3A_9 : i32
    %add3A_11 = arith.constant 0 : i32
    %add3A_12 = arith.addi %mul3A_10, %add3A_11 : i32
    %dma_start3A = arith.constant 0 : i32
    %dma_start3A_13 = arith.constant 0 : i32
    %dma_start3A_14 = tpu.memref_slice %arg11[%dma_start3A, %dma_start3A_13] : memref<14x24xi32, #tpu.memory_space<vmem>> -> memref<1x24xi32, #tpu.memory_space<vmem>>
    %dma_start3A_15 = tpu.memref_squeeze %dma_start3A_14 : memref<1x24xi32, #tpu.memory_space<vmem>> -> memref<24xi32, #tpu.memory_space<vmem>>
    %dma_start3A_16 = tpu.memref_slice %arg3[%add3A_12] : memref<322560xi32, #tpu.memory_space<hbm>> -> memref<24xi32, #tpu.memory_space<hbm>>
    %dma_start3A_17 = arith.constant 0 : i32
    %dma_start3A_18 = tpu.memref_slice %arg11[%dma_start3A, %dma_start3A_17] : memref<14x24xi32, #tpu.memory_space<vmem>> -> memref<1x24xi32, #tpu.memory_space<vmem>>
    %dma_start3A_19 = tpu.memref_squeeze %dma_start3A_18 : memref<1x24xi32, #tpu.memory_space<vmem>> -> memref<24xi32, #tpu.memory_space<vmem>>
    %dma_start3A_20 = tpu.memref_slice %arg3[%add3A_12] : memref<322560xi32, #tpu.memory_space<hbm>> -> memref<24xi32, #tpu.memory_space<hbm>>
    tpu.enqueue_dma source(%dma_start3A_20 : memref<24xi32, #tpu.memory_space<hbm>>) target(%dma_start3A_19 : memref<24xi32, #tpu.memory_space<vmem>>) target_semaphore(%arg15 : memref<!tpu.dma_semaphore, #tpu.memory_space<semaphore_mem>>)
    %dma_start3A_21 = arith.constant 0 : i32
    %dma_start3A_22 = arith.constant 0 : i32
    %dma_start3A_23 = tpu.memref_slice %arg12[%dma_start3A_21, %dma_start3A_22] : memref<14x24xi32, #tpu.memory_space<vmem>> -> memref<1x24xi32, #tpu.memory_space<vmem>>
    %dma_start3A_24 = tpu.memref_squeeze %dma_start3A_23 : memref<1x24xi32, #tpu.memory_space<vmem>> -> memref<24xi32, #tpu.memory_space<vmem>>
    %dma_start3A_25 = tpu.memref_slice %arg4[%add3A_12] : memref<322560xi32, #tpu.memory_space<hbm>> -> memref<24xi32, #tpu.memory_space<hbm>>
    %dma_start3A_26 = arith.constant 0 : i32
    %dma_start3A_27 = tpu.memref_slice %arg12[%dma_start3A_21, %dma_start3A_26] : memref<14x24xi32, #tpu.memory_space<vmem>> -> memref<1x24xi32, #tpu.memory_space<vmem>>
    %dma_start3A_28 = tpu.memref_squeeze %dma_start3A_27 : memref<1x24xi32, #tpu.memory_space<vmem>> -> memref<24xi32, #tpu.memory_space<vmem>>
    %dma_start3A_29 = tpu.memref_slice %arg4[%add3A_12] : memref<322560xi32, #tpu.memory_space<hbm>> -> memref<24xi32, #tpu.memory_space<hbm>>
    tpu.enqueue_dma source(%dma_start3A_29 : memref<24xi32, #tpu.memory_space<hbm>>) target(%dma_start3A_28 : memref<24xi32, #tpu.memory_space<vmem>>) target_semaphore(%arg15 : memref<!tpu.dma_semaphore, #tpu.memory_space<semaphore_mem>>)
    %add3A_30 = arith.constant 24 : i32
    %add3A_31 = arith.addi %mul3A_10, %add3A_30 : i32
    %dma_start3A_32 = arith.constant 1 : i32
    %dma_start3A_33 = arith.constant 0 : i32
    %dma_start3A_34 = tpu.memref_slice %arg11[%dma_start3A_32, %dma_start3A_33] : memref<14x24xi32, #tpu.memory_space<vmem>> -> memref<1x24xi32, #tpu.memory_space<vmem>>
    %dma_start3A_35 = tpu.memref_squeeze %dma_start3A_34 : memref<1x24xi32, #tpu.memory_space<vmem>> -> memref<24xi32, #tpu.memory_space<vmem>>
    %dma_start3A_36 = tpu.memref_slice %arg3[%add3A_31] : memref<322560xi32, #tpu.memory_space<hbm>> -> memref<24xi32, #tpu.memory_space<hbm>>
    %dma_start3A_37 = arith.constant 0 : i32
    %dma_start3A_38 = tpu.memref_slice %arg11[%dma_start3A_32, %dma_start3A_37] : memref<14x24xi32, #tpu.memory_space<vmem>> -> memref<1x24xi32, #tpu.memory_space<vmem>>
    %dma_start3A_39 = tpu.memref_squeeze %dma_start3A_38 : memref<1x24xi32, #tpu.memory_space<vmem>> -> memref<24xi32, #tpu.memory_space<vmem>>
    %dma_start3A_40 = tpu.memref_slice %arg3[%add3A_31] : memref<322560xi32, #tpu.memory_space<hbm>> -> memref<24xi32, #tpu.memory_space<hbm>>
    tpu.enqueue_dma source(%dma_start3A_40 : memref<24xi32, #tpu.memory_space<hbm>>) target(%dma_start3A_39 : memref<24xi32, #tpu.memory_space<vmem>>) target_semaphore(%arg15 : memref<!tpu.dma_semaphore, #tpu.memory_space<semaphore_mem>>)
    %dma_start3A_41 = arith.constant 1 : i32
    %dma_start3A_42 = arith.constant 0 : i32
    %dma_start3A_43 = tpu.memref_slice %arg12[%dma_start3A_41, %dma_start3A_42] : memref<14x24xi32, #tpu.memory_space<vmem>> -> memref<1x24xi32, #tpu.memory_space<vmem>>
    %dma_start3A_44 = tpu.memref_squeeze %dma_start3A_43 : memref<1x24xi32, #tpu.memory_space<vmem>> -> memref<24xi32, #tpu.memory_space<vmem>>
    %dma_start3A_45 = tpu.memref_slice %arg4[%add3A_31] : memref<322560xi32, #tpu.memory_space<hbm>> -> memref<24xi32, #tpu.memory_space<hbm>>
    %dma_start3A_46 = arith.constant 0 : i32
    %dma_start3A_47 = tpu.memref_slice %arg12[%dma_start3A_41, %dma_start3A_46] : memref<14x24xi32, #tpu.memory_space<vmem>> -> memref<1x24xi32, #tpu.memory_space<vmem>>
    %dma_start3A_48 = tpu.memref_squeeze %dma_start3A_47 : memref<1x24xi32, #tpu.memory_space<vmem>> -> memref<24xi32, #tpu.memory_space<vmem>>
    %dma_start3A_49 = tpu.memref_slice %arg4[%add3A_31] : memref<322560xi32, #tpu.memory_space<hbm>> -> memref<24xi32, #tpu.memory_space<hbm>>
    tpu.enqueue_dma source(%dma_start3A_49 : memref<24xi32, #tpu.memory_space<hbm>>) target(%dma_start3A_48 : memref<24xi32, #tpu.memory_space<vmem>>) target_semaphore(%arg15 : memref<!tpu.dma_semaphore, #tpu.memory_space<semaphore_mem>>)
    %add3A_50 = arith.constant 48 : i32
    %add3A_51 = arith.addi %mul3A_10, %add3A_50 : i32
    %dma_start3A_52 = arith.constant 2 : i32
    %dma_start3A_53 = arith.constant 0 : i32
    %dma_start3A_54 = tpu.memref_slice %arg11[%dma_start3A_52, %dma_start3A_53] : memref<14x24xi32, #tpu.memory_space<vmem>> -> memref<1x24xi32, #tpu.memory_space<vmem>>
    %dma_start3A_55 = tpu.memref_squeeze %dma_start3A_54 : memref<1x24xi32, #tpu.memory_space<vmem>> -> memref<24xi32, #tpu.memory_space<vmem>>
    %dma_start3A_56 = tpu.memref_slice %arg3[%add3A_51] : memref<322560xi32, #tpu.memory_space<hbm>> -> memref<24xi32, #tpu.memory_space<hbm>>
    %dma_start3A_57 = arith.constant 0 : i32
    %dma_start3A_58 = tpu.memref_slice %arg11[%dma_start3A_52, %dma_start3A_57] : memref<14x24xi32, #tpu.memory_space<vmem>> -> memref<1x24xi32, #tpu.memory_space<vmem>>
    %dma_start3A_59 = tpu.memref_squeeze %dma_start3A_58 : memref<1x24xi32, #tpu.memory_space<vmem>> -> memref<24xi32, #tpu.memory_space<vmem>>
    %dma_start3A_60 = tpu.memref_slice %arg3[%add3A_51] : memref<322560xi32, #tpu.memory_space<hbm>> -> memref<24xi32, #tpu.memory_space<hbm>>
    tpu.enqueue_dma source(%dma_start3A_60 : memref<24xi32, #tpu.memory_space<hbm>>) target(%dma_start3A_59 : memref<24xi32, #tpu.memory_space<vmem>>) target_semaphore(%arg15 : memref<!tpu.dma_semaphore, #tpu.memory_space<semaphore_mem>>)
    %dma_start3A_61 = arith.constant 2 : i32
    %dma_start3A_62 = arith.constant 0 : i32
    %dma_start3A_63 = tpu.memref_slice %arg12[%dma_start3A_61, %dma_start3A_62] : memref<14x24xi32, #tpu.memory_space<vmem>> -> memref<1x24xi32, #tpu.memory_space<vmem>>
    %dma_start3A_64 = tpu.memref_squeeze %dma_start3A_63 : memref<1x24xi32, #tpu.memory_space<vmem>> -> memref<24xi32, #tpu.memory_space<vmem>>
    %dma_start3A_65 = tpu.memref_slice %arg4[%add3A_51] : memref<322560xi32, #tpu.memory_space<hbm>> -> memref<24xi32, #tpu.memory_space<hbm>>
    %dma_start3A_66 = arith.constant 0 : i32
    %dma_start3A_67 = tpu.memref_slice %arg12[%dma_start3A_61, %dma_start3A_66] : memref<14x24xi32, #tpu.memory_space<vmem>> -> memref<1x24xi32, #tpu.memory_space<vmem>>
    %dma_start3A_68 = tpu.memref_squeeze %dma_start3A_67 : memref<1x24xi32, #tpu.memory_space<vmem>> -> memref<24xi32, #tpu.memory_space<vmem>>
    %dma_start3A_69 = tpu.memref_slice %arg4[%add3A_51] : memref<322560xi32, #tpu.memory_space<hbm>> -> memref<24xi32, #tpu.memory_space<hbm>>
    tpu.enqueue_dma source(%dma_start3A_69 : memref<24xi32, #tpu.memory_space<hbm>>) target(%dma_start3A_68 : memref<24xi32, #tpu.memory_space<vmem>>) target_semaphore(%arg15 : memref<!tpu.dma_semaphore, #tpu.memory_space<semaphore_mem>>)
    %add3A_70 = arith.constant 72 : i32
    %add3A_71 = arith.addi %mul3A_10, %add3A_70 : i32
    %dma_start3A_72 = arith.constant 3 : i32
    %dma_start3A_73 = arith.constant 0 : i32
    %dma_start3A_74 = tpu.memref_slice %arg11[%dma_start3A_72, %dma_start3A_73] : memref<14x24xi32, #tpu.memory_space<vmem>> -> memref<1x24xi32, #tpu.memory_space<vmem>>
    %dma_start3A_75 = tpu.memref_squeeze %dma_start3A_74 : memref<1x24xi32, #tpu.memory_space<vmem>> -> memref<24xi32, #tpu.memory_space<vmem>>
    %dma_start3A_76 = tpu.memref_slice %arg3[%add3A_71] : memref<322560xi32, #tpu.memory_space<hbm>> -> memref<24xi32, #tpu.memory_space<hbm>>
    %dma_start3A_77 = arith.constant 0 : i32
    %dma_start3A_78 = tpu.memref_slice %arg11[%dma_start3A_72, %dma_start3A_77] : memref<14x24xi32, #tpu.memory_space<vmem>> -> memref<1x24xi32, #tpu.memory_space<vmem>>
    %dma_start3A_79 = tpu.memref_squeeze %dma_start3A_78 : memref<1x24xi32, #tpu.memory_space<vmem>> -> memref<24xi32, #tpu.memory_space<vmem>>
    %dma_start3A_80 = tpu.memref_slice %arg3[%add3A_71] : memref<322560xi32, #tpu.memory_space<hbm>> -> memref<24xi32, #tpu.memory_space<hbm>>
    tpu.enqueue_dma source(%dma_start3A_80 : memref<24xi32, #tpu.memory_space<hbm>>) target(%dma_start3A_79 : memref<24xi32, #tpu.memory_space<vmem>>) target_semaphore(%arg15 : memref<!tpu.dma_semaphore, #tpu.memory_space<semaphore_mem>>)
    %dma_start3A_81 = arith.constant 3 : i32
    %dma_start3A_82 = arith.constant 0 : i32
    %dma_start3A_83 = tpu.memref_slice %arg12[%dma_start3A_81, %dma_start3A_82] : memref<14x24xi32, #tpu.memory_space<vmem>> -> memref<1x24xi32, #tpu.memory_space<vmem>>
    %dma_start3A_84 = tpu.memref_squeeze %dma_start3A_83 : memref<1x24xi32, #tpu.memory_space<vmem>> -> memref<24xi32, #tpu.memory_space<vmem>>
    %dma_start3A_85 = tpu.memref_slice %arg4[%add3A_71] : memref<322560xi32, #tpu.memory_space<hbm>> -> memref<24xi32, #tpu.memory_space<hbm>>
    %dma_start3A_86 = arith.constant 0 : i32
    %dma_start3A_87 = tpu.memref_slice %arg12[%dma_start3A_81, %dma_start3A_86] : memref<14x24xi32, #tpu.memory_space<vmem>> -> memref<1x24xi32, #tpu.memory_space<vmem>>
    %dma_start3A_88 = tpu.memref_squeeze %dma_start3A_87 : memref<1x24xi32, #tpu.memory_space<vmem>> -> memref<24xi32, #tpu.memory_space<vmem>>
    %dma_start3A_89 = tpu.memref_slice %arg4[%add3A_71] : memref<322560xi32, #tpu.memory_space<hbm>> -> memref<24xi32, #tpu.memory_space<hbm>>
    tpu.enqueue_dma source(%dma_start3A_89 : memref<24xi32, #tpu.memory_space<hbm>>) target(%dma_start3A_88 : memref<24xi32, #tpu.memory_space<vmem>>) target_semaphore(%arg15 : memref<!tpu.dma_semaphore, #tpu.memory_space<semaphore_mem>>)
    %add3A_90 = arith.constant 96 : i32
    %add3A_91 = arith.addi %mul3A_10, %add3A_90 : i32
    %dma_start3A_92 = arith.constant 4 : i32
    %dma_start3A_93 = arith.constant 0 : i32
    %dma_start3A_94 = tpu.memref_slice %arg11[%dma_start3A_92, %dma_start3A_93] : memref<14x24xi32, #tpu.memory_space<vmem>> -> memref<1x24xi32, #tpu.memory_space<vmem>>
    %dma_start3A_95 = tpu.memref_squeeze %dma_start3A_94 : memref<1x24xi32, #tpu.memory_space<vmem>> -> memref<24xi32, #tpu.memory_space<vmem>>
    %dma_start3A_96 = tpu.memref_slice %arg3[%add3A_91] : memref<322560xi32, #tpu.memory_space<hbm>> -> memref<24xi32, #tpu.memory_space<hbm>>
    %dma_start3A_97 = arith.constant 0 : i32
    %dma_start3A_98 = tpu.memref_slice %arg11[%dma_start3A_92, %dma_start3A_97] : memref<14x24xi32, #tpu.memory_space<vmem>> -> memref<1x24xi32, #tpu.memory_space<vmem>>
    %dma_start3A_99 = tpu.memref_squeeze %dma_start3A_98 : memref<1x24xi32, #tpu.memory_space<vmem>> -> memref<24xi32, #tpu.memory_space<vmem>>
    %dma_start3A_100 = tpu.memref_slice %arg3[%add3A_91] : memref<322560xi32, #tpu.memory_space<hbm>> -> memref<24xi32, #tpu.memory_space<hbm>>
    tpu.enqueue_dma source(%dma_start3A_100 : memref<24xi32, #tpu.memory_space<hbm>>) target(%dma_start3A_99 : memref<24xi32, #tpu.memory_space<vmem>>) target_semaphore(%arg15 : memref<!tpu.dma_semaphore, #tpu.memory_space<semaphore_mem>>)
    %dma_start3A_101 = arith.constant 4 : i32
    %dma_start3A_102 = arith.constant 0 : i32
    %dma_start3A_103 = tpu.memref_slice %arg12[%dma_start3A_101, %dma_start3A_102] : memref<14x24xi32, #tpu.memory_space<vmem>> -> memref<1x24xi32, #tpu.memory_space<vmem>>
    %dma_start3A_104 = tpu.memref_squeeze %dma_start3A_103 : memref<1x24xi32, #tpu.memory_space<vmem>> -> memref<24xi32, #tpu.memory_space<vmem>>
    %dma_start3A_105 = tpu.memref_slice %arg4[%add3A_91] : memref<322560xi32, #tpu.memory_space<hbm>> -> memref<24xi32, #tpu.memory_space<hbm>>
    %dma_start3A_106 = arith.constant 0 : i32
    %dma_start3A_107 = tpu.memref_slice %arg12[%dma_start3A_101, %dma_start3A_106] : memref<14x24xi32, #tpu.memory_space<vmem>> -> memref<1x24xi32, #tpu.memory_space<vmem>>
    %dma_start3A_108 = tpu.memref_squeeze %dma_start3A_107 : memref<1x24xi32, #tpu.memory_space<vmem>> -> memref<24xi32, #tpu.memory_space<vmem>>
    %dma_start3A_109 = tpu.memref_slice %arg4[%add3A_91] : memref<322560xi32, #tpu.memory_space<hbm>> -> memref<24xi32, #tpu.memory_space<hbm>>
    tpu.enqueue_dma source(%dma_start3A_109 : memref<24xi32, #tpu.memory_space<hbm>>) target(%dma_start3A_108 : memref<24xi32, #tpu.memory_space<vmem>>) target_semaphore(%arg15 : memref<!tpu.dma_semaphore, #tpu.memory_space<semaphore_mem>>)
    %add3A_110 = arith.constant 120 : i32
    %add3A_111 = arith.addi %mul3A_10, %add3A_110 : i32
    %dma_start3A_112 = arith.constant 5 : i32
    %dma_start3A_113 = arith.constant 0 : i32
    %dma_start3A_114 = tpu.memref_slice %arg11[%dma_start3A_112, %dma_start3A_113] : memref<14x24xi32, #tpu.memory_space<vmem>> -> memref<1x24xi32, #tpu.memory_space<vmem>>
    %dma_start3A_115 = tpu.memref_squeeze %dma_start3A_114 : memref<1x24xi32, #tpu.memory_space<vmem>> -> memref<24xi32, #tpu.memory_space<vmem>>
    %dma_start3A_116 = tpu.memref_slice %arg3[%add3A_111] : memref<322560xi32, #tpu.memory_space<hbm>> -> memref<24xi32, #tpu.memory_space<hbm>>
    %dma_start3A_117 = arith.constant 0 : i32
    %dma_start3A_118 = tpu.memref_slice %arg11[%dma_start3A_112, %dma_start3A_117] : memref<14x24xi32, #tpu.memory_space<vmem>> -> memref<1x24xi32, #tpu.memory_space<vmem>>
    %dma_start3A_119 = tpu.memref_squeeze %dma_start3A_118 : memref<1x24xi32, #tpu.memory_space<vmem>> -> memref<24xi32, #tpu.memory_space<vmem>>
    %dma_start3A_120 = tpu.memref_slice %arg3[%add3A_111] : memref<322560xi32, #tpu.memory_space<hbm>> -> memref<24xi32, #tpu.memory_space<hbm>>
    tpu.enqueue_dma source(%dma_start3A_120 : memref<24xi32, #tpu.memory_space<hbm>>) target(%dma_start3A_119 : memref<24xi32, #tpu.memory_space<vmem>>) target_semaphore(%arg15 : memref<!tpu.dma_semaphore, #tpu.memory_space<semaphore_mem>>)
    %dma_start3A_121 = arith.constant 5 : i32
    %dma_start3A_122 = arith.constant 0 : i32
    %dma_start3A_123 = tpu.memref_slice %arg12[%dma_start3A_121, %dma_start3A_122] : memref<14x24xi32, #tpu.memory_space<vmem>> -> memref<1x24xi32, #tpu.memory_space<vmem>>
    %dma_start3A_124 = tpu.memref_squeeze %dma_start3A_123 : memref<1x24xi32, #tpu.memory_space<vmem>> -> memref<24xi32, #tpu.memory_space<vmem>>
    %dma_start3A_125 = tpu.memref_slice %arg4[%add3A_111] : memref<322560xi32, #tpu.memory_space<hbm>> -> memref<24xi32, #tpu.memory_space<hbm>>
    %dma_start3A_126 = arith.constant 0 : i32
    %dma_start3A_127 = tpu.memref_slice %arg12[%dma_start3A_121, %dma_start3A_126] : memref<14x24xi32, #tpu.memory_space<vmem>> -> memref<1x24xi32, #tpu.memory_space<vmem>>
    %dma_start3A_128 = tpu.memref_squeeze %dma_start3A_127 : memref<1x24xi32, #tpu.memory_space<vmem>> -> memref<24xi32, #tpu.memory_space<vmem>>
    %dma_start3A_129 = tpu.memref_slice %arg4[%add3A_111] : memref<322560xi32, #tpu.memory_space<hbm>> -> memref<24xi32, #tpu.memory_space<hbm>>
    tpu.enqueue_dma source(%dma_start3A_129 : memref<24xi32, #tpu.memory_space<hbm>>) target(%dma_start3A_128 : memref<24xi32, #tpu.memory_space<vmem>>) target_semaphore(%arg15 : memref<!tpu.dma_semaphore, #tpu.memory_space<semaphore_mem>>)
    %add3A_130 = arith.constant 144 : i32
    %add3A_131 = arith.addi %mul3A_10, %add3A_130 : i32
    %dma_start3A_132 = arith.constant 6 : i32
    %dma_start3A_133 = arith.constant 0 : i32
    %dma_start3A_134 = tpu.memref_slice %arg11[%dma_start3A_132, %dma_start3A_133] : memref<14x24xi32, #tpu.memory_space<vmem>> -> memref<1x24xi32, #tpu.memory_space<vmem>>
    %dma_start3A_135 = tpu.memref_squeeze %dma_start3A_134 : memref<1x24xi32, #tpu.memory_space<vmem>> -> memref<24xi32, #tpu.memory_space<vmem>>
    %dma_start3A_136 = tpu.memref_slice %arg3[%add3A_131] : memref<322560xi32, #tpu.memory_space<hbm>> -> memref<24xi32, #tpu.memory_space<hbm>>
    %dma_start3A_137 = arith.constant 0 : i32
    %dma_start3A_138 = tpu.memref_slice %arg11[%dma_start3A_132, %dma_start3A_137] : memref<14x24xi32, #tpu.memory_space<vmem>> -> memref<1x24xi32, #tpu.memory_space<vmem>>
    %dma_start3A_139 = tpu.memref_squeeze %dma_start3A_138 : memref<1x24xi32, #tpu.memory_space<vmem>> -> memref<24xi32, #tpu.memory_space<vmem>>
    %dma_start3A_140 = tpu.memref_slice %arg3[%add3A_131] : memref<322560xi32, #tpu.memory_space<hbm>> -> memref<24xi32, #tpu.memory_space<hbm>>
    tpu.enqueue_dma source(%dma_start3A_140 : memref<24xi32, #tpu.memory_space<hbm>>) target(%dma_start3A_139 : memref<24xi32, #tpu.memory_space<vmem>>) target_semaphore(%arg15 : memref<!tpu.dma_semaphore, #tpu.memory_space<semaphore_mem>>)
    %dma_start3A_141 = arith.constant 6 : i32
    %dma_start3A_142 = arith.constant 0 : i32
    %dma_start3A_143 = tpu.memref_slice %arg12[%dma_start3A_141, %dma_start3A_142] : memref<14x24xi32, #tpu.memory_space<vmem>> -> memref<1x24xi32, #tpu.memory_space<vmem>>
    %dma_start3A_144 = tpu.memref_squeeze %dma_start3A_143 : memref<1x24xi32, #tpu.memory_space<vmem>> -> memref<24xi32, #tpu.memory_space<vmem>>
    %dma_start3A_145 = tpu.memref_slice %arg4[%add3A_131] : memref<322560xi32, #tpu.memory_space<hbm>> -> memref<24xi32, #tpu.memory_space<hbm>>
    %dma_start3A_146 = arith.constant 0 : i32
    %dma_start3A_147 = tpu.memref_slice %arg12[%dma_start3A_141, %dma_start3A_146] : memref<14x24xi32, #tpu.memory_space<vmem>> -> memref<1x24xi32, #tpu.memory_space<vmem>>
    %dma_start3A_148 = tpu.memref_squeeze %dma_start3A_147 : memref<1x24xi32, #tpu.memory_space<vmem>> -> memref<24xi32, #tpu.memory_space<vmem>>
    %dma_start3A_149 = tpu.memref_slice %arg4[%add3A_131] : memref<322560xi32, #tpu.memory_space<hbm>> -> memref<24xi32, #tpu.memory_space<hbm>>
    tpu.enqueue_dma source(%dma_start3A_149 : memref<24xi32, #tpu.memory_space<hbm>>) target(%dma_start3A_148 : memref<24xi32, #tpu.memory_space<vmem>>) target_semaphore(%arg15 : memref<!tpu.dma_semaphore, #tpu.memory_space<semaphore_mem>>)
    %scan3A = arith.constant 0 : i32
    %scan3A_150 = arith.constant 0 : i32
    %scan3A_151 = arith.constant 60 : i32
    %scan3A_152 = arith.addi %scan3A_150, %scan3A_151 : i32
    %scan3A_153 = arith.constant 1 : i32
    scf.for %scan3A_415 = %scan3A_150 to %scan3A_152 step %scan3A_153  : i32 {
      %rem3A = arith.constant 2 : i32
      %rem3A_416 = arith.remsi %scan3A_415, %rem3A : i32
      %mul3A_417 = arith.constant 7 : i32
      %mul3A_418 = arith.muli %rem3A_416, %mul3A_417 : i32
      %sub3A = arith.constant 7 : i32
      %sub3A_419 = arith.subi %sub3A, %mul3A_418 : i32
      %add3A_420 = arith.constant 0 : i32
      %add3A_421 = arith.addi %mul3A_418, %add3A_420 : i32
      %dma_wait3A_422 = arith.constant 0 : i32
      %dma_wait3A_423 = tpu.memref_slice %arg11[%add3A_421, %dma_wait3A_422] : memref<14x24xi32, #tpu.memory_space<vmem>> -> memref<1x24xi32, #tpu.memory_space<vmem>>
      %dma_wait3A_424 = tpu.memref_squeeze %dma_wait3A_423 : memref<1x24xi32, #tpu.memory_space<vmem>> -> memref<24xi32, #tpu.memory_space<vmem>>
      %dma_wait3A_425 = tpu.memref_slice %arg3[%mul3A_10] : memref<322560xi32, #tpu.memory_space<hbm>> -> memref<24xi32, #tpu.memory_space<hbm>>
      %dma_wait3A_426 = arith.constant 0 : i32
      %dma_wait3A_427 = tpu.memref_slice %arg11[%add3A_421, %dma_wait3A_426] : memref<14x24xi32, #tpu.memory_space<vmem>> -> memref<1x24xi32, #tpu.memory_space<vmem>>
      %dma_wait3A_428 = tpu.memref_squeeze %dma_wait3A_427 : memref<1x24xi32, #tpu.memory_space<vmem>> -> memref<24xi32, #tpu.memory_space<vmem>>
      %dma_wait3A_429 = tpu.memref_slice %arg3[%mul3A_10] : memref<322560xi32, #tpu.memory_space<hbm>> -> memref<24xi32, #tpu.memory_space<hbm>>
      tpu.wait_dma2 semaphore(%arg15 : memref<!tpu.dma_semaphore, #tpu.memory_space<semaphore_mem>>) src(%dma_wait3A_429 : memref<24xi32, #tpu.memory_space<hbm>>) dst(%dma_wait3A_428 : memref<24xi32, #tpu.memory_space<vmem>>)
      %add3A_430 = arith.constant 0 : i32
      %add3A_431 = arith.addi %mul3A_418, %add3A_430 : i32
      %dma_wait3A_432 = arith.constant 0 : i32
      %dma_wait3A_433 = tpu.memref_slice %arg12[%add3A_431, %dma_wait3A_432] : memref<14x24xi32, #tpu.memory_space<vmem>> -> memref<1x24xi32, #tpu.memory_space<vmem>>
      %dma_wait3A_434 = tpu.memref_squeeze %dma_wait3A_433 : memref<1x24xi32, #tpu.memory_space<vmem>> -> memref<24xi32, #tpu.memory_space<vmem>>
      %dma_wait3A_435 = tpu.memref_slice %arg4[%mul3A_10] : memref<322560xi32, #tpu.memory_space<hbm>> -> memref<24xi32, #tpu.memory_space<hbm>>
      %dma_wait3A_436 = arith.constant 0 : i32
      %dma_wait3A_437 = tpu.memref_slice %arg12[%add3A_431, %dma_wait3A_436] : memref<14x24xi32, #tpu.memory_space<vmem>> -> memref<1x24xi32, #tpu.memory_space<vmem>>
      %dma_wait3A_438 = tpu.memref_squeeze %dma_wait3A_437 : memref<1x24xi32, #tpu.memory_space<vmem>> -> memref<24xi32, #tpu.memory_space<vmem>>
      %dma_wait3A_439 = tpu.memref_slice %arg4[%mul3A_10] : memref<322560xi32, #tpu.memory_space<hbm>> -> memref<24xi32, #tpu.memory_space<hbm>>
      tpu.wait_dma2 semaphore(%arg15 : memref<!tpu.dma_semaphore, #tpu.memory_space<semaphore_mem>>) src(%dma_wait3A_439 : memref<24xi32, #tpu.memory_space<hbm>>) dst(%dma_wait3A_438 : memref<24xi32, #tpu.memory_space<vmem>>)
      %add3A_440 = arith.constant 1 : i32
      %add3A_441 = arith.addi %mul3A_418, %add3A_440 : i32
      %dma_wait3A_442 = arith.constant 0 : i32
      %dma_wait3A_443 = tpu.memref_slice %arg11[%add3A_441, %dma_wait3A_442] : memref<14x24xi32, #tpu.memory_space<vmem>> -> memref<1x24xi32, #tpu.memory_space<vmem>>
      %dma_wait3A_444 = tpu.memref_squeeze %dma_wait3A_443 : memref<1x24xi32, #tpu.memory_space<vmem>> -> memref<24xi32, #tpu.memory_space<vmem>>
      %dma_wait3A_445 = tpu.memref_slice %arg3[%mul3A_10] : memref<322560xi32, #tpu.memory_space<hbm>> -> memref<24xi32, #tpu.memory_space<hbm>>
      %dma_wait3A_446 = arith.constant 0 : i32
      %dma_wait3A_447 = tpu.memref_slice %arg11[%add3A_441, %dma_wait3A_446] : memref<14x24xi32, #tpu.memory_space<vmem>> -> memref<1x24xi32, #tpu.memory_space<vmem>>
      %dma_wait3A_448 = tpu.memref_squeeze %dma_wait3A_447 : memref<1x24xi32, #tpu.memory_space<vmem>> -> memref<24xi32, #tpu.memory_space<vmem>>
      %dma_wait3A_449 = tpu.memref_slice %arg3[%mul3A_10] : memref<322560xi32, #tpu.memory_space<hbm>> -> memref<24xi32, #tpu.memory_space<hbm>>
      tpu.wait_dma2 semaphore(%arg15 : memref<!tpu.dma_semaphore, #tpu.memory_space<semaphore_mem>>) src(%dma_wait3A_449 : memref<24xi32, #tpu.memory_space<hbm>>) dst(%dma_wait3A_448 : memref<24xi32, #tpu.memory_space<vmem>>)
      %add3A_450 = arith.constant 1 : i32
      %add3A_451 = arith.addi %mul3A_418, %add3A_450 : i32
      %dma_wait3A_452 = arith.constant 0 : i32
      %dma_wait3A_453 = tpu.memref_slice %arg12[%add3A_451, %dma_wait3A_452] : memref<14x24xi32, #tpu.memory_space<vmem>> -> memref<1x24xi32, #tpu.memory_space<vmem>>
      %dma_wait3A_454 = tpu.memref_squeeze %dma_wait3A_453 : memref<1x24xi32, #tpu.memory_space<vmem>> -> memref<24xi32, #tpu.memory_space<vmem>>
      %dma_wait3A_455 = tpu.memref_slice %arg4[%mul3A_10] : memref<322560xi32, #tpu.memory_space<hbm>> -> memref<24xi32, #tpu.memory_space<hbm>>
      %dma_wait3A_456 = arith.constant 0 : i32
      %dma_wait3A_457 = tpu.memref_slice %arg12[%add3A_451, %dma_wait3A_456] : memref<14x24xi32, #tpu.memory_space<vmem>> -> memref<1x24xi32, #tpu.memory_space<vmem>>
      %dma_wait3A_458 = tpu.memref_squeeze %dma_wait3A_457 : memref<1x24xi32, #tpu.memory_space<vmem>> -> memref<24xi32, #tpu.memory_space<vmem>>
      %dma_wait3A_459 = tpu.memref_slice %arg4[%mul3A_10] : memref<322560xi32, #tpu.memory_space<hbm>> -> memref<24xi32, #tpu.memory_space<hbm>>
      tpu.wait_dma2 semaphore(%arg15 : memref<!tpu.dma_semaphore, #tpu.memory_space<semaphore_mem>>) src(%dma_wait3A_459 : memref<24xi32, #tpu.memory_space<hbm>>) dst(%dma_wait3A_458 : memref<24xi32, #tpu.memory_space<vmem>>)
      %add3A_460 = arith.constant 2 : i32
      %add3A_461 = arith.addi %mul3A_418, %add3A_460 : i32
      %dma_wait3A_462 = arith.constant 0 : i32
      %dma_wait3A_463 = tpu.memref_slice %arg11[%add3A_461, %dma_wait3A_462] : memref<14x24xi32, #tpu.memory_space<vmem>> -> memref<1x24xi32, #tpu.memory_space<vmem>>
      %dma_wait3A_464 = tpu.memref_squeeze %dma_wait3A_463 : memref<1x24xi32, #tpu.memory_space<vmem>> -> memref<24xi32, #tpu.memory_space<vmem>>
      %dma_wait3A_465 = tpu.memref_slice %arg3[%mul3A_10] : memref<322560xi32, #tpu.memory_space<hbm>> -> memref<24xi32, #tpu.memory_space<hbm>>
      %dma_wait3A_466 = arith.constant 0 : i32
      %dma_wait3A_467 = tpu.memref_slice %arg11[%add3A_461, %dma_wait3A_466] : memref<14x24xi32, #tpu.memory_space<vmem>> -> memref<1x24xi32, #tpu.memory_space<vmem>>
      %dma_wait3A_468 = tpu.memref_squeeze %dma_wait3A_467 : memref<1x24xi32, #tpu.memory_space<vmem>> -> memref<24xi32, #tpu.memory_space<vmem>>
      %dma_wait3A_469 = tpu.memref_slice %arg3[%mul3A_10] : memref<322560xi32, #tpu.memory_space<hbm>> -> memref<24xi32, #tpu.memory_space<hbm>>
      tpu.wait_dma2 semaphore(%arg15 : memref<!tpu.dma_semaphore, #tpu.memory_space<semaphore_mem>>) src(%dma_wait3A_469 : memref<24xi32, #tpu.memory_space<hbm>>) dst(%dma_wait3A_468 : memref<24xi32, #tpu.memory_space<vmem>>)
      %add3A_470 = arith.constant 2 : i32
      %add3A_471 = arith.addi %mul3A_418, %add3A_470 : i32
      %dma_wait3A_472 = arith.constant 0 : i32
      %dma_wait3A_473 = tpu.memref_slice %arg12[%add3A_471, %dma_wait3A_472] : memref<14x24xi32, #tpu.memory_space<vmem>> -> memref<1x24xi32, #tpu.memory_space<vmem>>
      %dma_wait3A_474 = tpu.memref_squeeze %dma_wait3A_473 : memref<1x24xi32, #tpu.memory_space<vmem>> -> memref<24xi32, #tpu.memory_space<vmem>>
      %dma_wait3A_475 = tpu.memref_slice %arg4[%mul3A_10] : memref<322560xi32, #tpu.memory_space<hbm>> -> memref<24xi32, #tpu.memory_space<hbm>>
      %dma_wait3A_476 = arith.constant 0 : i32
      %dma_wait3A_477 = tpu.memref_slice %arg12[%add3A_471, %dma_wait3A_476] : memref<14x24xi32, #tpu.memory_space<vmem>> -> memref<1x24xi32, #tpu.memory_space<vmem>>
      %dma_wait3A_478 = tpu.memref_squeeze %dma_wait3A_477 : memref<1x24xi32, #tpu.memory_space<vmem>> -> memref<24xi32, #tpu.memory_space<vmem>>
      %dma_wait3A_479 = tpu.memref_slice %arg4[%mul3A_10] : memref<322560xi32, #tpu.memory_space<hbm>> -> memref<24xi32, #tpu.memory_space<hbm>>
      tpu.wait_dma2 semaphore(%arg15 : memref<!tpu.dma_semaphore, #tpu.memory_space<semaphore_mem>>) src(%dma_wait3A_479 : memref<24xi32, #tpu.memory_space<hbm>>) dst(%dma_wait3A_478 : memref<24xi32, #tpu.memory_space<vmem>>)
      %add3A_480 = arith.constant 3 : i32
      %add3A_481 = arith.addi %mul3A_418, %add3A_480 : i32
      %dma_wait3A_482 = arith.constant 0 : i32
      %dma_wait3A_483 = tpu.memref_slice %arg11[%add3A_481, %dma_wait3A_482] : memref<14x24xi32, #tpu.memory_space<vmem>> -> memref<1x24xi32, #tpu.memory_space<vmem>>
      %dma_wait3A_484 = tpu.memref_squeeze %dma_wait3A_483 : memref<1x24xi32, #tpu.memory_space<vmem>> -> memref<24xi32, #tpu.memory_space<vmem>>
      %dma_wait3A_485 = tpu.memref_slice %arg3[%mul3A_10] : memref<322560xi32, #tpu.memory_space<hbm>> -> memref<24xi32, #tpu.memory_space<hbm>>
      %dma_wait3A_486 = arith.constant 0 : i32
      %dma_wait3A_487 = tpu.memref_slice %arg11[%add3A_481, %dma_wait3A_486] : memref<14x24xi32, #tpu.memory_space<vmem>> -> memref<1x24xi32, #tpu.memory_space<vmem>>
      %dma_wait3A_488 = tpu.memref_squeeze %dma_wait3A_487 : memref<1x24xi32, #tpu.memory_space<vmem>> -> memref<24xi32, #tpu.memory_space<vmem>>
      %dma_wait3A_489 = tpu.memref_slice %arg3[%mul3A_10] : memref<322560xi32, #tpu.memory_space<hbm>> -> memref<24xi32, #tpu.memory_space<hbm>>
      tpu.wait_dma2 semaphore(%arg15 : memref<!tpu.dma_semaphore, #tpu.memory_space<semaphore_mem>>) src(%dma_wait3A_489 : memref<24xi32, #tpu.memory_space<hbm>>) dst(%dma_wait3A_488 : memref<24xi32, #tpu.memory_space<vmem>>)
      %add3A_490 = arith.constant 3 : i32
      %add3A_491 = arith.addi %mul3A_418, %add3A_490 : i32
      %dma_wait3A_492 = arith.constant 0 : i32
      %dma_wait3A_493 = tpu.memref_slice %arg12[%add3A_491, %dma_wait3A_492] : memref<14x24xi32, #tpu.memory_space<vmem>> -> memref<1x24xi32, #tpu.memory_space<vmem>>
      %dma_wait3A_494 = tpu.memref_squeeze %dma_wait3A_493 : memref<1x24xi32, #tpu.memory_space<vmem>> -> memref<24xi32, #tpu.memory_space<vmem>>
      %dma_wait3A_495 = tpu.memref_slice %arg4[%mul3A_10] : memref<322560xi32, #tpu.memory_space<hbm>> -> memref<24xi32, #tpu.memory_space<hbm>>
      %dma_wait3A_496 = arith.constant 0 : i32
      %dma_wait3A_497 = tpu.memref_slice %arg12[%add3A_491, %dma_wait3A_496] : memref<14x24xi32, #tpu.memory_space<vmem>> -> memref<1x24xi32, #tpu.memory_space<vmem>>
      %dma_wait3A_498 = tpu.memref_squeeze %dma_wait3A_497 : memref<1x24xi32, #tpu.memory_space<vmem>> -> memref<24xi32, #tpu.memory_space<vmem>>
      %dma_wait3A_499 = tpu.memref_slice %arg4[%mul3A_10] : memref<322560xi32, #tpu.memory_space<hbm>> -> memref<24xi32, #tpu.memory_space<hbm>>
      tpu.wait_dma2 semaphore(%arg15 : memref<!tpu.dma_semaphore, #tpu.memory_space<semaphore_mem>>) src(%dma_wait3A_499 : memref<24xi32, #tpu.memory_space<hbm>>) dst(%dma_wait3A_498 : memref<24xi32, #tpu.memory_space<vmem>>)
      %add3A_500 = arith.constant 4 : i32
      %add3A_501 = arith.addi %mul3A_418, %add3A_500 : i32
      %dma_wait3A_502 = arith.constant 0 : i32
      %dma_wait3A_503 = tpu.memref_slice %arg11[%add3A_501, %dma_wait3A_502] : memref<14x24xi32, #tpu.memory_space<vmem>> -> memref<1x24xi32, #tpu.memory_space<vmem>>
      %dma_wait3A_504 = tpu.memref_squeeze %dma_wait3A_503 : memref<1x24xi32, #tpu.memory_space<vmem>> -> memref<24xi32, #tpu.memory_space<vmem>>
      %dma_wait3A_505 = tpu.memref_slice %arg3[%mul3A_10] : memref<322560xi32, #tpu.memory_space<hbm>> -> memref<24xi32, #tpu.memory_space<hbm>>
      %dma_wait3A_506 = arith.constant 0 : i32
      %dma_wait3A_507 = tpu.memref_slice %arg11[%add3A_501, %dma_wait3A_506] : memref<14x24xi32, #tpu.memory_space<vmem>> -> memref<1x24xi32, #tpu.memory_space<vmem>>
      %dma_wait3A_508 = tpu.memref_squeeze %dma_wait3A_507 : memref<1x24xi32, #tpu.memory_space<vmem>> -> memref<24xi32, #tpu.memory_space<vmem>>
      %dma_wait3A_509 = tpu.memref_slice %arg3[%mul3A_10] : memref<322560xi32, #tpu.memory_space<hbm>> -> memref<24xi32, #tpu.memory_space<hbm>>
      tpu.wait_dma2 semaphore(%arg15 : memref<!tpu.dma_semaphore, #tpu.memory_space<semaphore_mem>>) src(%dma_wait3A_509 : memref<24xi32, #tpu.memory_space<hbm>>) dst(%dma_wait3A_508 : memref<24xi32, #tpu.memory_space<vmem>>)
      %add3A_510 = arith.constant 4 : i32
      %add3A_511 = arith.addi %mul3A_418, %add3A_510 : i32
      %dma_wait3A_512 = arith.constant 0 : i32
      %dma_wait3A_513 = tpu.memref_slice %arg12[%add3A_511, %dma_wait3A_512] : memref<14x24xi32, #tpu.memory_space<vmem>> -> memref<1x24xi32, #tpu.memory_space<vmem>>
      %dma_wait3A_514 = tpu.memref_squeeze %dma_wait3A_513 : memref<1x24xi32, #tpu.memory_space<vmem>> -> memref<24xi32, #tpu.memory_space<vmem>>
      %dma_wait3A_515 = tpu.memref_slice %arg4[%mul3A_10] : memref<322560xi32, #tpu.memory_space<hbm>> -> memref<24xi32, #tpu.memory_space<hbm>>
      %dma_wait3A_516 = arith.constant 0 : i32
      %dma_wait3A_517 = tpu.memref_slice %arg12[%add3A_511, %dma_wait3A_516] : memref<14x24xi32, #tpu.memory_space<vmem>> -> memref<1x24xi32, #tpu.memory_space<vmem>>
      %dma_wait3A_518 = tpu.memref_squeeze %dma_wait3A_517 : memref<1x24xi32, #tpu.memory_space<vmem>> -> memref<24xi32, #tpu.memory_space<vmem>>
      %dma_wait3A_519 = tpu.memref_slice %arg4[%mul3A_10] : memref<322560xi32, #tpu.memory_space<hbm>> -> memref<24xi32, #tpu.memory_space<hbm>>
      tpu.wait_dma2 semaphore(%arg15 : memref<!tpu.dma_semaphore, #tpu.memory_space<semaphore_mem>>) src(%dma_wait3A_519 : memref<24xi32, #tpu.memory_space<hbm>>) dst(%dma_wait3A_518 : memref<24xi32, #tpu.memory_space<vmem>>)
      %add3A_520 = arith.constant 5 : i32
      %add3A_521 = arith.addi %mul3A_418, %add3A_520 : i32
      %dma_wait3A_522 = arith.constant 0 : i32
      %dma_wait3A_523 = tpu.memref_slice %arg11[%add3A_521, %dma_wait3A_522] : memref<14x24xi32, #tpu.memory_space<vmem>> -> memref<1x24xi32, #tpu.memory_space<vmem>>
      %dma_wait3A_524 = tpu.memref_squeeze %dma_wait3A_523 : memref<1x24xi32, #tpu.memory_space<vmem>> -> memref<24xi32, #tpu.memory_space<vmem>>
      %dma_wait3A_525 = tpu.memref_slice %arg3[%mul3A_10] : memref<322560xi32, #tpu.memory_space<hbm>> -> memref<24xi32, #tpu.memory_space<hbm>>
      %dma_wait3A_526 = arith.constant 0 : i32
      %dma_wait3A_527 = tpu.memref_slice %arg11[%add3A_521, %dma_wait3A_526] : memref<14x24xi32, #tpu.memory_space<vmem>> -> memref<1x24xi32, #tpu.memory_space<vmem>>
      %dma_wait3A_528 = tpu.memref_squeeze %dma_wait3A_527 : memref<1x24xi32, #tpu.memory_space<vmem>> -> memref<24xi32, #tpu.memory_space<vmem>>
      %dma_wait3A_529 = tpu.memref_slice %arg3[%mul3A_10] : memref<322560xi32, #tpu.memory_space<hbm>> -> memref<24xi32, #tpu.memory_space<hbm>>
      tpu.wait_dma2 semaphore(%arg15 : memref<!tpu.dma_semaphore, #tpu.memory_space<semaphore_mem>>) src(%dma_wait3A_529 : memref<24xi32, #tpu.memory_space<hbm>>) dst(%dma_wait3A_528 : memref<24xi32, #tpu.memory_space<vmem>>)
      %add3A_530 = arith.constant 5 : i32
      %add3A_531 = arith.addi %mul3A_418, %add3A_530 : i32
      %dma_wait3A_532 = arith.constant 0 : i32
      %dma_wait3A_533 = tpu.memref_slice %arg12[%add3A_531, %dma_wait3A_532] : memref<14x24xi32, #tpu.memory_space<vmem>> -> memref<1x24xi32, #tpu.memory_space<vmem>>
      %dma_wait3A_534 = tpu.memref_squeeze %dma_wait3A_533 : memref<1x24xi32, #tpu.memory_space<vmem>> -> memref<24xi32, #tpu.memory_space<vmem>>
      %dma_wait3A_535 = tpu.memref_slice %arg4[%mul3A_10] : memref<322560xi32, #tpu.memory_space<hbm>> -> memref<24xi32, #tpu.memory_space<hbm>>
      %dma_wait3A_536 = arith.constant 0 : i32
      %dma_wait3A_537 = tpu.memref_slice %arg12[%add3A_531, %dma_wait3A_536] : memref<14x24xi32, #tpu.memory_space<vmem>> -> memref<1x24xi32, #tpu.memory_space<vmem>>
      %dma_wait3A_538 = tpu.memref_squeeze %dma_wait3A_537 : memref<1x24xi32, #tpu.memory_space<vmem>> -> memref<24xi32, #tpu.memory_space<vmem>>
      %dma_wait3A_539 = tpu.memref_slice %arg4[%mul3A_10] : memref<322560xi32, #tpu.memory_space<hbm>> -> memref<24xi32, #tpu.memory_space<hbm>>
      tpu.wait_dma2 semaphore(%arg15 : memref<!tpu.dma_semaphore, #tpu.memory_space<semaphore_mem>>) src(%dma_wait3A_539 : memref<24xi32, #tpu.memory_space<hbm>>) dst(%dma_wait3A_538 : memref<24xi32, #tpu.memory_space<vmem>>)
      %add3A_540 = arith.constant 6 : i32
      %add3A_541 = arith.addi %mul3A_418, %add3A_540 : i32
      %dma_wait3A_542 = arith.constant 0 : i32
      %dma_wait3A_543 = tpu.memref_slice %arg11[%add3A_541, %dma_wait3A_542] : memref<14x24xi32, #tpu.memory_space<vmem>> -> memref<1x24xi32, #tpu.memory_space<vmem>>
      %dma_wait3A_544 = tpu.memref_squeeze %dma_wait3A_543 : memref<1x24xi32, #tpu.memory_space<vmem>> -> memref<24xi32, #tpu.memory_space<vmem>>
      %dma_wait3A_545 = tpu.memref_slice %arg3[%mul3A_10] : memref<322560xi32, #tpu.memory_space<hbm>> -> memref<24xi32, #tpu.memory_space<hbm>>
      %dma_wait3A_546 = arith.constant 0 : i32
      %dma_wait3A_547 = tpu.memref_slice %arg11[%add3A_541, %dma_wait3A_546] : memref<14x24xi32, #tpu.memory_space<vmem>> -> memref<1x24xi32, #tpu.memory_space<vmem>>
      %dma_wait3A_548 = tpu.memref_squeeze %dma_wait3A_547 : memref<1x24xi32, #tpu.memory_space<vmem>> -> memref<24xi32, #tpu.memory_space<vmem>>
      %dma_wait3A_549 = tpu.memref_slice %arg3[%mul3A_10] : memref<322560xi32, #tpu.memory_space<hbm>> -> memref<24xi32, #tpu.memory_space<hbm>>
      tpu.wait_dma2 semaphore(%arg15 : memref<!tpu.dma_semaphore, #tpu.memory_space<semaphore_mem>>) src(%dma_wait3A_549 : memref<24xi32, #tpu.memory_space<hbm>>) dst(%dma_wait3A_548 : memref<24xi32, #tpu.memory_space<vmem>>)
      %add3A_550 = arith.constant 6 : i32
      %add3A_551 = arith.addi %mul3A_418, %add3A_550 : i32
      %dma_wait3A_552 = arith.constant 0 : i32
      %dma_wait3A_553 = tpu.memref_slice %arg12[%add3A_551, %dma_wait3A_552] : memref<14x24xi32, #tpu.memory_space<vmem>> -> memref<1x24xi32, #tpu.memory_space<vmem>>
      %dma_wait3A_554 = tpu.memref_squeeze %dma_wait3A_553 : memref<1x24xi32, #tpu.memory_space<vmem>> -> memref<24xi32, #tpu.memory_space<vmem>>
      %dma_wait3A_555 = tpu.memref_slice %arg4[%mul3A_10] : memref<322560xi32, #tpu.memory_space<hbm>> -> memref<24xi32, #tpu.memory_space<hbm>>
      %dma_wait3A_556 = arith.constant 0 : i32
      %dma_wait3A_557 = tpu.memref_slice %arg12[%add3A_551, %dma_wait3A_556] : memref<14x24xi32, #tpu.memory_space<vmem>> -> memref<1x24xi32, #tpu.memory_space<vmem>>
      %dma_wait3A_558 = tpu.memref_squeeze %dma_wait3A_557 : memref<1x24xi32, #tpu.memory_space<vmem>> -> memref<24xi32, #tpu.memory_space<vmem>>
      %dma_wait3A_559 = tpu.memref_slice %arg4[%mul3A_10] : memref<322560xi32, #tpu.memory_space<hbm>> -> memref<24xi32, #tpu.memory_space<hbm>>
      tpu.wait_dma2 semaphore(%arg15 : memref<!tpu.dma_semaphore, #tpu.memory_space<semaphore_mem>>) src(%dma_wait3A_559 : memref<24xi32, #tpu.memory_space<hbm>>) dst(%dma_wait3A_558 : memref<24xi32, #tpu.memory_space<vmem>>)
      %add3A_560 = arith.constant 0 : i32
      %add3A_561 = arith.addi %mul3A_418, %add3A_560 : i32
      %add3A_562 = arith.constant 0 : i32
      %add3A_563 = arith.addi %mul3A_418, %add3A_562 : i32
      %dma_start3A_564 = arith.constant 0 : i32
      %dma_start3A_565 = arith.constant 0 : i32
      %dma_start3A_566 = tpu.memref_slice %arg14[%add3A_563, %dma_start3A_564, %dma_start3A_565] : memref<14x24x128xf32, #tpu.memory_space<vmem>> -> memref<1x24x128xf32, #tpu.memory_space<vmem>>
      %dma_start3A_567 = tpu.memref_squeeze %dma_start3A_566 : memref<1x24x128xf32, #tpu.memory_space<vmem>> -> memref<24x128xf32, #tpu.memory_space<vmem>>
      %dma_start3A_568 = arith.constant 0 : i32
      %dma_start3A_569 = tpu.memref_slice %arg11[%add3A_561, %dma_start3A_568] : memref<14x24xi32, #tpu.memory_space<vmem>> -> memref<1x24xi32, #tpu.memory_space<vmem>>
      %dma_start3A_570 = tpu.memref_squeeze %dma_start3A_569 : memref<1x24xi32, #tpu.memory_space<vmem>> -> memref<24xi32, #tpu.memory_space<vmem>>
      %dma_start3A_571 = arith.constant 0 : i32
      %dma_start3A_572 = arith.constant 0 : i32
      %dma_start3A_573 = tpu.memref_slice %arg2[%dma_start3A_571, %dma_start3A_572] : memref<10000x128xf32, #tpu.memory_space<hbm>> -> memref<10000x128xf32, #tpu.memory_space<hbm>>
      tpu.enqueue_indirect_dma source(%dma_start3A_573 : memref<10000x128xf32, #tpu.memory_space<hbm>>) target(%dma_start3A_567 : memref<24x128xf32, #tpu.memory_space<vmem>>) offsets(%dma_start3A_570 : memref<24xi32, #tpu.memory_space<vmem>>) semaphore(%arg16 : memref<!tpu.dma_semaphore, #tpu.memory_space<semaphore_mem>>)
      %add3A_574 = arith.constant 1 : i32
      %add3A_575 = arith.addi %mul3A_418, %add3A_574 : i32
      %add3A_576 = arith.constant 1 : i32
      %add3A_577 = arith.addi %mul3A_418, %add3A_576 : i32
      %dma_start3A_578 = arith.constant 0 : i32
      %dma_start3A_579 = arith.constant 0 : i32
      %dma_start3A_580 = tpu.memref_slice %arg14[%add3A_577, %dma_start3A_578, %dma_start3A_579] : memref<14x24x128xf32, #tpu.memory_space<vmem>> -> memref<1x24x128xf32, #tpu.memory_space<vmem>>
      %dma_start3A_581 = tpu.memref_squeeze %dma_start3A_580 : memref<1x24x128xf32, #tpu.memory_space<vmem>> -> memref<24x128xf32, #tpu.memory_space<vmem>>
      %dma_start3A_582 = arith.constant 0 : i32
      %dma_start3A_583 = tpu.memref_slice %arg11[%add3A_575, %dma_start3A_582] : memref<14x24xi32, #tpu.memory_space<vmem>> -> memref<1x24xi32, #tpu.memory_space<vmem>>
      %dma_start3A_584 = tpu.memref_squeeze %dma_start3A_583 : memref<1x24xi32, #tpu.memory_space<vmem>> -> memref<24xi32, #tpu.memory_space<vmem>>
      %dma_start3A_585 = arith.constant 0 : i32
      %dma_start3A_586 = arith.constant 0 : i32
      %dma_start3A_587 = tpu.memref_slice %arg2[%dma_start3A_585, %dma_start3A_586] : memref<10000x128xf32, #tpu.memory_space<hbm>> -> memref<10000x128xf32, #tpu.memory_space<hbm>>
      tpu.enqueue_indirect_dma source(%dma_start3A_587 : memref<10000x128xf32, #tpu.memory_space<hbm>>) target(%dma_start3A_581 : memref<24x128xf32, #tpu.memory_space<vmem>>) offsets(%dma_start3A_584 : memref<24xi32, #tpu.memory_space<vmem>>) semaphore(%arg17 : memref<!tpu.dma_semaphore, #tpu.memory_space<semaphore_mem>>)
      %add3A_588 = arith.constant 2 : i32
      %add3A_589 = arith.addi %mul3A_418, %add3A_588 : i32
      %add3A_590 = arith.constant 2 : i32
      %add3A_591 = arith.addi %mul3A_418, %add3A_590 : i32
      %dma_start3A_592 = arith.constant 0 : i32
      %dma_start3A_593 = arith.constant 0 : i32
      %dma_start3A_594 = tpu.memref_slice %arg14[%add3A_591, %dma_start3A_592, %dma_start3A_593] : memref<14x24x128xf32, #tpu.memory_space<vmem>> -> memref<1x24x128xf32, #tpu.memory_space<vmem>>
      %dma_start3A_595 = tpu.memref_squeeze %dma_start3A_594 : memref<1x24x128xf32, #tpu.memory_space<vmem>> -> memref<24x128xf32, #tpu.memory_space<vmem>>
      %dma_start3A_596 = arith.constant 0 : i32
      %dma_start3A_597 = tpu.memref_slice %arg11[%add3A_589, %dma_start3A_596] : memref<14x24xi32, #tpu.memory_space<vmem>> -> memref<1x24xi32, #tpu.memory_space<vmem>>
      %dma_start3A_598 = tpu.memref_squeeze %dma_start3A_597 : memref<1x24xi32, #tpu.memory_space<vmem>> -> memref<24xi32, #tpu.memory_space<vmem>>
      %dma_start3A_599 = arith.constant 0 : i32
      %dma_start3A_600 = arith.constant 0 : i32
      %dma_start3A_601 = tpu.memref_slice %arg2[%dma_start3A_599, %dma_start3A_600] : memref<10000x128xf32, #tpu.memory_space<hbm>> -> memref<10000x128xf32, #tpu.memory_space<hbm>>
      tpu.enqueue_indirect_dma source(%dma_start3A_601 : memref<10000x128xf32, #tpu.memory_space<hbm>>) target(%dma_start3A_595 : memref<24x128xf32, #tpu.memory_space<vmem>>) offsets(%dma_start3A_598 : memref<24xi32, #tpu.memory_space<vmem>>) semaphore(%arg18 : memref<!tpu.dma_semaphore, #tpu.memory_space<semaphore_mem>>)
      %add3A_602 = arith.constant 3 : i32
      %add3A_603 = arith.addi %mul3A_418, %add3A_602 : i32
      %add3A_604 = arith.constant 3 : i32
      %add3A_605 = arith.addi %mul3A_418, %add3A_604 : i32
      %dma_start3A_606 = arith.constant 0 : i32
      %dma_start3A_607 = arith.constant 0 : i32
      %dma_start3A_608 = tpu.memref_slice %arg14[%add3A_605, %dma_start3A_606, %dma_start3A_607] : memref<14x24x128xf32, #tpu.memory_space<vmem>> -> memref<1x24x128xf32, #tpu.memory_space<vmem>>
      %dma_start3A_609 = tpu.memref_squeeze %dma_start3A_608 : memref<1x24x128xf32, #tpu.memory_space<vmem>> -> memref<24x128xf32, #tpu.memory_space<vmem>>
      %dma_start3A_610 = arith.constant 0 : i32
      %dma_start3A_611 = tpu.memref_slice %arg11[%add3A_603, %dma_start3A_610] : memref<14x24xi32, #tpu.memory_space<vmem>> -> memref<1x24xi32, #tpu.memory_space<vmem>>
      %dma_start3A_612 = tpu.memref_squeeze %dma_start3A_611 : memref<1x24xi32, #tpu.memory_space<vmem>> -> memref<24xi32, #tpu.memory_space<vmem>>
      %dma_start3A_613 = arith.constant 0 : i32
      %dma_start3A_614 = arith.constant 0 : i32
      %dma_start3A_615 = tpu.memref_slice %arg2[%dma_start3A_613, %dma_start3A_614] : memref<10000x128xf32, #tpu.memory_space<hbm>> -> memref<10000x128xf32, #tpu.memory_space<hbm>>
      tpu.enqueue_indirect_dma source(%dma_start3A_615 : memref<10000x128xf32, #tpu.memory_space<hbm>>) target(%dma_start3A_609 : memref<24x128xf32, #tpu.memory_space<vmem>>) offsets(%dma_start3A_612 : memref<24xi32, #tpu.memory_space<vmem>>) semaphore(%arg19 : memref<!tpu.dma_semaphore, #tpu.memory_space<semaphore_mem>>)
      %add3A_616 = arith.constant 4 : i32
      %add3A_617 = arith.addi %mul3A_418, %add3A_616 : i32
      %add3A_618 = arith.constant 4 : i32
      %add3A_619 = arith.addi %mul3A_418, %add3A_618 : i32
      %dma_start3A_620 = arith.constant 0 : i32
      %dma_start3A_621 = arith.constant 0 : i32
      %dma_start3A_622 = tpu.memref_slice %arg14[%add3A_619, %dma_start3A_620, %dma_start3A_621] : memref<14x24x128xf32, #tpu.memory_space<vmem>> -> memref<1x24x128xf32, #tpu.memory_space<vmem>>
      %dma_start3A_623 = tpu.memref_squeeze %dma_start3A_622 : memref<1x24x128xf32, #tpu.memory_space<vmem>> -> memref<24x128xf32, #tpu.memory_space<vmem>>
      %dma_start3A_624 = arith.constant 0 : i32
      %dma_start3A_625 = tpu.memref_slice %arg11[%add3A_617, %dma_start3A_624] : memref<14x24xi32, #tpu.memory_space<vmem>> -> memref<1x24xi32, #tpu.memory_space<vmem>>
      %dma_start3A_626 = tpu.memref_squeeze %dma_start3A_625 : memref<1x24xi32, #tpu.memory_space<vmem>> -> memref<24xi32, #tpu.memory_space<vmem>>
      %dma_start3A_627 = arith.constant 0 : i32
      %dma_start3A_628 = arith.constant 0 : i32
      %dma_start3A_629 = tpu.memref_slice %arg2[%dma_start3A_627, %dma_start3A_628] : memref<10000x128xf32, #tpu.memory_space<hbm>> -> memref<10000x128xf32, #tpu.memory_space<hbm>>
      tpu.enqueue_indirect_dma source(%dma_start3A_629 : memref<10000x128xf32, #tpu.memory_space<hbm>>) target(%dma_start3A_623 : memref<24x128xf32, #tpu.memory_space<vmem>>) offsets(%dma_start3A_626 : memref<24xi32, #tpu.memory_space<vmem>>) semaphore(%arg20 : memref<!tpu.dma_semaphore, #tpu.memory_space<semaphore_mem>>)
      %add3A_630 = arith.constant 5 : i32
      %add3A_631 = arith.addi %mul3A_418, %add3A_630 : i32
      %add3A_632 = arith.constant 5 : i32
      %add3A_633 = arith.addi %mul3A_418, %add3A_632 : i32
      %dma_start3A_634 = arith.constant 0 : i32
      %dma_start3A_635 = arith.constant 0 : i32
      %dma_start3A_636 = tpu.memref_slice %arg14[%add3A_633, %dma_start3A_634, %dma_start3A_635] : memref<14x24x128xf32, #tpu.memory_space<vmem>> -> memref<1x24x128xf32, #tpu.memory_space<vmem>>
      %dma_start3A_637 = tpu.memref_squeeze %dma_start3A_636 : memref<1x24x128xf32, #tpu.memory_space<vmem>> -> memref<24x128xf32, #tpu.memory_space<vmem>>
      %dma_start3A_638 = arith.constant 0 : i32
      %dma_start3A_639 = tpu.memref_slice %arg11[%add3A_631, %dma_start3A_638] : memref<14x24xi32, #tpu.memory_space<vmem>> -> memref<1x24xi32, #tpu.memory_space<vmem>>
      %dma_start3A_640 = tpu.memref_squeeze %dma_start3A_639 : memref<1x24xi32, #tpu.memory_space<vmem>> -> memref<24xi32, #tpu.memory_space<vmem>>
      %dma_start3A_641 = arith.constant 0 : i32
      %dma_start3A_642 = arith.constant 0 : i32
      %dma_start3A_643 = tpu.memref_slice %arg2[%dma_start3A_641, %dma_start3A_642] : memref<10000x128xf32, #tpu.memory_space<hbm>> -> memref<10000x128xf32, #tpu.memory_space<hbm>>
      tpu.enqueue_indirect_dma source(%dma_start3A_643 : memref<10000x128xf32, #tpu.memory_space<hbm>>) target(%dma_start3A_637 : memref<24x128xf32, #tpu.memory_space<vmem>>) offsets(%dma_start3A_640 : memref<24xi32, #tpu.memory_space<vmem>>) semaphore(%arg21 : memref<!tpu.dma_semaphore, #tpu.memory_space<semaphore_mem>>)
      %add3A_644 = arith.constant 6 : i32
      %add3A_645 = arith.addi %mul3A_418, %add3A_644 : i32
      %add3A_646 = arith.constant 6 : i32
      %add3A_647 = arith.addi %mul3A_418, %add3A_646 : i32
      %dma_start3A_648 = arith.constant 0 : i32
      %dma_start3A_649 = arith.constant 0 : i32
      %dma_start3A_650 = tpu.memref_slice %arg14[%add3A_647, %dma_start3A_648, %dma_start3A_649] : memref<14x24x128xf32, #tpu.memory_space<vmem>> -> memref<1x24x128xf32, #tpu.memory_space<vmem>>
      %dma_start3A_651 = tpu.memref_squeeze %dma_start3A_650 : memref<1x24x128xf32, #tpu.memory_space<vmem>> -> memref<24x128xf32, #tpu.memory_space<vmem>>
      %dma_start3A_652 = arith.constant 0 : i32
      %dma_start3A_653 = tpu.memref_slice %arg11[%add3A_645, %dma_start3A_652] : memref<14x24xi32, #tpu.memory_space<vmem>> -> memref<1x24xi32, #tpu.memory_space<vmem>>
      %dma_start3A_654 = tpu.memref_squeeze %dma_start3A_653 : memref<1x24xi32, #tpu.memory_space<vmem>> -> memref<24xi32, #tpu.memory_space<vmem>>
      %dma_start3A_655 = arith.constant 0 : i32
      %dma_start3A_656 = arith.constant 0 : i32
      %dma_start3A_657 = tpu.memref_slice %arg2[%dma_start3A_655, %dma_start3A_656] : memref<10000x128xf32, #tpu.memory_space<hbm>> -> memref<10000x128xf32, #tpu.memory_space<hbm>>
      tpu.enqueue_indirect_dma source(%dma_start3A_657 : memref<10000x128xf32, #tpu.memory_space<hbm>>) target(%dma_start3A_651 : memref<24x128xf32, #tpu.memory_space<vmem>>) offsets(%dma_start3A_654 : memref<24xi32, #tpu.memory_space<vmem>>) semaphore(%arg22 : memref<!tpu.dma_semaphore, #tpu.memory_space<semaphore_mem>>)
      %gt3A = arith.constant 0 : i32
      %gt3A_658 = arith.cmpi sgt, %scan3A_415, %gt3A : i32
      %convert_element_type3A = arith.extui %gt3A_658 : i1 to i32
      %cond3A = arith.constant 0 : i32
      %cond3A_659 = arith.cmpi ne, %convert_element_type3A, %cond3A : i32
      scf.if %cond3A_659 {
        %add3A_1069 = arith.constant 0 : i32
        %add3A_1070 = arith.addi %sub3A_419, %add3A_1069 : i32
        %add3A_1071 = arith.constant 0 : i32
        %add3A_1072 = arith.addi %sub3A_419, %add3A_1071 : i32
        %dma_wait3A_1073 = arith.constant 0 : i32
        %dma_wait3A_1074 = arith.constant 0 : i32
        %dma_wait3A_1075 = tpu.memref_slice %arg14[%add3A_1070, %dma_wait3A_1073, %dma_wait3A_1074] : memref<14x24x128xf32, #tpu.memory_space<vmem>> -> memref<1x24x128xf32, #tpu.memory_space<vmem>>
        %dma_wait3A_1076 = tpu.memref_squeeze %dma_wait3A_1075 : memref<1x24x128xf32, #tpu.memory_space<vmem>> -> memref<24x128xf32, #tpu.memory_space<vmem>>
        %dma_wait3A_1077 = arith.constant 0 : i32
        %dma_wait3A_1078 = tpu.memref_slice %arg12[%add3A_1072, %dma_wait3A_1077] : memref<14x24xi32, #tpu.memory_space<vmem>> -> memref<1x24xi32, #tpu.memory_space<vmem>>
        %dma_wait3A_1079 = tpu.memref_squeeze %dma_wait3A_1078 : memref<1x24xi32, #tpu.memory_space<vmem>> -> memref<24xi32, #tpu.memory_space<vmem>>
        %dma_wait3A_1080 = arith.constant 0 : i32
        %dma_wait3A_1081 = arith.constant 0 : i32
        %dma_wait3A_1082 = tpu.memref_slice %arg9[%dma_wait3A_1080, %dma_wait3A_1081] : memref<10240x128xf32, #tpu.memory_space<vmem_shared>> -> memref<10240x128xf32, #tpu.memory_space<vmem_shared>>
        tpu.wait_indirect_dma semaphore(%arg23 : memref<!tpu.dma_semaphore, #tpu.memory_space<semaphore_mem>>) src(%dma_wait3A_1076 : memref<24x128xf32, #tpu.memory_space<vmem>>) dst(%dma_wait3A_1082 : memref<10240x128xf32, #tpu.memory_space<vmem_shared>>)
        %add3A_1083 = arith.constant 0 : i32
        %add3A_1084 = arith.addi %sub3A_419, %add3A_1083 : i32
        %dma_wait3A_1085 = arith.constant 0 : i32
        %dma_wait3A_1086 = tpu.memref_slice %arg12[%add3A_1084, %dma_wait3A_1085] : memref<14x24xi32, #tpu.memory_space<vmem>> -> memref<1x24xi32, #tpu.memory_space<vmem>>
        %dma_wait3A_1087 = tpu.memref_squeeze %dma_wait3A_1086 : memref<1x24xi32, #tpu.memory_space<vmem>> -> memref<24xi32, #tpu.memory_space<vmem>>
        %dma_wait3A_1088 = arith.constant 0 : i32
        %dma_wait3A_1089 = tpu.memref_slice %arg10[%dma_wait3A_1088] : memref<10240xf32, #tpu.memory_space<vmem_shared>> -> memref<10240xf32, #tpu.memory_space<vmem_shared>>
        tpu.wait_indirect_dma semaphore(%arg24 : memref<!tpu.dma_semaphore, #tpu.memory_space<semaphore_mem>>) src(%arg13 : memref<24xf32, #tpu.memory_space<vmem>>) dst(%dma_wait3A_1089 : memref<10240xf32, #tpu.memory_space<vmem_shared>>)
        %add3A_1090 = arith.constant 1 : i32
        %add3A_1091 = arith.addi %sub3A_419, %add3A_1090 : i32
        %add3A_1092 = arith.constant 1 : i32
        %add3A_1093 = arith.addi %sub3A_419, %add3A_1092 : i32
        %dma_wait3A_1094 = arith.constant 0 : i32
        %dma_wait3A_1095 = arith.constant 0 : i32
        %dma_wait3A_1096 = tpu.memref_slice %arg14[%add3A_1091, %dma_wait3A_1094, %dma_wait3A_1095] : memref<14x24x128xf32, #tpu.memory_space<vmem>> -> memref<1x24x128xf32, #tpu.memory_space<vmem>>
        %dma_wait3A_1097 = tpu.memref_squeeze %dma_wait3A_1096 : memref<1x24x128xf32, #tpu.memory_space<vmem>> -> memref<24x128xf32, #tpu.memory_space<vmem>>
        %dma_wait3A_1098 = arith.constant 0 : i32
        %dma_wait3A_1099 = tpu.memref_slice %arg12[%add3A_1093, %dma_wait3A_1098] : memref<14x24xi32, #tpu.memory_space<vmem>> -> memref<1x24xi32, #tpu.memory_space<vmem>>
        %dma_wait3A_1100 = tpu.memref_squeeze %dma_wait3A_1099 : memref<1x24xi32, #tpu.memory_space<vmem>> -> memref<24xi32, #tpu.memory_space<vmem>>
        %dma_wait3A_1101 = arith.constant 0 : i32
        %dma_wait3A_1102 = arith.constant 0 : i32
        %dma_wait3A_1103 = tpu.memref_slice %arg9[%dma_wait3A_1101, %dma_wait3A_1102] : memref<10240x128xf32, #tpu.memory_space<vmem_shared>> -> memref<10240x128xf32, #tpu.memory_space<vmem_shared>>
        tpu.wait_indirect_dma semaphore(%arg23 : memref<!tpu.dma_semaphore, #tpu.memory_space<semaphore_mem>>) src(%dma_wait3A_1097 : memref<24x128xf32, #tpu.memory_space<vmem>>) dst(%dma_wait3A_1103 : memref<10240x128xf32, #tpu.memory_space<vmem_shared>>)
        %add3A_1104 = arith.constant 1 : i32
        %add3A_1105 = arith.addi %sub3A_419, %add3A_1104 : i32
        %dma_wait3A_1106 = arith.constant 0 : i32
        %dma_wait3A_1107 = tpu.memref_slice %arg12[%add3A_1105, %dma_wait3A_1106] : memref<14x24xi32, #tpu.memory_space<vmem>> -> memref<1x24xi32, #tpu.memory_space<vmem>>
        %dma_wait3A_1108 = tpu.memref_squeeze %dma_wait3A_1107 : memref<1x24xi32, #tpu.memory_space<vmem>> -> memref<24xi32, #tpu.memory_space<vmem>>
        %dma_wait3A_1109 = arith.constant 0 : i32
        %dma_wait3A_1110 = tpu.memref_slice %arg10[%dma_wait3A_1109] : memref<10240xf32, #tpu.memory_space<vmem_shared>> -> memref<10240xf32, #tpu.memory_space<vmem_shared>>
        tpu.wait_indirect_dma semaphore(%arg24 : memref<!tpu.dma_semaphore, #tpu.memory_space<semaphore_mem>>) src(%arg13 : memref<24xf32, #tpu.memory_space<vmem>>) dst(%dma_wait3A_1110 : memref<10240xf32, #tpu.memory_space<vmem_shared>>)
        %add3A_1111 = arith.constant 2 : i32
        %add3A_1112 = arith.addi %sub3A_419, %add3A_1111 : i32
        %add3A_1113 = arith.constant 2 : i32
        %add3A_1114 = arith.addi %sub3A_419, %add3A_1113 : i32
        %dma_wait3A_1115 = arith.constant 0 : i32
        %dma_wait3A_1116 = arith.constant 0 : i32
        %dma_wait3A_1117 = tpu.memref_slice %arg14[%add3A_1112, %dma_wait3A_1115, %dma_wait3A_1116] : memref<14x24x128xf32, #tpu.memory_space<vmem>> -> memref<1x24x128xf32, #tpu.memory_space<vmem>>
        %dma_wait3A_1118 = tpu.memref_squeeze %dma_wait3A_1117 : memref<1x24x128xf32, #tpu.memory_space<vmem>> -> memref<24x128xf32, #tpu.memory_space<vmem>>
        %dma_wait3A_1119 = arith.constant 0 : i32
        %dma_wait3A_1120 = tpu.memref_slice %arg12[%add3A_1114, %dma_wait3A_1119] : memref<14x24xi32, #tpu.memory_space<vmem>> -> memref<1x24xi32, #tpu.memory_space<vmem>>
        %dma_wait3A_1121 = tpu.memref_squeeze %dma_wait3A_1120 : memref<1x24xi32, #tpu.memory_space<vmem>> -> memref<24xi32, #tpu.memory_space<vmem>>
        %dma_wait3A_1122 = arith.constant 0 : i32
        %dma_wait3A_1123 = arith.constant 0 : i32
        %dma_wait3A_1124 = tpu.memref_slice %arg9[%dma_wait3A_1122, %dma_wait3A_1123] : memref<10240x128xf32, #tpu.memory_space<vmem_shared>> -> memref<10240x128xf32, #tpu.memory_space<vmem_shared>>
        tpu.wait_indirect_dma semaphore(%arg23 : memref<!tpu.dma_semaphore, #tpu.memory_space<semaphore_mem>>) src(%dma_wait3A_1118 : memref<24x128xf32, #tpu.memory_space<vmem>>) dst(%dma_wait3A_1124 : memref<10240x128xf32, #tpu.memory_space<vmem_shared>>)
        %add3A_1125 = arith.constant 2 : i32
        %add3A_1126 = arith.addi %sub3A_419, %add3A_1125 : i32
        %dma_wait3A_1127 = arith.constant 0 : i32
        %dma_wait3A_1128 = tpu.memref_slice %arg12[%add3A_1126, %dma_wait3A_1127] : memref<14x24xi32, #tpu.memory_space<vmem>> -> memref<1x24xi32, #tpu.memory_space<vmem>>
        %dma_wait3A_1129 = tpu.memref_squeeze %dma_wait3A_1128 : memref<1x24xi32, #tpu.memory_space<vmem>> -> memref<24xi32, #tpu.memory_space<vmem>>
        %dma_wait3A_1130 = arith.constant 0 : i32
        %dma_wait3A_1131 = tpu.memref_slice %arg10[%dma_wait3A_1130] : memref<10240xf32, #tpu.memory_space<vmem_shared>> -> memref<10240xf32, #tpu.memory_space<vmem_shared>>
        tpu.wait_indirect_dma semaphore(%arg24 : memref<!tpu.dma_semaphore, #tpu.memory_space<semaphore_mem>>) src(%arg13 : memref<24xf32, #tpu.memory_space<vmem>>) dst(%dma_wait3A_1131 : memref<10240xf32, #tpu.memory_space<vmem_shared>>)
        %add3A_1132 = arith.constant 3 : i32
        %add3A_1133 = arith.addi %sub3A_419, %add3A_1132 : i32
        %add3A_1134 = arith.constant 3 : i32
        %add3A_1135 = arith.addi %sub3A_419, %add3A_1134 : i32
        %dma_wait3A_1136 = arith.constant 0 : i32
        %dma_wait3A_1137 = arith.constant 0 : i32
        %dma_wait3A_1138 = tpu.memref_slice %arg14[%add3A_1133, %dma_wait3A_1136, %dma_wait3A_1137] : memref<14x24x128xf32, #tpu.memory_space<vmem>> -> memref<1x24x128xf32, #tpu.memory_space<vmem>>
        %dma_wait3A_1139 = tpu.memref_squeeze %dma_wait3A_1138 : memref<1x24x128xf32, #tpu.memory_space<vmem>> -> memref<24x128xf32, #tpu.memory_space<vmem>>
        %dma_wait3A_1140 = arith.constant 0 : i32
        %dma_wait3A_1141 = tpu.memref_slice %arg12[%add3A_1135, %dma_wait3A_1140] : memref<14x24xi32, #tpu.memory_space<vmem>> -> memref<1x24xi32, #tpu.memory_space<vmem>>
        %dma_wait3A_1142 = tpu.memref_squeeze %dma_wait3A_1141 : memref<1x24xi32, #tpu.memory_space<vmem>> -> memref<24xi32, #tpu.memory_space<vmem>>
        %dma_wait3A_1143 = arith.constant 0 : i32
        %dma_wait3A_1144 = arith.constant 0 : i32
        %dma_wait3A_1145 = tpu.memref_slice %arg9[%dma_wait3A_1143, %dma_wait3A_1144] : memref<10240x128xf32, #tpu.memory_space<vmem_shared>> -> memref<10240x128xf32, #tpu.memory_space<vmem_shared>>
        tpu.wait_indirect_dma semaphore(%arg23 : memref<!tpu.dma_semaphore, #tpu.memory_space<semaphore_mem>>) src(%dma_wait3A_1139 : memref<24x128xf32, #tpu.memory_space<vmem>>) dst(%dma_wait3A_1145 : memref<10240x128xf32, #tpu.memory_space<vmem_shared>>)
        %add3A_1146 = arith.constant 3 : i32
        %add3A_1147 = arith.addi %sub3A_419, %add3A_1146 : i32
        %dma_wait3A_1148 = arith.constant 0 : i32
        %dma_wait3A_1149 = tpu.memref_slice %arg12[%add3A_1147, %dma_wait3A_1148] : memref<14x24xi32, #tpu.memory_space<vmem>> -> memref<1x24xi32, #tpu.memory_space<vmem>>
        %dma_wait3A_1150 = tpu.memref_squeeze %dma_wait3A_1149 : memref<1x24xi32, #tpu.memory_space<vmem>> -> memref<24xi32, #tpu.memory_space<vmem>>
        %dma_wait3A_1151 = arith.constant 0 : i32
        %dma_wait3A_1152 = tpu.memref_slice %arg10[%dma_wait3A_1151] : memref<10240xf32, #tpu.memory_space<vmem_shared>> -> memref<10240xf32, #tpu.memory_space<vmem_shared>>
        tpu.wait_indirect_dma semaphore(%arg24 : memref<!tpu.dma_semaphore, #tpu.memory_space<semaphore_mem>>) src(%arg13 : memref<24xf32, #tpu.memory_space<vmem>>) dst(%dma_wait3A_1152 : memref<10240xf32, #tpu.memory_space<vmem_shared>>)
        %add3A_1153 = arith.constant 4 : i32
        %add3A_1154 = arith.addi %sub3A_419, %add3A_1153 : i32
        %add3A_1155 = arith.constant 4 : i32
        %add3A_1156 = arith.addi %sub3A_419, %add3A_1155 : i32
        %dma_wait3A_1157 = arith.constant 0 : i32
        %dma_wait3A_1158 = arith.constant 0 : i32
        %dma_wait3A_1159 = tpu.memref_slice %arg14[%add3A_1154, %dma_wait3A_1157, %dma_wait3A_1158] : memref<14x24x128xf32, #tpu.memory_space<vmem>> -> memref<1x24x128xf32, #tpu.memory_space<vmem>>
        %dma_wait3A_1160 = tpu.memref_squeeze %dma_wait3A_1159 : memref<1x24x128xf32, #tpu.memory_space<vmem>> -> memref<24x128xf32, #tpu.memory_space<vmem>>
        %dma_wait3A_1161 = arith.constant 0 : i32
        %dma_wait3A_1162 = tpu.memref_slice %arg12[%add3A_1156, %dma_wait3A_1161] : memref<14x24xi32, #tpu.memory_space<vmem>> -> memref<1x24xi32, #tpu.memory_space<vmem>>
        %dma_wait3A_1163 = tpu.memref_squeeze %dma_wait3A_1162 : memref<1x24xi32, #tpu.memory_space<vmem>> -> memref<24xi32, #tpu.memory_space<vmem>>
        %dma_wait3A_1164 = arith.constant 0 : i32
        %dma_wait3A_1165 = arith.constant 0 : i32
        %dma_wait3A_1166 = tpu.memref_slice %arg9[%dma_wait3A_1164, %dma_wait3A_1165] : memref<10240x128xf32, #tpu.memory_space<vmem_shared>> -> memref<10240x128xf32, #tpu.memory_space<vmem_shared>>
        tpu.wait_indirect_dma semaphore(%arg23 : memref<!tpu.dma_semaphore, #tpu.memory_space<semaphore_mem>>) src(%dma_wait3A_1160 : memref<24x128xf32, #tpu.memory_space<vmem>>) dst(%dma_wait3A_1166 : memref<10240x128xf32, #tpu.memory_space<vmem_shared>>)
        %add3A_1167 = arith.constant 4 : i32
        %add3A_1168 = arith.addi %sub3A_419, %add3A_1167 : i32
        %dma_wait3A_1169 = arith.constant 0 : i32
        %dma_wait3A_1170 = tpu.memref_slice %arg12[%add3A_1168, %dma_wait3A_1169] : memref<14x24xi32, #tpu.memory_space<vmem>> -> memref<1x24xi32, #tpu.memory_space<vmem>>
        %dma_wait3A_1171 = tpu.memref_squeeze %dma_wait3A_1170 : memref<1x24xi32, #tpu.memory_space<vmem>> -> memref<24xi32, #tpu.memory_space<vmem>>
        %dma_wait3A_1172 = arith.constant 0 : i32
        %dma_wait3A_1173 = tpu.memref_slice %arg10[%dma_wait3A_1172] : memref<10240xf32, #tpu.memory_space<vmem_shared>> -> memref<10240xf32, #tpu.memory_space<vmem_shared>>
        tpu.wait_indirect_dma semaphore(%arg24 : memref<!tpu.dma_semaphore, #tpu.memory_space<semaphore_mem>>) src(%arg13 : memref<24xf32, #tpu.memory_space<vmem>>) dst(%dma_wait3A_1173 : memref<10240xf32, #tpu.memory_space<vmem_shared>>)
        %add3A_1174 = arith.constant 5 : i32
        %add3A_1175 = arith.addi %sub3A_419, %add3A_1174 : i32
        %add3A_1176 = arith.constant 5 : i32
        %add3A_1177 = arith.addi %sub3A_419, %add3A_1176 : i32
        %dma_wait3A_1178 = arith.constant 0 : i32
        %dma_wait3A_1179 = arith.constant 0 : i32
        %dma_wait3A_1180 = tpu.memref_slice %arg14[%add3A_1175, %dma_wait3A_1178, %dma_wait3A_1179] : memref<14x24x128xf32, #tpu.memory_space<vmem>> -> memref<1x24x128xf32, #tpu.memory_space<vmem>>
        %dma_wait3A_1181 = tpu.memref_squeeze %dma_wait3A_1180 : memref<1x24x128xf32, #tpu.memory_space<vmem>> -> memref<24x128xf32, #tpu.memory_space<vmem>>
        %dma_wait3A_1182 = arith.constant 0 : i32
        %dma_wait3A_1183 = tpu.memref_slice %arg12[%add3A_1177, %dma_wait3A_1182] : memref<14x24xi32, #tpu.memory_space<vmem>> -> memref<1x24xi32, #tpu.memory_space<vmem>>
        %dma_wait3A_1184 = tpu.memref_squeeze %dma_wait3A_1183 : memref<1x24xi32, #tpu.memory_space<vmem>> -> memref<24xi32, #tpu.memory_space<vmem>>
        %dma_wait3A_1185 = arith.constant 0 : i32
        %dma_wait3A_1186 = arith.constant 0 : i32
        %dma_wait3A_1187 = tpu.memref_slice %arg9[%dma_wait3A_1185, %dma_wait3A_1186] : memref<10240x128xf32, #tpu.memory_space<vmem_shared>> -> memref<10240x128xf32, #tpu.memory_space<vmem_shared>>
        tpu.wait_indirect_dma semaphore(%arg23 : memref<!tpu.dma_semaphore, #tpu.memory_space<semaphore_mem>>) src(%dma_wait3A_1181 : memref<24x128xf32, #tpu.memory_space<vmem>>) dst(%dma_wait3A_1187 : memref<10240x128xf32, #tpu.memory_space<vmem_shared>>)
        %add3A_1188 = arith.constant 5 : i32
        %add3A_1189 = arith.addi %sub3A_419, %add3A_1188 : i32
        %dma_wait3A_1190 = arith.constant 0 : i32
        %dma_wait3A_1191 = tpu.memref_slice %arg12[%add3A_1189, %dma_wait3A_1190] : memref<14x24xi32, #tpu.memory_space<vmem>> -> memref<1x24xi32, #tpu.memory_space<vmem>>
        %dma_wait3A_1192 = tpu.memref_squeeze %dma_wait3A_1191 : memref<1x24xi32, #tpu.memory_space<vmem>> -> memref<24xi32, #tpu.memory_space<vmem>>
        %dma_wait3A_1193 = arith.constant 0 : i32
        %dma_wait3A_1194 = tpu.memref_slice %arg10[%dma_wait3A_1193] : memref<10240xf32, #tpu.memory_space<vmem_shared>> -> memref<10240xf32, #tpu.memory_space<vmem_shared>>
        tpu.wait_indirect_dma semaphore(%arg24 : memref<!tpu.dma_semaphore, #tpu.memory_space<semaphore_mem>>) src(%arg13 : memref<24xf32, #tpu.memory_space<vmem>>) dst(%dma_wait3A_1194 : memref<10240xf32, #tpu.memory_space<vmem_shared>>)
        %add3A_1195 = arith.constant 6 : i32
        %add3A_1196 = arith.addi %sub3A_419, %add3A_1195 : i32
        %add3A_1197 = arith.constant 6 : i32
        %add3A_1198 = arith.addi %sub3A_419, %add3A_1197 : i32
        %dma_wait3A_1199 = arith.constant 0 : i32
        %dma_wait3A_1200 = arith.constant 0 : i32
        %dma_wait3A_1201 = tpu.memref_slice %arg14[%add3A_1196, %dma_wait3A_1199, %dma_wait3A_1200] : memref<14x24x128xf32, #tpu.memory_space<vmem>> -> memref<1x24x128xf32, #tpu.memory_space<vmem>>
        %dma_wait3A_1202 = tpu.memref_squeeze %dma_wait3A_1201 : memref<1x24x128xf32, #tpu.memory_space<vmem>> -> memref<24x128xf32, #tpu.memory_space<vmem>>
        %dma_wait3A_1203 = arith.constant 0 : i32
        %dma_wait3A_1204 = tpu.memref_slice %arg12[%add3A_1198, %dma_wait3A_1203] : memref<14x24xi32, #tpu.memory_space<vmem>> -> memref<1x24xi32, #tpu.memory_space<vmem>>
        %dma_wait3A_1205 = tpu.memref_squeeze %dma_wait3A_1204 : memref<1x24xi32, #tpu.memory_space<vmem>> -> memref<24xi32, #tpu.memory_space<vmem>>
        %dma_wait3A_1206 = arith.constant 0 : i32
        %dma_wait3A_1207 = arith.constant 0 : i32
        %dma_wait3A_1208 = tpu.memref_slice %arg9[%dma_wait3A_1206, %dma_wait3A_1207] : memref<10240x128xf32, #tpu.memory_space<vmem_shared>> -> memref<10240x128xf32, #tpu.memory_space<vmem_shared>>
        tpu.wait_indirect_dma semaphore(%arg23 : memref<!tpu.dma_semaphore, #tpu.memory_space<semaphore_mem>>) src(%dma_wait3A_1202 : memref<24x128xf32, #tpu.memory_space<vmem>>) dst(%dma_wait3A_1208 : memref<10240x128xf32, #tpu.memory_space<vmem_shared>>)
        %add3A_1209 = arith.constant 6 : i32
        %add3A_1210 = arith.addi %sub3A_419, %add3A_1209 : i32
        %dma_wait3A_1211 = arith.constant 0 : i32
        %dma_wait3A_1212 = tpu.memref_slice %arg12[%add3A_1210, %dma_wait3A_1211] : memref<14x24xi32, #tpu.memory_space<vmem>> -> memref<1x24xi32, #tpu.memory_space<vmem>>
        %dma_wait3A_1213 = tpu.memref_squeeze %dma_wait3A_1212 : memref<1x24xi32, #tpu.memory_space<vmem>> -> memref<24xi32, #tpu.memory_space<vmem>>
        %dma_wait3A_1214 = arith.constant 0 : i32
        %dma_wait3A_1215 = tpu.memref_slice %arg10[%dma_wait3A_1214] : memref<10240xf32, #tpu.memory_space<vmem_shared>> -> memref<10240xf32, #tpu.memory_space<vmem_shared>>
        tpu.wait_indirect_dma semaphore(%arg24 : memref<!tpu.dma_semaphore, #tpu.memory_space<semaphore_mem>>) src(%arg13 : memref<24xf32, #tpu.memory_space<vmem>>) dst(%dma_wait3A_1215 : memref<10240xf32, #tpu.memory_space<vmem_shared>>)
      } else {
      }
      %add3A_660 = arith.constant 1 : i32
      %add3A_661 = arith.addi %scan3A_415, %add3A_660 : i32
      %min3A = arith.constant 59 : i32
      %min3A_662 = arith.minsi %add3A_661, %min3A : i32
      %mul3A_663 = arith.constant 7 : i32
      %mul3A_664 = arith.muli %min3A_662, %mul3A_663 : i32
      %add3A_665 = arith.constant 0 : i32
      %add3A_666 = arith.addi %mul3A_664, %add3A_665 : i32
      %mul3A_667 = arith.constant 24 : i32
      %mul3A_668 = arith.muli %add3A_666, %mul3A_667 : i32
      %add3A_669 = arith.addi %mul3A_10, %mul3A_668 : i32
      %add3A_670 = arith.constant 0 : i32
      %add3A_671 = arith.addi %sub3A_419, %add3A_670 : i32
      %dma_start3A_672 = arith.constant 0 : i32
      %dma_start3A_673 = tpu.memref_slice %arg11[%add3A_671, %dma_start3A_672] : memref<14x24xi32, #tpu.memory_space<vmem>> -> memref<1x24xi32, #tpu.memory_space<vmem>>
      %dma_start3A_674 = tpu.memref_squeeze %dma_start3A_673 : memref<1x24xi32, #tpu.memory_space<vmem>> -> memref<24xi32, #tpu.memory_space<vmem>>
      %dma_start3A_675 = tpu.memref_slice %arg3[%add3A_669] : memref<322560xi32, #tpu.memory_space<hbm>> -> memref<24xi32, #tpu.memory_space<hbm>>
      %dma_start3A_676 = arith.constant 0 : i32
      %dma_start3A_677 = tpu.memref_slice %arg11[%add3A_671, %dma_start3A_676] : memref<14x24xi32, #tpu.memory_space<vmem>> -> memref<1x24xi32, #tpu.memory_space<vmem>>
      %dma_start3A_678 = tpu.memref_squeeze %dma_start3A_677 : memref<1x24xi32, #tpu.memory_space<vmem>> -> memref<24xi32, #tpu.memory_space<vmem>>
      %dma_start3A_679 = tpu.memref_slice %arg3[%add3A_669] : memref<322560xi32, #tpu.memory_space<hbm>> -> memref<24xi32, #tpu.memory_space<hbm>>
      tpu.enqueue_dma source(%dma_start3A_679 : memref<24xi32, #tpu.memory_space<hbm>>) target(%dma_start3A_678 : memref<24xi32, #tpu.memory_space<vmem>>) target_semaphore(%arg15 : memref<!tpu.dma_semaphore, #tpu.memory_space<semaphore_mem>>)
      %add3A_680 = arith.constant 0 : i32
      %add3A_681 = arith.addi %sub3A_419, %add3A_680 : i32
      %dma_start3A_682 = arith.constant 0 : i32
      %dma_start3A_683 = tpu.memref_slice %arg12[%add3A_681, %dma_start3A_682] : memref<14x24xi32, #tpu.memory_space<vmem>> -> memref<1x24xi32, #tpu.memory_space<vmem>>
      %dma_start3A_684 = tpu.memref_squeeze %dma_start3A_683 : memref<1x24xi32, #tpu.memory_space<vmem>> -> memref<24xi32, #tpu.memory_space<vmem>>
      %dma_start3A_685 = tpu.memref_slice %arg4[%add3A_669] : memref<322560xi32, #tpu.memory_space<hbm>> -> memref<24xi32, #tpu.memory_space<hbm>>
      %dma_start3A_686 = arith.constant 0 : i32
      %dma_start3A_687 = tpu.memref_slice %arg12[%add3A_681, %dma_start3A_686] : memref<14x24xi32, #tpu.memory_space<vmem>> -> memref<1x24xi32, #tpu.memory_space<vmem>>
      %dma_start3A_688 = tpu.memref_squeeze %dma_start3A_687 : memref<1x24xi32, #tpu.memory_space<vmem>> -> memref<24xi32, #tpu.memory_space<vmem>>
      %dma_start3A_689 = tpu.memref_slice %arg4[%add3A_669] : memref<322560xi32, #tpu.memory_space<hbm>> -> memref<24xi32, #tpu.memory_space<hbm>>
      tpu.enqueue_dma source(%dma_start3A_689 : memref<24xi32, #tpu.memory_space<hbm>>) target(%dma_start3A_688 : memref<24xi32, #tpu.memory_space<vmem>>) target_semaphore(%arg15 : memref<!tpu.dma_semaphore, #tpu.memory_space<semaphore_mem>>)
      %mul3A_690 = arith.constant 7 : i32
      %mul3A_691 = arith.muli %min3A_662, %mul3A_690 : i32
      %add3A_692 = arith.constant 1 : i32
      %add3A_693 = arith.addi %mul3A_691, %add3A_692 : i32
      %mul3A_694 = arith.constant 24 : i32
      %mul3A_695 = arith.muli %add3A_693, %mul3A_694 : i32
      %add3A_696 = arith.addi %mul3A_10, %mul3A_695 : i32
      %add3A_697 = arith.constant 1 : i32
      %add3A_698 = arith.addi %sub3A_419, %add3A_697 : i32
      %dma_start3A_699 = arith.constant 0 : i32
      %dma_start3A_700 = tpu.memref_slice %arg11[%add3A_698, %dma_start3A_699] : memref<14x24xi32, #tpu.memory_space<vmem>> -> memref<1x24xi32, #tpu.memory_space<vmem>>
      %dma_start3A_701 = tpu.memref_squeeze %dma_start3A_700 : memref<1x24xi32, #tpu.memory_space<vmem>> -> memref<24xi32, #tpu.memory_space<vmem>>
      %dma_start3A_702 = tpu.memref_slice %arg3[%add3A_696] : memref<322560xi32, #tpu.memory_space<hbm>> -> memref<24xi32, #tpu.memory_space<hbm>>
      %dma_start3A_703 = arith.constant 0 : i32
      %dma_start3A_704 = tpu.memref_slice %arg11[%add3A_698, %dma_start3A_703] : memref<14x24xi32, #tpu.memory_space<vmem>> -> memref<1x24xi32, #tpu.memory_space<vmem>>
      %dma_start3A_705 = tpu.memref_squeeze %dma_start3A_704 : memref<1x24xi32, #tpu.memory_space<vmem>> -> memref<24xi32, #tpu.memory_space<vmem>>
      %dma_start3A_706 = tpu.memref_slice %arg3[%add3A_696] : memref<322560xi32, #tpu.memory_space<hbm>> -> memref<24xi32, #tpu.memory_space<hbm>>
      tpu.enqueue_dma source(%dma_start3A_706 : memref<24xi32, #tpu.memory_space<hbm>>) target(%dma_start3A_705 : memref<24xi32, #tpu.memory_space<vmem>>) target_semaphore(%arg15 : memref<!tpu.dma_semaphore, #tpu.memory_space<semaphore_mem>>)
      %add3A_707 = arith.constant 1 : i32
      %add3A_708 = arith.addi %sub3A_419, %add3A_707 : i32
      %dma_start3A_709 = arith.constant 0 : i32
      %dma_start3A_710 = tpu.memref_slice %arg12[%add3A_708, %dma_start3A_709] : memref<14x24xi32, #tpu.memory_space<vmem>> -> memref<1x24xi32, #tpu.memory_space<vmem>>
      %dma_start3A_711 = tpu.memref_squeeze %dma_start3A_710 : memref<1x24xi32, #tpu.memory_space<vmem>> -> memref<24xi32, #tpu.memory_space<vmem>>
      %dma_start3A_712 = tpu.memref_slice %arg4[%add3A_696] : memref<322560xi32, #tpu.memory_space<hbm>> -> memref<24xi32, #tpu.memory_space<hbm>>
      %dma_start3A_713 = arith.constant 0 : i32
      %dma_start3A_714 = tpu.memref_slice %arg12[%add3A_708, %dma_start3A_713] : memref<14x24xi32, #tpu.memory_space<vmem>> -> memref<1x24xi32, #tpu.memory_space<vmem>>
      %dma_start3A_715 = tpu.memref_squeeze %dma_start3A_714 : memref<1x24xi32, #tpu.memory_space<vmem>> -> memref<24xi32, #tpu.memory_space<vmem>>
      %dma_start3A_716 = tpu.memref_slice %arg4[%add3A_696] : memref<322560xi32, #tpu.memory_space<hbm>> -> memref<24xi32, #tpu.memory_space<hbm>>
      tpu.enqueue_dma source(%dma_start3A_716 : memref<24xi32, #tpu.memory_space<hbm>>) target(%dma_start3A_715 : memref<24xi32, #tpu.memory_space<vmem>>) target_semaphore(%arg15 : memref<!tpu.dma_semaphore, #tpu.memory_space<semaphore_mem>>)
      %mul3A_717 = arith.constant 7 : i32
      %mul3A_718 = arith.muli %min3A_662, %mul3A_717 : i32
      %add3A_719 = arith.constant 2 : i32
      %add3A_720 = arith.addi %mul3A_718, %add3A_719 : i32
      %mul3A_721 = arith.constant 24 : i32
      %mul3A_722 = arith.muli %add3A_720, %mul3A_721 : i32
      %add3A_723 = arith.addi %mul3A_10, %mul3A_722 : i32
      %add3A_724 = arith.constant 2 : i32
      %add3A_725 = arith.addi %sub3A_419, %add3A_724 : i32
      %dma_start3A_726 = arith.constant 0 : i32
      %dma_start3A_727 = tpu.memref_slice %arg11[%add3A_725, %dma_start3A_726] : memref<14x24xi32, #tpu.memory_space<vmem>> -> memref<1x24xi32, #tpu.memory_space<vmem>>
      %dma_start3A_728 = tpu.memref_squeeze %dma_start3A_727 : memref<1x24xi32, #tpu.memory_space<vmem>> -> memref<24xi32, #tpu.memory_space<vmem>>
      %dma_start3A_729 = tpu.memref_slice %arg3[%add3A_723] : memref<322560xi32, #tpu.memory_space<hbm>> -> memref<24xi32, #tpu.memory_space<hbm>>
      %dma_start3A_730 = arith.constant 0 : i32
      %dma_start3A_731 = tpu.memref_slice %arg11[%add3A_725, %dma_start3A_730] : memref<14x24xi32, #tpu.memory_space<vmem>> -> memref<1x24xi32, #tpu.memory_space<vmem>>
      %dma_start3A_732 = tpu.memref_squeeze %dma_start3A_731 : memref<1x24xi32, #tpu.memory_space<vmem>> -> memref<24xi32, #tpu.memory_space<vmem>>
      %dma_start3A_733 = tpu.memref_slice %arg3[%add3A_723] : memref<322560xi32, #tpu.memory_space<hbm>> -> memref<24xi32, #tpu.memory_space<hbm>>
      tpu.enqueue_dma source(%dma_start3A_733 : memref<24xi32, #tpu.memory_space<hbm>>) target(%dma_start3A_732 : memref<24xi32, #tpu.memory_space<vmem>>) target_semaphore(%arg15 : memref<!tpu.dma_semaphore, #tpu.memory_space<semaphore_mem>>)
      %add3A_734 = arith.constant 2 : i32
      %add3A_735 = arith.addi %sub3A_419, %add3A_734 : i32
      %dma_start3A_736 = arith.constant 0 : i32
      %dma_start3A_737 = tpu.memref_slice %arg12[%add3A_735, %dma_start3A_736] : memref<14x24xi32, #tpu.memory_space<vmem>> -> memref<1x24xi32, #tpu.memory_space<vmem>>
      %dma_start3A_738 = tpu.memref_squeeze %dma_start3A_737 : memref<1x24xi32, #tpu.memory_space<vmem>> -> memref<24xi32, #tpu.memory_space<vmem>>
      %dma_start3A_739 = tpu.memref_slice %arg4[%add3A_723] : memref<322560xi32, #tpu.memory_space<hbm>> -> memref<24xi32, #tpu.memory_space<hbm>>
      %dma_start3A_740 = arith.constant 0 : i32
      %dma_start3A_741 = tpu.memref_slice %arg12[%add3A_735, %dma_start3A_740] : memref<14x24xi32, #tpu.memory_space<vmem>> -> memref<1x24xi32, #tpu.memory_space<vmem>>
      %dma_start3A_742 = tpu.memref_squeeze %dma_start3A_741 : memref<1x24xi32, #tpu.memory_space<vmem>> -> memref<24xi32, #tpu.memory_space<vmem>>
      %dma_start3A_743 = tpu.memref_slice %arg4[%add3A_723] : memref<322560xi32, #tpu.memory_space<hbm>> -> memref<24xi32, #tpu.memory_space<hbm>>
      tpu.enqueue_dma source(%dma_start3A_743 : memref<24xi32, #tpu.memory_space<hbm>>) target(%dma_start3A_742 : memref<24xi32, #tpu.memory_space<vmem>>) target_semaphore(%arg15 : memref<!tpu.dma_semaphore, #tpu.memory_space<semaphore_mem>>)
      %mul3A_744 = arith.constant 7 : i32
      %mul3A_745 = arith.muli %min3A_662, %mul3A_744 : i32
      %add3A_746 = arith.constant 3 : i32
      %add3A_747 = arith.addi %mul3A_745, %add3A_746 : i32
      %mul3A_748 = arith.constant 24 : i32
      %mul3A_749 = arith.muli %add3A_747, %mul3A_748 : i32
      %add3A_750 = arith.addi %mul3A_10, %mul3A_749 : i32
      %add3A_751 = arith.constant 3 : i32
      %add3A_752 = arith.addi %sub3A_419, %add3A_751 : i32
      %dma_start3A_753 = arith.constant 0 : i32
      %dma_start3A_754 = tpu.memref_slice %arg11[%add3A_752, %dma_start3A_753] : memref<14x24xi32, #tpu.memory_space<vmem>> -> memref<1x24xi32, #tpu.memory_space<vmem>>
      %dma_start3A_755 = tpu.memref_squeeze %dma_start3A_754 : memref<1x24xi32, #tpu.memory_space<vmem>> -> memref<24xi32, #tpu.memory_space<vmem>>
      %dma_start3A_756 = tpu.memref_slice %arg3[%add3A_750] : memref<322560xi32, #tpu.memory_space<hbm>> -> memref<24xi32, #tpu.memory_space<hbm>>
      %dma_start3A_757 = arith.constant 0 : i32
      %dma_start3A_758 = tpu.memref_slice %arg11[%add3A_752, %dma_start3A_757] : memref<14x24xi32, #tpu.memory_space<vmem>> -> memref<1x24xi32, #tpu.memory_space<vmem>>
      %dma_start3A_759 = tpu.memref_squeeze %dma_start3A_758 : memref<1x24xi32, #tpu.memory_space<vmem>> -> memref<24xi32, #tpu.memory_space<vmem>>
      %dma_start3A_760 = tpu.memref_slice %arg3[%add3A_750] : memref<322560xi32, #tpu.memory_space<hbm>> -> memref<24xi32, #tpu.memory_space<hbm>>
      tpu.enqueue_dma source(%dma_start3A_760 : memref<24xi32, #tpu.memory_space<hbm>>) target(%dma_start3A_759 : memref<24xi32, #tpu.memory_space<vmem>>) target_semaphore(%arg15 : memref<!tpu.dma_semaphore, #tpu.memory_space<semaphore_mem>>)
      %add3A_761 = arith.constant 3 : i32
      %add3A_762 = arith.addi %sub3A_419, %add3A_761 : i32
      %dma_start3A_763 = arith.constant 0 : i32
      %dma_start3A_764 = tpu.memref_slice %arg12[%add3A_762, %dma_start3A_763] : memref<14x24xi32, #tpu.memory_space<vmem>> -> memref<1x24xi32, #tpu.memory_space<vmem>>
      %dma_start3A_765 = tpu.memref_squeeze %dma_start3A_764 : memref<1x24xi32, #tpu.memory_space<vmem>> -> memref<24xi32, #tpu.memory_space<vmem>>
      %dma_start3A_766 = tpu.memref_slice %arg4[%add3A_750] : memref<322560xi32, #tpu.memory_space<hbm>> -> memref<24xi32, #tpu.memory_space<hbm>>
      %dma_start3A_767 = arith.constant 0 : i32
      %dma_start3A_768 = tpu.memref_slice %arg12[%add3A_762, %dma_start3A_767] : memref<14x24xi32, #tpu.memory_space<vmem>> -> memref<1x24xi32, #tpu.memory_space<vmem>>
      %dma_start3A_769 = tpu.memref_squeeze %dma_start3A_768 : memref<1x24xi32, #tpu.memory_space<vmem>> -> memref<24xi32, #tpu.memory_space<vmem>>
      %dma_start3A_770 = tpu.memref_slice %arg4[%add3A_750] : memref<322560xi32, #tpu.memory_space<hbm>> -> memref<24xi32, #tpu.memory_space<hbm>>
      tpu.enqueue_dma source(%dma_start3A_770 : memref<24xi32, #tpu.memory_space<hbm>>) target(%dma_start3A_769 : memref<24xi32, #tpu.memory_space<vmem>>) target_semaphore(%arg15 : memref<!tpu.dma_semaphore, #tpu.memory_space<semaphore_mem>>)
      %mul3A_771 = arith.constant 7 : i32
      %mul3A_772 = arith.muli %min3A_662, %mul3A_771 : i32
      %add3A_773 = arith.constant 4 : i32
      %add3A_774 = arith.addi %mul3A_772, %add3A_773 : i32
      %mul3A_775 = arith.constant 24 : i32
      %mul3A_776 = arith.muli %add3A_774, %mul3A_775 : i32
      %add3A_777 = arith.addi %mul3A_10, %mul3A_776 : i32
      %add3A_778 = arith.constant 4 : i32
      %add3A_779 = arith.addi %sub3A_419, %add3A_778 : i32
      %dma_start3A_780 = arith.constant 0 : i32
      %dma_start3A_781 = tpu.memref_slice %arg11[%add3A_779, %dma_start3A_780] : memref<14x24xi32, #tpu.memory_space<vmem>> -> memref<1x24xi32, #tpu.memory_space<vmem>>
      %dma_start3A_782 = tpu.memref_squeeze %dma_start3A_781 : memref<1x24xi32, #tpu.memory_space<vmem>> -> memref<24xi32, #tpu.memory_space<vmem>>
      %dma_start3A_783 = tpu.memref_slice %arg3[%add3A_777] : memref<322560xi32, #tpu.memory_space<hbm>> -> memref<24xi32, #tpu.memory_space<hbm>>
      %dma_start3A_784 = arith.constant 0 : i32
      %dma_start3A_785 = tpu.memref_slice %arg11[%add3A_779, %dma_start3A_784] : memref<14x24xi32, #tpu.memory_space<vmem>> -> memref<1x24xi32, #tpu.memory_space<vmem>>
      %dma_start3A_786 = tpu.memref_squeeze %dma_start3A_785 : memref<1x24xi32, #tpu.memory_space<vmem>> -> memref<24xi32, #tpu.memory_space<vmem>>
      %dma_start3A_787 = tpu.memref_slice %arg3[%add3A_777] : memref<322560xi32, #tpu.memory_space<hbm>> -> memref<24xi32, #tpu.memory_space<hbm>>
      tpu.enqueue_dma source(%dma_start3A_787 : memref<24xi32, #tpu.memory_space<hbm>>) target(%dma_start3A_786 : memref<24xi32, #tpu.memory_space<vmem>>) target_semaphore(%arg15 : memref<!tpu.dma_semaphore, #tpu.memory_space<semaphore_mem>>)
      %add3A_788 = arith.constant 4 : i32
      %add3A_789 = arith.addi %sub3A_419, %add3A_788 : i32
      %dma_start3A_790 = arith.constant 0 : i32
      %dma_start3A_791 = tpu.memref_slice %arg12[%add3A_789, %dma_start3A_790] : memref<14x24xi32, #tpu.memory_space<vmem>> -> memref<1x24xi32, #tpu.memory_space<vmem>>
      %dma_start3A_792 = tpu.memref_squeeze %dma_start3A_791 : memref<1x24xi32, #tpu.memory_space<vmem>> -> memref<24xi32, #tpu.memory_space<vmem>>
      %dma_start3A_793 = tpu.memref_slice %arg4[%add3A_777] : memref<322560xi32, #tpu.memory_space<hbm>> -> memref<24xi32, #tpu.memory_space<hbm>>
      %dma_start3A_794 = arith.constant 0 : i32
      %dma_start3A_795 = tpu.memref_slice %arg12[%add3A_789, %dma_start3A_794] : memref<14x24xi32, #tpu.memory_space<vmem>> -> memref<1x24xi32, #tpu.memory_space<vmem>>
      %dma_start3A_796 = tpu.memref_squeeze %dma_start3A_795 : memref<1x24xi32, #tpu.memory_space<vmem>> -> memref<24xi32, #tpu.memory_space<vmem>>
      %dma_start3A_797 = tpu.memref_slice %arg4[%add3A_777] : memref<322560xi32, #tpu.memory_space<hbm>> -> memref<24xi32, #tpu.memory_space<hbm>>
      tpu.enqueue_dma source(%dma_start3A_797 : memref<24xi32, #tpu.memory_space<hbm>>) target(%dma_start3A_796 : memref<24xi32, #tpu.memory_space<vmem>>) target_semaphore(%arg15 : memref<!tpu.dma_semaphore, #tpu.memory_space<semaphore_mem>>)
      %mul3A_798 = arith.constant 7 : i32
      %mul3A_799 = arith.muli %min3A_662, %mul3A_798 : i32
      %add3A_800 = arith.constant 5 : i32
      %add3A_801 = arith.addi %mul3A_799, %add3A_800 : i32
      %mul3A_802 = arith.constant 24 : i32
      %mul3A_803 = arith.muli %add3A_801, %mul3A_802 : i32
      %add3A_804 = arith.addi %mul3A_10, %mul3A_803 : i32
      %add3A_805 = arith.constant 5 : i32
      %add3A_806 = arith.addi %sub3A_419, %add3A_805 : i32
      %dma_start3A_807 = arith.constant 0 : i32
      %dma_start3A_808 = tpu.memref_slice %arg11[%add3A_806, %dma_start3A_807] : memref<14x24xi32, #tpu.memory_space<vmem>> -> memref<1x24xi32, #tpu.memory_space<vmem>>
      %dma_start3A_809 = tpu.memref_squeeze %dma_start3A_808 : memref<1x24xi32, #tpu.memory_space<vmem>> -> memref<24xi32, #tpu.memory_space<vmem>>
      %dma_start3A_810 = tpu.memref_slice %arg3[%add3A_804] : memref<322560xi32, #tpu.memory_space<hbm>> -> memref<24xi32, #tpu.memory_space<hbm>>
      %dma_start3A_811 = arith.constant 0 : i32
      %dma_start3A_812 = tpu.memref_slice %arg11[%add3A_806, %dma_start3A_811] : memref<14x24xi32, #tpu.memory_space<vmem>> -> memref<1x24xi32, #tpu.memory_space<vmem>>
      %dma_start3A_813 = tpu.memref_squeeze %dma_start3A_812 : memref<1x24xi32, #tpu.memory_space<vmem>> -> memref<24xi32, #tpu.memory_space<vmem>>
      %dma_start3A_814 = tpu.memref_slice %arg3[%add3A_804] : memref<322560xi32, #tpu.memory_space<hbm>> -> memref<24xi32, #tpu.memory_space<hbm>>
      tpu.enqueue_dma source(%dma_start3A_814 : memref<24xi32, #tpu.memory_space<hbm>>) target(%dma_start3A_813 : memref<24xi32, #tpu.memory_space<vmem>>) target_semaphore(%arg15 : memref<!tpu.dma_semaphore, #tpu.memory_space<semaphore_mem>>)
      %add3A_815 = arith.constant 5 : i32
      %add3A_816 = arith.addi %sub3A_419, %add3A_815 : i32
      %dma_start3A_817 = arith.constant 0 : i32
      %dma_start3A_818 = tpu.memref_slice %arg12[%add3A_816, %dma_start3A_817] : memref<14x24xi32, #tpu.memory_space<vmem>> -> memref<1x24xi32, #tpu.memory_space<vmem>>
      %dma_start3A_819 = tpu.memref_squeeze %dma_start3A_818 : memref<1x24xi32, #tpu.memory_space<vmem>> -> memref<24xi32, #tpu.memory_space<vmem>>
      %dma_start3A_820 = tpu.memref_slice %arg4[%add3A_804] : memref<322560xi32, #tpu.memory_space<hbm>> -> memref<24xi32, #tpu.memory_space<hbm>>
      %dma_start3A_821 = arith.constant 0 : i32
      %dma_start3A_822 = tpu.memref_slice %arg12[%add3A_816, %dma_start3A_821] : memref<14x24xi32, #tpu.memory_space<vmem>> -> memref<1x24xi32, #tpu.memory_space<vmem>>
      %dma_start3A_823 = tpu.memref_squeeze %dma_start3A_822 : memref<1x24xi32, #tpu.memory_space<vmem>> -> memref<24xi32, #tpu.memory_space<vmem>>
      %dma_start3A_824 = tpu.memref_slice %arg4[%add3A_804] : memref<322560xi32, #tpu.memory_space<hbm>> -> memref<24xi32, #tpu.memory_space<hbm>>
      tpu.enqueue_dma source(%dma_start3A_824 : memref<24xi32, #tpu.memory_space<hbm>>) target(%dma_start3A_823 : memref<24xi32, #tpu.memory_space<vmem>>) target_semaphore(%arg15 : memref<!tpu.dma_semaphore, #tpu.memory_space<semaphore_mem>>)
      %mul3A_825 = arith.constant 7 : i32
      %mul3A_826 = arith.muli %min3A_662, %mul3A_825 : i32
      %add3A_827 = arith.constant 6 : i32
      %add3A_828 = arith.addi %mul3A_826, %add3A_827 : i32
      %mul3A_829 = arith.constant 24 : i32
      %mul3A_830 = arith.muli %add3A_828, %mul3A_829 : i32
      %add3A_831 = arith.addi %mul3A_10, %mul3A_830 : i32
      %add3A_832 = arith.constant 6 : i32
      %add3A_833 = arith.addi %sub3A_419, %add3A_832 : i32
      %dma_start3A_834 = arith.constant 0 : i32
      %dma_start3A_835 = tpu.memref_slice %arg11[%add3A_833, %dma_start3A_834] : memref<14x24xi32, #tpu.memory_space<vmem>> -> memref<1x24xi32, #tpu.memory_space<vmem>>
      %dma_start3A_836 = tpu.memref_squeeze %dma_start3A_835 : memref<1x24xi32, #tpu.memory_space<vmem>> -> memref<24xi32, #tpu.memory_space<vmem>>
      %dma_start3A_837 = tpu.memref_slice %arg3[%add3A_831] : memref<322560xi32, #tpu.memory_space<hbm>> -> memref<24xi32, #tpu.memory_space<hbm>>
      %dma_start3A_838 = arith.constant 0 : i32
      %dma_start3A_839 = tpu.memref_slice %arg11[%add3A_833, %dma_start3A_838] : memref<14x24xi32, #tpu.memory_space<vmem>> -> memref<1x24xi32, #tpu.memory_space<vmem>>
      %dma_start3A_840 = tpu.memref_squeeze %dma_start3A_839 : memref<1x24xi32, #tpu.memory_space<vmem>> -> memref<24xi32, #tpu.memory_space<vmem>>
      %dma_start3A_841 = tpu.memref_slice %arg3[%add3A_831] : memref<322560xi32, #tpu.memory_space<hbm>> -> memref<24xi32, #tpu.memory_space<hbm>>
      tpu.enqueue_dma source(%dma_start3A_841 : memref<24xi32, #tpu.memory_space<hbm>>) target(%dma_start3A_840 : memref<24xi32, #tpu.memory_space<vmem>>) target_semaphore(%arg15 : memref<!tpu.dma_semaphore, #tpu.memory_space<semaphore_mem>>)
      %add3A_842 = arith.constant 6 : i32
      %add3A_843 = arith.addi %sub3A_419, %add3A_842 : i32
      %dma_start3A_844 = arith.constant 0 : i32
      %dma_start3A_845 = tpu.memref_slice %arg12[%add3A_843, %dma_start3A_844] : memref<14x24xi32, #tpu.memory_space<vmem>> -> memref<1x24xi32, #tpu.memory_space<vmem>>
      %dma_start3A_846 = tpu.memref_squeeze %dma_start3A_845 : memref<1x24xi32, #tpu.memory_space<vmem>> -> memref<24xi32, #tpu.memory_space<vmem>>
      %dma_start3A_847 = tpu.memref_slice %arg4[%add3A_831] : memref<322560xi32, #tpu.memory_space<hbm>> -> memref<24xi32, #tpu.memory_space<hbm>>
      %dma_start3A_848 = arith.constant 0 : i32
      %dma_start3A_849 = tpu.memref_slice %arg12[%add3A_843, %dma_start3A_848] : memref<14x24xi32, #tpu.memory_space<vmem>> -> memref<1x24xi32, #tpu.memory_space<vmem>>
      %dma_start3A_850 = tpu.memref_squeeze %dma_start3A_849 : memref<1x24xi32, #tpu.memory_space<vmem>> -> memref<24xi32, #tpu.memory_space<vmem>>
      %dma_start3A_851 = tpu.memref_slice %arg4[%add3A_831] : memref<322560xi32, #tpu.memory_space<hbm>> -> memref<24xi32, #tpu.memory_space<hbm>>
      tpu.enqueue_dma source(%dma_start3A_851 : memref<24xi32, #tpu.memory_space<hbm>>) target(%dma_start3A_850 : memref<24xi32, #tpu.memory_space<vmem>>) target_semaphore(%arg15 : memref<!tpu.dma_semaphore, #tpu.memory_space<semaphore_mem>>)
      %dma_wait3A_852 = arith.constant 0 : i32
      %dma_wait3A_853 = arith.constant 0 : i32
      %dma_wait3A_854 = tpu.memref_slice %arg14[%add3A_563, %dma_wait3A_852, %dma_wait3A_853] : memref<14x24x128xf32, #tpu.memory_space<vmem>> -> memref<1x24x128xf32, #tpu.memory_space<vmem>>
      %dma_wait3A_855 = tpu.memref_squeeze %dma_wait3A_854 : memref<1x24x128xf32, #tpu.memory_space<vmem>> -> memref<24x128xf32, #tpu.memory_space<vmem>>
      %dma_wait3A_856 = arith.constant 0 : i32
      %dma_wait3A_857 = tpu.memref_slice %arg11[%add3A_561, %dma_wait3A_856] : memref<14x24xi32, #tpu.memory_space<vmem>> -> memref<1x24xi32, #tpu.memory_space<vmem>>
      %dma_wait3A_858 = tpu.memref_squeeze %dma_wait3A_857 : memref<1x24xi32, #tpu.memory_space<vmem>> -> memref<24xi32, #tpu.memory_space<vmem>>
      %dma_wait3A_859 = arith.constant 0 : i32
      %dma_wait3A_860 = arith.constant 0 : i32
      %dma_wait3A_861 = tpu.memref_slice %arg2[%dma_wait3A_859, %dma_wait3A_860] : memref<10000x128xf32, #tpu.memory_space<hbm>> -> memref<10000x128xf32, #tpu.memory_space<hbm>>
      tpu.wait_indirect_dma semaphore(%arg16 : memref<!tpu.dma_semaphore, #tpu.memory_space<semaphore_mem>>) src(%dma_wait3A_861 : memref<10000x128xf32, #tpu.memory_space<hbm>>) dst(%dma_wait3A_855 : memref<24x128xf32, #tpu.memory_space<vmem>>)
      %add3A_862 = arith.constant 0 : i32
      %add3A_863 = arith.addi %mul3A_418, %add3A_862 : i32
      %add3A_864 = arith.constant 0 : i32
      %add3A_865 = arith.addi %mul3A_418, %add3A_864 : i32
      %dma_start3A_866 = arith.constant 0 : i32
      %dma_start3A_867 = arith.constant 0 : i32
      %dma_start3A_868 = tpu.memref_slice %arg14[%add3A_863, %dma_start3A_866, %dma_start3A_867] : memref<14x24x128xf32, #tpu.memory_space<vmem>> -> memref<1x24x128xf32, #tpu.memory_space<vmem>>
      %dma_start3A_869 = tpu.memref_squeeze %dma_start3A_868 : memref<1x24x128xf32, #tpu.memory_space<vmem>> -> memref<24x128xf32, #tpu.memory_space<vmem>>
      %dma_start3A_870 = arith.constant 0 : i32
      %dma_start3A_871 = tpu.memref_slice %arg12[%add3A_865, %dma_start3A_870] : memref<14x24xi32, #tpu.memory_space<vmem>> -> memref<1x24xi32, #tpu.memory_space<vmem>>
      %dma_start3A_872 = tpu.memref_squeeze %dma_start3A_871 : memref<1x24xi32, #tpu.memory_space<vmem>> -> memref<24xi32, #tpu.memory_space<vmem>>
      %dma_start3A_873 = arith.constant 0 : i32
      %dma_start3A_874 = arith.constant 0 : i32
      %dma_start3A_875 = tpu.memref_slice %arg9[%dma_start3A_873, %dma_start3A_874] : memref<10240x128xf32, #tpu.memory_space<vmem_shared>> -> memref<10240x128xf32, #tpu.memory_space<vmem_shared>>
      tpu.enqueue_indirect_dma source(%dma_start3A_869 : memref<24x128xf32, #tpu.memory_space<vmem>>) target(%dma_start3A_875 : memref<10240x128xf32, #tpu.memory_space<vmem_shared>>) offsets(%dma_start3A_872 : memref<24xi32, #tpu.memory_space<vmem>>) semaphore(%arg23 : memref<!tpu.dma_semaphore, #tpu.memory_space<semaphore_mem>>) {add = true}
      %add3A_876 = arith.constant 0 : i32
      %add3A_877 = arith.addi %mul3A_418, %add3A_876 : i32
      %dma_start3A_878 = arith.constant 0 : i32
      %dma_start3A_879 = tpu.memref_slice %arg12[%add3A_877, %dma_start3A_878] : memref<14x24xi32, #tpu.memory_space<vmem>> -> memref<1x24xi32, #tpu.memory_space<vmem>>
      %dma_start3A_880 = tpu.memref_squeeze %dma_start3A_879 : memref<1x24xi32, #tpu.memory_space<vmem>> -> memref<24xi32, #tpu.memory_space<vmem>>
      %dma_start3A_881 = arith.constant 0 : i32
      %dma_start3A_882 = tpu.memref_slice %arg10[%dma_start3A_881] : memref<10240xf32, #tpu.memory_space<vmem_shared>> -> memref<10240xf32, #tpu.memory_space<vmem_shared>>
      tpu.enqueue_indirect_dma source(%arg13 : memref<24xf32, #tpu.memory_space<vmem>>) target(%dma_start3A_882 : memref<10240xf32, #tpu.memory_space<vmem_shared>>) offsets(%dma_start3A_880 : memref<24xi32, #tpu.memory_space<vmem>>) semaphore(%arg24 : memref<!tpu.dma_semaphore, #tpu.memory_space<semaphore_mem>>) {add = true}
      %dma_wait3A_883 = arith.constant 0 : i32
      %dma_wait3A_884 = arith.constant 0 : i32
      %dma_wait3A_885 = tpu.memref_slice %arg14[%add3A_577, %dma_wait3A_883, %dma_wait3A_884] : memref<14x24x128xf32, #tpu.memory_space<vmem>> -> memref<1x24x128xf32, #tpu.memory_space<vmem>>
      %dma_wait3A_886 = tpu.memref_squeeze %dma_wait3A_885 : memref<1x24x128xf32, #tpu.memory_space<vmem>> -> memref<24x128xf32, #tpu.memory_space<vmem>>
      %dma_wait3A_887 = arith.constant 0 : i32
      %dma_wait3A_888 = tpu.memref_slice %arg11[%add3A_575, %dma_wait3A_887] : memref<14x24xi32, #tpu.memory_space<vmem>> -> memref<1x24xi32, #tpu.memory_space<vmem>>
      %dma_wait3A_889 = tpu.memref_squeeze %dma_wait3A_888 : memref<1x24xi32, #tpu.memory_space<vmem>> -> memref<24xi32, #tpu.memory_space<vmem>>
      %dma_wait3A_890 = arith.constant 0 : i32
      %dma_wait3A_891 = arith.constant 0 : i32
      %dma_wait3A_892 = tpu.memref_slice %arg2[%dma_wait3A_890, %dma_wait3A_891] : memref<10000x128xf32, #tpu.memory_space<hbm>> -> memref<10000x128xf32, #tpu.memory_space<hbm>>
      tpu.wait_indirect_dma semaphore(%arg17 : memref<!tpu.dma_semaphore, #tpu.memory_space<semaphore_mem>>) src(%dma_wait3A_892 : memref<10000x128xf32, #tpu.memory_space<hbm>>) dst(%dma_wait3A_886 : memref<24x128xf32, #tpu.memory_space<vmem>>)
      %add3A_893 = arith.constant 1 : i32
      %add3A_894 = arith.addi %mul3A_418, %add3A_893 : i32
      %add3A_895 = arith.constant 1 : i32
      %add3A_896 = arith.addi %mul3A_418, %add3A_895 : i32
      %dma_start3A_897 = arith.constant 0 : i32
      %dma_start3A_898 = arith.constant 0 : i32
      %dma_start3A_899 = tpu.memref_slice %arg14[%add3A_894, %dma_start3A_897, %dma_start3A_898] : memref<14x24x128xf32, #tpu.memory_space<vmem>> -> memref<1x24x128xf32, #tpu.memory_space<vmem>>
      %dma_start3A_900 = tpu.memref_squeeze %dma_start3A_899 : memref<1x24x128xf32, #tpu.memory_space<vmem>> -> memref<24x128xf32, #tpu.memory_space<vmem>>
      %dma_start3A_901 = arith.constant 0 : i32
      %dma_start3A_902 = tpu.memref_slice %arg12[%add3A_896, %dma_start3A_901] : memref<14x24xi32, #tpu.memory_space<vmem>> -> memref<1x24xi32, #tpu.memory_space<vmem>>
      %dma_start3A_903 = tpu.memref_squeeze %dma_start3A_902 : memref<1x24xi32, #tpu.memory_space<vmem>> -> memref<24xi32, #tpu.memory_space<vmem>>
      %dma_start3A_904 = arith.constant 0 : i32
      %dma_start3A_905 = arith.constant 0 : i32
      %dma_start3A_906 = tpu.memref_slice %arg9[%dma_start3A_904, %dma_start3A_905] : memref<10240x128xf32, #tpu.memory_space<vmem_shared>> -> memref<10240x128xf32, #tpu.memory_space<vmem_shared>>
      tpu.enqueue_indirect_dma source(%dma_start3A_900 : memref<24x128xf32, #tpu.memory_space<vmem>>) target(%dma_start3A_906 : memref<10240x128xf32, #tpu.memory_space<vmem_shared>>) offsets(%dma_start3A_903 : memref<24xi32, #tpu.memory_space<vmem>>) semaphore(%arg23 : memref<!tpu.dma_semaphore, #tpu.memory_space<semaphore_mem>>) {add = true}
      %add3A_907 = arith.constant 1 : i32
      %add3A_908 = arith.addi %mul3A_418, %add3A_907 : i32
      %dma_start3A_909 = arith.constant 0 : i32
      %dma_start3A_910 = tpu.memref_slice %arg12[%add3A_908, %dma_start3A_909] : memref<14x24xi32, #tpu.memory_space<vmem>> -> memref<1x24xi32, #tpu.memory_space<vmem>>
      %dma_start3A_911 = tpu.memref_squeeze %dma_start3A_910 : memref<1x24xi32, #tpu.memory_space<vmem>> -> memref<24xi32, #tpu.memory_space<vmem>>
      %dma_start3A_912 = arith.constant 0 : i32
      %dma_start3A_913 = tpu.memref_slice %arg10[%dma_start3A_912] : memref<10240xf32, #tpu.memory_space<vmem_shared>> -> memref<10240xf32, #tpu.memory_space<vmem_shared>>
      tpu.enqueue_indirect_dma source(%arg13 : memref<24xf32, #tpu.memory_space<vmem>>) target(%dma_start3A_913 : memref<10240xf32, #tpu.memory_space<vmem_shared>>) offsets(%dma_start3A_911 : memref<24xi32, #tpu.memory_space<vmem>>) semaphore(%arg24 : memref<!tpu.dma_semaphore, #tpu.memory_space<semaphore_mem>>) {add = true}
      %dma_wait3A_914 = arith.constant 0 : i32
      %dma_wait3A_915 = arith.constant 0 : i32
      %dma_wait3A_916 = tpu.memref_slice %arg14[%add3A_591, %dma_wait3A_914, %dma_wait3A_915] : memref<14x24x128xf32, #tpu.memory_space<vmem>> -> memref<1x24x128xf32, #tpu.memory_space<vmem>>
      %dma_wait3A_917 = tpu.memref_squeeze %dma_wait3A_916 : memref<1x24x128xf32, #tpu.memory_space<vmem>> -> memref<24x128xf32, #tpu.memory_space<vmem>>
      %dma_wait3A_918 = arith.constant 0 : i32
      %dma_wait3A_919 = tpu.memref_slice %arg11[%add3A_589, %dma_wait3A_918] : memref<14x24xi32, #tpu.memory_space<vmem>> -> memref<1x24xi32, #tpu.memory_space<vmem>>
      %dma_wait3A_920 = tpu.memref_squeeze %dma_wait3A_919 : memref<1x24xi32, #tpu.memory_space<vmem>> -> memref<24xi32, #tpu.memory_space<vmem>>
      %dma_wait3A_921 = arith.constant 0 : i32
      %dma_wait3A_922 = arith.constant 0 : i32
      %dma_wait3A_923 = tpu.memref_slice %arg2[%dma_wait3A_921, %dma_wait3A_922] : memref<10000x128xf32, #tpu.memory_space<hbm>> -> memref<10000x128xf32, #tpu.memory_space<hbm>>
      tpu.wait_indirect_dma semaphore(%arg18 : memref<!tpu.dma_semaphore, #tpu.memory_space<semaphore_mem>>) src(%dma_wait3A_923 : memref<10000x128xf32, #tpu.memory_space<hbm>>) dst(%dma_wait3A_917 : memref<24x128xf32, #tpu.memory_space<vmem>>)
      %add3A_924 = arith.constant 2 : i32
      %add3A_925 = arith.addi %mul3A_418, %add3A_924 : i32
      %add3A_926 = arith.constant 2 : i32
      %add3A_927 = arith.addi %mul3A_418, %add3A_926 : i32
      %dma_start3A_928 = arith.constant 0 : i32
      %dma_start3A_929 = arith.constant 0 : i32
      %dma_start3A_930 = tpu.memref_slice %arg14[%add3A_925, %dma_start3A_928, %dma_start3A_929] : memref<14x24x128xf32, #tpu.memory_space<vmem>> -> memref<1x24x128xf32, #tpu.memory_space<vmem>>
      %dma_start3A_931 = tpu.memref_squeeze %dma_start3A_930 : memref<1x24x128xf32, #tpu.memory_space<vmem>> -> memref<24x128xf32, #tpu.memory_space<vmem>>
      %dma_start3A_932 = arith.constant 0 : i32
      %dma_start3A_933 = tpu.memref_slice %arg12[%add3A_927, %dma_start3A_932] : memref<14x24xi32, #tpu.memory_space<vmem>> -> memref<1x24xi32, #tpu.memory_space<vmem>>
      %dma_start3A_934 = tpu.memref_squeeze %dma_start3A_933 : memref<1x24xi32, #tpu.memory_space<vmem>> -> memref<24xi32, #tpu.memory_space<vmem>>
      %dma_start3A_935 = arith.constant 0 : i32
      %dma_start3A_936 = arith.constant 0 : i32
      %dma_start3A_937 = tpu.memref_slice %arg9[%dma_start3A_935, %dma_start3A_936] : memref<10240x128xf32, #tpu.memory_space<vmem_shared>> -> memref<10240x128xf32, #tpu.memory_space<vmem_shared>>
      tpu.enqueue_indirect_dma source(%dma_start3A_931 : memref<24x128xf32, #tpu.memory_space<vmem>>) target(%dma_start3A_937 : memref<10240x128xf32, #tpu.memory_space<vmem_shared>>) offsets(%dma_start3A_934 : memref<24xi32, #tpu.memory_space<vmem>>) semaphore(%arg23 : memref<!tpu.dma_semaphore, #tpu.memory_space<semaphore_mem>>) {add = true}
      %add3A_938 = arith.constant 2 : i32
      %add3A_939 = arith.addi %mul3A_418, %add3A_938 : i32
      %dma_start3A_940 = arith.constant 0 : i32
      %dma_start3A_941 = tpu.memref_slice %arg12[%add3A_939, %dma_start3A_940] : memref<14x24xi32, #tpu.memory_space<vmem>> -> memref<1x24xi32, #tpu.memory_space<vmem>>
      %dma_start3A_942 = tpu.memref_squeeze %dma_start3A_941 : memref<1x24xi32, #tpu.memory_space<vmem>> -> memref<24xi32, #tpu.memory_space<vmem>>
      %dma_start3A_943 = arith.constant 0 : i32
      %dma_start3A_944 = tpu.memref_slice %arg10[%dma_start3A_943] : memref<10240xf32, #tpu.memory_space<vmem_shared>> -> memref<10240xf32, #tpu.memory_space<vmem_shared>>
      tpu.enqueue_indirect_dma source(%arg13 : memref<24xf32, #tpu.memory_space<vmem>>) target(%dma_start3A_944 : memref<10240xf32, #tpu.memory_space<vmem_shared>>) offsets(%dma_start3A_942 : memref<24xi32, #tpu.memory_space<vmem>>) semaphore(%arg24 : memref<!tpu.dma_semaphore, #tpu.memory_space<semaphore_mem>>) {add = true}
      %dma_wait3A_945 = arith.constant 0 : i32
      %dma_wait3A_946 = arith.constant 0 : i32
      %dma_wait3A_947 = tpu.memref_slice %arg14[%add3A_605, %dma_wait3A_945, %dma_wait3A_946] : memref<14x24x128xf32, #tpu.memory_space<vmem>> -> memref<1x24x128xf32, #tpu.memory_space<vmem>>
      %dma_wait3A_948 = tpu.memref_squeeze %dma_wait3A_947 : memref<1x24x128xf32, #tpu.memory_space<vmem>> -> memref<24x128xf32, #tpu.memory_space<vmem>>
      %dma_wait3A_949 = arith.constant 0 : i32
      %dma_wait3A_950 = tpu.memref_slice %arg11[%add3A_603, %dma_wait3A_949] : memref<14x24xi32, #tpu.memory_space<vmem>> -> memref<1x24xi32, #tpu.memory_space<vmem>>
      %dma_wait3A_951 = tpu.memref_squeeze %dma_wait3A_950 : memref<1x24xi32, #tpu.memory_space<vmem>> -> memref<24xi32, #tpu.memory_space<vmem>>
      %dma_wait3A_952 = arith.constant 0 : i32
      %dma_wait3A_953 = arith.constant 0 : i32
      %dma_wait3A_954 = tpu.memref_slice %arg2[%dma_wait3A_952, %dma_wait3A_953] : memref<10000x128xf32, #tpu.memory_space<hbm>> -> memref<10000x128xf32, #tpu.memory_space<hbm>>
      tpu.wait_indirect_dma semaphore(%arg19 : memref<!tpu.dma_semaphore, #tpu.memory_space<semaphore_mem>>) src(%dma_wait3A_954 : memref<10000x128xf32, #tpu.memory_space<hbm>>) dst(%dma_wait3A_948 : memref<24x128xf32, #tpu.memory_space<vmem>>)
      %add3A_955 = arith.constant 3 : i32
      %add3A_956 = arith.addi %mul3A_418, %add3A_955 : i32
      %add3A_957 = arith.constant 3 : i32
      %add3A_958 = arith.addi %mul3A_418, %add3A_957 : i32
      %dma_start3A_959 = arith.constant 0 : i32
      %dma_start3A_960 = arith.constant 0 : i32
      %dma_start3A_961 = tpu.memref_slice %arg14[%add3A_956, %dma_start3A_959, %dma_start3A_960] : memref<14x24x128xf32, #tpu.memory_space<vmem>> -> memref<1x24x128xf32, #tpu.memory_space<vmem>>
      %dma_start3A_962 = tpu.memref_squeeze %dma_start3A_961 : memref<1x24x128xf32, #tpu.memory_space<vmem>> -> memref<24x128xf32, #tpu.memory_space<vmem>>
      %dma_start3A_963 = arith.constant 0 : i32
      %dma_start3A_964 = tpu.memref_slice %arg12[%add3A_958, %dma_start3A_963] : memref<14x24xi32, #tpu.memory_space<vmem>> -> memref<1x24xi32, #tpu.memory_space<vmem>>
      %dma_start3A_965 = tpu.memref_squeeze %dma_start3A_964 : memref<1x24xi32, #tpu.memory_space<vmem>> -> memref<24xi32, #tpu.memory_space<vmem>>
      %dma_start3A_966 = arith.constant 0 : i32
      %dma_start3A_967 = arith.constant 0 : i32
      %dma_start3A_968 = tpu.memref_slice %arg9[%dma_start3A_966, %dma_start3A_967] : memref<10240x128xf32, #tpu.memory_space<vmem_shared>> -> memref<10240x128xf32, #tpu.memory_space<vmem_shared>>
      tpu.enqueue_indirect_dma source(%dma_start3A_962 : memref<24x128xf32, #tpu.memory_space<vmem>>) target(%dma_start3A_968 : memref<10240x128xf32, #tpu.memory_space<vmem_shared>>) offsets(%dma_start3A_965 : memref<24xi32, #tpu.memory_space<vmem>>) semaphore(%arg23 : memref<!tpu.dma_semaphore, #tpu.memory_space<semaphore_mem>>) {add = true}
      %add3A_969 = arith.constant 3 : i32
      %add3A_970 = arith.addi %mul3A_418, %add3A_969 : i32
      %dma_start3A_971 = arith.constant 0 : i32
      %dma_start3A_972 = tpu.memref_slice %arg12[%add3A_970, %dma_start3A_971] : memref<14x24xi32, #tpu.memory_space<vmem>> -> memref<1x24xi32, #tpu.memory_space<vmem>>
      %dma_start3A_973 = tpu.memref_squeeze %dma_start3A_972 : memref<1x24xi32, #tpu.memory_space<vmem>> -> memref<24xi32, #tpu.memory_space<vmem>>
      %dma_start3A_974 = arith.constant 0 : i32
      %dma_start3A_975 = tpu.memref_slice %arg10[%dma_start3A_974] : memref<10240xf32, #tpu.memory_space<vmem_shared>> -> memref<10240xf32, #tpu.memory_space<vmem_shared>>
      tpu.enqueue_indirect_dma source(%arg13 : memref<24xf32, #tpu.memory_space<vmem>>) target(%dma_start3A_975 : memref<10240xf32, #tpu.memory_space<vmem_shared>>) offsets(%dma_start3A_973 : memref<24xi32, #tpu.memory_space<vmem>>) semaphore(%arg24 : memref<!tpu.dma_semaphore, #tpu.memory_space<semaphore_mem>>) {add = true}
      %dma_wait3A_976 = arith.constant 0 : i32
      %dma_wait3A_977 = arith.constant 0 : i32
      %dma_wait3A_978 = tpu.memref_slice %arg14[%add3A_619, %dma_wait3A_976, %dma_wait3A_977] : memref<14x24x128xf32, #tpu.memory_space<vmem>> -> memref<1x24x128xf32, #tpu.memory_space<vmem>>
      %dma_wait3A_979 = tpu.memref_squeeze %dma_wait3A_978 : memref<1x24x128xf32, #tpu.memory_space<vmem>> -> memref<24x128xf32, #tpu.memory_space<vmem>>
      %dma_wait3A_980 = arith.constant 0 : i32
      %dma_wait3A_981 = tpu.memref_slice %arg11[%add3A_617, %dma_wait3A_980] : memref<14x24xi32, #tpu.memory_space<vmem>> -> memref<1x24xi32, #tpu.memory_space<vmem>>
      %dma_wait3A_982 = tpu.memref_squeeze %dma_wait3A_981 : memref<1x24xi32, #tpu.memory_space<vmem>> -> memref<24xi32, #tpu.memory_space<vmem>>
      %dma_wait3A_983 = arith.constant 0 : i32
      %dma_wait3A_984 = arith.constant 0 : i32
      %dma_wait3A_985 = tpu.memref_slice %arg2[%dma_wait3A_983, %dma_wait3A_984] : memref<10000x128xf32, #tpu.memory_space<hbm>> -> memref<10000x128xf32, #tpu.memory_space<hbm>>
      tpu.wait_indirect_dma semaphore(%arg20 : memref<!tpu.dma_semaphore, #tpu.memory_space<semaphore_mem>>) src(%dma_wait3A_985 : memref<10000x128xf32, #tpu.memory_space<hbm>>) dst(%dma_wait3A_979 : memref<24x128xf32, #tpu.memory_space<vmem>>)
      %add3A_986 = arith.constant 4 : i32
      %add3A_987 = arith.addi %mul3A_418, %add3A_986 : i32
      %add3A_988 = arith.constant 4 : i32
      %add3A_989 = arith.addi %mul3A_418, %add3A_988 : i32
      %dma_start3A_990 = arith.constant 0 : i32
      %dma_start3A_991 = arith.constant 0 : i32
      %dma_start3A_992 = tpu.memref_slice %arg14[%add3A_987, %dma_start3A_990, %dma_start3A_991] : memref<14x24x128xf32, #tpu.memory_space<vmem>> -> memref<1x24x128xf32, #tpu.memory_space<vmem>>
      %dma_start3A_993 = tpu.memref_squeeze %dma_start3A_992 : memref<1x24x128xf32, #tpu.memory_space<vmem>> -> memref<24x128xf32, #tpu.memory_space<vmem>>
      %dma_start3A_994 = arith.constant 0 : i32
      %dma_start3A_995 = tpu.memref_slice %arg12[%add3A_989, %dma_start3A_994] : memref<14x24xi32, #tpu.memory_space<vmem>> -> memref<1x24xi32, #tpu.memory_space<vmem>>
      %dma_start3A_996 = tpu.memref_squeeze %dma_start3A_995 : memref<1x24xi32, #tpu.memory_space<vmem>> -> memref<24xi32, #tpu.memory_space<vmem>>
      %dma_start3A_997 = arith.constant 0 : i32
      %dma_start3A_998 = arith.constant 0 : i32
      %dma_start3A_999 = tpu.memref_slice %arg9[%dma_start3A_997, %dma_start3A_998] : memref<10240x128xf32, #tpu.memory_space<vmem_shared>> -> memref<10240x128xf32, #tpu.memory_space<vmem_shared>>
      tpu.enqueue_indirect_dma source(%dma_start3A_993 : memref<24x128xf32, #tpu.memory_space<vmem>>) target(%dma_start3A_999 : memref<10240x128xf32, #tpu.memory_space<vmem_shared>>) offsets(%dma_start3A_996 : memref<24xi32, #tpu.memory_space<vmem>>) semaphore(%arg23 : memref<!tpu.dma_semaphore, #tpu.memory_space<semaphore_mem>>) {add = true}
      %add3A_1000 = arith.constant 4 : i32
      %add3A_1001 = arith.addi %mul3A_418, %add3A_1000 : i32
      %dma_start3A_1002 = arith.constant 0 : i32
      %dma_start3A_1003 = tpu.memref_slice %arg12[%add3A_1001, %dma_start3A_1002] : memref<14x24xi32, #tpu.memory_space<vmem>> -> memref<1x24xi32, #tpu.memory_space<vmem>>
      %dma_start3A_1004 = tpu.memref_squeeze %dma_start3A_1003 : memref<1x24xi32, #tpu.memory_space<vmem>> -> memref<24xi32, #tpu.memory_space<vmem>>
      %dma_start3A_1005 = arith.constant 0 : i32
      %dma_start3A_1006 = tpu.memref_slice %arg10[%dma_start3A_1005] : memref<10240xf32, #tpu.memory_space<vmem_shared>> -> memref<10240xf32, #tpu.memory_space<vmem_shared>>
      tpu.enqueue_indirect_dma source(%arg13 : memref<24xf32, #tpu.memory_space<vmem>>) target(%dma_start3A_1006 : memref<10240xf32, #tpu.memory_space<vmem_shared>>) offsets(%dma_start3A_1004 : memref<24xi32, #tpu.memory_space<vmem>>) semaphore(%arg24 : memref<!tpu.dma_semaphore, #tpu.memory_space<semaphore_mem>>) {add = true}
      %dma_wait3A_1007 = arith.constant 0 : i32
      %dma_wait3A_1008 = arith.constant 0 : i32
      %dma_wait3A_1009 = tpu.memref_slice %arg14[%add3A_633, %dma_wait3A_1007, %dma_wait3A_1008] : memref<14x24x128xf32, #tpu.memory_space<vmem>> -> memref<1x24x128xf32, #tpu.memory_space<vmem>>
      %dma_wait3A_1010 = tpu.memref_squeeze %dma_wait3A_1009 : memref<1x24x128xf32, #tpu.memory_space<vmem>> -> memref<24x128xf32, #tpu.memory_space<vmem>>
      %dma_wait3A_1011 = arith.constant 0 : i32
      %dma_wait3A_1012 = tpu.memref_slice %arg11[%add3A_631, %dma_wait3A_1011] : memref<14x24xi32, #tpu.memory_space<vmem>> -> memref<1x24xi32, #tpu.memory_space<vmem>>
      %dma_wait3A_1013 = tpu.memref_squeeze %dma_wait3A_1012 : memref<1x24xi32, #tpu.memory_space<vmem>> -> memref<24xi32, #tpu.memory_space<vmem>>
      %dma_wait3A_1014 = arith.constant 0 : i32
      %dma_wait3A_1015 = arith.constant 0 : i32
      %dma_wait3A_1016 = tpu.memref_slice %arg2[%dma_wait3A_1014, %dma_wait3A_1015] : memref<10000x128xf32, #tpu.memory_space<hbm>> -> memref<10000x128xf32, #tpu.memory_space<hbm>>
      tpu.wait_indirect_dma semaphore(%arg21 : memref<!tpu.dma_semaphore, #tpu.memory_space<semaphore_mem>>) src(%dma_wait3A_1016 : memref<10000x128xf32, #tpu.memory_space<hbm>>) dst(%dma_wait3A_1010 : memref<24x128xf32, #tpu.memory_space<vmem>>)
      %add3A_1017 = arith.constant 5 : i32
      %add3A_1018 = arith.addi %mul3A_418, %add3A_1017 : i32
      %add3A_1019 = arith.constant 5 : i32
      %add3A_1020 = arith.addi %mul3A_418, %add3A_1019 : i32
      %dma_start3A_1021 = arith.constant 0 : i32
      %dma_start3A_1022 = arith.constant 0 : i32
      %dma_start3A_1023 = tpu.memref_slice %arg14[%add3A_1018, %dma_start3A_1021, %dma_start3A_1022] : memref<14x24x128xf32, #tpu.memory_space<vmem>> -> memref<1x24x128xf32, #tpu.memory_space<vmem>>
      %dma_start3A_1024 = tpu.memref_squeeze %dma_start3A_1023 : memref<1x24x128xf32, #tpu.memory_space<vmem>> -> memref<24x128xf32, #tpu.memory_space<vmem>>
      %dma_start3A_1025 = arith.constant 0 : i32
      %dma_start3A_1026 = tpu.memref_slice %arg12[%add3A_1020, %dma_start3A_1025] : memref<14x24xi32, #tpu.memory_space<vmem>> -> memref<1x24xi32, #tpu.memory_space<vmem>>
      %dma_start3A_1027 = tpu.memref_squeeze %dma_start3A_1026 : memref<1x24xi32, #tpu.memory_space<vmem>> -> memref<24xi32, #tpu.memory_space<vmem>>
      %dma_start3A_1028 = arith.constant 0 : i32
      %dma_start3A_1029 = arith.constant 0 : i32
      %dma_start3A_1030 = tpu.memref_slice %arg9[%dma_start3A_1028, %dma_start3A_1029] : memref<10240x128xf32, #tpu.memory_space<vmem_shared>> -> memref<10240x128xf32, #tpu.memory_space<vmem_shared>>
      tpu.enqueue_indirect_dma source(%dma_start3A_1024 : memref<24x128xf32, #tpu.memory_space<vmem>>) target(%dma_start3A_1030 : memref<10240x128xf32, #tpu.memory_space<vmem_shared>>) offsets(%dma_start3A_1027 : memref<24xi32, #tpu.memory_space<vmem>>) semaphore(%arg23 : memref<!tpu.dma_semaphore, #tpu.memory_space<semaphore_mem>>) {add = true}
      %add3A_1031 = arith.constant 5 : i32
      %add3A_1032 = arith.addi %mul3A_418, %add3A_1031 : i32
      %dma_start3A_1033 = arith.constant 0 : i32
      %dma_start3A_1034 = tpu.memref_slice %arg12[%add3A_1032, %dma_start3A_1033] : memref<14x24xi32, #tpu.memory_space<vmem>> -> memref<1x24xi32, #tpu.memory_space<vmem>>
      %dma_start3A_1035 = tpu.memref_squeeze %dma_start3A_1034 : memref<1x24xi32, #tpu.memory_space<vmem>> -> memref<24xi32, #tpu.memory_space<vmem>>
      %dma_start3A_1036 = arith.constant 0 : i32
      %dma_start3A_1037 = tpu.memref_slice %arg10[%dma_start3A_1036] : memref<10240xf32, #tpu.memory_space<vmem_shared>> -> memref<10240xf32, #tpu.memory_space<vmem_shared>>
      tpu.enqueue_indirect_dma source(%arg13 : memref<24xf32, #tpu.memory_space<vmem>>) target(%dma_start3A_1037 : memref<10240xf32, #tpu.memory_space<vmem_shared>>) offsets(%dma_start3A_1035 : memref<24xi32, #tpu.memory_space<vmem>>) semaphore(%arg24 : memref<!tpu.dma_semaphore, #tpu.memory_space<semaphore_mem>>) {add = true}
      %dma_wait3A_1038 = arith.constant 0 : i32
      %dma_wait3A_1039 = arith.constant 0 : i32
      %dma_wait3A_1040 = tpu.memref_slice %arg14[%add3A_647, %dma_wait3A_1038, %dma_wait3A_1039] : memref<14x24x128xf32, #tpu.memory_space<vmem>> -> memref<1x24x128xf32, #tpu.memory_space<vmem>>
      %dma_wait3A_1041 = tpu.memref_squeeze %dma_wait3A_1040 : memref<1x24x128xf32, #tpu.memory_space<vmem>> -> memref<24x128xf32, #tpu.memory_space<vmem>>
      %dma_wait3A_1042 = arith.constant 0 : i32
      %dma_wait3A_1043 = tpu.memref_slice %arg11[%add3A_645, %dma_wait3A_1042] : memref<14x24xi32, #tpu.memory_space<vmem>> -> memref<1x24xi32, #tpu.memory_space<vmem>>
      %dma_wait3A_1044 = tpu.memref_squeeze %dma_wait3A_1043 : memref<1x24xi32, #tpu.memory_space<vmem>> -> memref<24xi32, #tpu.memory_space<vmem>>
      %dma_wait3A_1045 = arith.constant 0 : i32
      %dma_wait3A_1046 = arith.constant 0 : i32
      %dma_wait3A_1047 = tpu.memref_slice %arg2[%dma_wait3A_1045, %dma_wait3A_1046] : memref<10000x128xf32, #tpu.memory_space<hbm>> -> memref<10000x128xf32, #tpu.memory_space<hbm>>
      tpu.wait_indirect_dma semaphore(%arg22 : memref<!tpu.dma_semaphore, #tpu.memory_space<semaphore_mem>>) src(%dma_wait3A_1047 : memref<10000x128xf32, #tpu.memory_space<hbm>>) dst(%dma_wait3A_1041 : memref<24x128xf32, #tpu.memory_space<vmem>>)
      %add3A_1048 = arith.constant 6 : i32
      %add3A_1049 = arith.addi %mul3A_418, %add3A_1048 : i32
      %add3A_1050 = arith.constant 6 : i32
      %add3A_1051 = arith.addi %mul3A_418, %add3A_1050 : i32
      %dma_start3A_1052 = arith.constant 0 : i32
      %dma_start3A_1053 = arith.constant 0 : i32
      %dma_start3A_1054 = tpu.memref_slice %arg14[%add3A_1049, %dma_start3A_1052, %dma_start3A_1053] : memref<14x24x128xf32, #tpu.memory_space<vmem>> -> memref<1x24x128xf32, #tpu.memory_space<vmem>>
      %dma_start3A_1055 = tpu.memref_squeeze %dma_start3A_1054 : memref<1x24x128xf32, #tpu.memory_space<vmem>> -> memref<24x128xf32, #tpu.memory_space<vmem>>
      %dma_start3A_1056 = arith.constant 0 : i32
      %dma_start3A_1057 = tpu.memref_slice %arg12[%add3A_1051, %dma_start3A_1056] : memref<14x24xi32, #tpu.memory_space<vmem>> -> memref<1x24xi32, #tpu.memory_space<vmem>>
      %dma_start3A_1058 = tpu.memref_squeeze %dma_start3A_1057 : memref<1x24xi32, #tpu.memory_space<vmem>> -> memref<24xi32, #tpu.memory_space<vmem>>
      %dma_start3A_1059 = arith.constant 0 : i32
      %dma_start3A_1060 = arith.constant 0 : i32
      %dma_start3A_1061 = tpu.memref_slice %arg9[%dma_start3A_1059, %dma_start3A_1060] : memref<10240x128xf32, #tpu.memory_space<vmem_shared>> -> memref<10240x128xf32, #tpu.memory_space<vmem_shared>>
      tpu.enqueue_indirect_dma source(%dma_start3A_1055 : memref<24x128xf32, #tpu.memory_space<vmem>>) target(%dma_start3A_1061 : memref<10240x128xf32, #tpu.memory_space<vmem_shared>>) offsets(%dma_start3A_1058 : memref<24xi32, #tpu.memory_space<vmem>>) semaphore(%arg23 : memref<!tpu.dma_semaphore, #tpu.memory_space<semaphore_mem>>) {add = true}
      %add3A_1062 = arith.constant 6 : i32
      %add3A_1063 = arith.addi %mul3A_418, %add3A_1062 : i32
      %dma_start3A_1064 = arith.constant 0 : i32
      %dma_start3A_1065 = tpu.memref_slice %arg12[%add3A_1063, %dma_start3A_1064] : memref<14x24xi32, #tpu.memory_space<vmem>> -> memref<1x24xi32, #tpu.memory_space<vmem>>
      %dma_start3A_1066 = tpu.memref_squeeze %dma_start3A_1065 : memref<1x24xi32, #tpu.memory_space<vmem>> -> memref<24xi32, #tpu.memory_space<vmem>>
      %dma_start3A_1067 = arith.constant 0 : i32
      %dma_start3A_1068 = tpu.memref_slice %arg10[%dma_start3A_1067] : memref<10240xf32, #tpu.memory_space<vmem_shared>> -> memref<10240xf32, #tpu.memory_space<vmem_shared>>
      tpu.enqueue_indirect_dma source(%arg13 : memref<24xf32, #tpu.memory_space<vmem>>) target(%dma_start3A_1068 : memref<10240xf32, #tpu.memory_space<vmem_shared>>) offsets(%dma_start3A_1066 : memref<24xi32, #tpu.memory_space<vmem>>) semaphore(%arg24 : memref<!tpu.dma_semaphore, #tpu.memory_space<semaphore_mem>>) {add = true}
    }
    %scan3A_154 = arith.constant 60 : i32
    %dma_wait3A = arith.constant 7 : i32
    %dma_wait3A_155 = arith.constant 7 : i32
    %dma_wait3A_156 = arith.constant 0 : i32
    %dma_wait3A_157 = arith.constant 0 : i32
    %dma_wait3A_158 = tpu.memref_slice %arg14[%dma_wait3A, %dma_wait3A_156, %dma_wait3A_157] : memref<14x24x128xf32, #tpu.memory_space<vmem>> -> memref<1x24x128xf32, #tpu.memory_space<vmem>>
    %dma_wait3A_159 = tpu.memref_squeeze %dma_wait3A_158 : memref<1x24x128xf32, #tpu.memory_space<vmem>> -> memref<24x128xf32, #tpu.memory_space<vmem>>
    %dma_wait3A_160 = arith.constant 0 : i32
    %dma_wait3A_161 = tpu.memref_slice %arg12[%dma_wait3A_155, %dma_wait3A_160] : memref<14x24xi32, #tpu.memory_space<vmem>> -> memref<1x24xi32, #tpu.memory_space<vmem>>
    %dma_wait3A_162 = tpu.memref_squeeze %dma_wait3A_161 : memref<1x24xi32, #tpu.memory_space<vmem>> -> memref<24xi32, #tpu.memory_space<vmem>>
    %dma_wait3A_163 = arith.constant 0 : i32
    %dma_wait3A_164 = arith.constant 0 : i32
    %dma_wait3A_165 = tpu.memref_slice %arg9[%dma_wait3A_163, %dma_wait3A_164] : memref<10240x128xf32, #tpu.memory_space<vmem_shared>> -> memref<10240x128xf32, #tpu.memory_space<vmem_shared>>
    tpu.wait_indirect_dma semaphore(%arg23 : memref<!tpu.dma_semaphore, #tpu.memory_space<semaphore_mem>>) src(%dma_wait3A_159 : memref<24x128xf32, #tpu.memory_space<vmem>>) dst(%dma_wait3A_165 : memref<10240x128xf32, #tpu.memory_space<vmem_shared>>)
    %dma_wait3A_166 = arith.constant 7 : i32
    %dma_wait3A_167 = arith.constant 0 : i32
    %dma_wait3A_168 = tpu.memref_slice %arg12[%dma_wait3A_166, %dma_wait3A_167] : memref<14x24xi32, #tpu.memory_space<vmem>> -> memref<1x24xi32, #tpu.memory_space<vmem>>
    %dma_wait3A_169 = tpu.memref_squeeze %dma_wait3A_168 : memref<1x24xi32, #tpu.memory_space<vmem>> -> memref<24xi32, #tpu.memory_space<vmem>>
    %dma_wait3A_170 = arith.constant 0 : i32
    %dma_wait3A_171 = tpu.memref_slice %arg10[%dma_wait3A_170] : memref<10240xf32, #tpu.memory_space<vmem_shared>> -> memref<10240xf32, #tpu.memory_space<vmem_shared>>
    tpu.wait_indirect_dma semaphore(%arg24 : memref<!tpu.dma_semaphore, #tpu.memory_space<semaphore_mem>>) src(%arg13 : memref<24xf32, #tpu.memory_space<vmem>>) dst(%dma_wait3A_171 : memref<10240xf32, #tpu.memory_space<vmem_shared>>)
    %dma_wait3A_172 = arith.constant 8 : i32
    %dma_wait3A_173 = arith.constant 8 : i32
    %dma_wait3A_174 = arith.constant 0 : i32
    %dma_wait3A_175 = arith.constant 0 : i32
    %dma_wait3A_176 = tpu.memref_slice %arg14[%dma_wait3A_172, %dma_wait3A_174, %dma_wait3A_175] : memref<14x24x128xf32, #tpu.memory_space<vmem>> -> memref<1x24x128xf32, #tpu.memory_space<vmem>>
    %dma_wait3A_177 = tpu.memref_squeeze %dma_wait3A_176 : memref<1x24x128xf32, #tpu.memory_space<vmem>> -> memref<24x128xf32, #tpu.memory_space<vmem>>
    %dma_wait3A_178 = arith.constant 0 : i32
    %dma_wait3A_179 = tpu.memref_slice %arg12[%dma_wait3A_173, %dma_wait3A_178] : memref<14x24xi32, #tpu.memory_space<vmem>> -> memref<1x24xi32, #tpu.memory_space<vmem>>
    %dma_wait3A_180 = tpu.memref_squeeze %dma_wait3A_179 : memref<1x24xi32, #tpu.memory_space<vmem>> -> memref<24xi32, #tpu.memory_space<vmem>>
    %dma_wait3A_181 = arith.constant 0 : i32
    %dma_wait3A_182 = arith.constant 0 : i32
    %dma_wait3A_183 = tpu.memref_slice %arg9[%dma_wait3A_181, %dma_wait3A_182] : memref<10240x128xf32, #tpu.memory_space<vmem_shared>> -> memref<10240x128xf32, #tpu.memory_space<vmem_shared>>
    tpu.wait_indirect_dma semaphore(%arg23 : memref<!tpu.dma_semaphore, #tpu.memory_space<semaphore_mem>>) src(%dma_wait3A_177 : memref<24x128xf32, #tpu.memory_space<vmem>>) dst(%dma_wait3A_183 : memref<10240x128xf32, #tpu.memory_space<vmem_shared>>)
    %dma_wait3A_184 = arith.constant 8 : i32
    %dma_wait3A_185 = arith.constant 0 : i32
    %dma_wait3A_186 = tpu.memref_slice %arg12[%dma_wait3A_184, %dma_wait3A_185] : memref<14x24xi32, #tpu.memory_space<vmem>> -> memref<1x24xi32, #tpu.memory_space<vmem>>
    %dma_wait3A_187 = tpu.memref_squeeze %dma_wait3A_186 : memref<1x24xi32, #tpu.memory_space<vmem>> -> memref<24xi32, #tpu.memory_space<vmem>>
    %dma_wait3A_188 = arith.constant 0 : i32
    %dma_wait3A_189 = tpu.memref_slice %arg10[%dma_wait3A_188] : memref<10240xf32, #tpu.memory_space<vmem_shared>> -> memref<10240xf32, #tpu.memory_space<vmem_shared>>
    tpu.wait_indirect_dma semaphore(%arg24 : memref<!tpu.dma_semaphore, #tpu.memory_space<semaphore_mem>>) src(%arg13 : memref<24xf32, #tpu.memory_space<vmem>>) dst(%dma_wait3A_189 : memref<10240xf32, #tpu.memory_space<vmem_shared>>)
    %dma_wait3A_190 = arith.constant 9 : i32
    %dma_wait3A_191 = arith.constant 9 : i32
    %dma_wait3A_192 = arith.constant 0 : i32
    %dma_wait3A_193 = arith.constant 0 : i32
    %dma_wait3A_194 = tpu.memref_slice %arg14[%dma_wait3A_190, %dma_wait3A_192, %dma_wait3A_193] : memref<14x24x128xf32, #tpu.memory_space<vmem>> -> memref<1x24x128xf32, #tpu.memory_space<vmem>>
    %dma_wait3A_195 = tpu.memref_squeeze %dma_wait3A_194 : memref<1x24x128xf32, #tpu.memory_space<vmem>> -> memref<24x128xf32, #tpu.memory_space<vmem>>
    %dma_wait3A_196 = arith.constant 0 : i32
    %dma_wait3A_197 = tpu.memref_slice %arg12[%dma_wait3A_191, %dma_wait3A_196] : memref<14x24xi32, #tpu.memory_space<vmem>> -> memref<1x24xi32, #tpu.memory_space<vmem>>
    %dma_wait3A_198 = tpu.memref_squeeze %dma_wait3A_197 : memref<1x24xi32, #tpu.memory_space<vmem>> -> memref<24xi32, #tpu.memory_space<vmem>>
    %dma_wait3A_199 = arith.constant 0 : i32
    %dma_wait3A_200 = arith.constant 0 : i32
    %dma_wait3A_201 = tpu.memref_slice %arg9[%dma_wait3A_199, %dma_wait3A_200] : memref<10240x128xf32, #tpu.memory_space<vmem_shared>> -> memref<10240x128xf32, #tpu.memory_space<vmem_shared>>
    tpu.wait_indirect_dma semaphore(%arg23 : memref<!tpu.dma_semaphore, #tpu.memory_space<semaphore_mem>>) src(%dma_wait3A_195 : memref<24x128xf32, #tpu.memory_space<vmem>>) dst(%dma_wait3A_201 : memref<10240x128xf32, #tpu.memory_space<vmem_shared>>)
    %dma_wait3A_202 = arith.constant 9 : i32
    %dma_wait3A_203 = arith.constant 0 : i32
    %dma_wait3A_204 = tpu.memref_slice %arg12[%dma_wait3A_202, %dma_wait3A_203] : memref<14x24xi32, #tpu.memory_space<vmem>> -> memref<1x24xi32, #tpu.memory_space<vmem>>
    %dma_wait3A_205 = tpu.memref_squeeze %dma_wait3A_204 : memref<1x24xi32, #tpu.memory_space<vmem>> -> memref<24xi32, #tpu.memory_space<vmem>>
    %dma_wait3A_206 = arith.constant 0 : i32
    %dma_wait3A_207 = tpu.memref_slice %arg10[%dma_wait3A_206] : memref<10240xf32, #tpu.memory_space<vmem_shared>> -> memref<10240xf32, #tpu.memory_space<vmem_shared>>
    tpu.wait_indirect_dma semaphore(%arg24 : memref<!tpu.dma_semaphore, #tpu.memory_space<semaphore_mem>>) src(%arg13 : memref<24xf32, #tpu.memory_space<vmem>>) dst(%dma_wait3A_207 : memref<10240xf32, #tpu.memory_space<vmem_shared>>)
    %dma_wait3A_208 = arith.constant 10 : i32
    %dma_wait3A_209 = arith.constant 10 : i32
    %dma_wait3A_210 = arith.constant 0 : i32
    %dma_wait3A_211 = arith.constant 0 : i32
    %dma_wait3A_212 = tpu.memref_slice %arg14[%dma_wait3A_208, %dma_wait3A_210, %dma_wait3A_211] : memref<14x24x128xf32, #tpu.memory_space<vmem>> -> memref<1x24x128xf32, #tpu.memory_space<vmem>>
    %dma_wait3A_213 = tpu.memref_squeeze %dma_wait3A_212 : memref<1x24x128xf32, #tpu.memory_space<vmem>> -> memref<24x128xf32, #tpu.memory_space<vmem>>
    %dma_wait3A_214 = arith.constant 0 : i32
    %dma_wait3A_215 = tpu.memref_slice %arg12[%dma_wait3A_209, %dma_wait3A_214] : memref<14x24xi32, #tpu.memory_space<vmem>> -> memref<1x24xi32, #tpu.memory_space<vmem>>
    %dma_wait3A_216 = tpu.memref_squeeze %dma_wait3A_215 : memref<1x24xi32, #tpu.memory_space<vmem>> -> memref<24xi32, #tpu.memory_space<vmem>>
    %dma_wait3A_217 = arith.constant 0 : i32
    %dma_wait3A_218 = arith.constant 0 : i32
    %dma_wait3A_219 = tpu.memref_slice %arg9[%dma_wait3A_217, %dma_wait3A_218] : memref<10240x128xf32, #tpu.memory_space<vmem_shared>> -> memref<10240x128xf32, #tpu.memory_space<vmem_shared>>
    tpu.wait_indirect_dma semaphore(%arg23 : memref<!tpu.dma_semaphore, #tpu.memory_space<semaphore_mem>>) src(%dma_wait3A_213 : memref<24x128xf32, #tpu.memory_space<vmem>>) dst(%dma_wait3A_219 : memref<10240x128xf32, #tpu.memory_space<vmem_shared>>)
    %dma_wait3A_220 = arith.constant 10 : i32
    %dma_wait3A_221 = arith.constant 0 : i32
    %dma_wait3A_222 = tpu.memref_slice %arg12[%dma_wait3A_220, %dma_wait3A_221] : memref<14x24xi32, #tpu.memory_space<vmem>> -> memref<1x24xi32, #tpu.memory_space<vmem>>
    %dma_wait3A_223 = tpu.memref_squeeze %dma_wait3A_222 : memref<1x24xi32, #tpu.memory_space<vmem>> -> memref<24xi32, #tpu.memory_space<vmem>>
    %dma_wait3A_224 = arith.constant 0 : i32
    %dma_wait3A_225 = tpu.memref_slice %arg10[%dma_wait3A_224] : memref<10240xf32, #tpu.memory_space<vmem_shared>> -> memref<10240xf32, #tpu.memory_space<vmem_shared>>
    tpu.wait_indirect_dma semaphore(%arg24 : memref<!tpu.dma_semaphore, #tpu.memory_space<semaphore_mem>>) src(%arg13 : memref<24xf32, #tpu.memory_space<vmem>>) dst(%dma_wait3A_225 : memref<10240xf32, #tpu.memory_space<vmem_shared>>)
    %dma_wait3A_226 = arith.constant 11 : i32
    %dma_wait3A_227 = arith.constant 11 : i32
    %dma_wait3A_228 = arith.constant 0 : i32
    %dma_wait3A_229 = arith.constant 0 : i32
    %dma_wait3A_230 = tpu.memref_slice %arg14[%dma_wait3A_226, %dma_wait3A_228, %dma_wait3A_229] : memref<14x24x128xf32, #tpu.memory_space<vmem>> -> memref<1x24x128xf32, #tpu.memory_space<vmem>>
    %dma_wait3A_231 = tpu.memref_squeeze %dma_wait3A_230 : memref<1x24x128xf32, #tpu.memory_space<vmem>> -> memref<24x128xf32, #tpu.memory_space<vmem>>
    %dma_wait3A_232 = arith.constant 0 : i32
    %dma_wait3A_233 = tpu.memref_slice %arg12[%dma_wait3A_227, %dma_wait3A_232] : memref<14x24xi32, #tpu.memory_space<vmem>> -> memref<1x24xi32, #tpu.memory_space<vmem>>
    %dma_wait3A_234 = tpu.memref_squeeze %dma_wait3A_233 : memref<1x24xi32, #tpu.memory_space<vmem>> -> memref<24xi32, #tpu.memory_space<vmem>>
    %dma_wait3A_235 = arith.constant 0 : i32
    %dma_wait3A_236 = arith.constant 0 : i32
    %dma_wait3A_237 = tpu.memref_slice %arg9[%dma_wait3A_235, %dma_wait3A_236] : memref<10240x128xf32, #tpu.memory_space<vmem_shared>> -> memref<10240x128xf32, #tpu.memory_space<vmem_shared>>
    tpu.wait_indirect_dma semaphore(%arg23 : memref<!tpu.dma_semaphore, #tpu.memory_space<semaphore_mem>>) src(%dma_wait3A_231 : memref<24x128xf32, #tpu.memory_space<vmem>>) dst(%dma_wait3A_237 : memref<10240x128xf32, #tpu.memory_space<vmem_shared>>)
    %dma_wait3A_238 = arith.constant 11 : i32
    %dma_wait3A_239 = arith.constant 0 : i32
    %dma_wait3A_240 = tpu.memref_slice %arg12[%dma_wait3A_238, %dma_wait3A_239] : memref<14x24xi32, #tpu.memory_space<vmem>> -> memref<1x24xi32, #tpu.memory_space<vmem>>
    %dma_wait3A_241 = tpu.memref_squeeze %dma_wait3A_240 : memref<1x24xi32, #tpu.memory_space<vmem>> -> memref<24xi32, #tpu.memory_space<vmem>>
    %dma_wait3A_242 = arith.constant 0 : i32
    %dma_wait3A_243 = tpu.memref_slice %arg10[%dma_wait3A_242] : memref<10240xf32, #tpu.memory_space<vmem_shared>> -> memref<10240xf32, #tpu.memory_space<vmem_shared>>
    tpu.wait_indirect_dma semaphore(%arg24 : memref<!tpu.dma_semaphore, #tpu.memory_space<semaphore_mem>>) src(%arg13 : memref<24xf32, #tpu.memory_space<vmem>>) dst(%dma_wait3A_243 : memref<10240xf32, #tpu.memory_space<vmem_shared>>)
    %dma_wait3A_244 = arith.constant 12 : i32
    %dma_wait3A_245 = arith.constant 12 : i32
    %dma_wait3A_246 = arith.constant 0 : i32
    %dma_wait3A_247 = arith.constant 0 : i32
    %dma_wait3A_248 = tpu.memref_slice %arg14[%dma_wait3A_244, %dma_wait3A_246, %dma_wait3A_247] : memref<14x24x128xf32, #tpu.memory_space<vmem>> -> memref<1x24x128xf32, #tpu.memory_space<vmem>>
    %dma_wait3A_249 = tpu.memref_squeeze %dma_wait3A_248 : memref<1x24x128xf32, #tpu.memory_space<vmem>> -> memref<24x128xf32, #tpu.memory_space<vmem>>
    %dma_wait3A_250 = arith.constant 0 : i32
    %dma_wait3A_251 = tpu.memref_slice %arg12[%dma_wait3A_245, %dma_wait3A_250] : memref<14x24xi32, #tpu.memory_space<vmem>> -> memref<1x24xi32, #tpu.memory_space<vmem>>
    %dma_wait3A_252 = tpu.memref_squeeze %dma_wait3A_251 : memref<1x24xi32, #tpu.memory_space<vmem>> -> memref<24xi32, #tpu.memory_space<vmem>>
    %dma_wait3A_253 = arith.constant 0 : i32
    %dma_wait3A_254 = arith.constant 0 : i32
    %dma_wait3A_255 = tpu.memref_slice %arg9[%dma_wait3A_253, %dma_wait3A_254] : memref<10240x128xf32, #tpu.memory_space<vmem_shared>> -> memref<10240x128xf32, #tpu.memory_space<vmem_shared>>
    tpu.wait_indirect_dma semaphore(%arg23 : memref<!tpu.dma_semaphore, #tpu.memory_space<semaphore_mem>>) src(%dma_wait3A_249 : memref<24x128xf32, #tpu.memory_space<vmem>>) dst(%dma_wait3A_255 : memref<10240x128xf32, #tpu.memory_space<vmem_shared>>)
    %dma_wait3A_256 = arith.constant 12 : i32
    %dma_wait3A_257 = arith.constant 0 : i32
    %dma_wait3A_258 = tpu.memref_slice %arg12[%dma_wait3A_256, %dma_wait3A_257] : memref<14x24xi32, #tpu.memory_space<vmem>> -> memref<1x24xi32, #tpu.memory_space<vmem>>
    %dma_wait3A_259 = tpu.memref_squeeze %dma_wait3A_258 : memref<1x24xi32, #tpu.memory_space<vmem>> -> memref<24xi32, #tpu.memory_space<vmem>>
    %dma_wait3A_260 = arith.constant 0 : i32
    %dma_wait3A_261 = tpu.memref_slice %arg10[%dma_wait3A_260] : memref<10240xf32, #tpu.memory_space<vmem_shared>> -> memref<10240xf32, #tpu.memory_space<vmem_shared>>
    tpu.wait_indirect_dma semaphore(%arg24 : memref<!tpu.dma_semaphore, #tpu.memory_space<semaphore_mem>>) src(%arg13 : memref<24xf32, #tpu.memory_space<vmem>>) dst(%dma_wait3A_261 : memref<10240xf32, #tpu.memory_space<vmem_shared>>)
    %dma_wait3A_262 = arith.constant 13 : i32
    %dma_wait3A_263 = arith.constant 13 : i32
    %dma_wait3A_264 = arith.constant 0 : i32
    %dma_wait3A_265 = arith.constant 0 : i32
    %dma_wait3A_266 = tpu.memref_slice %arg14[%dma_wait3A_262, %dma_wait3A_264, %dma_wait3A_265] : memref<14x24x128xf32, #tpu.memory_space<vmem>> -> memref<1x24x128xf32, #tpu.memory_space<vmem>>
    %dma_wait3A_267 = tpu.memref_squeeze %dma_wait3A_266 : memref<1x24x128xf32, #tpu.memory_space<vmem>> -> memref<24x128xf32, #tpu.memory_space<vmem>>
    %dma_wait3A_268 = arith.constant 0 : i32
    %dma_wait3A_269 = tpu.memref_slice %arg12[%dma_wait3A_263, %dma_wait3A_268] : memref<14x24xi32, #tpu.memory_space<vmem>> -> memref<1x24xi32, #tpu.memory_space<vmem>>
    %dma_wait3A_270 = tpu.memref_squeeze %dma_wait3A_269 : memref<1x24xi32, #tpu.memory_space<vmem>> -> memref<24xi32, #tpu.memory_space<vmem>>
    %dma_wait3A_271 = arith.constant 0 : i32
    %dma_wait3A_272 = arith.constant 0 : i32
    %dma_wait3A_273 = tpu.memref_slice %arg9[%dma_wait3A_271, %dma_wait3A_272] : memref<10240x128xf32, #tpu.memory_space<vmem_shared>> -> memref<10240x128xf32, #tpu.memory_space<vmem_shared>>
    tpu.wait_indirect_dma semaphore(%arg23 : memref<!tpu.dma_semaphore, #tpu.memory_space<semaphore_mem>>) src(%dma_wait3A_267 : memref<24x128xf32, #tpu.memory_space<vmem>>) dst(%dma_wait3A_273 : memref<10240x128xf32, #tpu.memory_space<vmem_shared>>)
    %dma_wait3A_274 = arith.constant 13 : i32
    %dma_wait3A_275 = arith.constant 0 : i32
    %dma_wait3A_276 = tpu.memref_slice %arg12[%dma_wait3A_274, %dma_wait3A_275] : memref<14x24xi32, #tpu.memory_space<vmem>> -> memref<1x24xi32, #tpu.memory_space<vmem>>
    %dma_wait3A_277 = tpu.memref_squeeze %dma_wait3A_276 : memref<1x24xi32, #tpu.memory_space<vmem>> -> memref<24xi32, #tpu.memory_space<vmem>>
    %dma_wait3A_278 = arith.constant 0 : i32
    %dma_wait3A_279 = tpu.memref_slice %arg10[%dma_wait3A_278] : memref<10240xf32, #tpu.memory_space<vmem_shared>> -> memref<10240xf32, #tpu.memory_space<vmem_shared>>
    tpu.wait_indirect_dma semaphore(%arg24 : memref<!tpu.dma_semaphore, #tpu.memory_space<semaphore_mem>>) src(%arg13 : memref<24xf32, #tpu.memory_space<vmem>>) dst(%dma_wait3A_279 : memref<10240xf32, #tpu.memory_space<vmem_shared>>)
    %dma_wait3A_280 = arith.constant 0 : i32
    %dma_wait3A_281 = arith.constant 0 : i32
    %dma_wait3A_282 = tpu.memref_slice %arg11[%dma_wait3A_280, %dma_wait3A_281] : memref<14x24xi32, #tpu.memory_space<vmem>> -> memref<1x24xi32, #tpu.memory_space<vmem>>
    %dma_wait3A_283 = tpu.memref_squeeze %dma_wait3A_282 : memref<1x24xi32, #tpu.memory_space<vmem>> -> memref<24xi32, #tpu.memory_space<vmem>>
    %dma_wait3A_284 = tpu.memref_slice %arg3[%mul3A_10] : memref<322560xi32, #tpu.memory_space<hbm>> -> memref<24xi32, #tpu.memory_space<hbm>>
    %dma_wait3A_285 = arith.constant 0 : i32
    %dma_wait3A_286 = tpu.memref_slice %arg11[%dma_wait3A_280, %dma_wait3A_285] : memref<14x24xi32, #tpu.memory_space<vmem>> -> memref<1x24xi32, #tpu.memory_space<vmem>>
    %dma_wait3A_287 = tpu.memref_squeeze %dma_wait3A_286 : memref<1x24xi32, #tpu.memory_space<vmem>> -> memref<24xi32, #tpu.memory_space<vmem>>
    %dma_wait3A_288 = tpu.memref_slice %arg3[%mul3A_10] : memref<322560xi32, #tpu.memory_space<hbm>> -> memref<24xi32, #tpu.memory_space<hbm>>
    tpu.wait_dma2 semaphore(%arg15 : memref<!tpu.dma_semaphore, #tpu.memory_space<semaphore_mem>>) src(%dma_wait3A_288 : memref<24xi32, #tpu.memory_space<hbm>>) dst(%dma_wait3A_287 : memref<24xi32, #tpu.memory_space<vmem>>)
    %dma_wait3A_289 = arith.constant 0 : i32
    %dma_wait3A_290 = arith.constant 0 : i32
    %dma_wait3A_291 = tpu.memref_slice %arg12[%dma_wait3A_289, %dma_wait3A_290] : memref<14x24xi32, #tpu.memory_space<vmem>> -> memref<1x24xi32, #tpu.memory_space<vmem>>
    %dma_wait3A_292 = tpu.memref_squeeze %dma_wait3A_291 : memref<1x24xi32, #tpu.memory_space<vmem>> -> memref<24xi32, #tpu.memory_space<vmem>>
    %dma_wait3A_293 = tpu.memref_slice %arg4[%mul3A_10] : memref<322560xi32, #tpu.memory_space<hbm>> -> memref<24xi32, #tpu.memory_space<hbm>>
    %dma_wait3A_294 = arith.constant 0 : i32
    %dma_wait3A_295 = tpu.memref_slice %arg12[%dma_wait3A_289, %dma_wait3A_294] : memref<14x24xi32, #tpu.memory_space<vmem>> -> memref<1x24xi32, #tpu.memory_space<vmem>>
    %dma_wait3A_296 = tpu.memref_squeeze %dma_wait3A_295 : memref<1x24xi32, #tpu.memory_space<vmem>> -> memref<24xi32, #tpu.memory_space<vmem>>
    %dma_wait3A_297 = tpu.memref_slice %arg4[%mul3A_10] : memref<322560xi32, #tpu.memory_space<hbm>> -> memref<24xi32, #tpu.memory_space<hbm>>
    tpu.wait_dma2 semaphore(%arg15 : memref<!tpu.dma_semaphore, #tpu.memory_space<semaphore_mem>>) src(%dma_wait3A_297 : memref<24xi32, #tpu.memory_space<hbm>>) dst(%dma_wait3A_296 : memref<24xi32, #tpu.memory_space<vmem>>)
    %dma_wait3A_298 = arith.constant 1 : i32
    %dma_wait3A_299 = arith.constant 0 : i32
    %dma_wait3A_300 = tpu.memref_slice %arg11[%dma_wait3A_298, %dma_wait3A_299] : memref<14x24xi32, #tpu.memory_space<vmem>> -> memref<1x24xi32, #tpu.memory_space<vmem>>
    %dma_wait3A_301 = tpu.memref_squeeze %dma_wait3A_300 : memref<1x24xi32, #tpu.memory_space<vmem>> -> memref<24xi32, #tpu.memory_space<vmem>>
    %dma_wait3A_302 = tpu.memref_slice %arg3[%mul3A_10] : memref<322560xi32, #tpu.memory_space<hbm>> -> memref<24xi32, #tpu.memory_space<hbm>>
    %dma_wait3A_303 = arith.constant 0 : i32
    %dma_wait3A_304 = tpu.memref_slice %arg11[%dma_wait3A_298, %dma_wait3A_303] : memref<14x24xi32, #tpu.memory_space<vmem>> -> memref<1x24xi32, #tpu.memory_space<vmem>>
    %dma_wait3A_305 = tpu.memref_squeeze %dma_wait3A_304 : memref<1x24xi32, #tpu.memory_space<vmem>> -> memref<24xi32, #tpu.memory_space<vmem>>
    %dma_wait3A_306 = tpu.memref_slice %arg3[%mul3A_10] : memref<322560xi32, #tpu.memory_space<hbm>> -> memref<24xi32, #tpu.memory_space<hbm>>
    tpu.wait_dma2 semaphore(%arg15 : memref<!tpu.dma_semaphore, #tpu.memory_space<semaphore_mem>>) src(%dma_wait3A_306 : memref<24xi32, #tpu.memory_space<hbm>>) dst(%dma_wait3A_305 : memref<24xi32, #tpu.memory_space<vmem>>)
    %dma_wait3A_307 = arith.constant 1 : i32
    %dma_wait3A_308 = arith.constant 0 : i32
    %dma_wait3A_309 = tpu.memref_slice %arg12[%dma_wait3A_307, %dma_wait3A_308] : memref<14x24xi32, #tpu.memory_space<vmem>> -> memref<1x24xi32, #tpu.memory_space<vmem>>
    %dma_wait3A_310 = tpu.memref_squeeze %dma_wait3A_309 : memref<1x24xi32, #tpu.memory_space<vmem>> -> memref<24xi32, #tpu.memory_space<vmem>>
    %dma_wait3A_311 = tpu.memref_slice %arg4[%mul3A_10] : memref<322560xi32, #tpu.memory_space<hbm>> -> memref<24xi32, #tpu.memory_space<hbm>>
    %dma_wait3A_312 = arith.constant 0 : i32
    %dma_wait3A_313 = tpu.memref_slice %arg12[%dma_wait3A_307, %dma_wait3A_312] : memref<14x24xi32, #tpu.memory_space<vmem>> -> memref<1x24xi32, #tpu.memory_space<vmem>>
    %dma_wait3A_314 = tpu.memref_squeeze %dma_wait3A_313 : memref<1x24xi32, #tpu.memory_space<vmem>> -> memref<24xi32, #tpu.memory_space<vmem>>
    %dma_wait3A_315 = tpu.memref_slice %arg4[%mul3A_10] : memref<322560xi32, #tpu.memory_space<hbm>> -> memref<24xi32, #tpu.memory_space<hbm>>
    tpu.wait_dma2 semaphore(%arg15 : memref<!tpu.dma_semaphore, #tpu.memory_space<semaphore_mem>>) src(%dma_wait3A_315 : memref<24xi32, #tpu.memory_space<hbm>>) dst(%dma_wait3A_314 : memref<24xi32, #tpu.memory_space<vmem>>)
    %dma_wait3A_316 = arith.constant 2 : i32
    %dma_wait3A_317 = arith.constant 0 : i32
    %dma_wait3A_318 = tpu.memref_slice %arg11[%dma_wait3A_316, %dma_wait3A_317] : memref<14x24xi32, #tpu.memory_space<vmem>> -> memref<1x24xi32, #tpu.memory_space<vmem>>
    %dma_wait3A_319 = tpu.memref_squeeze %dma_wait3A_318 : memref<1x24xi32, #tpu.memory_space<vmem>> -> memref<24xi32, #tpu.memory_space<vmem>>
    %dma_wait3A_320 = tpu.memref_slice %arg3[%mul3A_10] : memref<322560xi32, #tpu.memory_space<hbm>> -> memref<24xi32, #tpu.memory_space<hbm>>
    %dma_wait3A_321 = arith.constant 0 : i32
    %dma_wait3A_322 = tpu.memref_slice %arg11[%dma_wait3A_316, %dma_wait3A_321] : memref<14x24xi32, #tpu.memory_space<vmem>> -> memref<1x24xi32, #tpu.memory_space<vmem>>
    %dma_wait3A_323 = tpu.memref_squeeze %dma_wait3A_322 : memref<1x24xi32, #tpu.memory_space<vmem>> -> memref<24xi32, #tpu.memory_space<vmem>>
    %dma_wait3A_324 = tpu.memref_slice %arg3[%mul3A_10] : memref<322560xi32, #tpu.memory_space<hbm>> -> memref<24xi32, #tpu.memory_space<hbm>>
    tpu.wait_dma2 semaphore(%arg15 : memref<!tpu.dma_semaphore, #tpu.memory_space<semaphore_mem>>) src(%dma_wait3A_324 : memref<24xi32, #tpu.memory_space<hbm>>) dst(%dma_wait3A_323 : memref<24xi32, #tpu.memory_space<vmem>>)
    %dma_wait3A_325 = arith.constant 2 : i32
    %dma_wait3A_326 = arith.constant 0 : i32
    %dma_wait3A_327 = tpu.memref_slice %arg12[%dma_wait3A_325, %dma_wait3A_326] : memref<14x24xi32, #tpu.memory_space<vmem>> -> memref<1x24xi32, #tpu.memory_space<vmem>>
    %dma_wait3A_328 = tpu.memref_squeeze %dma_wait3A_327 : memref<1x24xi32, #tpu.memory_space<vmem>> -> memref<24xi32, #tpu.memory_space<vmem>>
    %dma_wait3A_329 = tpu.memref_slice %arg4[%mul3A_10] : memref<322560xi32, #tpu.memory_space<hbm>> -> memref<24xi32, #tpu.memory_space<hbm>>
    %dma_wait3A_330 = arith.constant 0 : i32
    %dma_wait3A_331 = tpu.memref_slice %arg12[%dma_wait3A_325, %dma_wait3A_330] : memref<14x24xi32, #tpu.memory_space<vmem>> -> memref<1x24xi32, #tpu.memory_space<vmem>>
    %dma_wait3A_332 = tpu.memref_squeeze %dma_wait3A_331 : memref<1x24xi32, #tpu.memory_space<vmem>> -> memref<24xi32, #tpu.memory_space<vmem>>
    %dma_wait3A_333 = tpu.memref_slice %arg4[%mul3A_10] : memref<322560xi32, #tpu.memory_space<hbm>> -> memref<24xi32, #tpu.memory_space<hbm>>
    tpu.wait_dma2 semaphore(%arg15 : memref<!tpu.dma_semaphore, #tpu.memory_space<semaphore_mem>>) src(%dma_wait3A_333 : memref<24xi32, #tpu.memory_space<hbm>>) dst(%dma_wait3A_332 : memref<24xi32, #tpu.memory_space<vmem>>)
    %dma_wait3A_334 = arith.constant 3 : i32
    %dma_wait3A_335 = arith.constant 0 : i32
    %dma_wait3A_336 = tpu.memref_slice %arg11[%dma_wait3A_334, %dma_wait3A_335] : memref<14x24xi32, #tpu.memory_space<vmem>> -> memref<1x24xi32, #tpu.memory_space<vmem>>
    %dma_wait3A_337 = tpu.memref_squeeze %dma_wait3A_336 : memref<1x24xi32, #tpu.memory_space<vmem>> -> memref<24xi32, #tpu.memory_space<vmem>>
    %dma_wait3A_338 = tpu.memref_slice %arg3[%mul3A_10] : memref<322560xi32, #tpu.memory_space<hbm>> -> memref<24xi32, #tpu.memory_space<hbm>>
    %dma_wait3A_339 = arith.constant 0 : i32
    %dma_wait3A_340 = tpu.memref_slice %arg11[%dma_wait3A_334, %dma_wait3A_339] : memref<14x24xi32, #tpu.memory_space<vmem>> -> memref<1x24xi32, #tpu.memory_space<vmem>>
    %dma_wait3A_341 = tpu.memref_squeeze %dma_wait3A_340 : memref<1x24xi32, #tpu.memory_space<vmem>> -> memref<24xi32, #tpu.memory_space<vmem>>
    %dma_wait3A_342 = tpu.memref_slice %arg3[%mul3A_10] : memref<322560xi32, #tpu.memory_space<hbm>> -> memref<24xi32, #tpu.memory_space<hbm>>
    tpu.wait_dma2 semaphore(%arg15 : memref<!tpu.dma_semaphore, #tpu.memory_space<semaphore_mem>>) src(%dma_wait3A_342 : memref<24xi32, #tpu.memory_space<hbm>>) dst(%dma_wait3A_341 : memref<24xi32, #tpu.memory_space<vmem>>)
    %dma_wait3A_343 = arith.constant 3 : i32
    %dma_wait3A_344 = arith.constant 0 : i32
    %dma_wait3A_345 = tpu.memref_slice %arg12[%dma_wait3A_343, %dma_wait3A_344] : memref<14x24xi32, #tpu.memory_space<vmem>> -> memref<1x24xi32, #tpu.memory_space<vmem>>
    %dma_wait3A_346 = tpu.memref_squeeze %dma_wait3A_345 : memref<1x24xi32, #tpu.memory_space<vmem>> -> memref<24xi32, #tpu.memory_space<vmem>>
    %dma_wait3A_347 = tpu.memref_slice %arg4[%mul3A_10] : memref<322560xi32, #tpu.memory_space<hbm>> -> memref<24xi32, #tpu.memory_space<hbm>>
    %dma_wait3A_348 = arith.constant 0 : i32
    %dma_wait3A_349 = tpu.memref_slice %arg12[%dma_wait3A_343, %dma_wait3A_348] : memref<14x24xi32, #tpu.memory_space<vmem>> -> memref<1x24xi32, #tpu.memory_space<vmem>>
    %dma_wait3A_350 = tpu.memref_squeeze %dma_wait3A_349 : memref<1x24xi32, #tpu.memory_space<vmem>> -> memref<24xi32, #tpu.memory_space<vmem>>
    %dma_wait3A_351 = tpu.memref_slice %arg4[%mul3A_10] : memref<322560xi32, #tpu.memory_space<hbm>> -> memref<24xi32, #tpu.memory_space<hbm>>
    tpu.wait_dma2 semaphore(%arg15 : memref<!tpu.dma_semaphore, #tpu.memory_space<semaphore_mem>>) src(%dma_wait3A_351 : memref<24xi32, #tpu.memory_space<hbm>>) dst(%dma_wait3A_350 : memref<24xi32, #tpu.memory_space<vmem>>)
    %dma_wait3A_352 = arith.constant 4 : i32
    %dma_wait3A_353 = arith.constant 0 : i32
    %dma_wait3A_354 = tpu.memref_slice %arg11[%dma_wait3A_352, %dma_wait3A_353] : memref<14x24xi32, #tpu.memory_space<vmem>> -> memref<1x24xi32, #tpu.memory_space<vmem>>
    %dma_wait3A_355 = tpu.memref_squeeze %dma_wait3A_354 : memref<1x24xi32, #tpu.memory_space<vmem>> -> memref<24xi32, #tpu.memory_space<vmem>>
    %dma_wait3A_356 = tpu.memref_slice %arg3[%mul3A_10] : memref<322560xi32, #tpu.memory_space<hbm>> -> memref<24xi32, #tpu.memory_space<hbm>>
    %dma_wait3A_357 = arith.constant 0 : i32
    %dma_wait3A_358 = tpu.memref_slice %arg11[%dma_wait3A_352, %dma_wait3A_357] : memref<14x24xi32, #tpu.memory_space<vmem>> -> memref<1x24xi32, #tpu.memory_space<vmem>>
    %dma_wait3A_359 = tpu.memref_squeeze %dma_wait3A_358 : memref<1x24xi32, #tpu.memory_space<vmem>> -> memref<24xi32, #tpu.memory_space<vmem>>
    %dma_wait3A_360 = tpu.memref_slice %arg3[%mul3A_10] : memref<322560xi32, #tpu.memory_space<hbm>> -> memref<24xi32, #tpu.memory_space<hbm>>
    tpu.wait_dma2 semaphore(%arg15 : memref<!tpu.dma_semaphore, #tpu.memory_space<semaphore_mem>>) src(%dma_wait3A_360 : memref<24xi32, #tpu.memory_space<hbm>>) dst(%dma_wait3A_359 : memref<24xi32, #tpu.memory_space<vmem>>)
    %dma_wait3A_361 = arith.constant 4 : i32
    %dma_wait3A_362 = arith.constant 0 : i32
    %dma_wait3A_363 = tpu.memref_slice %arg12[%dma_wait3A_361, %dma_wait3A_362] : memref<14x24xi32, #tpu.memory_space<vmem>> -> memref<1x24xi32, #tpu.memory_space<vmem>>
    %dma_wait3A_364 = tpu.memref_squeeze %dma_wait3A_363 : memref<1x24xi32, #tpu.memory_space<vmem>> -> memref<24xi32, #tpu.memory_space<vmem>>
    %dma_wait3A_365 = tpu.memref_slice %arg4[%mul3A_10] : memref<322560xi32, #tpu.memory_space<hbm>> -> memref<24xi32, #tpu.memory_space<hbm>>
    %dma_wait3A_366 = arith.constant 0 : i32
    %dma_wait3A_367 = tpu.memref_slice %arg12[%dma_wait3A_361, %dma_wait3A_366] : memref<14x24xi32, #tpu.memory_space<vmem>> -> memref<1x24xi32, #tpu.memory_space<vmem>>
    %dma_wait3A_368 = tpu.memref_squeeze %dma_wait3A_367 : memref<1x24xi32, #tpu.memory_space<vmem>> -> memref<24xi32, #tpu.memory_space<vmem>>
    %dma_wait3A_369 = tpu.memref_slice %arg4[%mul3A_10] : memref<322560xi32, #tpu.memory_space<hbm>> -> memref<24xi32, #tpu.memory_space<hbm>>
    tpu.wait_dma2 semaphore(%arg15 : memref<!tpu.dma_semaphore, #tpu.memory_space<semaphore_mem>>) src(%dma_wait3A_369 : memref<24xi32, #tpu.memory_space<hbm>>) dst(%dma_wait3A_368 : memref<24xi32, #tpu.memory_space<vmem>>)
    %dma_wait3A_370 = arith.constant 5 : i32
    %dma_wait3A_371 = arith.constant 0 : i32
    %dma_wait3A_372 = tpu.memref_slice %arg11[%dma_wait3A_370, %dma_wait3A_371] : memref<14x24xi32, #tpu.memory_space<vmem>> -> memref<1x24xi32, #tpu.memory_space<vmem>>
    %dma_wait3A_373 = tpu.memref_squeeze %dma_wait3A_372 : memref<1x24xi32, #tpu.memory_space<vmem>> -> memref<24xi32, #tpu.memory_space<vmem>>
    %dma_wait3A_374 = tpu.memref_slice %arg3[%mul3A_10] : memref<322560xi32, #tpu.memory_space<hbm>> -> memref<24xi32, #tpu.memory_space<hbm>>
    %dma_wait3A_375 = arith.constant 0 : i32
    %dma_wait3A_376 = tpu.memref_slice %arg11[%dma_wait3A_370, %dma_wait3A_375] : memref<14x24xi32, #tpu.memory_space<vmem>> -> memref<1x24xi32, #tpu.memory_space<vmem>>
    %dma_wait3A_377 = tpu.memref_squeeze %dma_wait3A_376 : memref<1x24xi32, #tpu.memory_space<vmem>> -> memref<24xi32, #tpu.memory_space<vmem>>
    %dma_wait3A_378 = tpu.memref_slice %arg3[%mul3A_10] : memref<322560xi32, #tpu.memory_space<hbm>> -> memref<24xi32, #tpu.memory_space<hbm>>
    tpu.wait_dma2 semaphore(%arg15 : memref<!tpu.dma_semaphore, #tpu.memory_space<semaphore_mem>>) src(%dma_wait3A_378 : memref<24xi32, #tpu.memory_space<hbm>>) dst(%dma_wait3A_377 : memref<24xi32, #tpu.memory_space<vmem>>)
    %dma_wait3A_379 = arith.constant 5 : i32
    %dma_wait3A_380 = arith.constant 0 : i32
    %dma_wait3A_381 = tpu.memref_slice %arg12[%dma_wait3A_379, %dma_wait3A_380] : memref<14x24xi32, #tpu.memory_space<vmem>> -> memref<1x24xi32, #tpu.memory_space<vmem>>
    %dma_wait3A_382 = tpu.memref_squeeze %dma_wait3A_381 : memref<1x24xi32, #tpu.memory_space<vmem>> -> memref<24xi32, #tpu.memory_space<vmem>>
    %dma_wait3A_383 = tpu.memref_slice %arg4[%mul3A_10] : memref<322560xi32, #tpu.memory_space<hbm>> -> memref<24xi32, #tpu.memory_space<hbm>>
    %dma_wait3A_384 = arith.constant 0 : i32
    %dma_wait3A_385 = tpu.memref_slice %arg12[%dma_wait3A_379, %dma_wait3A_384] : memref<14x24xi32, #tpu.memory_space<vmem>> -> memref<1x24xi32, #tpu.memory_space<vmem>>
    %dma_wait3A_386 = tpu.memref_squeeze %dma_wait3A_385 : memref<1x24xi32, #tpu.memory_space<vmem>> -> memref<24xi32, #tpu.memory_space<vmem>>
    %dma_wait3A_387 = tpu.memref_slice %arg4[%mul3A_10] : memref<322560xi32, #tpu.memory_space<hbm>> -> memref<24xi32, #tpu.memory_space<hbm>>
    tpu.wait_dma2 semaphore(%arg15 : memref<!tpu.dma_semaphore, #tpu.memory_space<semaphore_mem>>) src(%dma_wait3A_387 : memref<24xi32, #tpu.memory_space<hbm>>) dst(%dma_wait3A_386 : memref<24xi32, #tpu.memory_space<vmem>>)
    %dma_wait3A_388 = arith.constant 6 : i32
    %dma_wait3A_389 = arith.constant 0 : i32
    %dma_wait3A_390 = tpu.memref_slice %arg11[%dma_wait3A_388, %dma_wait3A_389] : memref<14x24xi32, #tpu.memory_space<vmem>> -> memref<1x24xi32, #tpu.memory_space<vmem>>
    %dma_wait3A_391 = tpu.memref_squeeze %dma_wait3A_390 : memref<1x24xi32, #tpu.memory_space<vmem>> -> memref<24xi32, #tpu.memory_space<vmem>>
    %dma_wait3A_392 = tpu.memref_slice %arg3[%mul3A_10] : memref<322560xi32, #tpu.memory_space<hbm>> -> memref<24xi32, #tpu.memory_space<hbm>>
    %dma_wait3A_393 = arith.constant 0 : i32
    %dma_wait3A_394 = tpu.memref_slice %arg11[%dma_wait3A_388, %dma_wait3A_393] : memref<14x24xi32, #tpu.memory_space<vmem>> -> memref<1x24xi32, #tpu.memory_space<vmem>>
    %dma_wait3A_395 = tpu.memref_squeeze %dma_wait3A_394 : memref<1x24xi32, #tpu.memory_space<vmem>> -> memref<24xi32, #tpu.memory_space<vmem>>
    %dma_wait3A_396 = tpu.memref_slice %arg3[%mul3A_10] : memref<322560xi32, #tpu.memory_space<hbm>> -> memref<24xi32, #tpu.memory_space<hbm>>
    tpu.wait_dma2 semaphore(%arg15 : memref<!tpu.dma_semaphore, #tpu.memory_space<semaphore_mem>>) src(%dma_wait3A_396 : memref<24xi32, #tpu.memory_space<hbm>>) dst(%dma_wait3A_395 : memref<24xi32, #tpu.memory_space<vmem>>)
    %dma_wait3A_397 = arith.constant 6 : i32
    %dma_wait3A_398 = arith.constant 0 : i32
    %dma_wait3A_399 = tpu.memref_slice %arg12[%dma_wait3A_397, %dma_wait3A_398] : memref<14x24xi32, #tpu.memory_space<vmem>> -> memref<1x24xi32, #tpu.memory_space<vmem>>
    %dma_wait3A_400 = tpu.memref_squeeze %dma_wait3A_399 : memref<1x24xi32, #tpu.memory_space<vmem>> -> memref<24xi32, #tpu.memory_space<vmem>>
    %dma_wait3A_401 = tpu.memref_slice %arg4[%mul3A_10] : memref<322560xi32, #tpu.memory_space<hbm>> -> memref<24xi32, #tpu.memory_space<hbm>>
    %dma_wait3A_402 = arith.constant 0 : i32
    %dma_wait3A_403 = tpu.memref_slice %arg12[%dma_wait3A_397, %dma_wait3A_402] : memref<14x24xi32, #tpu.memory_space<vmem>> -> memref<1x24xi32, #tpu.memory_space<vmem>>
    %dma_wait3A_404 = tpu.memref_squeeze %dma_wait3A_403 : memref<1x24xi32, #tpu.memory_space<vmem>> -> memref<24xi32, #tpu.memory_space<vmem>>
    %dma_wait3A_405 = tpu.memref_slice %arg4[%mul3A_10] : memref<322560xi32, #tpu.memory_space<hbm>> -> memref<24xi32, #tpu.memory_space<hbm>>
    tpu.wait_dma2 semaphore(%arg15 : memref<!tpu.dma_semaphore, #tpu.memory_space<semaphore_mem>>) src(%dma_wait3A_405 : memref<24xi32, #tpu.memory_space<hbm>>) dst(%dma_wait3A_404 : memref<24xi32, #tpu.memory_space<vmem>>)
    %barrier3A_406 = arith.constant 0 : index
    tpu.barrier barrier_id(%barrier3A_406)
    %mul3A_407 = arith.constant 640 : i32
    %mul3A_408 = arith.muli %arg1, %mul3A_407 : i32
    %mul3A_409 = arith.constant 640 : i32
    %mul3A_410 = arith.muli %arg1, %mul3A_409 : i32
    "tpu.region"() ({
      %run_scoped3A = tpu.sem_alloc : memref<!tpu.dma_semaphore, #tpu.memory_space<semaphore_mem>>
      %dma_start3A_415 = arith.constant 0 : i32
      %dma_start3A_416 = tpu.memref_slice %arg7[%arg0, %mul3A_410, %dma_start3A_415] : memref<2x10240x128xf32, #tpu.memory_space<hbm>> -> memref<1x640x128xf32, #tpu.memory_space<hbm>>
      %dma_start3A_417 = tpu.memref_squeeze %dma_start3A_416 : memref<1x640x128xf32, #tpu.memory_space<hbm>> -> memref<640x128xf32, #tpu.memory_space<hbm>>
      %dma_start3A_418 = arith.constant 0 : i32
      %dma_start3A_419 = tpu.memref_slice %arg9[%mul3A_408, %dma_start3A_418] : memref<10240x128xf32, #tpu.memory_space<vmem_shared>> -> memref<640x128xf32, #tpu.memory_space<vmem_shared>>
      tpu.enqueue_dma source(%dma_start3A_419 : memref<640x128xf32, #tpu.memory_space<vmem_shared>>) target(%dma_start3A_417 : memref<640x128xf32, #tpu.memory_space<hbm>>) target_semaphore(%run_scoped3A : memref<!tpu.dma_semaphore, #tpu.memory_space<semaphore_mem>>)
      %dma_wait3A_420 = arith.constant 0 : i32
      %dma_wait3A_421 = tpu.memref_slice %arg7[%arg0, %mul3A_410, %dma_wait3A_420] : memref<2x10240x128xf32, #tpu.memory_space<hbm>> -> memref<1x640x128xf32, #tpu.memory_space<hbm>>
      %dma_wait3A_422 = tpu.memref_squeeze %dma_wait3A_421 : memref<1x640x128xf32, #tpu.memory_space<hbm>> -> memref<640x128xf32, #tpu.memory_space<hbm>>
      %dma_wait3A_423 = arith.constant 0 : i32
      %dma_wait3A_424 = tpu.memref_slice %arg9[%mul3A_408, %dma_wait3A_423] : memref<10240x128xf32, #tpu.memory_space<vmem_shared>> -> memref<640x128xf32, #tpu.memory_space<vmem_shared>>
      tpu.wait_dma2 semaphore(%run_scoped3A : memref<!tpu.dma_semaphore, #tpu.memory_space<semaphore_mem>>) src(%dma_wait3A_424 : memref<640x128xf32, #tpu.memory_space<vmem_shared>>) dst(%dma_wait3A_422 : memref<640x128xf32, #tpu.memory_space<hbm>>)
      tpu.yield
    }) : () -> ()
    %mul3A_411 = arith.constant 640 : i32
    %mul3A_412 = arith.muli %arg1, %mul3A_411 : i32
    %mul3A_413 = arith.constant 640 : i32
    %mul3A_414 = arith.muli %arg1, %mul3A_413 : i32
    "tpu.region"() ({
      %run_scoped3A = tpu.sem_alloc : memref<!tpu.dma_semaphore, #tpu.memory_space<semaphore_mem>>
      %dma_start3A_415 = tpu.memref_slice %arg8[%arg0, %mul3A_414] : memref<2x10240xf32, #tpu.memory_space<hbm>> -> memref<1x640xf32, #tpu.memory_space<hbm>>
      %dma_start3A_416 = tpu.memref_squeeze %dma_start3A_415 : memref<1x640xf32, #tpu.memory_space<hbm>> -> memref<640xf32, #tpu.memory_space<hbm>>
      %dma_start3A_417 = tpu.memref_slice %arg10[%mul3A_412] : memref<10240xf32, #tpu.memory_space<vmem_shared>> -> memref<640xf32, #tpu.memory_space<vmem_shared>>
      tpu.enqueue_dma source(%dma_start3A_417 : memref<640xf32, #tpu.memory_space<vmem_shared>>) target(%dma_start3A_416 : memref<640xf32, #tpu.memory_space<hbm>>) target_semaphore(%run_scoped3A : memref<!tpu.dma_semaphore, #tpu.memory_space<semaphore_mem>>)
      %dma_wait3A_418 = tpu.memref_slice %arg8[%arg0, %mul3A_414] : memref<2x10240xf32, #tpu.memory_space<hbm>> -> memref<1x640xf32, #tpu.memory_space<hbm>>
      %dma_wait3A_419 = tpu.memref_squeeze %dma_wait3A_418 : memref<1x640xf32, #tpu.memory_space<hbm>> -> memref<640xf32, #tpu.memory_space<hbm>>
      %dma_wait3A_420 = tpu.memref_slice %arg10[%mul3A_412] : memref<10240xf32, #tpu.memory_space<vmem_shared>> -> memref<640xf32, #tpu.memory_space<vmem_shared>>
      tpu.wait_dma2 semaphore(%run_scoped3A : memref<!tpu.dma_semaphore, #tpu.memory_space<semaphore_mem>>) src(%dma_wait3A_420 : memref<640xf32, #tpu.memory_space<vmem_shared>>) dst(%dma_wait3A_419 : memref<640xf32, #tpu.memory_space<hbm>>)
      tpu.yield
    }) : () -> ()
    return
  }
}

#map = affine_map<(d0, d1) -> (0, 0)>
#map1 = affine_map<(d0, d1) -> (0)>
#map2 = affine_map<(d0, d1) -> (0, 0, 0)>
module attributes {stable_mosaic.version = 14 : i64} {
  func.func @_agg16_body(%arg0: i32, %arg1: i32, %arg2: memref<10240x16xf32, #tpu.memory_space<hbm>>, %arg3: memref<322560xi32, #tpu.memory_space<hbm>>, %arg4: memref<322560xi32, #tpu.memory_space<hbm>>, %arg5: memref<640x16xf32, #tpu.memory_space<hbm>>, %arg6: memref<2x10240x16xf32, #tpu.memory_space<hbm>>, %arg7: memref<10240x16xf32, #tpu.memory_space<vmem_shared>>, %arg8: memref<14x96xi32, #tpu.memory_space<vmem>>, %arg9: memref<14x96xi32, #tpu.memory_space<vmem>>, %arg10: memref<14x96x16xf32, #tpu.memory_space<vmem>>, %arg11: memref<!tpu.dma_semaphore, #tpu.memory_space<semaphore_mem>>, %arg12: memref<!tpu.dma_semaphore, #tpu.memory_space<semaphore_mem>>, %arg13: memref<!tpu.dma_semaphore, #tpu.memory_space<semaphore_mem>>, %arg14: memref<!tpu.dma_semaphore, #tpu.memory_space<semaphore_mem>>, %arg15: memref<!tpu.dma_semaphore, #tpu.memory_space<semaphore_mem>>, %arg16: memref<!tpu.dma_semaphore, #tpu.memory_space<semaphore_mem>>, %arg17: memref<!tpu.dma_semaphore, #tpu.memory_space<semaphore_mem>>, %arg18: memref<!tpu.dma_semaphore, #tpu.memory_space<semaphore_mem>>, %arg19: memref<!tpu.dma_semaphore, #tpu.memory_space<semaphore_mem>>) attributes {dimension_semantics = [#tpu.dimension_semantics<core_parallel>, #tpu.dimension_semantics<subcore_parallel>], iteration_bounds = array<i64: 2, 16>, scalar_prefetch = 0 : i64, scratch_operands = 13 : i64, tpu.core_type = #tpu.core_type<sc_vector_subcore>, window_params = [{transform_indices = #map}, {transform_indices = #map1}, {transform_indices = #map1}, {transform_indices = #map}, {transform_indices = #map2}]} {
    %mul3A = arith.constant 16 : i32
    %mul3A_0 = arith.muli %arg0, %mul3A : i32
    %add3A = arith.addi %mul3A_0, %arg1 : i32
    %mul3A_1 = arith.constant 640 : i32
    %mul3A_2 = arith.muli %arg1, %mul3A_1 : i32
    "tpu.region"() ({
      %run_scoped3A = tpu.sem_alloc : memref<!tpu.dma_semaphore, #tpu.memory_space<semaphore_mem>>
      %dma_start3A_363 = arith.constant 0 : i32
      %dma_start3A_364 = tpu.memref_slice %arg7[%mul3A_2, %dma_start3A_363] : memref<10240x16xf32, #tpu.memory_space<vmem_shared>> -> memref<640x16xf32, #tpu.memory_space<vmem_shared>>
      tpu.enqueue_dma source(%arg5 : memref<640x16xf32, #tpu.memory_space<hbm>>) target(%dma_start3A_364 : memref<640x16xf32, #tpu.memory_space<vmem_shared>>) target_semaphore(%run_scoped3A : memref<!tpu.dma_semaphore, #tpu.memory_space<semaphore_mem>>)
      %dma_wait3A_365 = arith.constant 0 : i32
      %dma_wait3A_366 = tpu.memref_slice %arg7[%mul3A_2, %dma_wait3A_365] : memref<10240x16xf32, #tpu.memory_space<vmem_shared>> -> memref<640x16xf32, #tpu.memory_space<vmem_shared>>
      tpu.wait_dma2 semaphore(%run_scoped3A : memref<!tpu.dma_semaphore, #tpu.memory_space<semaphore_mem>>) src(%arg5 : memref<640x16xf32, #tpu.memory_space<hbm>>) dst(%dma_wait3A_366 : memref<640x16xf32, #tpu.memory_space<vmem_shared>>)
      tpu.yield
    }) : () -> ()
    %barrier3A = arith.constant 0 : index
    tpu.barrier barrier_id(%barrier3A)
    %mul3A_3 = arith.constant 10080 : i32
    %mul3A_4 = arith.muli %add3A, %mul3A_3 : i32
    %add3A_5 = arith.constant 0 : i32
    %add3A_6 = arith.addi %mul3A_4, %add3A_5 : i32
    %dma_start3A = arith.constant 0 : i32
    %dma_start3A_7 = arith.constant 0 : i32
    %dma_start3A_8 = tpu.memref_slice %arg8[%dma_start3A, %dma_start3A_7] : memref<14x96xi32, #tpu.memory_space<vmem>> -> memref<1x96xi32, #tpu.memory_space<vmem>>
    %dma_start3A_9 = tpu.memref_squeeze %dma_start3A_8 : memref<1x96xi32, #tpu.memory_space<vmem>> -> memref<96xi32, #tpu.memory_space<vmem>>
    %dma_start3A_10 = tpu.memref_slice %arg3[%add3A_6] : memref<322560xi32, #tpu.memory_space<hbm>> -> memref<96xi32, #tpu.memory_space<hbm>>
    %dma_start3A_11 = arith.constant 0 : i32
    %dma_start3A_12 = tpu.memref_slice %arg8[%dma_start3A, %dma_start3A_11] : memref<14x96xi32, #tpu.memory_space<vmem>> -> memref<1x96xi32, #tpu.memory_space<vmem>>
    %dma_start3A_13 = tpu.memref_squeeze %dma_start3A_12 : memref<1x96xi32, #tpu.memory_space<vmem>> -> memref<96xi32, #tpu.memory_space<vmem>>
    %dma_start3A_14 = tpu.memref_slice %arg3[%add3A_6] : memref<322560xi32, #tpu.memory_space<hbm>> -> memref<96xi32, #tpu.memory_space<hbm>>
    tpu.enqueue_dma source(%dma_start3A_14 : memref<96xi32, #tpu.memory_space<hbm>>) target(%dma_start3A_13 : memref<96xi32, #tpu.memory_space<vmem>>) target_semaphore(%arg11 : memref<!tpu.dma_semaphore, #tpu.memory_space<semaphore_mem>>)
    %dma_start3A_15 = arith.constant 0 : i32
    %dma_start3A_16 = arith.constant 0 : i32
    %dma_start3A_17 = tpu.memref_slice %arg9[%dma_start3A_15, %dma_start3A_16] : memref<14x96xi32, #tpu.memory_space<vmem>> -> memref<1x96xi32, #tpu.memory_space<vmem>>
    %dma_start3A_18 = tpu.memref_squeeze %dma_start3A_17 : memref<1x96xi32, #tpu.memory_space<vmem>> -> memref<96xi32, #tpu.memory_space<vmem>>
    %dma_start3A_19 = tpu.memref_slice %arg4[%add3A_6] : memref<322560xi32, #tpu.memory_space<hbm>> -> memref<96xi32, #tpu.memory_space<hbm>>
    %dma_start3A_20 = arith.constant 0 : i32
    %dma_start3A_21 = tpu.memref_slice %arg9[%dma_start3A_15, %dma_start3A_20] : memref<14x96xi32, #tpu.memory_space<vmem>> -> memref<1x96xi32, #tpu.memory_space<vmem>>
    %dma_start3A_22 = tpu.memref_squeeze %dma_start3A_21 : memref<1x96xi32, #tpu.memory_space<vmem>> -> memref<96xi32, #tpu.memory_space<vmem>>
    %dma_start3A_23 = tpu.memref_slice %arg4[%add3A_6] : memref<322560xi32, #tpu.memory_space<hbm>> -> memref<96xi32, #tpu.memory_space<hbm>>
    tpu.enqueue_dma source(%dma_start3A_23 : memref<96xi32, #tpu.memory_space<hbm>>) target(%dma_start3A_22 : memref<96xi32, #tpu.memory_space<vmem>>) target_semaphore(%arg11 : memref<!tpu.dma_semaphore, #tpu.memory_space<semaphore_mem>>)
    %add3A_24 = arith.constant 96 : i32
    %add3A_25 = arith.addi %mul3A_4, %add3A_24 : i32
    %dma_start3A_26 = arith.constant 1 : i32
    %dma_start3A_27 = arith.constant 0 : i32
    %dma_start3A_28 = tpu.memref_slice %arg8[%dma_start3A_26, %dma_start3A_27] : memref<14x96xi32, #tpu.memory_space<vmem>> -> memref<1x96xi32, #tpu.memory_space<vmem>>
    %dma_start3A_29 = tpu.memref_squeeze %dma_start3A_28 : memref<1x96xi32, #tpu.memory_space<vmem>> -> memref<96xi32, #tpu.memory_space<vmem>>
    %dma_start3A_30 = tpu.memref_slice %arg3[%add3A_25] : memref<322560xi32, #tpu.memory_space<hbm>> -> memref<96xi32, #tpu.memory_space<hbm>>
    %dma_start3A_31 = arith.constant 0 : i32
    %dma_start3A_32 = tpu.memref_slice %arg8[%dma_start3A_26, %dma_start3A_31] : memref<14x96xi32, #tpu.memory_space<vmem>> -> memref<1x96xi32, #tpu.memory_space<vmem>>
    %dma_start3A_33 = tpu.memref_squeeze %dma_start3A_32 : memref<1x96xi32, #tpu.memory_space<vmem>> -> memref<96xi32, #tpu.memory_space<vmem>>
    %dma_start3A_34 = tpu.memref_slice %arg3[%add3A_25] : memref<322560xi32, #tpu.memory_space<hbm>> -> memref<96xi32, #tpu.memory_space<hbm>>
    tpu.enqueue_dma source(%dma_start3A_34 : memref<96xi32, #tpu.memory_space<hbm>>) target(%dma_start3A_33 : memref<96xi32, #tpu.memory_space<vmem>>) target_semaphore(%arg11 : memref<!tpu.dma_semaphore, #tpu.memory_space<semaphore_mem>>)
    %dma_start3A_35 = arith.constant 1 : i32
    %dma_start3A_36 = arith.constant 0 : i32
    %dma_start3A_37 = tpu.memref_slice %arg9[%dma_start3A_35, %dma_start3A_36] : memref<14x96xi32, #tpu.memory_space<vmem>> -> memref<1x96xi32, #tpu.memory_space<vmem>>
    %dma_start3A_38 = tpu.memref_squeeze %dma_start3A_37 : memref<1x96xi32, #tpu.memory_space<vmem>> -> memref<96xi32, #tpu.memory_space<vmem>>
    %dma_start3A_39 = tpu.memref_slice %arg4[%add3A_25] : memref<322560xi32, #tpu.memory_space<hbm>> -> memref<96xi32, #tpu.memory_space<hbm>>
    %dma_start3A_40 = arith.constant 0 : i32
    %dma_start3A_41 = tpu.memref_slice %arg9[%dma_start3A_35, %dma_start3A_40] : memref<14x96xi32, #tpu.memory_space<vmem>> -> memref<1x96xi32, #tpu.memory_space<vmem>>
    %dma_start3A_42 = tpu.memref_squeeze %dma_start3A_41 : memref<1x96xi32, #tpu.memory_space<vmem>> -> memref<96xi32, #tpu.memory_space<vmem>>
    %dma_start3A_43 = tpu.memref_slice %arg4[%add3A_25] : memref<322560xi32, #tpu.memory_space<hbm>> -> memref<96xi32, #tpu.memory_space<hbm>>
    tpu.enqueue_dma source(%dma_start3A_43 : memref<96xi32, #tpu.memory_space<hbm>>) target(%dma_start3A_42 : memref<96xi32, #tpu.memory_space<vmem>>) target_semaphore(%arg11 : memref<!tpu.dma_semaphore, #tpu.memory_space<semaphore_mem>>)
    %add3A_44 = arith.constant 192 : i32
    %add3A_45 = arith.addi %mul3A_4, %add3A_44 : i32
    %dma_start3A_46 = arith.constant 2 : i32
    %dma_start3A_47 = arith.constant 0 : i32
    %dma_start3A_48 = tpu.memref_slice %arg8[%dma_start3A_46, %dma_start3A_47] : memref<14x96xi32, #tpu.memory_space<vmem>> -> memref<1x96xi32, #tpu.memory_space<vmem>>
    %dma_start3A_49 = tpu.memref_squeeze %dma_start3A_48 : memref<1x96xi32, #tpu.memory_space<vmem>> -> memref<96xi32, #tpu.memory_space<vmem>>
    %dma_start3A_50 = tpu.memref_slice %arg3[%add3A_45] : memref<322560xi32, #tpu.memory_space<hbm>> -> memref<96xi32, #tpu.memory_space<hbm>>
    %dma_start3A_51 = arith.constant 0 : i32
    %dma_start3A_52 = tpu.memref_slice %arg8[%dma_start3A_46, %dma_start3A_51] : memref<14x96xi32, #tpu.memory_space<vmem>> -> memref<1x96xi32, #tpu.memory_space<vmem>>
    %dma_start3A_53 = tpu.memref_squeeze %dma_start3A_52 : memref<1x96xi32, #tpu.memory_space<vmem>> -> memref<96xi32, #tpu.memory_space<vmem>>
    %dma_start3A_54 = tpu.memref_slice %arg3[%add3A_45] : memref<322560xi32, #tpu.memory_space<hbm>> -> memref<96xi32, #tpu.memory_space<hbm>>
    tpu.enqueue_dma source(%dma_start3A_54 : memref<96xi32, #tpu.memory_space<hbm>>) target(%dma_start3A_53 : memref<96xi32, #tpu.memory_space<vmem>>) target_semaphore(%arg11 : memref<!tpu.dma_semaphore, #tpu.memory_space<semaphore_mem>>)
    %dma_start3A_55 = arith.constant 2 : i32
    %dma_start3A_56 = arith.constant 0 : i32
    %dma_start3A_57 = tpu.memref_slice %arg9[%dma_start3A_55, %dma_start3A_56] : memref<14x96xi32, #tpu.memory_space<vmem>> -> memref<1x96xi32, #tpu.memory_space<vmem>>
    %dma_start3A_58 = tpu.memref_squeeze %dma_start3A_57 : memref<1x96xi32, #tpu.memory_space<vmem>> -> memref<96xi32, #tpu.memory_space<vmem>>
    %dma_start3A_59 = tpu.memref_slice %arg4[%add3A_45] : memref<322560xi32, #tpu.memory_space<hbm>> -> memref<96xi32, #tpu.memory_space<hbm>>
    %dma_start3A_60 = arith.constant 0 : i32
    %dma_start3A_61 = tpu.memref_slice %arg9[%dma_start3A_55, %dma_start3A_60] : memref<14x96xi32, #tpu.memory_space<vmem>> -> memref<1x96xi32, #tpu.memory_space<vmem>>
    %dma_start3A_62 = tpu.memref_squeeze %dma_start3A_61 : memref<1x96xi32, #tpu.memory_space<vmem>> -> memref<96xi32, #tpu.memory_space<vmem>>
    %dma_start3A_63 = tpu.memref_slice %arg4[%add3A_45] : memref<322560xi32, #tpu.memory_space<hbm>> -> memref<96xi32, #tpu.memory_space<hbm>>
    tpu.enqueue_dma source(%dma_start3A_63 : memref<96xi32, #tpu.memory_space<hbm>>) target(%dma_start3A_62 : memref<96xi32, #tpu.memory_space<vmem>>) target_semaphore(%arg11 : memref<!tpu.dma_semaphore, #tpu.memory_space<semaphore_mem>>)
    %add3A_64 = arith.constant 288 : i32
    %add3A_65 = arith.addi %mul3A_4, %add3A_64 : i32
    %dma_start3A_66 = arith.constant 3 : i32
    %dma_start3A_67 = arith.constant 0 : i32
    %dma_start3A_68 = tpu.memref_slice %arg8[%dma_start3A_66, %dma_start3A_67] : memref<14x96xi32, #tpu.memory_space<vmem>> -> memref<1x96xi32, #tpu.memory_space<vmem>>
    %dma_start3A_69 = tpu.memref_squeeze %dma_start3A_68 : memref<1x96xi32, #tpu.memory_space<vmem>> -> memref<96xi32, #tpu.memory_space<vmem>>
    %dma_start3A_70 = tpu.memref_slice %arg3[%add3A_65] : memref<322560xi32, #tpu.memory_space<hbm>> -> memref<96xi32, #tpu.memory_space<hbm>>
    %dma_start3A_71 = arith.constant 0 : i32
    %dma_start3A_72 = tpu.memref_slice %arg8[%dma_start3A_66, %dma_start3A_71] : memref<14x96xi32, #tpu.memory_space<vmem>> -> memref<1x96xi32, #tpu.memory_space<vmem>>
    %dma_start3A_73 = tpu.memref_squeeze %dma_start3A_72 : memref<1x96xi32, #tpu.memory_space<vmem>> -> memref<96xi32, #tpu.memory_space<vmem>>
    %dma_start3A_74 = tpu.memref_slice %arg3[%add3A_65] : memref<322560xi32, #tpu.memory_space<hbm>> -> memref<96xi32, #tpu.memory_space<hbm>>
    tpu.enqueue_dma source(%dma_start3A_74 : memref<96xi32, #tpu.memory_space<hbm>>) target(%dma_start3A_73 : memref<96xi32, #tpu.memory_space<vmem>>) target_semaphore(%arg11 : memref<!tpu.dma_semaphore, #tpu.memory_space<semaphore_mem>>)
    %dma_start3A_75 = arith.constant 3 : i32
    %dma_start3A_76 = arith.constant 0 : i32
    %dma_start3A_77 = tpu.memref_slice %arg9[%dma_start3A_75, %dma_start3A_76] : memref<14x96xi32, #tpu.memory_space<vmem>> -> memref<1x96xi32, #tpu.memory_space<vmem>>
    %dma_start3A_78 = tpu.memref_squeeze %dma_start3A_77 : memref<1x96xi32, #tpu.memory_space<vmem>> -> memref<96xi32, #tpu.memory_space<vmem>>
    %dma_start3A_79 = tpu.memref_slice %arg4[%add3A_65] : memref<322560xi32, #tpu.memory_space<hbm>> -> memref<96xi32, #tpu.memory_space<hbm>>
    %dma_start3A_80 = arith.constant 0 : i32
    %dma_start3A_81 = tpu.memref_slice %arg9[%dma_start3A_75, %dma_start3A_80] : memref<14x96xi32, #tpu.memory_space<vmem>> -> memref<1x96xi32, #tpu.memory_space<vmem>>
    %dma_start3A_82 = tpu.memref_squeeze %dma_start3A_81 : memref<1x96xi32, #tpu.memory_space<vmem>> -> memref<96xi32, #tpu.memory_space<vmem>>
    %dma_start3A_83 = tpu.memref_slice %arg4[%add3A_65] : memref<322560xi32, #tpu.memory_space<hbm>> -> memref<96xi32, #tpu.memory_space<hbm>>
    tpu.enqueue_dma source(%dma_start3A_83 : memref<96xi32, #tpu.memory_space<hbm>>) target(%dma_start3A_82 : memref<96xi32, #tpu.memory_space<vmem>>) target_semaphore(%arg11 : memref<!tpu.dma_semaphore, #tpu.memory_space<semaphore_mem>>)
    %add3A_84 = arith.constant 384 : i32
    %add3A_85 = arith.addi %mul3A_4, %add3A_84 : i32
    %dma_start3A_86 = arith.constant 4 : i32
    %dma_start3A_87 = arith.constant 0 : i32
    %dma_start3A_88 = tpu.memref_slice %arg8[%dma_start3A_86, %dma_start3A_87] : memref<14x96xi32, #tpu.memory_space<vmem>> -> memref<1x96xi32, #tpu.memory_space<vmem>>
    %dma_start3A_89 = tpu.memref_squeeze %dma_start3A_88 : memref<1x96xi32, #tpu.memory_space<vmem>> -> memref<96xi32, #tpu.memory_space<vmem>>
    %dma_start3A_90 = tpu.memref_slice %arg3[%add3A_85] : memref<322560xi32, #tpu.memory_space<hbm>> -> memref<96xi32, #tpu.memory_space<hbm>>
    %dma_start3A_91 = arith.constant 0 : i32
    %dma_start3A_92 = tpu.memref_slice %arg8[%dma_start3A_86, %dma_start3A_91] : memref<14x96xi32, #tpu.memory_space<vmem>> -> memref<1x96xi32, #tpu.memory_space<vmem>>
    %dma_start3A_93 = tpu.memref_squeeze %dma_start3A_92 : memref<1x96xi32, #tpu.memory_space<vmem>> -> memref<96xi32, #tpu.memory_space<vmem>>
    %dma_start3A_94 = tpu.memref_slice %arg3[%add3A_85] : memref<322560xi32, #tpu.memory_space<hbm>> -> memref<96xi32, #tpu.memory_space<hbm>>
    tpu.enqueue_dma source(%dma_start3A_94 : memref<96xi32, #tpu.memory_space<hbm>>) target(%dma_start3A_93 : memref<96xi32, #tpu.memory_space<vmem>>) target_semaphore(%arg11 : memref<!tpu.dma_semaphore, #tpu.memory_space<semaphore_mem>>)
    %dma_start3A_95 = arith.constant 4 : i32
    %dma_start3A_96 = arith.constant 0 : i32
    %dma_start3A_97 = tpu.memref_slice %arg9[%dma_start3A_95, %dma_start3A_96] : memref<14x96xi32, #tpu.memory_space<vmem>> -> memref<1x96xi32, #tpu.memory_space<vmem>>
    %dma_start3A_98 = tpu.memref_squeeze %dma_start3A_97 : memref<1x96xi32, #tpu.memory_space<vmem>> -> memref<96xi32, #tpu.memory_space<vmem>>
    %dma_start3A_99 = tpu.memref_slice %arg4[%add3A_85] : memref<322560xi32, #tpu.memory_space<hbm>> -> memref<96xi32, #tpu.memory_space<hbm>>
    %dma_start3A_100 = arith.constant 0 : i32
    %dma_start3A_101 = tpu.memref_slice %arg9[%dma_start3A_95, %dma_start3A_100] : memref<14x96xi32, #tpu.memory_space<vmem>> -> memref<1x96xi32, #tpu.memory_space<vmem>>
    %dma_start3A_102 = tpu.memref_squeeze %dma_start3A_101 : memref<1x96xi32, #tpu.memory_space<vmem>> -> memref<96xi32, #tpu.memory_space<vmem>>
    %dma_start3A_103 = tpu.memref_slice %arg4[%add3A_85] : memref<322560xi32, #tpu.memory_space<hbm>> -> memref<96xi32, #tpu.memory_space<hbm>>
    tpu.enqueue_dma source(%dma_start3A_103 : memref<96xi32, #tpu.memory_space<hbm>>) target(%dma_start3A_102 : memref<96xi32, #tpu.memory_space<vmem>>) target_semaphore(%arg11 : memref<!tpu.dma_semaphore, #tpu.memory_space<semaphore_mem>>)
    %add3A_104 = arith.constant 480 : i32
    %add3A_105 = arith.addi %mul3A_4, %add3A_104 : i32
    %dma_start3A_106 = arith.constant 5 : i32
    %dma_start3A_107 = arith.constant 0 : i32
    %dma_start3A_108 = tpu.memref_slice %arg8[%dma_start3A_106, %dma_start3A_107] : memref<14x96xi32, #tpu.memory_space<vmem>> -> memref<1x96xi32, #tpu.memory_space<vmem>>
    %dma_start3A_109 = tpu.memref_squeeze %dma_start3A_108 : memref<1x96xi32, #tpu.memory_space<vmem>> -> memref<96xi32, #tpu.memory_space<vmem>>
    %dma_start3A_110 = tpu.memref_slice %arg3[%add3A_105] : memref<322560xi32, #tpu.memory_space<hbm>> -> memref<96xi32, #tpu.memory_space<hbm>>
    %dma_start3A_111 = arith.constant 0 : i32
    %dma_start3A_112 = tpu.memref_slice %arg8[%dma_start3A_106, %dma_start3A_111] : memref<14x96xi32, #tpu.memory_space<vmem>> -> memref<1x96xi32, #tpu.memory_space<vmem>>
    %dma_start3A_113 = tpu.memref_squeeze %dma_start3A_112 : memref<1x96xi32, #tpu.memory_space<vmem>> -> memref<96xi32, #tpu.memory_space<vmem>>
    %dma_start3A_114 = tpu.memref_slice %arg3[%add3A_105] : memref<322560xi32, #tpu.memory_space<hbm>> -> memref<96xi32, #tpu.memory_space<hbm>>
    tpu.enqueue_dma source(%dma_start3A_114 : memref<96xi32, #tpu.memory_space<hbm>>) target(%dma_start3A_113 : memref<96xi32, #tpu.memory_space<vmem>>) target_semaphore(%arg11 : memref<!tpu.dma_semaphore, #tpu.memory_space<semaphore_mem>>)
    %dma_start3A_115 = arith.constant 5 : i32
    %dma_start3A_116 = arith.constant 0 : i32
    %dma_start3A_117 = tpu.memref_slice %arg9[%dma_start3A_115, %dma_start3A_116] : memref<14x96xi32, #tpu.memory_space<vmem>> -> memref<1x96xi32, #tpu.memory_space<vmem>>
    %dma_start3A_118 = tpu.memref_squeeze %dma_start3A_117 : memref<1x96xi32, #tpu.memory_space<vmem>> -> memref<96xi32, #tpu.memory_space<vmem>>
    %dma_start3A_119 = tpu.memref_slice %arg4[%add3A_105] : memref<322560xi32, #tpu.memory_space<hbm>> -> memref<96xi32, #tpu.memory_space<hbm>>
    %dma_start3A_120 = arith.constant 0 : i32
    %dma_start3A_121 = tpu.memref_slice %arg9[%dma_start3A_115, %dma_start3A_120] : memref<14x96xi32, #tpu.memory_space<vmem>> -> memref<1x96xi32, #tpu.memory_space<vmem>>
    %dma_start3A_122 = tpu.memref_squeeze %dma_start3A_121 : memref<1x96xi32, #tpu.memory_space<vmem>> -> memref<96xi32, #tpu.memory_space<vmem>>
    %dma_start3A_123 = tpu.memref_slice %arg4[%add3A_105] : memref<322560xi32, #tpu.memory_space<hbm>> -> memref<96xi32, #tpu.memory_space<hbm>>
    tpu.enqueue_dma source(%dma_start3A_123 : memref<96xi32, #tpu.memory_space<hbm>>) target(%dma_start3A_122 : memref<96xi32, #tpu.memory_space<vmem>>) target_semaphore(%arg11 : memref<!tpu.dma_semaphore, #tpu.memory_space<semaphore_mem>>)
    %add3A_124 = arith.constant 576 : i32
    %add3A_125 = arith.addi %mul3A_4, %add3A_124 : i32
    %dma_start3A_126 = arith.constant 6 : i32
    %dma_start3A_127 = arith.constant 0 : i32
    %dma_start3A_128 = tpu.memref_slice %arg8[%dma_start3A_126, %dma_start3A_127] : memref<14x96xi32, #tpu.memory_space<vmem>> -> memref<1x96xi32, #tpu.memory_space<vmem>>
    %dma_start3A_129 = tpu.memref_squeeze %dma_start3A_128 : memref<1x96xi32, #tpu.memory_space<vmem>> -> memref<96xi32, #tpu.memory_space<vmem>>
    %dma_start3A_130 = tpu.memref_slice %arg3[%add3A_125] : memref<322560xi32, #tpu.memory_space<hbm>> -> memref<96xi32, #tpu.memory_space<hbm>>
    %dma_start3A_131 = arith.constant 0 : i32
    %dma_start3A_132 = tpu.memref_slice %arg8[%dma_start3A_126, %dma_start3A_131] : memref<14x96xi32, #tpu.memory_space<vmem>> -> memref<1x96xi32, #tpu.memory_space<vmem>>
    %dma_start3A_133 = tpu.memref_squeeze %dma_start3A_132 : memref<1x96xi32, #tpu.memory_space<vmem>> -> memref<96xi32, #tpu.memory_space<vmem>>
    %dma_start3A_134 = tpu.memref_slice %arg3[%add3A_125] : memref<322560xi32, #tpu.memory_space<hbm>> -> memref<96xi32, #tpu.memory_space<hbm>>
    tpu.enqueue_dma source(%dma_start3A_134 : memref<96xi32, #tpu.memory_space<hbm>>) target(%dma_start3A_133 : memref<96xi32, #tpu.memory_space<vmem>>) target_semaphore(%arg11 : memref<!tpu.dma_semaphore, #tpu.memory_space<semaphore_mem>>)
    %dma_start3A_135 = arith.constant 6 : i32
    %dma_start3A_136 = arith.constant 0 : i32
    %dma_start3A_137 = tpu.memref_slice %arg9[%dma_start3A_135, %dma_start3A_136] : memref<14x96xi32, #tpu.memory_space<vmem>> -> memref<1x96xi32, #tpu.memory_space<vmem>>
    %dma_start3A_138 = tpu.memref_squeeze %dma_start3A_137 : memref<1x96xi32, #tpu.memory_space<vmem>> -> memref<96xi32, #tpu.memory_space<vmem>>
    %dma_start3A_139 = tpu.memref_slice %arg4[%add3A_125] : memref<322560xi32, #tpu.memory_space<hbm>> -> memref<96xi32, #tpu.memory_space<hbm>>
    %dma_start3A_140 = arith.constant 0 : i32
    %dma_start3A_141 = tpu.memref_slice %arg9[%dma_start3A_135, %dma_start3A_140] : memref<14x96xi32, #tpu.memory_space<vmem>> -> memref<1x96xi32, #tpu.memory_space<vmem>>
    %dma_start3A_142 = tpu.memref_squeeze %dma_start3A_141 : memref<1x96xi32, #tpu.memory_space<vmem>> -> memref<96xi32, #tpu.memory_space<vmem>>
    %dma_start3A_143 = tpu.memref_slice %arg4[%add3A_125] : memref<322560xi32, #tpu.memory_space<hbm>> -> memref<96xi32, #tpu.memory_space<hbm>>
    tpu.enqueue_dma source(%dma_start3A_143 : memref<96xi32, #tpu.memory_space<hbm>>) target(%dma_start3A_142 : memref<96xi32, #tpu.memory_space<vmem>>) target_semaphore(%arg11 : memref<!tpu.dma_semaphore, #tpu.memory_space<semaphore_mem>>)
    %scan3A = arith.constant 0 : i32
    %scan3A_144 = arith.constant 0 : i32
    %scan3A_145 = arith.constant 15 : i32
    %scan3A_146 = arith.addi %scan3A_144, %scan3A_145 : i32
    %scan3A_147 = arith.constant 1 : i32
    scf.for %scan3A_363 = %scan3A_144 to %scan3A_146 step %scan3A_147  : i32 {
      %rem3A = arith.constant 2 : i32
      %rem3A_364 = arith.remsi %scan3A_363, %rem3A : i32
      %mul3A_365 = arith.constant 7 : i32
      %mul3A_366 = arith.muli %rem3A_364, %mul3A_365 : i32
      %sub3A = arith.constant 7 : i32
      %sub3A_367 = arith.subi %sub3A, %mul3A_366 : i32
      %add3A_368 = arith.constant 0 : i32
      %add3A_369 = arith.addi %mul3A_366, %add3A_368 : i32
      %dma_wait3A_370 = arith.constant 0 : i32
      %dma_wait3A_371 = tpu.memref_slice %arg8[%add3A_369, %dma_wait3A_370] : memref<14x96xi32, #tpu.memory_space<vmem>> -> memref<1x96xi32, #tpu.memory_space<vmem>>
      %dma_wait3A_372 = tpu.memref_squeeze %dma_wait3A_371 : memref<1x96xi32, #tpu.memory_space<vmem>> -> memref<96xi32, #tpu.memory_space<vmem>>
      %dma_wait3A_373 = tpu.memref_slice %arg3[%mul3A_4] : memref<322560xi32, #tpu.memory_space<hbm>> -> memref<96xi32, #tpu.memory_space<hbm>>
      %dma_wait3A_374 = arith.constant 0 : i32
      %dma_wait3A_375 = tpu.memref_slice %arg8[%add3A_369, %dma_wait3A_374] : memref<14x96xi32, #tpu.memory_space<vmem>> -> memref<1x96xi32, #tpu.memory_space<vmem>>
      %dma_wait3A_376 = tpu.memref_squeeze %dma_wait3A_375 : memref<1x96xi32, #tpu.memory_space<vmem>> -> memref<96xi32, #tpu.memory_space<vmem>>
      %dma_wait3A_377 = tpu.memref_slice %arg3[%mul3A_4] : memref<322560xi32, #tpu.memory_space<hbm>> -> memref<96xi32, #tpu.memory_space<hbm>>
      tpu.wait_dma2 semaphore(%arg11 : memref<!tpu.dma_semaphore, #tpu.memory_space<semaphore_mem>>) src(%dma_wait3A_377 : memref<96xi32, #tpu.memory_space<hbm>>) dst(%dma_wait3A_376 : memref<96xi32, #tpu.memory_space<vmem>>)
      %add3A_378 = arith.constant 0 : i32
      %add3A_379 = arith.addi %mul3A_366, %add3A_378 : i32
      %dma_wait3A_380 = arith.constant 0 : i32
      %dma_wait3A_381 = tpu.memref_slice %arg9[%add3A_379, %dma_wait3A_380] : memref<14x96xi32, #tpu.memory_space<vmem>> -> memref<1x96xi32, #tpu.memory_space<vmem>>
      %dma_wait3A_382 = tpu.memref_squeeze %dma_wait3A_381 : memref<1x96xi32, #tpu.memory_space<vmem>> -> memref<96xi32, #tpu.memory_space<vmem>>
      %dma_wait3A_383 = tpu.memref_slice %arg4[%mul3A_4] : memref<322560xi32, #tpu.memory_space<hbm>> -> memref<96xi32, #tpu.memory_space<hbm>>
      %dma_wait3A_384 = arith.constant 0 : i32
      %dma_wait3A_385 = tpu.memref_slice %arg9[%add3A_379, %dma_wait3A_384] : memref<14x96xi32, #tpu.memory_space<vmem>> -> memref<1x96xi32, #tpu.memory_space<vmem>>
      %dma_wait3A_386 = tpu.memref_squeeze %dma_wait3A_385 : memref<1x96xi32, #tpu.memory_space<vmem>> -> memref<96xi32, #tpu.memory_space<vmem>>
      %dma_wait3A_387 = tpu.memref_slice %arg4[%mul3A_4] : memref<322560xi32, #tpu.memory_space<hbm>> -> memref<96xi32, #tpu.memory_space<hbm>>
      tpu.wait_dma2 semaphore(%arg11 : memref<!tpu.dma_semaphore, #tpu.memory_space<semaphore_mem>>) src(%dma_wait3A_387 : memref<96xi32, #tpu.memory_space<hbm>>) dst(%dma_wait3A_386 : memref<96xi32, #tpu.memory_space<vmem>>)
      %add3A_388 = arith.constant 1 : i32
      %add3A_389 = arith.addi %mul3A_366, %add3A_388 : i32
      %dma_wait3A_390 = arith.constant 0 : i32
      %dma_wait3A_391 = tpu.memref_slice %arg8[%add3A_389, %dma_wait3A_390] : memref<14x96xi32, #tpu.memory_space<vmem>> -> memref<1x96xi32, #tpu.memory_space<vmem>>
      %dma_wait3A_392 = tpu.memref_squeeze %dma_wait3A_391 : memref<1x96xi32, #tpu.memory_space<vmem>> -> memref<96xi32, #tpu.memory_space<vmem>>
      %dma_wait3A_393 = tpu.memref_slice %arg3[%mul3A_4] : memref<322560xi32, #tpu.memory_space<hbm>> -> memref<96xi32, #tpu.memory_space<hbm>>
      %dma_wait3A_394 = arith.constant 0 : i32
      %dma_wait3A_395 = tpu.memref_slice %arg8[%add3A_389, %dma_wait3A_394] : memref<14x96xi32, #tpu.memory_space<vmem>> -> memref<1x96xi32, #tpu.memory_space<vmem>>
      %dma_wait3A_396 = tpu.memref_squeeze %dma_wait3A_395 : memref<1x96xi32, #tpu.memory_space<vmem>> -> memref<96xi32, #tpu.memory_space<vmem>>
      %dma_wait3A_397 = tpu.memref_slice %arg3[%mul3A_4] : memref<322560xi32, #tpu.memory_space<hbm>> -> memref<96xi32, #tpu.memory_space<hbm>>
      tpu.wait_dma2 semaphore(%arg11 : memref<!tpu.dma_semaphore, #tpu.memory_space<semaphore_mem>>) src(%dma_wait3A_397 : memref<96xi32, #tpu.memory_space<hbm>>) dst(%dma_wait3A_396 : memref<96xi32, #tpu.memory_space<vmem>>)
      %add3A_398 = arith.constant 1 : i32
      %add3A_399 = arith.addi %mul3A_366, %add3A_398 : i32
      %dma_wait3A_400 = arith.constant 0 : i32
      %dma_wait3A_401 = tpu.memref_slice %arg9[%add3A_399, %dma_wait3A_400] : memref<14x96xi32, #tpu.memory_space<vmem>> -> memref<1x96xi32, #tpu.memory_space<vmem>>
      %dma_wait3A_402 = tpu.memref_squeeze %dma_wait3A_401 : memref<1x96xi32, #tpu.memory_space<vmem>> -> memref<96xi32, #tpu.memory_space<vmem>>
      %dma_wait3A_403 = tpu.memref_slice %arg4[%mul3A_4] : memref<322560xi32, #tpu.memory_space<hbm>> -> memref<96xi32, #tpu.memory_space<hbm>>
      %dma_wait3A_404 = arith.constant 0 : i32
      %dma_wait3A_405 = tpu.memref_slice %arg9[%add3A_399, %dma_wait3A_404] : memref<14x96xi32, #tpu.memory_space<vmem>> -> memref<1x96xi32, #tpu.memory_space<vmem>>
      %dma_wait3A_406 = tpu.memref_squeeze %dma_wait3A_405 : memref<1x96xi32, #tpu.memory_space<vmem>> -> memref<96xi32, #tpu.memory_space<vmem>>
      %dma_wait3A_407 = tpu.memref_slice %arg4[%mul3A_4] : memref<322560xi32, #tpu.memory_space<hbm>> -> memref<96xi32, #tpu.memory_space<hbm>>
      tpu.wait_dma2 semaphore(%arg11 : memref<!tpu.dma_semaphore, #tpu.memory_space<semaphore_mem>>) src(%dma_wait3A_407 : memref<96xi32, #tpu.memory_space<hbm>>) dst(%dma_wait3A_406 : memref<96xi32, #tpu.memory_space<vmem>>)
      %add3A_408 = arith.constant 2 : i32
      %add3A_409 = arith.addi %mul3A_366, %add3A_408 : i32
      %dma_wait3A_410 = arith.constant 0 : i32
      %dma_wait3A_411 = tpu.memref_slice %arg8[%add3A_409, %dma_wait3A_410] : memref<14x96xi32, #tpu.memory_space<vmem>> -> memref<1x96xi32, #tpu.memory_space<vmem>>
      %dma_wait3A_412 = tpu.memref_squeeze %dma_wait3A_411 : memref<1x96xi32, #tpu.memory_space<vmem>> -> memref<96xi32, #tpu.memory_space<vmem>>
      %dma_wait3A_413 = tpu.memref_slice %arg3[%mul3A_4] : memref<322560xi32, #tpu.memory_space<hbm>> -> memref<96xi32, #tpu.memory_space<hbm>>
      %dma_wait3A_414 = arith.constant 0 : i32
      %dma_wait3A_415 = tpu.memref_slice %arg8[%add3A_409, %dma_wait3A_414] : memref<14x96xi32, #tpu.memory_space<vmem>> -> memref<1x96xi32, #tpu.memory_space<vmem>>
      %dma_wait3A_416 = tpu.memref_squeeze %dma_wait3A_415 : memref<1x96xi32, #tpu.memory_space<vmem>> -> memref<96xi32, #tpu.memory_space<vmem>>
      %dma_wait3A_417 = tpu.memref_slice %arg3[%mul3A_4] : memref<322560xi32, #tpu.memory_space<hbm>> -> memref<96xi32, #tpu.memory_space<hbm>>
      tpu.wait_dma2 semaphore(%arg11 : memref<!tpu.dma_semaphore, #tpu.memory_space<semaphore_mem>>) src(%dma_wait3A_417 : memref<96xi32, #tpu.memory_space<hbm>>) dst(%dma_wait3A_416 : memref<96xi32, #tpu.memory_space<vmem>>)
      %add3A_418 = arith.constant 2 : i32
      %add3A_419 = arith.addi %mul3A_366, %add3A_418 : i32
      %dma_wait3A_420 = arith.constant 0 : i32
      %dma_wait3A_421 = tpu.memref_slice %arg9[%add3A_419, %dma_wait3A_420] : memref<14x96xi32, #tpu.memory_space<vmem>> -> memref<1x96xi32, #tpu.memory_space<vmem>>
      %dma_wait3A_422 = tpu.memref_squeeze %dma_wait3A_421 : memref<1x96xi32, #tpu.memory_space<vmem>> -> memref<96xi32, #tpu.memory_space<vmem>>
      %dma_wait3A_423 = tpu.memref_slice %arg4[%mul3A_4] : memref<322560xi32, #tpu.memory_space<hbm>> -> memref<96xi32, #tpu.memory_space<hbm>>
      %dma_wait3A_424 = arith.constant 0 : i32
      %dma_wait3A_425 = tpu.memref_slice %arg9[%add3A_419, %dma_wait3A_424] : memref<14x96xi32, #tpu.memory_space<vmem>> -> memref<1x96xi32, #tpu.memory_space<vmem>>
      %dma_wait3A_426 = tpu.memref_squeeze %dma_wait3A_425 : memref<1x96xi32, #tpu.memory_space<vmem>> -> memref<96xi32, #tpu.memory_space<vmem>>
      %dma_wait3A_427 = tpu.memref_slice %arg4[%mul3A_4] : memref<322560xi32, #tpu.memory_space<hbm>> -> memref<96xi32, #tpu.memory_space<hbm>>
      tpu.wait_dma2 semaphore(%arg11 : memref<!tpu.dma_semaphore, #tpu.memory_space<semaphore_mem>>) src(%dma_wait3A_427 : memref<96xi32, #tpu.memory_space<hbm>>) dst(%dma_wait3A_426 : memref<96xi32, #tpu.memory_space<vmem>>)
      %add3A_428 = arith.constant 3 : i32
      %add3A_429 = arith.addi %mul3A_366, %add3A_428 : i32
      %dma_wait3A_430 = arith.constant 0 : i32
      %dma_wait3A_431 = tpu.memref_slice %arg8[%add3A_429, %dma_wait3A_430] : memref<14x96xi32, #tpu.memory_space<vmem>> -> memref<1x96xi32, #tpu.memory_space<vmem>>
      %dma_wait3A_432 = tpu.memref_squeeze %dma_wait3A_431 : memref<1x96xi32, #tpu.memory_space<vmem>> -> memref<96xi32, #tpu.memory_space<vmem>>
      %dma_wait3A_433 = tpu.memref_slice %arg3[%mul3A_4] : memref<322560xi32, #tpu.memory_space<hbm>> -> memref<96xi32, #tpu.memory_space<hbm>>
      %dma_wait3A_434 = arith.constant 0 : i32
      %dma_wait3A_435 = tpu.memref_slice %arg8[%add3A_429, %dma_wait3A_434] : memref<14x96xi32, #tpu.memory_space<vmem>> -> memref<1x96xi32, #tpu.memory_space<vmem>>
      %dma_wait3A_436 = tpu.memref_squeeze %dma_wait3A_435 : memref<1x96xi32, #tpu.memory_space<vmem>> -> memref<96xi32, #tpu.memory_space<vmem>>
      %dma_wait3A_437 = tpu.memref_slice %arg3[%mul3A_4] : memref<322560xi32, #tpu.memory_space<hbm>> -> memref<96xi32, #tpu.memory_space<hbm>>
      tpu.wait_dma2 semaphore(%arg11 : memref<!tpu.dma_semaphore, #tpu.memory_space<semaphore_mem>>) src(%dma_wait3A_437 : memref<96xi32, #tpu.memory_space<hbm>>) dst(%dma_wait3A_436 : memref<96xi32, #tpu.memory_space<vmem>>)
      %add3A_438 = arith.constant 3 : i32
      %add3A_439 = arith.addi %mul3A_366, %add3A_438 : i32
      %dma_wait3A_440 = arith.constant 0 : i32
      %dma_wait3A_441 = tpu.memref_slice %arg9[%add3A_439, %dma_wait3A_440] : memref<14x96xi32, #tpu.memory_space<vmem>> -> memref<1x96xi32, #tpu.memory_space<vmem>>
      %dma_wait3A_442 = tpu.memref_squeeze %dma_wait3A_441 : memref<1x96xi32, #tpu.memory_space<vmem>> -> memref<96xi32, #tpu.memory_space<vmem>>
      %dma_wait3A_443 = tpu.memref_slice %arg4[%mul3A_4] : memref<322560xi32, #tpu.memory_space<hbm>> -> memref<96xi32, #tpu.memory_space<hbm>>
      %dma_wait3A_444 = arith.constant 0 : i32
      %dma_wait3A_445 = tpu.memref_slice %arg9[%add3A_439, %dma_wait3A_444] : memref<14x96xi32, #tpu.memory_space<vmem>> -> memref<1x96xi32, #tpu.memory_space<vmem>>
      %dma_wait3A_446 = tpu.memref_squeeze %dma_wait3A_445 : memref<1x96xi32, #tpu.memory_space<vmem>> -> memref<96xi32, #tpu.memory_space<vmem>>
      %dma_wait3A_447 = tpu.memref_slice %arg4[%mul3A_4] : memref<322560xi32, #tpu.memory_space<hbm>> -> memref<96xi32, #tpu.memory_space<hbm>>
      tpu.wait_dma2 semaphore(%arg11 : memref<!tpu.dma_semaphore, #tpu.memory_space<semaphore_mem>>) src(%dma_wait3A_447 : memref<96xi32, #tpu.memory_space<hbm>>) dst(%dma_wait3A_446 : memref<96xi32, #tpu.memory_space<vmem>>)
      %add3A_448 = arith.constant 4 : i32
      %add3A_449 = arith.addi %mul3A_366, %add3A_448 : i32
      %dma_wait3A_450 = arith.constant 0 : i32
      %dma_wait3A_451 = tpu.memref_slice %arg8[%add3A_449, %dma_wait3A_450] : memref<14x96xi32, #tpu.memory_space<vmem>> -> memref<1x96xi32, #tpu.memory_space<vmem>>
      %dma_wait3A_452 = tpu.memref_squeeze %dma_wait3A_451 : memref<1x96xi32, #tpu.memory_space<vmem>> -> memref<96xi32, #tpu.memory_space<vmem>>
      %dma_wait3A_453 = tpu.memref_slice %arg3[%mul3A_4] : memref<322560xi32, #tpu.memory_space<hbm>> -> memref<96xi32, #tpu.memory_space<hbm>>
      %dma_wait3A_454 = arith.constant 0 : i32
      %dma_wait3A_455 = tpu.memref_slice %arg8[%add3A_449, %dma_wait3A_454] : memref<14x96xi32, #tpu.memory_space<vmem>> -> memref<1x96xi32, #tpu.memory_space<vmem>>
      %dma_wait3A_456 = tpu.memref_squeeze %dma_wait3A_455 : memref<1x96xi32, #tpu.memory_space<vmem>> -> memref<96xi32, #tpu.memory_space<vmem>>
      %dma_wait3A_457 = tpu.memref_slice %arg3[%mul3A_4] : memref<322560xi32, #tpu.memory_space<hbm>> -> memref<96xi32, #tpu.memory_space<hbm>>
      tpu.wait_dma2 semaphore(%arg11 : memref<!tpu.dma_semaphore, #tpu.memory_space<semaphore_mem>>) src(%dma_wait3A_457 : memref<96xi32, #tpu.memory_space<hbm>>) dst(%dma_wait3A_456 : memref<96xi32, #tpu.memory_space<vmem>>)
      %add3A_458 = arith.constant 4 : i32
      %add3A_459 = arith.addi %mul3A_366, %add3A_458 : i32
      %dma_wait3A_460 = arith.constant 0 : i32
      %dma_wait3A_461 = tpu.memref_slice %arg9[%add3A_459, %dma_wait3A_460] : memref<14x96xi32, #tpu.memory_space<vmem>> -> memref<1x96xi32, #tpu.memory_space<vmem>>
      %dma_wait3A_462 = tpu.memref_squeeze %dma_wait3A_461 : memref<1x96xi32, #tpu.memory_space<vmem>> -> memref<96xi32, #tpu.memory_space<vmem>>
      %dma_wait3A_463 = tpu.memref_slice %arg4[%mul3A_4] : memref<322560xi32, #tpu.memory_space<hbm>> -> memref<96xi32, #tpu.memory_space<hbm>>
      %dma_wait3A_464 = arith.constant 0 : i32
      %dma_wait3A_465 = tpu.memref_slice %arg9[%add3A_459, %dma_wait3A_464] : memref<14x96xi32, #tpu.memory_space<vmem>> -> memref<1x96xi32, #tpu.memory_space<vmem>>
      %dma_wait3A_466 = tpu.memref_squeeze %dma_wait3A_465 : memref<1x96xi32, #tpu.memory_space<vmem>> -> memref<96xi32, #tpu.memory_space<vmem>>
      %dma_wait3A_467 = tpu.memref_slice %arg4[%mul3A_4] : memref<322560xi32, #tpu.memory_space<hbm>> -> memref<96xi32, #tpu.memory_space<hbm>>
      tpu.wait_dma2 semaphore(%arg11 : memref<!tpu.dma_semaphore, #tpu.memory_space<semaphore_mem>>) src(%dma_wait3A_467 : memref<96xi32, #tpu.memory_space<hbm>>) dst(%dma_wait3A_466 : memref<96xi32, #tpu.memory_space<vmem>>)
      %add3A_468 = arith.constant 5 : i32
      %add3A_469 = arith.addi %mul3A_366, %add3A_468 : i32
      %dma_wait3A_470 = arith.constant 0 : i32
      %dma_wait3A_471 = tpu.memref_slice %arg8[%add3A_469, %dma_wait3A_470] : memref<14x96xi32, #tpu.memory_space<vmem>> -> memref<1x96xi32, #tpu.memory_space<vmem>>
      %dma_wait3A_472 = tpu.memref_squeeze %dma_wait3A_471 : memref<1x96xi32, #tpu.memory_space<vmem>> -> memref<96xi32, #tpu.memory_space<vmem>>
      %dma_wait3A_473 = tpu.memref_slice %arg3[%mul3A_4] : memref<322560xi32, #tpu.memory_space<hbm>> -> memref<96xi32, #tpu.memory_space<hbm>>
      %dma_wait3A_474 = arith.constant 0 : i32
      %dma_wait3A_475 = tpu.memref_slice %arg8[%add3A_469, %dma_wait3A_474] : memref<14x96xi32, #tpu.memory_space<vmem>> -> memref<1x96xi32, #tpu.memory_space<vmem>>
      %dma_wait3A_476 = tpu.memref_squeeze %dma_wait3A_475 : memref<1x96xi32, #tpu.memory_space<vmem>> -> memref<96xi32, #tpu.memory_space<vmem>>
      %dma_wait3A_477 = tpu.memref_slice %arg3[%mul3A_4] : memref<322560xi32, #tpu.memory_space<hbm>> -> memref<96xi32, #tpu.memory_space<hbm>>
      tpu.wait_dma2 semaphore(%arg11 : memref<!tpu.dma_semaphore, #tpu.memory_space<semaphore_mem>>) src(%dma_wait3A_477 : memref<96xi32, #tpu.memory_space<hbm>>) dst(%dma_wait3A_476 : memref<96xi32, #tpu.memory_space<vmem>>)
      %add3A_478 = arith.constant 5 : i32
      %add3A_479 = arith.addi %mul3A_366, %add3A_478 : i32
      %dma_wait3A_480 = arith.constant 0 : i32
      %dma_wait3A_481 = tpu.memref_slice %arg9[%add3A_479, %dma_wait3A_480] : memref<14x96xi32, #tpu.memory_space<vmem>> -> memref<1x96xi32, #tpu.memory_space<vmem>>
      %dma_wait3A_482 = tpu.memref_squeeze %dma_wait3A_481 : memref<1x96xi32, #tpu.memory_space<vmem>> -> memref<96xi32, #tpu.memory_space<vmem>>
      %dma_wait3A_483 = tpu.memref_slice %arg4[%mul3A_4] : memref<322560xi32, #tpu.memory_space<hbm>> -> memref<96xi32, #tpu.memory_space<hbm>>
      %dma_wait3A_484 = arith.constant 0 : i32
      %dma_wait3A_485 = tpu.memref_slice %arg9[%add3A_479, %dma_wait3A_484] : memref<14x96xi32, #tpu.memory_space<vmem>> -> memref<1x96xi32, #tpu.memory_space<vmem>>
      %dma_wait3A_486 = tpu.memref_squeeze %dma_wait3A_485 : memref<1x96xi32, #tpu.memory_space<vmem>> -> memref<96xi32, #tpu.memory_space<vmem>>
      %dma_wait3A_487 = tpu.memref_slice %arg4[%mul3A_4] : memref<322560xi32, #tpu.memory_space<hbm>> -> memref<96xi32, #tpu.memory_space<hbm>>
      tpu.wait_dma2 semaphore(%arg11 : memref<!tpu.dma_semaphore, #tpu.memory_space<semaphore_mem>>) src(%dma_wait3A_487 : memref<96xi32, #tpu.memory_space<hbm>>) dst(%dma_wait3A_486 : memref<96xi32, #tpu.memory_space<vmem>>)
      %add3A_488 = arith.constant 6 : i32
      %add3A_489 = arith.addi %mul3A_366, %add3A_488 : i32
      %dma_wait3A_490 = arith.constant 0 : i32
      %dma_wait3A_491 = tpu.memref_slice %arg8[%add3A_489, %dma_wait3A_490] : memref<14x96xi32, #tpu.memory_space<vmem>> -> memref<1x96xi32, #tpu.memory_space<vmem>>
      %dma_wait3A_492 = tpu.memref_squeeze %dma_wait3A_491 : memref<1x96xi32, #tpu.memory_space<vmem>> -> memref<96xi32, #tpu.memory_space<vmem>>
      %dma_wait3A_493 = tpu.memref_slice %arg3[%mul3A_4] : memref<322560xi32, #tpu.memory_space<hbm>> -> memref<96xi32, #tpu.memory_space<hbm>>
      %dma_wait3A_494 = arith.constant 0 : i32
      %dma_wait3A_495 = tpu.memref_slice %arg8[%add3A_489, %dma_wait3A_494] : memref<14x96xi32, #tpu.memory_space<vmem>> -> memref<1x96xi32, #tpu.memory_space<vmem>>
      %dma_wait3A_496 = tpu.memref_squeeze %dma_wait3A_495 : memref<1x96xi32, #tpu.memory_space<vmem>> -> memref<96xi32, #tpu.memory_space<vmem>>
      %dma_wait3A_497 = tpu.memref_slice %arg3[%mul3A_4] : memref<322560xi32, #tpu.memory_space<hbm>> -> memref<96xi32, #tpu.memory_space<hbm>>
      tpu.wait_dma2 semaphore(%arg11 : memref<!tpu.dma_semaphore, #tpu.memory_space<semaphore_mem>>) src(%dma_wait3A_497 : memref<96xi32, #tpu.memory_space<hbm>>) dst(%dma_wait3A_496 : memref<96xi32, #tpu.memory_space<vmem>>)
      %add3A_498 = arith.constant 6 : i32
      %add3A_499 = arith.addi %mul3A_366, %add3A_498 : i32
      %dma_wait3A_500 = arith.constant 0 : i32
      %dma_wait3A_501 = tpu.memref_slice %arg9[%add3A_499, %dma_wait3A_500] : memref<14x96xi32, #tpu.memory_space<vmem>> -> memref<1x96xi32, #tpu.memory_space<vmem>>
      %dma_wait3A_502 = tpu.memref_squeeze %dma_wait3A_501 : memref<1x96xi32, #tpu.memory_space<vmem>> -> memref<96xi32, #tpu.memory_space<vmem>>
      %dma_wait3A_503 = tpu.memref_slice %arg4[%mul3A_4] : memref<322560xi32, #tpu.memory_space<hbm>> -> memref<96xi32, #tpu.memory_space<hbm>>
      %dma_wait3A_504 = arith.constant 0 : i32
      %dma_wait3A_505 = tpu.memref_slice %arg9[%add3A_499, %dma_wait3A_504] : memref<14x96xi32, #tpu.memory_space<vmem>> -> memref<1x96xi32, #tpu.memory_space<vmem>>
      %dma_wait3A_506 = tpu.memref_squeeze %dma_wait3A_505 : memref<1x96xi32, #tpu.memory_space<vmem>> -> memref<96xi32, #tpu.memory_space<vmem>>
      %dma_wait3A_507 = tpu.memref_slice %arg4[%mul3A_4] : memref<322560xi32, #tpu.memory_space<hbm>> -> memref<96xi32, #tpu.memory_space<hbm>>
      tpu.wait_dma2 semaphore(%arg11 : memref<!tpu.dma_semaphore, #tpu.memory_space<semaphore_mem>>) src(%dma_wait3A_507 : memref<96xi32, #tpu.memory_space<hbm>>) dst(%dma_wait3A_506 : memref<96xi32, #tpu.memory_space<vmem>>)
      %add3A_508 = arith.constant 0 : i32
      %add3A_509 = arith.addi %mul3A_366, %add3A_508 : i32
      %add3A_510 = arith.constant 0 : i32
      %add3A_511 = arith.addi %mul3A_366, %add3A_510 : i32
      %dma_start3A_512 = arith.constant 0 : i32
      %dma_start3A_513 = arith.constant 0 : i32
      %dma_start3A_514 = tpu.memref_slice %arg10[%add3A_511, %dma_start3A_512, %dma_start3A_513] : memref<14x96x16xf32, #tpu.memory_space<vmem>> -> memref<1x96x16xf32, #tpu.memory_space<vmem>>
      %dma_start3A_515 = tpu.memref_squeeze %dma_start3A_514 : memref<1x96x16xf32, #tpu.memory_space<vmem>> -> memref<96x16xf32, #tpu.memory_space<vmem>>
      %dma_start3A_516 = arith.constant 0 : i32
      %dma_start3A_517 = tpu.memref_slice %arg8[%add3A_509, %dma_start3A_516] : memref<14x96xi32, #tpu.memory_space<vmem>> -> memref<1x96xi32, #tpu.memory_space<vmem>>
      %dma_start3A_518 = tpu.memref_squeeze %dma_start3A_517 : memref<1x96xi32, #tpu.memory_space<vmem>> -> memref<96xi32, #tpu.memory_space<vmem>>
      %dma_start3A_519 = arith.constant 0 : i32
      %dma_start3A_520 = arith.constant 0 : i32
      %dma_start3A_521 = tpu.memref_slice %arg2[%dma_start3A_519, %dma_start3A_520] : memref<10240x16xf32, #tpu.memory_space<hbm>> -> memref<10240x16xf32, #tpu.memory_space<hbm>>
      tpu.enqueue_indirect_dma source(%dma_start3A_521 : memref<10240x16xf32, #tpu.memory_space<hbm>>) target(%dma_start3A_515 : memref<96x16xf32, #tpu.memory_space<vmem>>) offsets(%dma_start3A_518 : memref<96xi32, #tpu.memory_space<vmem>>) semaphore(%arg12 : memref<!tpu.dma_semaphore, #tpu.memory_space<semaphore_mem>>)
      %add3A_522 = arith.constant 1 : i32
      %add3A_523 = arith.addi %mul3A_366, %add3A_522 : i32
      %add3A_524 = arith.constant 1 : i32
      %add3A_525 = arith.addi %mul3A_366, %add3A_524 : i32
      %dma_start3A_526 = arith.constant 0 : i32
      %dma_start3A_527 = arith.constant 0 : i32
      %dma_start3A_528 = tpu.memref_slice %arg10[%add3A_525, %dma_start3A_526, %dma_start3A_527] : memref<14x96x16xf32, #tpu.memory_space<vmem>> -> memref<1x96x16xf32, #tpu.memory_space<vmem>>
      %dma_start3A_529 = tpu.memref_squeeze %dma_start3A_528 : memref<1x96x16xf32, #tpu.memory_space<vmem>> -> memref<96x16xf32, #tpu.memory_space<vmem>>
      %dma_start3A_530 = arith.constant 0 : i32
      %dma_start3A_531 = tpu.memref_slice %arg8[%add3A_523, %dma_start3A_530] : memref<14x96xi32, #tpu.memory_space<vmem>> -> memref<1x96xi32, #tpu.memory_space<vmem>>
      %dma_start3A_532 = tpu.memref_squeeze %dma_start3A_531 : memref<1x96xi32, #tpu.memory_space<vmem>> -> memref<96xi32, #tpu.memory_space<vmem>>
      %dma_start3A_533 = arith.constant 0 : i32
      %dma_start3A_534 = arith.constant 0 : i32
      %dma_start3A_535 = tpu.memref_slice %arg2[%dma_start3A_533, %dma_start3A_534] : memref<10240x16xf32, #tpu.memory_space<hbm>> -> memref<10240x16xf32, #tpu.memory_space<hbm>>
      tpu.enqueue_indirect_dma source(%dma_start3A_535 : memref<10240x16xf32, #tpu.memory_space<hbm>>) target(%dma_start3A_529 : memref<96x16xf32, #tpu.memory_space<vmem>>) offsets(%dma_start3A_532 : memref<96xi32, #tpu.memory_space<vmem>>) semaphore(%arg13 : memref<!tpu.dma_semaphore, #tpu.memory_space<semaphore_mem>>)
      %add3A_536 = arith.constant 2 : i32
      %add3A_537 = arith.addi %mul3A_366, %add3A_536 : i32
      %add3A_538 = arith.constant 2 : i32
      %add3A_539 = arith.addi %mul3A_366, %add3A_538 : i32
      %dma_start3A_540 = arith.constant 0 : i32
      %dma_start3A_541 = arith.constant 0 : i32
      %dma_start3A_542 = tpu.memref_slice %arg10[%add3A_539, %dma_start3A_540, %dma_start3A_541] : memref<14x96x16xf32, #tpu.memory_space<vmem>> -> memref<1x96x16xf32, #tpu.memory_space<vmem>>
      %dma_start3A_543 = tpu.memref_squeeze %dma_start3A_542 : memref<1x96x16xf32, #tpu.memory_space<vmem>> -> memref<96x16xf32, #tpu.memory_space<vmem>>
      %dma_start3A_544 = arith.constant 0 : i32
      %dma_start3A_545 = tpu.memref_slice %arg8[%add3A_537, %dma_start3A_544] : memref<14x96xi32, #tpu.memory_space<vmem>> -> memref<1x96xi32, #tpu.memory_space<vmem>>
      %dma_start3A_546 = tpu.memref_squeeze %dma_start3A_545 : memref<1x96xi32, #tpu.memory_space<vmem>> -> memref<96xi32, #tpu.memory_space<vmem>>
      %dma_start3A_547 = arith.constant 0 : i32
      %dma_start3A_548 = arith.constant 0 : i32
      %dma_start3A_549 = tpu.memref_slice %arg2[%dma_start3A_547, %dma_start3A_548] : memref<10240x16xf32, #tpu.memory_space<hbm>> -> memref<10240x16xf32, #tpu.memory_space<hbm>>
      tpu.enqueue_indirect_dma source(%dma_start3A_549 : memref<10240x16xf32, #tpu.memory_space<hbm>>) target(%dma_start3A_543 : memref<96x16xf32, #tpu.memory_space<vmem>>) offsets(%dma_start3A_546 : memref<96xi32, #tpu.memory_space<vmem>>) semaphore(%arg14 : memref<!tpu.dma_semaphore, #tpu.memory_space<semaphore_mem>>)
      %add3A_550 = arith.constant 3 : i32
      %add3A_551 = arith.addi %mul3A_366, %add3A_550 : i32
      %add3A_552 = arith.constant 3 : i32
      %add3A_553 = arith.addi %mul3A_366, %add3A_552 : i32
      %dma_start3A_554 = arith.constant 0 : i32
      %dma_start3A_555 = arith.constant 0 : i32
      %dma_start3A_556 = tpu.memref_slice %arg10[%add3A_553, %dma_start3A_554, %dma_start3A_555] : memref<14x96x16xf32, #tpu.memory_space<vmem>> -> memref<1x96x16xf32, #tpu.memory_space<vmem>>
      %dma_start3A_557 = tpu.memref_squeeze %dma_start3A_556 : memref<1x96x16xf32, #tpu.memory_space<vmem>> -> memref<96x16xf32, #tpu.memory_space<vmem>>
      %dma_start3A_558 = arith.constant 0 : i32
      %dma_start3A_559 = tpu.memref_slice %arg8[%add3A_551, %dma_start3A_558] : memref<14x96xi32, #tpu.memory_space<vmem>> -> memref<1x96xi32, #tpu.memory_space<vmem>>
      %dma_start3A_560 = tpu.memref_squeeze %dma_start3A_559 : memref<1x96xi32, #tpu.memory_space<vmem>> -> memref<96xi32, #tpu.memory_space<vmem>>
      %dma_start3A_561 = arith.constant 0 : i32
      %dma_start3A_562 = arith.constant 0 : i32
      %dma_start3A_563 = tpu.memref_slice %arg2[%dma_start3A_561, %dma_start3A_562] : memref<10240x16xf32, #tpu.memory_space<hbm>> -> memref<10240x16xf32, #tpu.memory_space<hbm>>
      tpu.enqueue_indirect_dma source(%dma_start3A_563 : memref<10240x16xf32, #tpu.memory_space<hbm>>) target(%dma_start3A_557 : memref<96x16xf32, #tpu.memory_space<vmem>>) offsets(%dma_start3A_560 : memref<96xi32, #tpu.memory_space<vmem>>) semaphore(%arg15 : memref<!tpu.dma_semaphore, #tpu.memory_space<semaphore_mem>>)
      %add3A_564 = arith.constant 4 : i32
      %add3A_565 = arith.addi %mul3A_366, %add3A_564 : i32
      %add3A_566 = arith.constant 4 : i32
      %add3A_567 = arith.addi %mul3A_366, %add3A_566 : i32
      %dma_start3A_568 = arith.constant 0 : i32
      %dma_start3A_569 = arith.constant 0 : i32
      %dma_start3A_570 = tpu.memref_slice %arg10[%add3A_567, %dma_start3A_568, %dma_start3A_569] : memref<14x96x16xf32, #tpu.memory_space<vmem>> -> memref<1x96x16xf32, #tpu.memory_space<vmem>>
      %dma_start3A_571 = tpu.memref_squeeze %dma_start3A_570 : memref<1x96x16xf32, #tpu.memory_space<vmem>> -> memref<96x16xf32, #tpu.memory_space<vmem>>
      %dma_start3A_572 = arith.constant 0 : i32
      %dma_start3A_573 = tpu.memref_slice %arg8[%add3A_565, %dma_start3A_572] : memref<14x96xi32, #tpu.memory_space<vmem>> -> memref<1x96xi32, #tpu.memory_space<vmem>>
      %dma_start3A_574 = tpu.memref_squeeze %dma_start3A_573 : memref<1x96xi32, #tpu.memory_space<vmem>> -> memref<96xi32, #tpu.memory_space<vmem>>
      %dma_start3A_575 = arith.constant 0 : i32
      %dma_start3A_576 = arith.constant 0 : i32
      %dma_start3A_577 = tpu.memref_slice %arg2[%dma_start3A_575, %dma_start3A_576] : memref<10240x16xf32, #tpu.memory_space<hbm>> -> memref<10240x16xf32, #tpu.memory_space<hbm>>
      tpu.enqueue_indirect_dma source(%dma_start3A_577 : memref<10240x16xf32, #tpu.memory_space<hbm>>) target(%dma_start3A_571 : memref<96x16xf32, #tpu.memory_space<vmem>>) offsets(%dma_start3A_574 : memref<96xi32, #tpu.memory_space<vmem>>) semaphore(%arg16 : memref<!tpu.dma_semaphore, #tpu.memory_space<semaphore_mem>>)
      %add3A_578 = arith.constant 5 : i32
      %add3A_579 = arith.addi %mul3A_366, %add3A_578 : i32
      %add3A_580 = arith.constant 5 : i32
      %add3A_581 = arith.addi %mul3A_366, %add3A_580 : i32
      %dma_start3A_582 = arith.constant 0 : i32
      %dma_start3A_583 = arith.constant 0 : i32
      %dma_start3A_584 = tpu.memref_slice %arg10[%add3A_581, %dma_start3A_582, %dma_start3A_583] : memref<14x96x16xf32, #tpu.memory_space<vmem>> -> memref<1x96x16xf32, #tpu.memory_space<vmem>>
      %dma_start3A_585 = tpu.memref_squeeze %dma_start3A_584 : memref<1x96x16xf32, #tpu.memory_space<vmem>> -> memref<96x16xf32, #tpu.memory_space<vmem>>
      %dma_start3A_586 = arith.constant 0 : i32
      %dma_start3A_587 = tpu.memref_slice %arg8[%add3A_579, %dma_start3A_586] : memref<14x96xi32, #tpu.memory_space<vmem>> -> memref<1x96xi32, #tpu.memory_space<vmem>>
      %dma_start3A_588 = tpu.memref_squeeze %dma_start3A_587 : memref<1x96xi32, #tpu.memory_space<vmem>> -> memref<96xi32, #tpu.memory_space<vmem>>
      %dma_start3A_589 = arith.constant 0 : i32
      %dma_start3A_590 = arith.constant 0 : i32
      %dma_start3A_591 = tpu.memref_slice %arg2[%dma_start3A_589, %dma_start3A_590] : memref<10240x16xf32, #tpu.memory_space<hbm>> -> memref<10240x16xf32, #tpu.memory_space<hbm>>
      tpu.enqueue_indirect_dma source(%dma_start3A_591 : memref<10240x16xf32, #tpu.memory_space<hbm>>) target(%dma_start3A_585 : memref<96x16xf32, #tpu.memory_space<vmem>>) offsets(%dma_start3A_588 : memref<96xi32, #tpu.memory_space<vmem>>) semaphore(%arg17 : memref<!tpu.dma_semaphore, #tpu.memory_space<semaphore_mem>>)
      %add3A_592 = arith.constant 6 : i32
      %add3A_593 = arith.addi %mul3A_366, %add3A_592 : i32
      %add3A_594 = arith.constant 6 : i32
      %add3A_595 = arith.addi %mul3A_366, %add3A_594 : i32
      %dma_start3A_596 = arith.constant 0 : i32
      %dma_start3A_597 = arith.constant 0 : i32
      %dma_start3A_598 = tpu.memref_slice %arg10[%add3A_595, %dma_start3A_596, %dma_start3A_597] : memref<14x96x16xf32, #tpu.memory_space<vmem>> -> memref<1x96x16xf32, #tpu.memory_space<vmem>>
      %dma_start3A_599 = tpu.memref_squeeze %dma_start3A_598 : memref<1x96x16xf32, #tpu.memory_space<vmem>> -> memref<96x16xf32, #tpu.memory_space<vmem>>
      %dma_start3A_600 = arith.constant 0 : i32
      %dma_start3A_601 = tpu.memref_slice %arg8[%add3A_593, %dma_start3A_600] : memref<14x96xi32, #tpu.memory_space<vmem>> -> memref<1x96xi32, #tpu.memory_space<vmem>>
      %dma_start3A_602 = tpu.memref_squeeze %dma_start3A_601 : memref<1x96xi32, #tpu.memory_space<vmem>> -> memref<96xi32, #tpu.memory_space<vmem>>
      %dma_start3A_603 = arith.constant 0 : i32
      %dma_start3A_604 = arith.constant 0 : i32
      %dma_start3A_605 = tpu.memref_slice %arg2[%dma_start3A_603, %dma_start3A_604] : memref<10240x16xf32, #tpu.memory_space<hbm>> -> memref<10240x16xf32, #tpu.memory_space<hbm>>
      tpu.enqueue_indirect_dma source(%dma_start3A_605 : memref<10240x16xf32, #tpu.memory_space<hbm>>) target(%dma_start3A_599 : memref<96x16xf32, #tpu.memory_space<vmem>>) offsets(%dma_start3A_602 : memref<96xi32, #tpu.memory_space<vmem>>) semaphore(%arg18 : memref<!tpu.dma_semaphore, #tpu.memory_space<semaphore_mem>>)
      %gt3A = arith.constant 0 : i32
      %gt3A_606 = arith.cmpi sgt, %scan3A_363, %gt3A : i32
      %convert_element_type3A = arith.extui %gt3A_606 : i1 to i32
      %cond3A = arith.constant 0 : i32
      %cond3A_607 = arith.cmpi ne, %convert_element_type3A, %cond3A : i32
      scf.if %cond3A_607 {
        %add3A_968 = arith.constant 0 : i32
        %add3A_969 = arith.addi %sub3A_367, %add3A_968 : i32
        %add3A_970 = arith.constant 0 : i32
        %add3A_971 = arith.addi %sub3A_367, %add3A_970 : i32
        %dma_wait3A_972 = arith.constant 0 : i32
        %dma_wait3A_973 = arith.constant 0 : i32
        %dma_wait3A_974 = tpu.memref_slice %arg10[%add3A_969, %dma_wait3A_972, %dma_wait3A_973] : memref<14x96x16xf32, #tpu.memory_space<vmem>> -> memref<1x96x16xf32, #tpu.memory_space<vmem>>
        %dma_wait3A_975 = tpu.memref_squeeze %dma_wait3A_974 : memref<1x96x16xf32, #tpu.memory_space<vmem>> -> memref<96x16xf32, #tpu.memory_space<vmem>>
        %dma_wait3A_976 = arith.constant 0 : i32
        %dma_wait3A_977 = tpu.memref_slice %arg9[%add3A_971, %dma_wait3A_976] : memref<14x96xi32, #tpu.memory_space<vmem>> -> memref<1x96xi32, #tpu.memory_space<vmem>>
        %dma_wait3A_978 = tpu.memref_squeeze %dma_wait3A_977 : memref<1x96xi32, #tpu.memory_space<vmem>> -> memref<96xi32, #tpu.memory_space<vmem>>
        %dma_wait3A_979 = arith.constant 0 : i32
        %dma_wait3A_980 = arith.constant 0 : i32
        %dma_wait3A_981 = tpu.memref_slice %arg7[%dma_wait3A_979, %dma_wait3A_980] : memref<10240x16xf32, #tpu.memory_space<vmem_shared>> -> memref<10240x16xf32, #tpu.memory_space<vmem_shared>>
        tpu.wait_indirect_dma semaphore(%arg19 : memref<!tpu.dma_semaphore, #tpu.memory_space<semaphore_mem>>) src(%dma_wait3A_975 : memref<96x16xf32, #tpu.memory_space<vmem>>) dst(%dma_wait3A_981 : memref<10240x16xf32, #tpu.memory_space<vmem_shared>>)
        %add3A_982 = arith.constant 1 : i32
        %add3A_983 = arith.addi %sub3A_367, %add3A_982 : i32
        %add3A_984 = arith.constant 1 : i32
        %add3A_985 = arith.addi %sub3A_367, %add3A_984 : i32
        %dma_wait3A_986 = arith.constant 0 : i32
        %dma_wait3A_987 = arith.constant 0 : i32
        %dma_wait3A_988 = tpu.memref_slice %arg10[%add3A_983, %dma_wait3A_986, %dma_wait3A_987] : memref<14x96x16xf32, #tpu.memory_space<vmem>> -> memref<1x96x16xf32, #tpu.memory_space<vmem>>
        %dma_wait3A_989 = tpu.memref_squeeze %dma_wait3A_988 : memref<1x96x16xf32, #tpu.memory_space<vmem>> -> memref<96x16xf32, #tpu.memory_space<vmem>>
        %dma_wait3A_990 = arith.constant 0 : i32
        %dma_wait3A_991 = tpu.memref_slice %arg9[%add3A_985, %dma_wait3A_990] : memref<14x96xi32, #tpu.memory_space<vmem>> -> memref<1x96xi32, #tpu.memory_space<vmem>>
        %dma_wait3A_992 = tpu.memref_squeeze %dma_wait3A_991 : memref<1x96xi32, #tpu.memory_space<vmem>> -> memref<96xi32, #tpu.memory_space<vmem>>
        %dma_wait3A_993 = arith.constant 0 : i32
        %dma_wait3A_994 = arith.constant 0 : i32
        %dma_wait3A_995 = tpu.memref_slice %arg7[%dma_wait3A_993, %dma_wait3A_994] : memref<10240x16xf32, #tpu.memory_space<vmem_shared>> -> memref<10240x16xf32, #tpu.memory_space<vmem_shared>>
        tpu.wait_indirect_dma semaphore(%arg19 : memref<!tpu.dma_semaphore, #tpu.memory_space<semaphore_mem>>) src(%dma_wait3A_989 : memref<96x16xf32, #tpu.memory_space<vmem>>) dst(%dma_wait3A_995 : memref<10240x16xf32, #tpu.memory_space<vmem_shared>>)
        %add3A_996 = arith.constant 2 : i32
        %add3A_997 = arith.addi %sub3A_367, %add3A_996 : i32
        %add3A_998 = arith.constant 2 : i32
        %add3A_999 = arith.addi %sub3A_367, %add3A_998 : i32
        %dma_wait3A_1000 = arith.constant 0 : i32
        %dma_wait3A_1001 = arith.constant 0 : i32
        %dma_wait3A_1002 = tpu.memref_slice %arg10[%add3A_997, %dma_wait3A_1000, %dma_wait3A_1001] : memref<14x96x16xf32, #tpu.memory_space<vmem>> -> memref<1x96x16xf32, #tpu.memory_space<vmem>>
        %dma_wait3A_1003 = tpu.memref_squeeze %dma_wait3A_1002 : memref<1x96x16xf32, #tpu.memory_space<vmem>> -> memref<96x16xf32, #tpu.memory_space<vmem>>
        %dma_wait3A_1004 = arith.constant 0 : i32
        %dma_wait3A_1005 = tpu.memref_slice %arg9[%add3A_999, %dma_wait3A_1004] : memref<14x96xi32, #tpu.memory_space<vmem>> -> memref<1x96xi32, #tpu.memory_space<vmem>>
        %dma_wait3A_1006 = tpu.memref_squeeze %dma_wait3A_1005 : memref<1x96xi32, #tpu.memory_space<vmem>> -> memref<96xi32, #tpu.memory_space<vmem>>
        %dma_wait3A_1007 = arith.constant 0 : i32
        %dma_wait3A_1008 = arith.constant 0 : i32
        %dma_wait3A_1009 = tpu.memref_slice %arg7[%dma_wait3A_1007, %dma_wait3A_1008] : memref<10240x16xf32, #tpu.memory_space<vmem_shared>> -> memref<10240x16xf32, #tpu.memory_space<vmem_shared>>
        tpu.wait_indirect_dma semaphore(%arg19 : memref<!tpu.dma_semaphore, #tpu.memory_space<semaphore_mem>>) src(%dma_wait3A_1003 : memref<96x16xf32, #tpu.memory_space<vmem>>) dst(%dma_wait3A_1009 : memref<10240x16xf32, #tpu.memory_space<vmem_shared>>)
        %add3A_1010 = arith.constant 3 : i32
        %add3A_1011 = arith.addi %sub3A_367, %add3A_1010 : i32
        %add3A_1012 = arith.constant 3 : i32
        %add3A_1013 = arith.addi %sub3A_367, %add3A_1012 : i32
        %dma_wait3A_1014 = arith.constant 0 : i32
        %dma_wait3A_1015 = arith.constant 0 : i32
        %dma_wait3A_1016 = tpu.memref_slice %arg10[%add3A_1011, %dma_wait3A_1014, %dma_wait3A_1015] : memref<14x96x16xf32, #tpu.memory_space<vmem>> -> memref<1x96x16xf32, #tpu.memory_space<vmem>>
        %dma_wait3A_1017 = tpu.memref_squeeze %dma_wait3A_1016 : memref<1x96x16xf32, #tpu.memory_space<vmem>> -> memref<96x16xf32, #tpu.memory_space<vmem>>
        %dma_wait3A_1018 = arith.constant 0 : i32
        %dma_wait3A_1019 = tpu.memref_slice %arg9[%add3A_1013, %dma_wait3A_1018] : memref<14x96xi32, #tpu.memory_space<vmem>> -> memref<1x96xi32, #tpu.memory_space<vmem>>
        %dma_wait3A_1020 = tpu.memref_squeeze %dma_wait3A_1019 : memref<1x96xi32, #tpu.memory_space<vmem>> -> memref<96xi32, #tpu.memory_space<vmem>>
        %dma_wait3A_1021 = arith.constant 0 : i32
        %dma_wait3A_1022 = arith.constant 0 : i32
        %dma_wait3A_1023 = tpu.memref_slice %arg7[%dma_wait3A_1021, %dma_wait3A_1022] : memref<10240x16xf32, #tpu.memory_space<vmem_shared>> -> memref<10240x16xf32, #tpu.memory_space<vmem_shared>>
        tpu.wait_indirect_dma semaphore(%arg19 : memref<!tpu.dma_semaphore, #tpu.memory_space<semaphore_mem>>) src(%dma_wait3A_1017 : memref<96x16xf32, #tpu.memory_space<vmem>>) dst(%dma_wait3A_1023 : memref<10240x16xf32, #tpu.memory_space<vmem_shared>>)
        %add3A_1024 = arith.constant 4 : i32
        %add3A_1025 = arith.addi %sub3A_367, %add3A_1024 : i32
        %add3A_1026 = arith.constant 4 : i32
        %add3A_1027 = arith.addi %sub3A_367, %add3A_1026 : i32
        %dma_wait3A_1028 = arith.constant 0 : i32
        %dma_wait3A_1029 = arith.constant 0 : i32
        %dma_wait3A_1030 = tpu.memref_slice %arg10[%add3A_1025, %dma_wait3A_1028, %dma_wait3A_1029] : memref<14x96x16xf32, #tpu.memory_space<vmem>> -> memref<1x96x16xf32, #tpu.memory_space<vmem>>
        %dma_wait3A_1031 = tpu.memref_squeeze %dma_wait3A_1030 : memref<1x96x16xf32, #tpu.memory_space<vmem>> -> memref<96x16xf32, #tpu.memory_space<vmem>>
        %dma_wait3A_1032 = arith.constant 0 : i32
        %dma_wait3A_1033 = tpu.memref_slice %arg9[%add3A_1027, %dma_wait3A_1032] : memref<14x96xi32, #tpu.memory_space<vmem>> -> memref<1x96xi32, #tpu.memory_space<vmem>>
        %dma_wait3A_1034 = tpu.memref_squeeze %dma_wait3A_1033 : memref<1x96xi32, #tpu.memory_space<vmem>> -> memref<96xi32, #tpu.memory_space<vmem>>
        %dma_wait3A_1035 = arith.constant 0 : i32
        %dma_wait3A_1036 = arith.constant 0 : i32
        %dma_wait3A_1037 = tpu.memref_slice %arg7[%dma_wait3A_1035, %dma_wait3A_1036] : memref<10240x16xf32, #tpu.memory_space<vmem_shared>> -> memref<10240x16xf32, #tpu.memory_space<vmem_shared>>
        tpu.wait_indirect_dma semaphore(%arg19 : memref<!tpu.dma_semaphore, #tpu.memory_space<semaphore_mem>>) src(%dma_wait3A_1031 : memref<96x16xf32, #tpu.memory_space<vmem>>) dst(%dma_wait3A_1037 : memref<10240x16xf32, #tpu.memory_space<vmem_shared>>)
        %add3A_1038 = arith.constant 5 : i32
        %add3A_1039 = arith.addi %sub3A_367, %add3A_1038 : i32
        %add3A_1040 = arith.constant 5 : i32
        %add3A_1041 = arith.addi %sub3A_367, %add3A_1040 : i32
        %dma_wait3A_1042 = arith.constant 0 : i32
        %dma_wait3A_1043 = arith.constant 0 : i32
        %dma_wait3A_1044 = tpu.memref_slice %arg10[%add3A_1039, %dma_wait3A_1042, %dma_wait3A_1043] : memref<14x96x16xf32, #tpu.memory_space<vmem>> -> memref<1x96x16xf32, #tpu.memory_space<vmem>>
        %dma_wait3A_1045 = tpu.memref_squeeze %dma_wait3A_1044 : memref<1x96x16xf32, #tpu.memory_space<vmem>> -> memref<96x16xf32, #tpu.memory_space<vmem>>
        %dma_wait3A_1046 = arith.constant 0 : i32
        %dma_wait3A_1047 = tpu.memref_slice %arg9[%add3A_1041, %dma_wait3A_1046] : memref<14x96xi32, #tpu.memory_space<vmem>> -> memref<1x96xi32, #tpu.memory_space<vmem>>
        %dma_wait3A_1048 = tpu.memref_squeeze %dma_wait3A_1047 : memref<1x96xi32, #tpu.memory_space<vmem>> -> memref<96xi32, #tpu.memory_space<vmem>>
        %dma_wait3A_1049 = arith.constant 0 : i32
        %dma_wait3A_1050 = arith.constant 0 : i32
        %dma_wait3A_1051 = tpu.memref_slice %arg7[%dma_wait3A_1049, %dma_wait3A_1050] : memref<10240x16xf32, #tpu.memory_space<vmem_shared>> -> memref<10240x16xf32, #tpu.memory_space<vmem_shared>>
        tpu.wait_indirect_dma semaphore(%arg19 : memref<!tpu.dma_semaphore, #tpu.memory_space<semaphore_mem>>) src(%dma_wait3A_1045 : memref<96x16xf32, #tpu.memory_space<vmem>>) dst(%dma_wait3A_1051 : memref<10240x16xf32, #tpu.memory_space<vmem_shared>>)
        %add3A_1052 = arith.constant 6 : i32
        %add3A_1053 = arith.addi %sub3A_367, %add3A_1052 : i32
        %add3A_1054 = arith.constant 6 : i32
        %add3A_1055 = arith.addi %sub3A_367, %add3A_1054 : i32
        %dma_wait3A_1056 = arith.constant 0 : i32
        %dma_wait3A_1057 = arith.constant 0 : i32
        %dma_wait3A_1058 = tpu.memref_slice %arg10[%add3A_1053, %dma_wait3A_1056, %dma_wait3A_1057] : memref<14x96x16xf32, #tpu.memory_space<vmem>> -> memref<1x96x16xf32, #tpu.memory_space<vmem>>
        %dma_wait3A_1059 = tpu.memref_squeeze %dma_wait3A_1058 : memref<1x96x16xf32, #tpu.memory_space<vmem>> -> memref<96x16xf32, #tpu.memory_space<vmem>>
        %dma_wait3A_1060 = arith.constant 0 : i32
        %dma_wait3A_1061 = tpu.memref_slice %arg9[%add3A_1055, %dma_wait3A_1060] : memref<14x96xi32, #tpu.memory_space<vmem>> -> memref<1x96xi32, #tpu.memory_space<vmem>>
        %dma_wait3A_1062 = tpu.memref_squeeze %dma_wait3A_1061 : memref<1x96xi32, #tpu.memory_space<vmem>> -> memref<96xi32, #tpu.memory_space<vmem>>
        %dma_wait3A_1063 = arith.constant 0 : i32
        %dma_wait3A_1064 = arith.constant 0 : i32
        %dma_wait3A_1065 = tpu.memref_slice %arg7[%dma_wait3A_1063, %dma_wait3A_1064] : memref<10240x16xf32, #tpu.memory_space<vmem_shared>> -> memref<10240x16xf32, #tpu.memory_space<vmem_shared>>
        tpu.wait_indirect_dma semaphore(%arg19 : memref<!tpu.dma_semaphore, #tpu.memory_space<semaphore_mem>>) src(%dma_wait3A_1059 : memref<96x16xf32, #tpu.memory_space<vmem>>) dst(%dma_wait3A_1065 : memref<10240x16xf32, #tpu.memory_space<vmem_shared>>)
      } else {
      }
      %add3A_608 = arith.constant 1 : i32
      %add3A_609 = arith.addi %scan3A_363, %add3A_608 : i32
      %min3A = arith.constant 14 : i32
      %min3A_610 = arith.minsi %add3A_609, %min3A : i32
      %mul3A_611 = arith.constant 7 : i32
      %mul3A_612 = arith.muli %min3A_610, %mul3A_611 : i32
      %add3A_613 = arith.constant 0 : i32
      %add3A_614 = arith.addi %mul3A_612, %add3A_613 : i32
      %mul3A_615 = arith.constant 96 : i32
      %mul3A_616 = arith.muli %add3A_614, %mul3A_615 : i32
      %add3A_617 = arith.addi %mul3A_4, %mul3A_616 : i32
      %add3A_618 = arith.constant 0 : i32
      %add3A_619 = arith.addi %sub3A_367, %add3A_618 : i32
      %dma_start3A_620 = arith.constant 0 : i32
      %dma_start3A_621 = tpu.memref_slice %arg8[%add3A_619, %dma_start3A_620] : memref<14x96xi32, #tpu.memory_space<vmem>> -> memref<1x96xi32, #tpu.memory_space<vmem>>
      %dma_start3A_622 = tpu.memref_squeeze %dma_start3A_621 : memref<1x96xi32, #tpu.memory_space<vmem>> -> memref<96xi32, #tpu.memory_space<vmem>>
      %dma_start3A_623 = tpu.memref_slice %arg3[%add3A_617] : memref<322560xi32, #tpu.memory_space<hbm>> -> memref<96xi32, #tpu.memory_space<hbm>>
      %dma_start3A_624 = arith.constant 0 : i32
      %dma_start3A_625 = tpu.memref_slice %arg8[%add3A_619, %dma_start3A_624] : memref<14x96xi32, #tpu.memory_space<vmem>> -> memref<1x96xi32, #tpu.memory_space<vmem>>
      %dma_start3A_626 = tpu.memref_squeeze %dma_start3A_625 : memref<1x96xi32, #tpu.memory_space<vmem>> -> memref<96xi32, #tpu.memory_space<vmem>>
      %dma_start3A_627 = tpu.memref_slice %arg3[%add3A_617] : memref<322560xi32, #tpu.memory_space<hbm>> -> memref<96xi32, #tpu.memory_space<hbm>>
      tpu.enqueue_dma source(%dma_start3A_627 : memref<96xi32, #tpu.memory_space<hbm>>) target(%dma_start3A_626 : memref<96xi32, #tpu.memory_space<vmem>>) target_semaphore(%arg11 : memref<!tpu.dma_semaphore, #tpu.memory_space<semaphore_mem>>)
      %add3A_628 = arith.constant 0 : i32
      %add3A_629 = arith.addi %sub3A_367, %add3A_628 : i32
      %dma_start3A_630 = arith.constant 0 : i32
      %dma_start3A_631 = tpu.memref_slice %arg9[%add3A_629, %dma_start3A_630] : memref<14x96xi32, #tpu.memory_space<vmem>> -> memref<1x96xi32, #tpu.memory_space<vmem>>
      %dma_start3A_632 = tpu.memref_squeeze %dma_start3A_631 : memref<1x96xi32, #tpu.memory_space<vmem>> -> memref<96xi32, #tpu.memory_space<vmem>>
      %dma_start3A_633 = tpu.memref_slice %arg4[%add3A_617] : memref<322560xi32, #tpu.memory_space<hbm>> -> memref<96xi32, #tpu.memory_space<hbm>>
      %dma_start3A_634 = arith.constant 0 : i32
      %dma_start3A_635 = tpu.memref_slice %arg9[%add3A_629, %dma_start3A_634] : memref<14x96xi32, #tpu.memory_space<vmem>> -> memref<1x96xi32, #tpu.memory_space<vmem>>
      %dma_start3A_636 = tpu.memref_squeeze %dma_start3A_635 : memref<1x96xi32, #tpu.memory_space<vmem>> -> memref<96xi32, #tpu.memory_space<vmem>>
      %dma_start3A_637 = tpu.memref_slice %arg4[%add3A_617] : memref<322560xi32, #tpu.memory_space<hbm>> -> memref<96xi32, #tpu.memory_space<hbm>>
      tpu.enqueue_dma source(%dma_start3A_637 : memref<96xi32, #tpu.memory_space<hbm>>) target(%dma_start3A_636 : memref<96xi32, #tpu.memory_space<vmem>>) target_semaphore(%arg11 : memref<!tpu.dma_semaphore, #tpu.memory_space<semaphore_mem>>)
      %mul3A_638 = arith.constant 7 : i32
      %mul3A_639 = arith.muli %min3A_610, %mul3A_638 : i32
      %add3A_640 = arith.constant 1 : i32
      %add3A_641 = arith.addi %mul3A_639, %add3A_640 : i32
      %mul3A_642 = arith.constant 96 : i32
      %mul3A_643 = arith.muli %add3A_641, %mul3A_642 : i32
      %add3A_644 = arith.addi %mul3A_4, %mul3A_643 : i32
      %add3A_645 = arith.constant 1 : i32
      %add3A_646 = arith.addi %sub3A_367, %add3A_645 : i32
      %dma_start3A_647 = arith.constant 0 : i32
      %dma_start3A_648 = tpu.memref_slice %arg8[%add3A_646, %dma_start3A_647] : memref<14x96xi32, #tpu.memory_space<vmem>> -> memref<1x96xi32, #tpu.memory_space<vmem>>
      %dma_start3A_649 = tpu.memref_squeeze %dma_start3A_648 : memref<1x96xi32, #tpu.memory_space<vmem>> -> memref<96xi32, #tpu.memory_space<vmem>>
      %dma_start3A_650 = tpu.memref_slice %arg3[%add3A_644] : memref<322560xi32, #tpu.memory_space<hbm>> -> memref<96xi32, #tpu.memory_space<hbm>>
      %dma_start3A_651 = arith.constant 0 : i32
      %dma_start3A_652 = tpu.memref_slice %arg8[%add3A_646, %dma_start3A_651] : memref<14x96xi32, #tpu.memory_space<vmem>> -> memref<1x96xi32, #tpu.memory_space<vmem>>
      %dma_start3A_653 = tpu.memref_squeeze %dma_start3A_652 : memref<1x96xi32, #tpu.memory_space<vmem>> -> memref<96xi32, #tpu.memory_space<vmem>>
      %dma_start3A_654 = tpu.memref_slice %arg3[%add3A_644] : memref<322560xi32, #tpu.memory_space<hbm>> -> memref<96xi32, #tpu.memory_space<hbm>>
      tpu.enqueue_dma source(%dma_start3A_654 : memref<96xi32, #tpu.memory_space<hbm>>) target(%dma_start3A_653 : memref<96xi32, #tpu.memory_space<vmem>>) target_semaphore(%arg11 : memref<!tpu.dma_semaphore, #tpu.memory_space<semaphore_mem>>)
      %add3A_655 = arith.constant 1 : i32
      %add3A_656 = arith.addi %sub3A_367, %add3A_655 : i32
      %dma_start3A_657 = arith.constant 0 : i32
      %dma_start3A_658 = tpu.memref_slice %arg9[%add3A_656, %dma_start3A_657] : memref<14x96xi32, #tpu.memory_space<vmem>> -> memref<1x96xi32, #tpu.memory_space<vmem>>
      %dma_start3A_659 = tpu.memref_squeeze %dma_start3A_658 : memref<1x96xi32, #tpu.memory_space<vmem>> -> memref<96xi32, #tpu.memory_space<vmem>>
      %dma_start3A_660 = tpu.memref_slice %arg4[%add3A_644] : memref<322560xi32, #tpu.memory_space<hbm>> -> memref<96xi32, #tpu.memory_space<hbm>>
      %dma_start3A_661 = arith.constant 0 : i32
      %dma_start3A_662 = tpu.memref_slice %arg9[%add3A_656, %dma_start3A_661] : memref<14x96xi32, #tpu.memory_space<vmem>> -> memref<1x96xi32, #tpu.memory_space<vmem>>
      %dma_start3A_663 = tpu.memref_squeeze %dma_start3A_662 : memref<1x96xi32, #tpu.memory_space<vmem>> -> memref<96xi32, #tpu.memory_space<vmem>>
      %dma_start3A_664 = tpu.memref_slice %arg4[%add3A_644] : memref<322560xi32, #tpu.memory_space<hbm>> -> memref<96xi32, #tpu.memory_space<hbm>>
      tpu.enqueue_dma source(%dma_start3A_664 : memref<96xi32, #tpu.memory_space<hbm>>) target(%dma_start3A_663 : memref<96xi32, #tpu.memory_space<vmem>>) target_semaphore(%arg11 : memref<!tpu.dma_semaphore, #tpu.memory_space<semaphore_mem>>)
      %mul3A_665 = arith.constant 7 : i32
      %mul3A_666 = arith.muli %min3A_610, %mul3A_665 : i32
      %add3A_667 = arith.constant 2 : i32
      %add3A_668 = arith.addi %mul3A_666, %add3A_667 : i32
      %mul3A_669 = arith.constant 96 : i32
      %mul3A_670 = arith.muli %add3A_668, %mul3A_669 : i32
      %add3A_671 = arith.addi %mul3A_4, %mul3A_670 : i32
      %add3A_672 = arith.constant 2 : i32
      %add3A_673 = arith.addi %sub3A_367, %add3A_672 : i32
      %dma_start3A_674 = arith.constant 0 : i32
      %dma_start3A_675 = tpu.memref_slice %arg8[%add3A_673, %dma_start3A_674] : memref<14x96xi32, #tpu.memory_space<vmem>> -> memref<1x96xi32, #tpu.memory_space<vmem>>
      %dma_start3A_676 = tpu.memref_squeeze %dma_start3A_675 : memref<1x96xi32, #tpu.memory_space<vmem>> -> memref<96xi32, #tpu.memory_space<vmem>>
      %dma_start3A_677 = tpu.memref_slice %arg3[%add3A_671] : memref<322560xi32, #tpu.memory_space<hbm>> -> memref<96xi32, #tpu.memory_space<hbm>>
      %dma_start3A_678 = arith.constant 0 : i32
      %dma_start3A_679 = tpu.memref_slice %arg8[%add3A_673, %dma_start3A_678] : memref<14x96xi32, #tpu.memory_space<vmem>> -> memref<1x96xi32, #tpu.memory_space<vmem>>
      %dma_start3A_680 = tpu.memref_squeeze %dma_start3A_679 : memref<1x96xi32, #tpu.memory_space<vmem>> -> memref<96xi32, #tpu.memory_space<vmem>>
      %dma_start3A_681 = tpu.memref_slice %arg3[%add3A_671] : memref<322560xi32, #tpu.memory_space<hbm>> -> memref<96xi32, #tpu.memory_space<hbm>>
      tpu.enqueue_dma source(%dma_start3A_681 : memref<96xi32, #tpu.memory_space<hbm>>) target(%dma_start3A_680 : memref<96xi32, #tpu.memory_space<vmem>>) target_semaphore(%arg11 : memref<!tpu.dma_semaphore, #tpu.memory_space<semaphore_mem>>)
      %add3A_682 = arith.constant 2 : i32
      %add3A_683 = arith.addi %sub3A_367, %add3A_682 : i32
      %dma_start3A_684 = arith.constant 0 : i32
      %dma_start3A_685 = tpu.memref_slice %arg9[%add3A_683, %dma_start3A_684] : memref<14x96xi32, #tpu.memory_space<vmem>> -> memref<1x96xi32, #tpu.memory_space<vmem>>
      %dma_start3A_686 = tpu.memref_squeeze %dma_start3A_685 : memref<1x96xi32, #tpu.memory_space<vmem>> -> memref<96xi32, #tpu.memory_space<vmem>>
      %dma_start3A_687 = tpu.memref_slice %arg4[%add3A_671] : memref<322560xi32, #tpu.memory_space<hbm>> -> memref<96xi32, #tpu.memory_space<hbm>>
      %dma_start3A_688 = arith.constant 0 : i32
      %dma_start3A_689 = tpu.memref_slice %arg9[%add3A_683, %dma_start3A_688] : memref<14x96xi32, #tpu.memory_space<vmem>> -> memref<1x96xi32, #tpu.memory_space<vmem>>
      %dma_start3A_690 = tpu.memref_squeeze %dma_start3A_689 : memref<1x96xi32, #tpu.memory_space<vmem>> -> memref<96xi32, #tpu.memory_space<vmem>>
      %dma_start3A_691 = tpu.memref_slice %arg4[%add3A_671] : memref<322560xi32, #tpu.memory_space<hbm>> -> memref<96xi32, #tpu.memory_space<hbm>>
      tpu.enqueue_dma source(%dma_start3A_691 : memref<96xi32, #tpu.memory_space<hbm>>) target(%dma_start3A_690 : memref<96xi32, #tpu.memory_space<vmem>>) target_semaphore(%arg11 : memref<!tpu.dma_semaphore, #tpu.memory_space<semaphore_mem>>)
      %mul3A_692 = arith.constant 7 : i32
      %mul3A_693 = arith.muli %min3A_610, %mul3A_692 : i32
      %add3A_694 = arith.constant 3 : i32
      %add3A_695 = arith.addi %mul3A_693, %add3A_694 : i32
      %mul3A_696 = arith.constant 96 : i32
      %mul3A_697 = arith.muli %add3A_695, %mul3A_696 : i32
      %add3A_698 = arith.addi %mul3A_4, %mul3A_697 : i32
      %add3A_699 = arith.constant 3 : i32
      %add3A_700 = arith.addi %sub3A_367, %add3A_699 : i32
      %dma_start3A_701 = arith.constant 0 : i32
      %dma_start3A_702 = tpu.memref_slice %arg8[%add3A_700, %dma_start3A_701] : memref<14x96xi32, #tpu.memory_space<vmem>> -> memref<1x96xi32, #tpu.memory_space<vmem>>
      %dma_start3A_703 = tpu.memref_squeeze %dma_start3A_702 : memref<1x96xi32, #tpu.memory_space<vmem>> -> memref<96xi32, #tpu.memory_space<vmem>>
      %dma_start3A_704 = tpu.memref_slice %arg3[%add3A_698] : memref<322560xi32, #tpu.memory_space<hbm>> -> memref<96xi32, #tpu.memory_space<hbm>>
      %dma_start3A_705 = arith.constant 0 : i32
      %dma_start3A_706 = tpu.memref_slice %arg8[%add3A_700, %dma_start3A_705] : memref<14x96xi32, #tpu.memory_space<vmem>> -> memref<1x96xi32, #tpu.memory_space<vmem>>
      %dma_start3A_707 = tpu.memref_squeeze %dma_start3A_706 : memref<1x96xi32, #tpu.memory_space<vmem>> -> memref<96xi32, #tpu.memory_space<vmem>>
      %dma_start3A_708 = tpu.memref_slice %arg3[%add3A_698] : memref<322560xi32, #tpu.memory_space<hbm>> -> memref<96xi32, #tpu.memory_space<hbm>>
      tpu.enqueue_dma source(%dma_start3A_708 : memref<96xi32, #tpu.memory_space<hbm>>) target(%dma_start3A_707 : memref<96xi32, #tpu.memory_space<vmem>>) target_semaphore(%arg11 : memref<!tpu.dma_semaphore, #tpu.memory_space<semaphore_mem>>)
      %add3A_709 = arith.constant 3 : i32
      %add3A_710 = arith.addi %sub3A_367, %add3A_709 : i32
      %dma_start3A_711 = arith.constant 0 : i32
      %dma_start3A_712 = tpu.memref_slice %arg9[%add3A_710, %dma_start3A_711] : memref<14x96xi32, #tpu.memory_space<vmem>> -> memref<1x96xi32, #tpu.memory_space<vmem>>
      %dma_start3A_713 = tpu.memref_squeeze %dma_start3A_712 : memref<1x96xi32, #tpu.memory_space<vmem>> -> memref<96xi32, #tpu.memory_space<vmem>>
      %dma_start3A_714 = tpu.memref_slice %arg4[%add3A_698] : memref<322560xi32, #tpu.memory_space<hbm>> -> memref<96xi32, #tpu.memory_space<hbm>>
      %dma_start3A_715 = arith.constant 0 : i32
      %dma_start3A_716 = tpu.memref_slice %arg9[%add3A_710, %dma_start3A_715] : memref<14x96xi32, #tpu.memory_space<vmem>> -> memref<1x96xi32, #tpu.memory_space<vmem>>
      %dma_start3A_717 = tpu.memref_squeeze %dma_start3A_716 : memref<1x96xi32, #tpu.memory_space<vmem>> -> memref<96xi32, #tpu.memory_space<vmem>>
      %dma_start3A_718 = tpu.memref_slice %arg4[%add3A_698] : memref<322560xi32, #tpu.memory_space<hbm>> -> memref<96xi32, #tpu.memory_space<hbm>>
      tpu.enqueue_dma source(%dma_start3A_718 : memref<96xi32, #tpu.memory_space<hbm>>) target(%dma_start3A_717 : memref<96xi32, #tpu.memory_space<vmem>>) target_semaphore(%arg11 : memref<!tpu.dma_semaphore, #tpu.memory_space<semaphore_mem>>)
      %mul3A_719 = arith.constant 7 : i32
      %mul3A_720 = arith.muli %min3A_610, %mul3A_719 : i32
      %add3A_721 = arith.constant 4 : i32
      %add3A_722 = arith.addi %mul3A_720, %add3A_721 : i32
      %mul3A_723 = arith.constant 96 : i32
      %mul3A_724 = arith.muli %add3A_722, %mul3A_723 : i32
      %add3A_725 = arith.addi %mul3A_4, %mul3A_724 : i32
      %add3A_726 = arith.constant 4 : i32
      %add3A_727 = arith.addi %sub3A_367, %add3A_726 : i32
      %dma_start3A_728 = arith.constant 0 : i32
      %dma_start3A_729 = tpu.memref_slice %arg8[%add3A_727, %dma_start3A_728] : memref<14x96xi32, #tpu.memory_space<vmem>> -> memref<1x96xi32, #tpu.memory_space<vmem>>
      %dma_start3A_730 = tpu.memref_squeeze %dma_start3A_729 : memref<1x96xi32, #tpu.memory_space<vmem>> -> memref<96xi32, #tpu.memory_space<vmem>>
      %dma_start3A_731 = tpu.memref_slice %arg3[%add3A_725] : memref<322560xi32, #tpu.memory_space<hbm>> -> memref<96xi32, #tpu.memory_space<hbm>>
      %dma_start3A_732 = arith.constant 0 : i32
      %dma_start3A_733 = tpu.memref_slice %arg8[%add3A_727, %dma_start3A_732] : memref<14x96xi32, #tpu.memory_space<vmem>> -> memref<1x96xi32, #tpu.memory_space<vmem>>
      %dma_start3A_734 = tpu.memref_squeeze %dma_start3A_733 : memref<1x96xi32, #tpu.memory_space<vmem>> -> memref<96xi32, #tpu.memory_space<vmem>>
      %dma_start3A_735 = tpu.memref_slice %arg3[%add3A_725] : memref<322560xi32, #tpu.memory_space<hbm>> -> memref<96xi32, #tpu.memory_space<hbm>>
      tpu.enqueue_dma source(%dma_start3A_735 : memref<96xi32, #tpu.memory_space<hbm>>) target(%dma_start3A_734 : memref<96xi32, #tpu.memory_space<vmem>>) target_semaphore(%arg11 : memref<!tpu.dma_semaphore, #tpu.memory_space<semaphore_mem>>)
      %add3A_736 = arith.constant 4 : i32
      %add3A_737 = arith.addi %sub3A_367, %add3A_736 : i32
      %dma_start3A_738 = arith.constant 0 : i32
      %dma_start3A_739 = tpu.memref_slice %arg9[%add3A_737, %dma_start3A_738] : memref<14x96xi32, #tpu.memory_space<vmem>> -> memref<1x96xi32, #tpu.memory_space<vmem>>
      %dma_start3A_740 = tpu.memref_squeeze %dma_start3A_739 : memref<1x96xi32, #tpu.memory_space<vmem>> -> memref<96xi32, #tpu.memory_space<vmem>>
      %dma_start3A_741 = tpu.memref_slice %arg4[%add3A_725] : memref<322560xi32, #tpu.memory_space<hbm>> -> memref<96xi32, #tpu.memory_space<hbm>>
      %dma_start3A_742 = arith.constant 0 : i32
      %dma_start3A_743 = tpu.memref_slice %arg9[%add3A_737, %dma_start3A_742] : memref<14x96xi32, #tpu.memory_space<vmem>> -> memref<1x96xi32, #tpu.memory_space<vmem>>
      %dma_start3A_744 = tpu.memref_squeeze %dma_start3A_743 : memref<1x96xi32, #tpu.memory_space<vmem>> -> memref<96xi32, #tpu.memory_space<vmem>>
      %dma_start3A_745 = tpu.memref_slice %arg4[%add3A_725] : memref<322560xi32, #tpu.memory_space<hbm>> -> memref<96xi32, #tpu.memory_space<hbm>>
      tpu.enqueue_dma source(%dma_start3A_745 : memref<96xi32, #tpu.memory_space<hbm>>) target(%dma_start3A_744 : memref<96xi32, #tpu.memory_space<vmem>>) target_semaphore(%arg11 : memref<!tpu.dma_semaphore, #tpu.memory_space<semaphore_mem>>)
      %mul3A_746 = arith.constant 7 : i32
      %mul3A_747 = arith.muli %min3A_610, %mul3A_746 : i32
      %add3A_748 = arith.constant 5 : i32
      %add3A_749 = arith.addi %mul3A_747, %add3A_748 : i32
      %mul3A_750 = arith.constant 96 : i32
      %mul3A_751 = arith.muli %add3A_749, %mul3A_750 : i32
      %add3A_752 = arith.addi %mul3A_4, %mul3A_751 : i32
      %add3A_753 = arith.constant 5 : i32
      %add3A_754 = arith.addi %sub3A_367, %add3A_753 : i32
      %dma_start3A_755 = arith.constant 0 : i32
      %dma_start3A_756 = tpu.memref_slice %arg8[%add3A_754, %dma_start3A_755] : memref<14x96xi32, #tpu.memory_space<vmem>> -> memref<1x96xi32, #tpu.memory_space<vmem>>
      %dma_start3A_757 = tpu.memref_squeeze %dma_start3A_756 : memref<1x96xi32, #tpu.memory_space<vmem>> -> memref<96xi32, #tpu.memory_space<vmem>>
      %dma_start3A_758 = tpu.memref_slice %arg3[%add3A_752] : memref<322560xi32, #tpu.memory_space<hbm>> -> memref<96xi32, #tpu.memory_space<hbm>>
      %dma_start3A_759 = arith.constant 0 : i32
      %dma_start3A_760 = tpu.memref_slice %arg8[%add3A_754, %dma_start3A_759] : memref<14x96xi32, #tpu.memory_space<vmem>> -> memref<1x96xi32, #tpu.memory_space<vmem>>
      %dma_start3A_761 = tpu.memref_squeeze %dma_start3A_760 : memref<1x96xi32, #tpu.memory_space<vmem>> -> memref<96xi32, #tpu.memory_space<vmem>>
      %dma_start3A_762 = tpu.memref_slice %arg3[%add3A_752] : memref<322560xi32, #tpu.memory_space<hbm>> -> memref<96xi32, #tpu.memory_space<hbm>>
      tpu.enqueue_dma source(%dma_start3A_762 : memref<96xi32, #tpu.memory_space<hbm>>) target(%dma_start3A_761 : memref<96xi32, #tpu.memory_space<vmem>>) target_semaphore(%arg11 : memref<!tpu.dma_semaphore, #tpu.memory_space<semaphore_mem>>)
      %add3A_763 = arith.constant 5 : i32
      %add3A_764 = arith.addi %sub3A_367, %add3A_763 : i32
      %dma_start3A_765 = arith.constant 0 : i32
      %dma_start3A_766 = tpu.memref_slice %arg9[%add3A_764, %dma_start3A_765] : memref<14x96xi32, #tpu.memory_space<vmem>> -> memref<1x96xi32, #tpu.memory_space<vmem>>
      %dma_start3A_767 = tpu.memref_squeeze %dma_start3A_766 : memref<1x96xi32, #tpu.memory_space<vmem>> -> memref<96xi32, #tpu.memory_space<vmem>>
      %dma_start3A_768 = tpu.memref_slice %arg4[%add3A_752] : memref<322560xi32, #tpu.memory_space<hbm>> -> memref<96xi32, #tpu.memory_space<hbm>>
      %dma_start3A_769 = arith.constant 0 : i32
      %dma_start3A_770 = tpu.memref_slice %arg9[%add3A_764, %dma_start3A_769] : memref<14x96xi32, #tpu.memory_space<vmem>> -> memref<1x96xi32, #tpu.memory_space<vmem>>
      %dma_start3A_771 = tpu.memref_squeeze %dma_start3A_770 : memref<1x96xi32, #tpu.memory_space<vmem>> -> memref<96xi32, #tpu.memory_space<vmem>>
      %dma_start3A_772 = tpu.memref_slice %arg4[%add3A_752] : memref<322560xi32, #tpu.memory_space<hbm>> -> memref<96xi32, #tpu.memory_space<hbm>>
      tpu.enqueue_dma source(%dma_start3A_772 : memref<96xi32, #tpu.memory_space<hbm>>) target(%dma_start3A_771 : memref<96xi32, #tpu.memory_space<vmem>>) target_semaphore(%arg11 : memref<!tpu.dma_semaphore, #tpu.memory_space<semaphore_mem>>)
      %mul3A_773 = arith.constant 7 : i32
      %mul3A_774 = arith.muli %min3A_610, %mul3A_773 : i32
      %add3A_775 = arith.constant 6 : i32
      %add3A_776 = arith.addi %mul3A_774, %add3A_775 : i32
      %mul3A_777 = arith.constant 96 : i32
      %mul3A_778 = arith.muli %add3A_776, %mul3A_777 : i32
      %add3A_779 = arith.addi %mul3A_4, %mul3A_778 : i32
      %add3A_780 = arith.constant 6 : i32
      %add3A_781 = arith.addi %sub3A_367, %add3A_780 : i32
      %dma_start3A_782 = arith.constant 0 : i32
      %dma_start3A_783 = tpu.memref_slice %arg8[%add3A_781, %dma_start3A_782] : memref<14x96xi32, #tpu.memory_space<vmem>> -> memref<1x96xi32, #tpu.memory_space<vmem>>
      %dma_start3A_784 = tpu.memref_squeeze %dma_start3A_783 : memref<1x96xi32, #tpu.memory_space<vmem>> -> memref<96xi32, #tpu.memory_space<vmem>>
      %dma_start3A_785 = tpu.memref_slice %arg3[%add3A_779] : memref<322560xi32, #tpu.memory_space<hbm>> -> memref<96xi32, #tpu.memory_space<hbm>>
      %dma_start3A_786 = arith.constant 0 : i32
      %dma_start3A_787 = tpu.memref_slice %arg8[%add3A_781, %dma_start3A_786] : memref<14x96xi32, #tpu.memory_space<vmem>> -> memref<1x96xi32, #tpu.memory_space<vmem>>
      %dma_start3A_788 = tpu.memref_squeeze %dma_start3A_787 : memref<1x96xi32, #tpu.memory_space<vmem>> -> memref<96xi32, #tpu.memory_space<vmem>>
      %dma_start3A_789 = tpu.memref_slice %arg3[%add3A_779] : memref<322560xi32, #tpu.memory_space<hbm>> -> memref<96xi32, #tpu.memory_space<hbm>>
      tpu.enqueue_dma source(%dma_start3A_789 : memref<96xi32, #tpu.memory_space<hbm>>) target(%dma_start3A_788 : memref<96xi32, #tpu.memory_space<vmem>>) target_semaphore(%arg11 : memref<!tpu.dma_semaphore, #tpu.memory_space<semaphore_mem>>)
      %add3A_790 = arith.constant 6 : i32
      %add3A_791 = arith.addi %sub3A_367, %add3A_790 : i32
      %dma_start3A_792 = arith.constant 0 : i32
      %dma_start3A_793 = tpu.memref_slice %arg9[%add3A_791, %dma_start3A_792] : memref<14x96xi32, #tpu.memory_space<vmem>> -> memref<1x96xi32, #tpu.memory_space<vmem>>
      %dma_start3A_794 = tpu.memref_squeeze %dma_start3A_793 : memref<1x96xi32, #tpu.memory_space<vmem>> -> memref<96xi32, #tpu.memory_space<vmem>>
      %dma_start3A_795 = tpu.memref_slice %arg4[%add3A_779] : memref<322560xi32, #tpu.memory_space<hbm>> -> memref<96xi32, #tpu.memory_space<hbm>>
      %dma_start3A_796 = arith.constant 0 : i32
      %dma_start3A_797 = tpu.memref_slice %arg9[%add3A_791, %dma_start3A_796] : memref<14x96xi32, #tpu.memory_space<vmem>> -> memref<1x96xi32, #tpu.memory_space<vmem>>
      %dma_start3A_798 = tpu.memref_squeeze %dma_start3A_797 : memref<1x96xi32, #tpu.memory_space<vmem>> -> memref<96xi32, #tpu.memory_space<vmem>>
      %dma_start3A_799 = tpu.memref_slice %arg4[%add3A_779] : memref<322560xi32, #tpu.memory_space<hbm>> -> memref<96xi32, #tpu.memory_space<hbm>>
      tpu.enqueue_dma source(%dma_start3A_799 : memref<96xi32, #tpu.memory_space<hbm>>) target(%dma_start3A_798 : memref<96xi32, #tpu.memory_space<vmem>>) target_semaphore(%arg11 : memref<!tpu.dma_semaphore, #tpu.memory_space<semaphore_mem>>)
      %dma_wait3A_800 = arith.constant 0 : i32
      %dma_wait3A_801 = arith.constant 0 : i32
      %dma_wait3A_802 = tpu.memref_slice %arg10[%add3A_511, %dma_wait3A_800, %dma_wait3A_801] : memref<14x96x16xf32, #tpu.memory_space<vmem>> -> memref<1x96x16xf32, #tpu.memory_space<vmem>>
      %dma_wait3A_803 = tpu.memref_squeeze %dma_wait3A_802 : memref<1x96x16xf32, #tpu.memory_space<vmem>> -> memref<96x16xf32, #tpu.memory_space<vmem>>
      %dma_wait3A_804 = arith.constant 0 : i32
      %dma_wait3A_805 = tpu.memref_slice %arg8[%add3A_509, %dma_wait3A_804] : memref<14x96xi32, #tpu.memory_space<vmem>> -> memref<1x96xi32, #tpu.memory_space<vmem>>
      %dma_wait3A_806 = tpu.memref_squeeze %dma_wait3A_805 : memref<1x96xi32, #tpu.memory_space<vmem>> -> memref<96xi32, #tpu.memory_space<vmem>>
      %dma_wait3A_807 = arith.constant 0 : i32
      %dma_wait3A_808 = arith.constant 0 : i32
      %dma_wait3A_809 = tpu.memref_slice %arg2[%dma_wait3A_807, %dma_wait3A_808] : memref<10240x16xf32, #tpu.memory_space<hbm>> -> memref<10240x16xf32, #tpu.memory_space<hbm>>
      tpu.wait_indirect_dma semaphore(%arg12 : memref<!tpu.dma_semaphore, #tpu.memory_space<semaphore_mem>>) src(%dma_wait3A_809 : memref<10240x16xf32, #tpu.memory_space<hbm>>) dst(%dma_wait3A_803 : memref<96x16xf32, #tpu.memory_space<vmem>>)
      %add3A_810 = arith.constant 0 : i32
      %add3A_811 = arith.addi %mul3A_366, %add3A_810 : i32
      %add3A_812 = arith.constant 0 : i32
      %add3A_813 = arith.addi %mul3A_366, %add3A_812 : i32
      %dma_start3A_814 = arith.constant 0 : i32
      %dma_start3A_815 = arith.constant 0 : i32
      %dma_start3A_816 = tpu.memref_slice %arg10[%add3A_811, %dma_start3A_814, %dma_start3A_815] : memref<14x96x16xf32, #tpu.memory_space<vmem>> -> memref<1x96x16xf32, #tpu.memory_space<vmem>>
      %dma_start3A_817 = tpu.memref_squeeze %dma_start3A_816 : memref<1x96x16xf32, #tpu.memory_space<vmem>> -> memref<96x16xf32, #tpu.memory_space<vmem>>
      %dma_start3A_818 = arith.constant 0 : i32
      %dma_start3A_819 = tpu.memref_slice %arg9[%add3A_813, %dma_start3A_818] : memref<14x96xi32, #tpu.memory_space<vmem>> -> memref<1x96xi32, #tpu.memory_space<vmem>>
      %dma_start3A_820 = tpu.memref_squeeze %dma_start3A_819 : memref<1x96xi32, #tpu.memory_space<vmem>> -> memref<96xi32, #tpu.memory_space<vmem>>
      %dma_start3A_821 = arith.constant 0 : i32
      %dma_start3A_822 = arith.constant 0 : i32
      %dma_start3A_823 = tpu.memref_slice %arg7[%dma_start3A_821, %dma_start3A_822] : memref<10240x16xf32, #tpu.memory_space<vmem_shared>> -> memref<10240x16xf32, #tpu.memory_space<vmem_shared>>
      tpu.enqueue_indirect_dma source(%dma_start3A_817 : memref<96x16xf32, #tpu.memory_space<vmem>>) target(%dma_start3A_823 : memref<10240x16xf32, #tpu.memory_space<vmem_shared>>) offsets(%dma_start3A_820 : memref<96xi32, #tpu.memory_space<vmem>>) semaphore(%arg19 : memref<!tpu.dma_semaphore, #tpu.memory_space<semaphore_mem>>) {add = true}
      %dma_wait3A_824 = arith.constant 0 : i32
      %dma_wait3A_825 = arith.constant 0 : i32
      %dma_wait3A_826 = tpu.memref_slice %arg10[%add3A_525, %dma_wait3A_824, %dma_wait3A_825] : memref<14x96x16xf32, #tpu.memory_space<vmem>> -> memref<1x96x16xf32, #tpu.memory_space<vmem>>
      %dma_wait3A_827 = tpu.memref_squeeze %dma_wait3A_826 : memref<1x96x16xf32, #tpu.memory_space<vmem>> -> memref<96x16xf32, #tpu.memory_space<vmem>>
      %dma_wait3A_828 = arith.constant 0 : i32
      %dma_wait3A_829 = tpu.memref_slice %arg8[%add3A_523, %dma_wait3A_828] : memref<14x96xi32, #tpu.memory_space<vmem>> -> memref<1x96xi32, #tpu.memory_space<vmem>>
      %dma_wait3A_830 = tpu.memref_squeeze %dma_wait3A_829 : memref<1x96xi32, #tpu.memory_space<vmem>> -> memref<96xi32, #tpu.memory_space<vmem>>
      %dma_wait3A_831 = arith.constant 0 : i32
      %dma_wait3A_832 = arith.constant 0 : i32
      %dma_wait3A_833 = tpu.memref_slice %arg2[%dma_wait3A_831, %dma_wait3A_832] : memref<10240x16xf32, #tpu.memory_space<hbm>> -> memref<10240x16xf32, #tpu.memory_space<hbm>>
      tpu.wait_indirect_dma semaphore(%arg13 : memref<!tpu.dma_semaphore, #tpu.memory_space<semaphore_mem>>) src(%dma_wait3A_833 : memref<10240x16xf32, #tpu.memory_space<hbm>>) dst(%dma_wait3A_827 : memref<96x16xf32, #tpu.memory_space<vmem>>)
      %add3A_834 = arith.constant 1 : i32
      %add3A_835 = arith.addi %mul3A_366, %add3A_834 : i32
      %add3A_836 = arith.constant 1 : i32
      %add3A_837 = arith.addi %mul3A_366, %add3A_836 : i32
      %dma_start3A_838 = arith.constant 0 : i32
      %dma_start3A_839 = arith.constant 0 : i32
      %dma_start3A_840 = tpu.memref_slice %arg10[%add3A_835, %dma_start3A_838, %dma_start3A_839] : memref<14x96x16xf32, #tpu.memory_space<vmem>> -> memref<1x96x16xf32, #tpu.memory_space<vmem>>
      %dma_start3A_841 = tpu.memref_squeeze %dma_start3A_840 : memref<1x96x16xf32, #tpu.memory_space<vmem>> -> memref<96x16xf32, #tpu.memory_space<vmem>>
      %dma_start3A_842 = arith.constant 0 : i32
      %dma_start3A_843 = tpu.memref_slice %arg9[%add3A_837, %dma_start3A_842] : memref<14x96xi32, #tpu.memory_space<vmem>> -> memref<1x96xi32, #tpu.memory_space<vmem>>
      %dma_start3A_844 = tpu.memref_squeeze %dma_start3A_843 : memref<1x96xi32, #tpu.memory_space<vmem>> -> memref<96xi32, #tpu.memory_space<vmem>>
      %dma_start3A_845 = arith.constant 0 : i32
      %dma_start3A_846 = arith.constant 0 : i32
      %dma_start3A_847 = tpu.memref_slice %arg7[%dma_start3A_845, %dma_start3A_846] : memref<10240x16xf32, #tpu.memory_space<vmem_shared>> -> memref<10240x16xf32, #tpu.memory_space<vmem_shared>>
      tpu.enqueue_indirect_dma source(%dma_start3A_841 : memref<96x16xf32, #tpu.memory_space<vmem>>) target(%dma_start3A_847 : memref<10240x16xf32, #tpu.memory_space<vmem_shared>>) offsets(%dma_start3A_844 : memref<96xi32, #tpu.memory_space<vmem>>) semaphore(%arg19 : memref<!tpu.dma_semaphore, #tpu.memory_space<semaphore_mem>>) {add = true}
      %dma_wait3A_848 = arith.constant 0 : i32
      %dma_wait3A_849 = arith.constant 0 : i32
      %dma_wait3A_850 = tpu.memref_slice %arg10[%add3A_539, %dma_wait3A_848, %dma_wait3A_849] : memref<14x96x16xf32, #tpu.memory_space<vmem>> -> memref<1x96x16xf32, #tpu.memory_space<vmem>>
      %dma_wait3A_851 = tpu.memref_squeeze %dma_wait3A_850 : memref<1x96x16xf32, #tpu.memory_space<vmem>> -> memref<96x16xf32, #tpu.memory_space<vmem>>
      %dma_wait3A_852 = arith.constant 0 : i32
      %dma_wait3A_853 = tpu.memref_slice %arg8[%add3A_537, %dma_wait3A_852] : memref<14x96xi32, #tpu.memory_space<vmem>> -> memref<1x96xi32, #tpu.memory_space<vmem>>
      %dma_wait3A_854 = tpu.memref_squeeze %dma_wait3A_853 : memref<1x96xi32, #tpu.memory_space<vmem>> -> memref<96xi32, #tpu.memory_space<vmem>>
      %dma_wait3A_855 = arith.constant 0 : i32
      %dma_wait3A_856 = arith.constant 0 : i32
      %dma_wait3A_857 = tpu.memref_slice %arg2[%dma_wait3A_855, %dma_wait3A_856] : memref<10240x16xf32, #tpu.memory_space<hbm>> -> memref<10240x16xf32, #tpu.memory_space<hbm>>
      tpu.wait_indirect_dma semaphore(%arg14 : memref<!tpu.dma_semaphore, #tpu.memory_space<semaphore_mem>>) src(%dma_wait3A_857 : memref<10240x16xf32, #tpu.memory_space<hbm>>) dst(%dma_wait3A_851 : memref<96x16xf32, #tpu.memory_space<vmem>>)
      %add3A_858 = arith.constant 2 : i32
      %add3A_859 = arith.addi %mul3A_366, %add3A_858 : i32
      %add3A_860 = arith.constant 2 : i32
      %add3A_861 = arith.addi %mul3A_366, %add3A_860 : i32
      %dma_start3A_862 = arith.constant 0 : i32
      %dma_start3A_863 = arith.constant 0 : i32
      %dma_start3A_864 = tpu.memref_slice %arg10[%add3A_859, %dma_start3A_862, %dma_start3A_863] : memref<14x96x16xf32, #tpu.memory_space<vmem>> -> memref<1x96x16xf32, #tpu.memory_space<vmem>>
      %dma_start3A_865 = tpu.memref_squeeze %dma_start3A_864 : memref<1x96x16xf32, #tpu.memory_space<vmem>> -> memref<96x16xf32, #tpu.memory_space<vmem>>
      %dma_start3A_866 = arith.constant 0 : i32
      %dma_start3A_867 = tpu.memref_slice %arg9[%add3A_861, %dma_start3A_866] : memref<14x96xi32, #tpu.memory_space<vmem>> -> memref<1x96xi32, #tpu.memory_space<vmem>>
      %dma_start3A_868 = tpu.memref_squeeze %dma_start3A_867 : memref<1x96xi32, #tpu.memory_space<vmem>> -> memref<96xi32, #tpu.memory_space<vmem>>
      %dma_start3A_869 = arith.constant 0 : i32
      %dma_start3A_870 = arith.constant 0 : i32
      %dma_start3A_871 = tpu.memref_slice %arg7[%dma_start3A_869, %dma_start3A_870] : memref<10240x16xf32, #tpu.memory_space<vmem_shared>> -> memref<10240x16xf32, #tpu.memory_space<vmem_shared>>
      tpu.enqueue_indirect_dma source(%dma_start3A_865 : memref<96x16xf32, #tpu.memory_space<vmem>>) target(%dma_start3A_871 : memref<10240x16xf32, #tpu.memory_space<vmem_shared>>) offsets(%dma_start3A_868 : memref<96xi32, #tpu.memory_space<vmem>>) semaphore(%arg19 : memref<!tpu.dma_semaphore, #tpu.memory_space<semaphore_mem>>) {add = true}
      %dma_wait3A_872 = arith.constant 0 : i32
      %dma_wait3A_873 = arith.constant 0 : i32
      %dma_wait3A_874 = tpu.memref_slice %arg10[%add3A_553, %dma_wait3A_872, %dma_wait3A_873] : memref<14x96x16xf32, #tpu.memory_space<vmem>> -> memref<1x96x16xf32, #tpu.memory_space<vmem>>
      %dma_wait3A_875 = tpu.memref_squeeze %dma_wait3A_874 : memref<1x96x16xf32, #tpu.memory_space<vmem>> -> memref<96x16xf32, #tpu.memory_space<vmem>>
      %dma_wait3A_876 = arith.constant 0 : i32
      %dma_wait3A_877 = tpu.memref_slice %arg8[%add3A_551, %dma_wait3A_876] : memref<14x96xi32, #tpu.memory_space<vmem>> -> memref<1x96xi32, #tpu.memory_space<vmem>>
      %dma_wait3A_878 = tpu.memref_squeeze %dma_wait3A_877 : memref<1x96xi32, #tpu.memory_space<vmem>> -> memref<96xi32, #tpu.memory_space<vmem>>
      %dma_wait3A_879 = arith.constant 0 : i32
      %dma_wait3A_880 = arith.constant 0 : i32
      %dma_wait3A_881 = tpu.memref_slice %arg2[%dma_wait3A_879, %dma_wait3A_880] : memref<10240x16xf32, #tpu.memory_space<hbm>> -> memref<10240x16xf32, #tpu.memory_space<hbm>>
      tpu.wait_indirect_dma semaphore(%arg15 : memref<!tpu.dma_semaphore, #tpu.memory_space<semaphore_mem>>) src(%dma_wait3A_881 : memref<10240x16xf32, #tpu.memory_space<hbm>>) dst(%dma_wait3A_875 : memref<96x16xf32, #tpu.memory_space<vmem>>)
      %add3A_882 = arith.constant 3 : i32
      %add3A_883 = arith.addi %mul3A_366, %add3A_882 : i32
      %add3A_884 = arith.constant 3 : i32
      %add3A_885 = arith.addi %mul3A_366, %add3A_884 : i32
      %dma_start3A_886 = arith.constant 0 : i32
      %dma_start3A_887 = arith.constant 0 : i32
      %dma_start3A_888 = tpu.memref_slice %arg10[%add3A_883, %dma_start3A_886, %dma_start3A_887] : memref<14x96x16xf32, #tpu.memory_space<vmem>> -> memref<1x96x16xf32, #tpu.memory_space<vmem>>
      %dma_start3A_889 = tpu.memref_squeeze %dma_start3A_888 : memref<1x96x16xf32, #tpu.memory_space<vmem>> -> memref<96x16xf32, #tpu.memory_space<vmem>>
      %dma_start3A_890 = arith.constant 0 : i32
      %dma_start3A_891 = tpu.memref_slice %arg9[%add3A_885, %dma_start3A_890] : memref<14x96xi32, #tpu.memory_space<vmem>> -> memref<1x96xi32, #tpu.memory_space<vmem>>
      %dma_start3A_892 = tpu.memref_squeeze %dma_start3A_891 : memref<1x96xi32, #tpu.memory_space<vmem>> -> memref<96xi32, #tpu.memory_space<vmem>>
      %dma_start3A_893 = arith.constant 0 : i32
      %dma_start3A_894 = arith.constant 0 : i32
      %dma_start3A_895 = tpu.memref_slice %arg7[%dma_start3A_893, %dma_start3A_894] : memref<10240x16xf32, #tpu.memory_space<vmem_shared>> -> memref<10240x16xf32, #tpu.memory_space<vmem_shared>>
      tpu.enqueue_indirect_dma source(%dma_start3A_889 : memref<96x16xf32, #tpu.memory_space<vmem>>) target(%dma_start3A_895 : memref<10240x16xf32, #tpu.memory_space<vmem_shared>>) offsets(%dma_start3A_892 : memref<96xi32, #tpu.memory_space<vmem>>) semaphore(%arg19 : memref<!tpu.dma_semaphore, #tpu.memory_space<semaphore_mem>>) {add = true}
      %dma_wait3A_896 = arith.constant 0 : i32
      %dma_wait3A_897 = arith.constant 0 : i32
      %dma_wait3A_898 = tpu.memref_slice %arg10[%add3A_567, %dma_wait3A_896, %dma_wait3A_897] : memref<14x96x16xf32, #tpu.memory_space<vmem>> -> memref<1x96x16xf32, #tpu.memory_space<vmem>>
      %dma_wait3A_899 = tpu.memref_squeeze %dma_wait3A_898 : memref<1x96x16xf32, #tpu.memory_space<vmem>> -> memref<96x16xf32, #tpu.memory_space<vmem>>
      %dma_wait3A_900 = arith.constant 0 : i32
      %dma_wait3A_901 = tpu.memref_slice %arg8[%add3A_565, %dma_wait3A_900] : memref<14x96xi32, #tpu.memory_space<vmem>> -> memref<1x96xi32, #tpu.memory_space<vmem>>
      %dma_wait3A_902 = tpu.memref_squeeze %dma_wait3A_901 : memref<1x96xi32, #tpu.memory_space<vmem>> -> memref<96xi32, #tpu.memory_space<vmem>>
      %dma_wait3A_903 = arith.constant 0 : i32
      %dma_wait3A_904 = arith.constant 0 : i32
      %dma_wait3A_905 = tpu.memref_slice %arg2[%dma_wait3A_903, %dma_wait3A_904] : memref<10240x16xf32, #tpu.memory_space<hbm>> -> memref<10240x16xf32, #tpu.memory_space<hbm>>
      tpu.wait_indirect_dma semaphore(%arg16 : memref<!tpu.dma_semaphore, #tpu.memory_space<semaphore_mem>>) src(%dma_wait3A_905 : memref<10240x16xf32, #tpu.memory_space<hbm>>) dst(%dma_wait3A_899 : memref<96x16xf32, #tpu.memory_space<vmem>>)
      %add3A_906 = arith.constant 4 : i32
      %add3A_907 = arith.addi %mul3A_366, %add3A_906 : i32
      %add3A_908 = arith.constant 4 : i32
      %add3A_909 = arith.addi %mul3A_366, %add3A_908 : i32
      %dma_start3A_910 = arith.constant 0 : i32
      %dma_start3A_911 = arith.constant 0 : i32
      %dma_start3A_912 = tpu.memref_slice %arg10[%add3A_907, %dma_start3A_910, %dma_start3A_911] : memref<14x96x16xf32, #tpu.memory_space<vmem>> -> memref<1x96x16xf32, #tpu.memory_space<vmem>>
      %dma_start3A_913 = tpu.memref_squeeze %dma_start3A_912 : memref<1x96x16xf32, #tpu.memory_space<vmem>> -> memref<96x16xf32, #tpu.memory_space<vmem>>
      %dma_start3A_914 = arith.constant 0 : i32
      %dma_start3A_915 = tpu.memref_slice %arg9[%add3A_909, %dma_start3A_914] : memref<14x96xi32, #tpu.memory_space<vmem>> -> memref<1x96xi32, #tpu.memory_space<vmem>>
      %dma_start3A_916 = tpu.memref_squeeze %dma_start3A_915 : memref<1x96xi32, #tpu.memory_space<vmem>> -> memref<96xi32, #tpu.memory_space<vmem>>
      %dma_start3A_917 = arith.constant 0 : i32
      %dma_start3A_918 = arith.constant 0 : i32
      %dma_start3A_919 = tpu.memref_slice %arg7[%dma_start3A_917, %dma_start3A_918] : memref<10240x16xf32, #tpu.memory_space<vmem_shared>> -> memref<10240x16xf32, #tpu.memory_space<vmem_shared>>
      tpu.enqueue_indirect_dma source(%dma_start3A_913 : memref<96x16xf32, #tpu.memory_space<vmem>>) target(%dma_start3A_919 : memref<10240x16xf32, #tpu.memory_space<vmem_shared>>) offsets(%dma_start3A_916 : memref<96xi32, #tpu.memory_space<vmem>>) semaphore(%arg19 : memref<!tpu.dma_semaphore, #tpu.memory_space<semaphore_mem>>) {add = true}
      %dma_wait3A_920 = arith.constant 0 : i32
      %dma_wait3A_921 = arith.constant 0 : i32
      %dma_wait3A_922 = tpu.memref_slice %arg10[%add3A_581, %dma_wait3A_920, %dma_wait3A_921] : memref<14x96x16xf32, #tpu.memory_space<vmem>> -> memref<1x96x16xf32, #tpu.memory_space<vmem>>
      %dma_wait3A_923 = tpu.memref_squeeze %dma_wait3A_922 : memref<1x96x16xf32, #tpu.memory_space<vmem>> -> memref<96x16xf32, #tpu.memory_space<vmem>>
      %dma_wait3A_924 = arith.constant 0 : i32
      %dma_wait3A_925 = tpu.memref_slice %arg8[%add3A_579, %dma_wait3A_924] : memref<14x96xi32, #tpu.memory_space<vmem>> -> memref<1x96xi32, #tpu.memory_space<vmem>>
      %dma_wait3A_926 = tpu.memref_squeeze %dma_wait3A_925 : memref<1x96xi32, #tpu.memory_space<vmem>> -> memref<96xi32, #tpu.memory_space<vmem>>
      %dma_wait3A_927 = arith.constant 0 : i32
      %dma_wait3A_928 = arith.constant 0 : i32
      %dma_wait3A_929 = tpu.memref_slice %arg2[%dma_wait3A_927, %dma_wait3A_928] : memref<10240x16xf32, #tpu.memory_space<hbm>> -> memref<10240x16xf32, #tpu.memory_space<hbm>>
      tpu.wait_indirect_dma semaphore(%arg17 : memref<!tpu.dma_semaphore, #tpu.memory_space<semaphore_mem>>) src(%dma_wait3A_929 : memref<10240x16xf32, #tpu.memory_space<hbm>>) dst(%dma_wait3A_923 : memref<96x16xf32, #tpu.memory_space<vmem>>)
      %add3A_930 = arith.constant 5 : i32
      %add3A_931 = arith.addi %mul3A_366, %add3A_930 : i32
      %add3A_932 = arith.constant 5 : i32
      %add3A_933 = arith.addi %mul3A_366, %add3A_932 : i32
      %dma_start3A_934 = arith.constant 0 : i32
      %dma_start3A_935 = arith.constant 0 : i32
      %dma_start3A_936 = tpu.memref_slice %arg10[%add3A_931, %dma_start3A_934, %dma_start3A_935] : memref<14x96x16xf32, #tpu.memory_space<vmem>> -> memref<1x96x16xf32, #tpu.memory_space<vmem>>
      %dma_start3A_937 = tpu.memref_squeeze %dma_start3A_936 : memref<1x96x16xf32, #tpu.memory_space<vmem>> -> memref<96x16xf32, #tpu.memory_space<vmem>>
      %dma_start3A_938 = arith.constant 0 : i32
      %dma_start3A_939 = tpu.memref_slice %arg9[%add3A_933, %dma_start3A_938] : memref<14x96xi32, #tpu.memory_space<vmem>> -> memref<1x96xi32, #tpu.memory_space<vmem>>
      %dma_start3A_940 = tpu.memref_squeeze %dma_start3A_939 : memref<1x96xi32, #tpu.memory_space<vmem>> -> memref<96xi32, #tpu.memory_space<vmem>>
      %dma_start3A_941 = arith.constant 0 : i32
      %dma_start3A_942 = arith.constant 0 : i32
      %dma_start3A_943 = tpu.memref_slice %arg7[%dma_start3A_941, %dma_start3A_942] : memref<10240x16xf32, #tpu.memory_space<vmem_shared>> -> memref<10240x16xf32, #tpu.memory_space<vmem_shared>>
      tpu.enqueue_indirect_dma source(%dma_start3A_937 : memref<96x16xf32, #tpu.memory_space<vmem>>) target(%dma_start3A_943 : memref<10240x16xf32, #tpu.memory_space<vmem_shared>>) offsets(%dma_start3A_940 : memref<96xi32, #tpu.memory_space<vmem>>) semaphore(%arg19 : memref<!tpu.dma_semaphore, #tpu.memory_space<semaphore_mem>>) {add = true}
      %dma_wait3A_944 = arith.constant 0 : i32
      %dma_wait3A_945 = arith.constant 0 : i32
      %dma_wait3A_946 = tpu.memref_slice %arg10[%add3A_595, %dma_wait3A_944, %dma_wait3A_945] : memref<14x96x16xf32, #tpu.memory_space<vmem>> -> memref<1x96x16xf32, #tpu.memory_space<vmem>>
      %dma_wait3A_947 = tpu.memref_squeeze %dma_wait3A_946 : memref<1x96x16xf32, #tpu.memory_space<vmem>> -> memref<96x16xf32, #tpu.memory_space<vmem>>
      %dma_wait3A_948 = arith.constant 0 : i32
      %dma_wait3A_949 = tpu.memref_slice %arg8[%add3A_593, %dma_wait3A_948] : memref<14x96xi32, #tpu.memory_space<vmem>> -> memref<1x96xi32, #tpu.memory_space<vmem>>
      %dma_wait3A_950 = tpu.memref_squeeze %dma_wait3A_949 : memref<1x96xi32, #tpu.memory_space<vmem>> -> memref<96xi32, #tpu.memory_space<vmem>>
      %dma_wait3A_951 = arith.constant 0 : i32
      %dma_wait3A_952 = arith.constant 0 : i32
      %dma_wait3A_953 = tpu.memref_slice %arg2[%dma_wait3A_951, %dma_wait3A_952] : memref<10240x16xf32, #tpu.memory_space<hbm>> -> memref<10240x16xf32, #tpu.memory_space<hbm>>
      tpu.wait_indirect_dma semaphore(%arg18 : memref<!tpu.dma_semaphore, #tpu.memory_space<semaphore_mem>>) src(%dma_wait3A_953 : memref<10240x16xf32, #tpu.memory_space<hbm>>) dst(%dma_wait3A_947 : memref<96x16xf32, #tpu.memory_space<vmem>>)
      %add3A_954 = arith.constant 6 : i32
      %add3A_955 = arith.addi %mul3A_366, %add3A_954 : i32
      %add3A_956 = arith.constant 6 : i32
      %add3A_957 = arith.addi %mul3A_366, %add3A_956 : i32
      %dma_start3A_958 = arith.constant 0 : i32
      %dma_start3A_959 = arith.constant 0 : i32
      %dma_start3A_960 = tpu.memref_slice %arg10[%add3A_955, %dma_start3A_958, %dma_start3A_959] : memref<14x96x16xf32, #tpu.memory_space<vmem>> -> memref<1x96x16xf32, #tpu.memory_space<vmem>>
      %dma_start3A_961 = tpu.memref_squeeze %dma_start3A_960 : memref<1x96x16xf32, #tpu.memory_space<vmem>> -> memref<96x16xf32, #tpu.memory_space<vmem>>
      %dma_start3A_962 = arith.constant 0 : i32
      %dma_start3A_963 = tpu.memref_slice %arg9[%add3A_957, %dma_start3A_962] : memref<14x96xi32, #tpu.memory_space<vmem>> -> memref<1x96xi32, #tpu.memory_space<vmem>>
      %dma_start3A_964 = tpu.memref_squeeze %dma_start3A_963 : memref<1x96xi32, #tpu.memory_space<vmem>> -> memref<96xi32, #tpu.memory_space<vmem>>
      %dma_start3A_965 = arith.constant 0 : i32
      %dma_start3A_966 = arith.constant 0 : i32
      %dma_start3A_967 = tpu.memref_slice %arg7[%dma_start3A_965, %dma_start3A_966] : memref<10240x16xf32, #tpu.memory_space<vmem_shared>> -> memref<10240x16xf32, #tpu.memory_space<vmem_shared>>
      tpu.enqueue_indirect_dma source(%dma_start3A_961 : memref<96x16xf32, #tpu.memory_space<vmem>>) target(%dma_start3A_967 : memref<10240x16xf32, #tpu.memory_space<vmem_shared>>) offsets(%dma_start3A_964 : memref<96xi32, #tpu.memory_space<vmem>>) semaphore(%arg19 : memref<!tpu.dma_semaphore, #tpu.memory_space<semaphore_mem>>) {add = true}
    }
    %scan3A_148 = arith.constant 15 : i32
    %dma_wait3A = arith.constant 0 : i32
    %dma_wait3A_149 = arith.constant 0 : i32
    %dma_wait3A_150 = arith.constant 0 : i32
    %dma_wait3A_151 = arith.constant 0 : i32
    %dma_wait3A_152 = tpu.memref_slice %arg10[%dma_wait3A, %dma_wait3A_150, %dma_wait3A_151] : memref<14x96x16xf32, #tpu.memory_space<vmem>> -> memref<1x96x16xf32, #tpu.memory_space<vmem>>
    %dma_wait3A_153 = tpu.memref_squeeze %dma_wait3A_152 : memref<1x96x16xf32, #tpu.memory_space<vmem>> -> memref<96x16xf32, #tpu.memory_space<vmem>>
    %dma_wait3A_154 = arith.constant 0 : i32
    %dma_wait3A_155 = tpu.memref_slice %arg9[%dma_wait3A_149, %dma_wait3A_154] : memref<14x96xi32, #tpu.memory_space<vmem>> -> memref<1x96xi32, #tpu.memory_space<vmem>>
    %dma_wait3A_156 = tpu.memref_squeeze %dma_wait3A_155 : memref<1x96xi32, #tpu.memory_space<vmem>> -> memref<96xi32, #tpu.memory_space<vmem>>
    %dma_wait3A_157 = arith.constant 0 : i32
    %dma_wait3A_158 = arith.constant 0 : i32
    %dma_wait3A_159 = tpu.memref_slice %arg7[%dma_wait3A_157, %dma_wait3A_158] : memref<10240x16xf32, #tpu.memory_space<vmem_shared>> -> memref<10240x16xf32, #tpu.memory_space<vmem_shared>>
    tpu.wait_indirect_dma semaphore(%arg19 : memref<!tpu.dma_semaphore, #tpu.memory_space<semaphore_mem>>) src(%dma_wait3A_153 : memref<96x16xf32, #tpu.memory_space<vmem>>) dst(%dma_wait3A_159 : memref<10240x16xf32, #tpu.memory_space<vmem_shared>>)
    %dma_wait3A_160 = arith.constant 1 : i32
    %dma_wait3A_161 = arith.constant 1 : i32
    %dma_wait3A_162 = arith.constant 0 : i32
    %dma_wait3A_163 = arith.constant 0 : i32
    %dma_wait3A_164 = tpu.memref_slice %arg10[%dma_wait3A_160, %dma_wait3A_162, %dma_wait3A_163] : memref<14x96x16xf32, #tpu.memory_space<vmem>> -> memref<1x96x16xf32, #tpu.memory_space<vmem>>
    %dma_wait3A_165 = tpu.memref_squeeze %dma_wait3A_164 : memref<1x96x16xf32, #tpu.memory_space<vmem>> -> memref<96x16xf32, #tpu.memory_space<vmem>>
    %dma_wait3A_166 = arith.constant 0 : i32
    %dma_wait3A_167 = tpu.memref_slice %arg9[%dma_wait3A_161, %dma_wait3A_166] : memref<14x96xi32, #tpu.memory_space<vmem>> -> memref<1x96xi32, #tpu.memory_space<vmem>>
    %dma_wait3A_168 = tpu.memref_squeeze %dma_wait3A_167 : memref<1x96xi32, #tpu.memory_space<vmem>> -> memref<96xi32, #tpu.memory_space<vmem>>
    %dma_wait3A_169 = arith.constant 0 : i32
    %dma_wait3A_170 = arith.constant 0 : i32
    %dma_wait3A_171 = tpu.memref_slice %arg7[%dma_wait3A_169, %dma_wait3A_170] : memref<10240x16xf32, #tpu.memory_space<vmem_shared>> -> memref<10240x16xf32, #tpu.memory_space<vmem_shared>>
    tpu.wait_indirect_dma semaphore(%arg19 : memref<!tpu.dma_semaphore, #tpu.memory_space<semaphore_mem>>) src(%dma_wait3A_165 : memref<96x16xf32, #tpu.memory_space<vmem>>) dst(%dma_wait3A_171 : memref<10240x16xf32, #tpu.memory_space<vmem_shared>>)
    %dma_wait3A_172 = arith.constant 2 : i32
    %dma_wait3A_173 = arith.constant 2 : i32
    %dma_wait3A_174 = arith.constant 0 : i32
    %dma_wait3A_175 = arith.constant 0 : i32
    %dma_wait3A_176 = tpu.memref_slice %arg10[%dma_wait3A_172, %dma_wait3A_174, %dma_wait3A_175] : memref<14x96x16xf32, #tpu.memory_space<vmem>> -> memref<1x96x16xf32, #tpu.memory_space<vmem>>
    %dma_wait3A_177 = tpu.memref_squeeze %dma_wait3A_176 : memref<1x96x16xf32, #tpu.memory_space<vmem>> -> memref<96x16xf32, #tpu.memory_space<vmem>>
    %dma_wait3A_178 = arith.constant 0 : i32
    %dma_wait3A_179 = tpu.memref_slice %arg9[%dma_wait3A_173, %dma_wait3A_178] : memref<14x96xi32, #tpu.memory_space<vmem>> -> memref<1x96xi32, #tpu.memory_space<vmem>>
    %dma_wait3A_180 = tpu.memref_squeeze %dma_wait3A_179 : memref<1x96xi32, #tpu.memory_space<vmem>> -> memref<96xi32, #tpu.memory_space<vmem>>
    %dma_wait3A_181 = arith.constant 0 : i32
    %dma_wait3A_182 = arith.constant 0 : i32
    %dma_wait3A_183 = tpu.memref_slice %arg7[%dma_wait3A_181, %dma_wait3A_182] : memref<10240x16xf32, #tpu.memory_space<vmem_shared>> -> memref<10240x16xf32, #tpu.memory_space<vmem_shared>>
    tpu.wait_indirect_dma semaphore(%arg19 : memref<!tpu.dma_semaphore, #tpu.memory_space<semaphore_mem>>) src(%dma_wait3A_177 : memref<96x16xf32, #tpu.memory_space<vmem>>) dst(%dma_wait3A_183 : memref<10240x16xf32, #tpu.memory_space<vmem_shared>>)
    %dma_wait3A_184 = arith.constant 3 : i32
    %dma_wait3A_185 = arith.constant 3 : i32
    %dma_wait3A_186 = arith.constant 0 : i32
    %dma_wait3A_187 = arith.constant 0 : i32
    %dma_wait3A_188 = tpu.memref_slice %arg10[%dma_wait3A_184, %dma_wait3A_186, %dma_wait3A_187] : memref<14x96x16xf32, #tpu.memory_space<vmem>> -> memref<1x96x16xf32, #tpu.memory_space<vmem>>
    %dma_wait3A_189 = tpu.memref_squeeze %dma_wait3A_188 : memref<1x96x16xf32, #tpu.memory_space<vmem>> -> memref<96x16xf32, #tpu.memory_space<vmem>>
    %dma_wait3A_190 = arith.constant 0 : i32
    %dma_wait3A_191 = tpu.memref_slice %arg9[%dma_wait3A_185, %dma_wait3A_190] : memref<14x96xi32, #tpu.memory_space<vmem>> -> memref<1x96xi32, #tpu.memory_space<vmem>>
    %dma_wait3A_192 = tpu.memref_squeeze %dma_wait3A_191 : memref<1x96xi32, #tpu.memory_space<vmem>> -> memref<96xi32, #tpu.memory_space<vmem>>
    %dma_wait3A_193 = arith.constant 0 : i32
    %dma_wait3A_194 = arith.constant 0 : i32
    %dma_wait3A_195 = tpu.memref_slice %arg7[%dma_wait3A_193, %dma_wait3A_194] : memref<10240x16xf32, #tpu.memory_space<vmem_shared>> -> memref<10240x16xf32, #tpu.memory_space<vmem_shared>>
    tpu.wait_indirect_dma semaphore(%arg19 : memref<!tpu.dma_semaphore, #tpu.memory_space<semaphore_mem>>) src(%dma_wait3A_189 : memref<96x16xf32, #tpu.memory_space<vmem>>) dst(%dma_wait3A_195 : memref<10240x16xf32, #tpu.memory_space<vmem_shared>>)
    %dma_wait3A_196 = arith.constant 4 : i32
    %dma_wait3A_197 = arith.constant 4 : i32
    %dma_wait3A_198 = arith.constant 0 : i32
    %dma_wait3A_199 = arith.constant 0 : i32
    %dma_wait3A_200 = tpu.memref_slice %arg10[%dma_wait3A_196, %dma_wait3A_198, %dma_wait3A_199] : memref<14x96x16xf32, #tpu.memory_space<vmem>> -> memref<1x96x16xf32, #tpu.memory_space<vmem>>
    %dma_wait3A_201 = tpu.memref_squeeze %dma_wait3A_200 : memref<1x96x16xf32, #tpu.memory_space<vmem>> -> memref<96x16xf32, #tpu.memory_space<vmem>>
    %dma_wait3A_202 = arith.constant 0 : i32
    %dma_wait3A_203 = tpu.memref_slice %arg9[%dma_wait3A_197, %dma_wait3A_202] : memref<14x96xi32, #tpu.memory_space<vmem>> -> memref<1x96xi32, #tpu.memory_space<vmem>>
    %dma_wait3A_204 = tpu.memref_squeeze %dma_wait3A_203 : memref<1x96xi32, #tpu.memory_space<vmem>> -> memref<96xi32, #tpu.memory_space<vmem>>
    %dma_wait3A_205 = arith.constant 0 : i32
    %dma_wait3A_206 = arith.constant 0 : i32
    %dma_wait3A_207 = tpu.memref_slice %arg7[%dma_wait3A_205, %dma_wait3A_206] : memref<10240x16xf32, #tpu.memory_space<vmem_shared>> -> memref<10240x16xf32, #tpu.memory_space<vmem_shared>>
    tpu.wait_indirect_dma semaphore(%arg19 : memref<!tpu.dma_semaphore, #tpu.memory_space<semaphore_mem>>) src(%dma_wait3A_201 : memref<96x16xf32, #tpu.memory_space<vmem>>) dst(%dma_wait3A_207 : memref<10240x16xf32, #tpu.memory_space<vmem_shared>>)
    %dma_wait3A_208 = arith.constant 5 : i32
    %dma_wait3A_209 = arith.constant 5 : i32
    %dma_wait3A_210 = arith.constant 0 : i32
    %dma_wait3A_211 = arith.constant 0 : i32
    %dma_wait3A_212 = tpu.memref_slice %arg10[%dma_wait3A_208, %dma_wait3A_210, %dma_wait3A_211] : memref<14x96x16xf32, #tpu.memory_space<vmem>> -> memref<1x96x16xf32, #tpu.memory_space<vmem>>
    %dma_wait3A_213 = tpu.memref_squeeze %dma_wait3A_212 : memref<1x96x16xf32, #tpu.memory_space<vmem>> -> memref<96x16xf32, #tpu.memory_space<vmem>>
    %dma_wait3A_214 = arith.constant 0 : i32
    %dma_wait3A_215 = tpu.memref_slice %arg9[%dma_wait3A_209, %dma_wait3A_214] : memref<14x96xi32, #tpu.memory_space<vmem>> -> memref<1x96xi32, #tpu.memory_space<vmem>>
    %dma_wait3A_216 = tpu.memref_squeeze %dma_wait3A_215 : memref<1x96xi32, #tpu.memory_space<vmem>> -> memref<96xi32, #tpu.memory_space<vmem>>
    %dma_wait3A_217 = arith.constant 0 : i32
    %dma_wait3A_218 = arith.constant 0 : i32
    %dma_wait3A_219 = tpu.memref_slice %arg7[%dma_wait3A_217, %dma_wait3A_218] : memref<10240x16xf32, #tpu.memory_space<vmem_shared>> -> memref<10240x16xf32, #tpu.memory_space<vmem_shared>>
    tpu.wait_indirect_dma semaphore(%arg19 : memref<!tpu.dma_semaphore, #tpu.memory_space<semaphore_mem>>) src(%dma_wait3A_213 : memref<96x16xf32, #tpu.memory_space<vmem>>) dst(%dma_wait3A_219 : memref<10240x16xf32, #tpu.memory_space<vmem_shared>>)
    %dma_wait3A_220 = arith.constant 6 : i32
    %dma_wait3A_221 = arith.constant 6 : i32
    %dma_wait3A_222 = arith.constant 0 : i32
    %dma_wait3A_223 = arith.constant 0 : i32
    %dma_wait3A_224 = tpu.memref_slice %arg10[%dma_wait3A_220, %dma_wait3A_222, %dma_wait3A_223] : memref<14x96x16xf32, #tpu.memory_space<vmem>> -> memref<1x96x16xf32, #tpu.memory_space<vmem>>
    %dma_wait3A_225 = tpu.memref_squeeze %dma_wait3A_224 : memref<1x96x16xf32, #tpu.memory_space<vmem>> -> memref<96x16xf32, #tpu.memory_space<vmem>>
    %dma_wait3A_226 = arith.constant 0 : i32
    %dma_wait3A_227 = tpu.memref_slice %arg9[%dma_wait3A_221, %dma_wait3A_226] : memref<14x96xi32, #tpu.memory_space<vmem>> -> memref<1x96xi32, #tpu.memory_space<vmem>>
    %dma_wait3A_228 = tpu.memref_squeeze %dma_wait3A_227 : memref<1x96xi32, #tpu.memory_space<vmem>> -> memref<96xi32, #tpu.memory_space<vmem>>
    %dma_wait3A_229 = arith.constant 0 : i32
    %dma_wait3A_230 = arith.constant 0 : i32
    %dma_wait3A_231 = tpu.memref_slice %arg7[%dma_wait3A_229, %dma_wait3A_230] : memref<10240x16xf32, #tpu.memory_space<vmem_shared>> -> memref<10240x16xf32, #tpu.memory_space<vmem_shared>>
    tpu.wait_indirect_dma semaphore(%arg19 : memref<!tpu.dma_semaphore, #tpu.memory_space<semaphore_mem>>) src(%dma_wait3A_225 : memref<96x16xf32, #tpu.memory_space<vmem>>) dst(%dma_wait3A_231 : memref<10240x16xf32, #tpu.memory_space<vmem_shared>>)
    %dma_wait3A_232 = arith.constant 7 : i32
    %dma_wait3A_233 = arith.constant 0 : i32
    %dma_wait3A_234 = tpu.memref_slice %arg8[%dma_wait3A_232, %dma_wait3A_233] : memref<14x96xi32, #tpu.memory_space<vmem>> -> memref<1x96xi32, #tpu.memory_space<vmem>>
    %dma_wait3A_235 = tpu.memref_squeeze %dma_wait3A_234 : memref<1x96xi32, #tpu.memory_space<vmem>> -> memref<96xi32, #tpu.memory_space<vmem>>
    %dma_wait3A_236 = tpu.memref_slice %arg3[%mul3A_4] : memref<322560xi32, #tpu.memory_space<hbm>> -> memref<96xi32, #tpu.memory_space<hbm>>
    %dma_wait3A_237 = arith.constant 0 : i32
    %dma_wait3A_238 = tpu.memref_slice %arg8[%dma_wait3A_232, %dma_wait3A_237] : memref<14x96xi32, #tpu.memory_space<vmem>> -> memref<1x96xi32, #tpu.memory_space<vmem>>
    %dma_wait3A_239 = tpu.memref_squeeze %dma_wait3A_238 : memref<1x96xi32, #tpu.memory_space<vmem>> -> memref<96xi32, #tpu.memory_space<vmem>>
    %dma_wait3A_240 = tpu.memref_slice %arg3[%mul3A_4] : memref<322560xi32, #tpu.memory_space<hbm>> -> memref<96xi32, #tpu.memory_space<hbm>>
    tpu.wait_dma2 semaphore(%arg11 : memref<!tpu.dma_semaphore, #tpu.memory_space<semaphore_mem>>) src(%dma_wait3A_240 : memref<96xi32, #tpu.memory_space<hbm>>) dst(%dma_wait3A_239 : memref<96xi32, #tpu.memory_space<vmem>>)
    %dma_wait3A_241 = arith.constant 7 : i32
    %dma_wait3A_242 = arith.constant 0 : i32
    %dma_wait3A_243 = tpu.memref_slice %arg9[%dma_wait3A_241, %dma_wait3A_242] : memref<14x96xi32, #tpu.memory_space<vmem>> -> memref<1x96xi32, #tpu.memory_space<vmem>>
    %dma_wait3A_244 = tpu.memref_squeeze %dma_wait3A_243 : memref<1x96xi32, #tpu.memory_space<vmem>> -> memref<96xi32, #tpu.memory_space<vmem>>
    %dma_wait3A_245 = tpu.memref_slice %arg4[%mul3A_4] : memref<322560xi32, #tpu.memory_space<hbm>> -> memref<96xi32, #tpu.memory_space<hbm>>
    %dma_wait3A_246 = arith.constant 0 : i32
    %dma_wait3A_247 = tpu.memref_slice %arg9[%dma_wait3A_241, %dma_wait3A_246] : memref<14x96xi32, #tpu.memory_space<vmem>> -> memref<1x96xi32, #tpu.memory_space<vmem>>
    %dma_wait3A_248 = tpu.memref_squeeze %dma_wait3A_247 : memref<1x96xi32, #tpu.memory_space<vmem>> -> memref<96xi32, #tpu.memory_space<vmem>>
    %dma_wait3A_249 = tpu.memref_slice %arg4[%mul3A_4] : memref<322560xi32, #tpu.memory_space<hbm>> -> memref<96xi32, #tpu.memory_space<hbm>>
    tpu.wait_dma2 semaphore(%arg11 : memref<!tpu.dma_semaphore, #tpu.memory_space<semaphore_mem>>) src(%dma_wait3A_249 : memref<96xi32, #tpu.memory_space<hbm>>) dst(%dma_wait3A_248 : memref<96xi32, #tpu.memory_space<vmem>>)
    %dma_wait3A_250 = arith.constant 8 : i32
    %dma_wait3A_251 = arith.constant 0 : i32
    %dma_wait3A_252 = tpu.memref_slice %arg8[%dma_wait3A_250, %dma_wait3A_251] : memref<14x96xi32, #tpu.memory_space<vmem>> -> memref<1x96xi32, #tpu.memory_space<vmem>>
    %dma_wait3A_253 = tpu.memref_squeeze %dma_wait3A_252 : memref<1x96xi32, #tpu.memory_space<vmem>> -> memref<96xi32, #tpu.memory_space<vmem>>
    %dma_wait3A_254 = tpu.memref_slice %arg3[%mul3A_4] : memref<322560xi32, #tpu.memory_space<hbm>> -> memref<96xi32, #tpu.memory_space<hbm>>
    %dma_wait3A_255 = arith.constant 0 : i32
    %dma_wait3A_256 = tpu.memref_slice %arg8[%dma_wait3A_250, %dma_wait3A_255] : memref<14x96xi32, #tpu.memory_space<vmem>> -> memref<1x96xi32, #tpu.memory_space<vmem>>
    %dma_wait3A_257 = tpu.memref_squeeze %dma_wait3A_256 : memref<1x96xi32, #tpu.memory_space<vmem>> -> memref<96xi32, #tpu.memory_space<vmem>>
    %dma_wait3A_258 = tpu.memref_slice %arg3[%mul3A_4] : memref<322560xi32, #tpu.memory_space<hbm>> -> memref<96xi32, #tpu.memory_space<hbm>>
    tpu.wait_dma2 semaphore(%arg11 : memref<!tpu.dma_semaphore, #tpu.memory_space<semaphore_mem>>) src(%dma_wait3A_258 : memref<96xi32, #tpu.memory_space<hbm>>) dst(%dma_wait3A_257 : memref<96xi32, #tpu.memory_space<vmem>>)
    %dma_wait3A_259 = arith.constant 8 : i32
    %dma_wait3A_260 = arith.constant 0 : i32
    %dma_wait3A_261 = tpu.memref_slice %arg9[%dma_wait3A_259, %dma_wait3A_260] : memref<14x96xi32, #tpu.memory_space<vmem>> -> memref<1x96xi32, #tpu.memory_space<vmem>>
    %dma_wait3A_262 = tpu.memref_squeeze %dma_wait3A_261 : memref<1x96xi32, #tpu.memory_space<vmem>> -> memref<96xi32, #tpu.memory_space<vmem>>
    %dma_wait3A_263 = tpu.memref_slice %arg4[%mul3A_4] : memref<322560xi32, #tpu.memory_space<hbm>> -> memref<96xi32, #tpu.memory_space<hbm>>
    %dma_wait3A_264 = arith.constant 0 : i32
    %dma_wait3A_265 = tpu.memref_slice %arg9[%dma_wait3A_259, %dma_wait3A_264] : memref<14x96xi32, #tpu.memory_space<vmem>> -> memref<1x96xi32, #tpu.memory_space<vmem>>
    %dma_wait3A_266 = tpu.memref_squeeze %dma_wait3A_265 : memref<1x96xi32, #tpu.memory_space<vmem>> -> memref<96xi32, #tpu.memory_space<vmem>>
    %dma_wait3A_267 = tpu.memref_slice %arg4[%mul3A_4] : memref<322560xi32, #tpu.memory_space<hbm>> -> memref<96xi32, #tpu.memory_space<hbm>>
    tpu.wait_dma2 semaphore(%arg11 : memref<!tpu.dma_semaphore, #tpu.memory_space<semaphore_mem>>) src(%dma_wait3A_267 : memref<96xi32, #tpu.memory_space<hbm>>) dst(%dma_wait3A_266 : memref<96xi32, #tpu.memory_space<vmem>>)
    %dma_wait3A_268 = arith.constant 9 : i32
    %dma_wait3A_269 = arith.constant 0 : i32
    %dma_wait3A_270 = tpu.memref_slice %arg8[%dma_wait3A_268, %dma_wait3A_269] : memref<14x96xi32, #tpu.memory_space<vmem>> -> memref<1x96xi32, #tpu.memory_space<vmem>>
    %dma_wait3A_271 = tpu.memref_squeeze %dma_wait3A_270 : memref<1x96xi32, #tpu.memory_space<vmem>> -> memref<96xi32, #tpu.memory_space<vmem>>
    %dma_wait3A_272 = tpu.memref_slice %arg3[%mul3A_4] : memref<322560xi32, #tpu.memory_space<hbm>> -> memref<96xi32, #tpu.memory_space<hbm>>
    %dma_wait3A_273 = arith.constant 0 : i32
    %dma_wait3A_274 = tpu.memref_slice %arg8[%dma_wait3A_268, %dma_wait3A_273] : memref<14x96xi32, #tpu.memory_space<vmem>> -> memref<1x96xi32, #tpu.memory_space<vmem>>
    %dma_wait3A_275 = tpu.memref_squeeze %dma_wait3A_274 : memref<1x96xi32, #tpu.memory_space<vmem>> -> memref<96xi32, #tpu.memory_space<vmem>>
    %dma_wait3A_276 = tpu.memref_slice %arg3[%mul3A_4] : memref<322560xi32, #tpu.memory_space<hbm>> -> memref<96xi32, #tpu.memory_space<hbm>>
    tpu.wait_dma2 semaphore(%arg11 : memref<!tpu.dma_semaphore, #tpu.memory_space<semaphore_mem>>) src(%dma_wait3A_276 : memref<96xi32, #tpu.memory_space<hbm>>) dst(%dma_wait3A_275 : memref<96xi32, #tpu.memory_space<vmem>>)
    %dma_wait3A_277 = arith.constant 9 : i32
    %dma_wait3A_278 = arith.constant 0 : i32
    %dma_wait3A_279 = tpu.memref_slice %arg9[%dma_wait3A_277, %dma_wait3A_278] : memref<14x96xi32, #tpu.memory_space<vmem>> -> memref<1x96xi32, #tpu.memory_space<vmem>>
    %dma_wait3A_280 = tpu.memref_squeeze %dma_wait3A_279 : memref<1x96xi32, #tpu.memory_space<vmem>> -> memref<96xi32, #tpu.memory_space<vmem>>
    %dma_wait3A_281 = tpu.memref_slice %arg4[%mul3A_4] : memref<322560xi32, #tpu.memory_space<hbm>> -> memref<96xi32, #tpu.memory_space<hbm>>
    %dma_wait3A_282 = arith.constant 0 : i32
    %dma_wait3A_283 = tpu.memref_slice %arg9[%dma_wait3A_277, %dma_wait3A_282] : memref<14x96xi32, #tpu.memory_space<vmem>> -> memref<1x96xi32, #tpu.memory_space<vmem>>
    %dma_wait3A_284 = tpu.memref_squeeze %dma_wait3A_283 : memref<1x96xi32, #tpu.memory_space<vmem>> -> memref<96xi32, #tpu.memory_space<vmem>>
    %dma_wait3A_285 = tpu.memref_slice %arg4[%mul3A_4] : memref<322560xi32, #tpu.memory_space<hbm>> -> memref<96xi32, #tpu.memory_space<hbm>>
    tpu.wait_dma2 semaphore(%arg11 : memref<!tpu.dma_semaphore, #tpu.memory_space<semaphore_mem>>) src(%dma_wait3A_285 : memref<96xi32, #tpu.memory_space<hbm>>) dst(%dma_wait3A_284 : memref<96xi32, #tpu.memory_space<vmem>>)
    %dma_wait3A_286 = arith.constant 10 : i32
    %dma_wait3A_287 = arith.constant 0 : i32
    %dma_wait3A_288 = tpu.memref_slice %arg8[%dma_wait3A_286, %dma_wait3A_287] : memref<14x96xi32, #tpu.memory_space<vmem>> -> memref<1x96xi32, #tpu.memory_space<vmem>>
    %dma_wait3A_289 = tpu.memref_squeeze %dma_wait3A_288 : memref<1x96xi32, #tpu.memory_space<vmem>> -> memref<96xi32, #tpu.memory_space<vmem>>
    %dma_wait3A_290 = tpu.memref_slice %arg3[%mul3A_4] : memref<322560xi32, #tpu.memory_space<hbm>> -> memref<96xi32, #tpu.memory_space<hbm>>
    %dma_wait3A_291 = arith.constant 0 : i32
    %dma_wait3A_292 = tpu.memref_slice %arg8[%dma_wait3A_286, %dma_wait3A_291] : memref<14x96xi32, #tpu.memory_space<vmem>> -> memref<1x96xi32, #tpu.memory_space<vmem>>
    %dma_wait3A_293 = tpu.memref_squeeze %dma_wait3A_292 : memref<1x96xi32, #tpu.memory_space<vmem>> -> memref<96xi32, #tpu.memory_space<vmem>>
    %dma_wait3A_294 = tpu.memref_slice %arg3[%mul3A_4] : memref<322560xi32, #tpu.memory_space<hbm>> -> memref<96xi32, #tpu.memory_space<hbm>>
    tpu.wait_dma2 semaphore(%arg11 : memref<!tpu.dma_semaphore, #tpu.memory_space<semaphore_mem>>) src(%dma_wait3A_294 : memref<96xi32, #tpu.memory_space<hbm>>) dst(%dma_wait3A_293 : memref<96xi32, #tpu.memory_space<vmem>>)
    %dma_wait3A_295 = arith.constant 10 : i32
    %dma_wait3A_296 = arith.constant 0 : i32
    %dma_wait3A_297 = tpu.memref_slice %arg9[%dma_wait3A_295, %dma_wait3A_296] : memref<14x96xi32, #tpu.memory_space<vmem>> -> memref<1x96xi32, #tpu.memory_space<vmem>>
    %dma_wait3A_298 = tpu.memref_squeeze %dma_wait3A_297 : memref<1x96xi32, #tpu.memory_space<vmem>> -> memref<96xi32, #tpu.memory_space<vmem>>
    %dma_wait3A_299 = tpu.memref_slice %arg4[%mul3A_4] : memref<322560xi32, #tpu.memory_space<hbm>> -> memref<96xi32, #tpu.memory_space<hbm>>
    %dma_wait3A_300 = arith.constant 0 : i32
    %dma_wait3A_301 = tpu.memref_slice %arg9[%dma_wait3A_295, %dma_wait3A_300] : memref<14x96xi32, #tpu.memory_space<vmem>> -> memref<1x96xi32, #tpu.memory_space<vmem>>
    %dma_wait3A_302 = tpu.memref_squeeze %dma_wait3A_301 : memref<1x96xi32, #tpu.memory_space<vmem>> -> memref<96xi32, #tpu.memory_space<vmem>>
    %dma_wait3A_303 = tpu.memref_slice %arg4[%mul3A_4] : memref<322560xi32, #tpu.memory_space<hbm>> -> memref<96xi32, #tpu.memory_space<hbm>>
    tpu.wait_dma2 semaphore(%arg11 : memref<!tpu.dma_semaphore, #tpu.memory_space<semaphore_mem>>) src(%dma_wait3A_303 : memref<96xi32, #tpu.memory_space<hbm>>) dst(%dma_wait3A_302 : memref<96xi32, #tpu.memory_space<vmem>>)
    %dma_wait3A_304 = arith.constant 11 : i32
    %dma_wait3A_305 = arith.constant 0 : i32
    %dma_wait3A_306 = tpu.memref_slice %arg8[%dma_wait3A_304, %dma_wait3A_305] : memref<14x96xi32, #tpu.memory_space<vmem>> -> memref<1x96xi32, #tpu.memory_space<vmem>>
    %dma_wait3A_307 = tpu.memref_squeeze %dma_wait3A_306 : memref<1x96xi32, #tpu.memory_space<vmem>> -> memref<96xi32, #tpu.memory_space<vmem>>
    %dma_wait3A_308 = tpu.memref_slice %arg3[%mul3A_4] : memref<322560xi32, #tpu.memory_space<hbm>> -> memref<96xi32, #tpu.memory_space<hbm>>
    %dma_wait3A_309 = arith.constant 0 : i32
    %dma_wait3A_310 = tpu.memref_slice %arg8[%dma_wait3A_304, %dma_wait3A_309] : memref<14x96xi32, #tpu.memory_space<vmem>> -> memref<1x96xi32, #tpu.memory_space<vmem>>
    %dma_wait3A_311 = tpu.memref_squeeze %dma_wait3A_310 : memref<1x96xi32, #tpu.memory_space<vmem>> -> memref<96xi32, #tpu.memory_space<vmem>>
    %dma_wait3A_312 = tpu.memref_slice %arg3[%mul3A_4] : memref<322560xi32, #tpu.memory_space<hbm>> -> memref<96xi32, #tpu.memory_space<hbm>>
    tpu.wait_dma2 semaphore(%arg11 : memref<!tpu.dma_semaphore, #tpu.memory_space<semaphore_mem>>) src(%dma_wait3A_312 : memref<96xi32, #tpu.memory_space<hbm>>) dst(%dma_wait3A_311 : memref<96xi32, #tpu.memory_space<vmem>>)
    %dma_wait3A_313 = arith.constant 11 : i32
    %dma_wait3A_314 = arith.constant 0 : i32
    %dma_wait3A_315 = tpu.memref_slice %arg9[%dma_wait3A_313, %dma_wait3A_314] : memref<14x96xi32, #tpu.memory_space<vmem>> -> memref<1x96xi32, #tpu.memory_space<vmem>>
    %dma_wait3A_316 = tpu.memref_squeeze %dma_wait3A_315 : memref<1x96xi32, #tpu.memory_space<vmem>> -> memref<96xi32, #tpu.memory_space<vmem>>
    %dma_wait3A_317 = tpu.memref_slice %arg4[%mul3A_4] : memref<322560xi32, #tpu.memory_space<hbm>> -> memref<96xi32, #tpu.memory_space<hbm>>
    %dma_wait3A_318 = arith.constant 0 : i32
    %dma_wait3A_319 = tpu.memref_slice %arg9[%dma_wait3A_313, %dma_wait3A_318] : memref<14x96xi32, #tpu.memory_space<vmem>> -> memref<1x96xi32, #tpu.memory_space<vmem>>
    %dma_wait3A_320 = tpu.memref_squeeze %dma_wait3A_319 : memref<1x96xi32, #tpu.memory_space<vmem>> -> memref<96xi32, #tpu.memory_space<vmem>>
    %dma_wait3A_321 = tpu.memref_slice %arg4[%mul3A_4] : memref<322560xi32, #tpu.memory_space<hbm>> -> memref<96xi32, #tpu.memory_space<hbm>>
    tpu.wait_dma2 semaphore(%arg11 : memref<!tpu.dma_semaphore, #tpu.memory_space<semaphore_mem>>) src(%dma_wait3A_321 : memref<96xi32, #tpu.memory_space<hbm>>) dst(%dma_wait3A_320 : memref<96xi32, #tpu.memory_space<vmem>>)
    %dma_wait3A_322 = arith.constant 12 : i32
    %dma_wait3A_323 = arith.constant 0 : i32
    %dma_wait3A_324 = tpu.memref_slice %arg8[%dma_wait3A_322, %dma_wait3A_323] : memref<14x96xi32, #tpu.memory_space<vmem>> -> memref<1x96xi32, #tpu.memory_space<vmem>>
    %dma_wait3A_325 = tpu.memref_squeeze %dma_wait3A_324 : memref<1x96xi32, #tpu.memory_space<vmem>> -> memref<96xi32, #tpu.memory_space<vmem>>
    %dma_wait3A_326 = tpu.memref_slice %arg3[%mul3A_4] : memref<322560xi32, #tpu.memory_space<hbm>> -> memref<96xi32, #tpu.memory_space<hbm>>
    %dma_wait3A_327 = arith.constant 0 : i32
    %dma_wait3A_328 = tpu.memref_slice %arg8[%dma_wait3A_322, %dma_wait3A_327] : memref<14x96xi32, #tpu.memory_space<vmem>> -> memref<1x96xi32, #tpu.memory_space<vmem>>
    %dma_wait3A_329 = tpu.memref_squeeze %dma_wait3A_328 : memref<1x96xi32, #tpu.memory_space<vmem>> -> memref<96xi32, #tpu.memory_space<vmem>>
    %dma_wait3A_330 = tpu.memref_slice %arg3[%mul3A_4] : memref<322560xi32, #tpu.memory_space<hbm>> -> memref<96xi32, #tpu.memory_space<hbm>>
    tpu.wait_dma2 semaphore(%arg11 : memref<!tpu.dma_semaphore, #tpu.memory_space<semaphore_mem>>) src(%dma_wait3A_330 : memref<96xi32, #tpu.memory_space<hbm>>) dst(%dma_wait3A_329 : memref<96xi32, #tpu.memory_space<vmem>>)
    %dma_wait3A_331 = arith.constant 12 : i32
    %dma_wait3A_332 = arith.constant 0 : i32
    %dma_wait3A_333 = tpu.memref_slice %arg9[%dma_wait3A_331, %dma_wait3A_332] : memref<14x96xi32, #tpu.memory_space<vmem>> -> memref<1x96xi32, #tpu.memory_space<vmem>>
    %dma_wait3A_334 = tpu.memref_squeeze %dma_wait3A_333 : memref<1x96xi32, #tpu.memory_space<vmem>> -> memref<96xi32, #tpu.memory_space<vmem>>
    %dma_wait3A_335 = tpu.memref_slice %arg4[%mul3A_4] : memref<322560xi32, #tpu.memory_space<hbm>> -> memref<96xi32, #tpu.memory_space<hbm>>
    %dma_wait3A_336 = arith.constant 0 : i32
    %dma_wait3A_337 = tpu.memref_slice %arg9[%dma_wait3A_331, %dma_wait3A_336] : memref<14x96xi32, #tpu.memory_space<vmem>> -> memref<1x96xi32, #tpu.memory_space<vmem>>
    %dma_wait3A_338 = tpu.memref_squeeze %dma_wait3A_337 : memref<1x96xi32, #tpu.memory_space<vmem>> -> memref<96xi32, #tpu.memory_space<vmem>>
    %dma_wait3A_339 = tpu.memref_slice %arg4[%mul3A_4] : memref<322560xi32, #tpu.memory_space<hbm>> -> memref<96xi32, #tpu.memory_space<hbm>>
    tpu.wait_dma2 semaphore(%arg11 : memref<!tpu.dma_semaphore, #tpu.memory_space<semaphore_mem>>) src(%dma_wait3A_339 : memref<96xi32, #tpu.memory_space<hbm>>) dst(%dma_wait3A_338 : memref<96xi32, #tpu.memory_space<vmem>>)
    %dma_wait3A_340 = arith.constant 13 : i32
    %dma_wait3A_341 = arith.constant 0 : i32
    %dma_wait3A_342 = tpu.memref_slice %arg8[%dma_wait3A_340, %dma_wait3A_341] : memref<14x96xi32, #tpu.memory_space<vmem>> -> memref<1x96xi32, #tpu.memory_space<vmem>>
    %dma_wait3A_343 = tpu.memref_squeeze %dma_wait3A_342 : memref<1x96xi32, #tpu.memory_space<vmem>> -> memref<96xi32, #tpu.memory_space<vmem>>
    %dma_wait3A_344 = tpu.memref_slice %arg3[%mul3A_4] : memref<322560xi32, #tpu.memory_space<hbm>> -> memref<96xi32, #tpu.memory_space<hbm>>
    %dma_wait3A_345 = arith.constant 0 : i32
    %dma_wait3A_346 = tpu.memref_slice %arg8[%dma_wait3A_340, %dma_wait3A_345] : memref<14x96xi32, #tpu.memory_space<vmem>> -> memref<1x96xi32, #tpu.memory_space<vmem>>
    %dma_wait3A_347 = tpu.memref_squeeze %dma_wait3A_346 : memref<1x96xi32, #tpu.memory_space<vmem>> -> memref<96xi32, #tpu.memory_space<vmem>>
    %dma_wait3A_348 = tpu.memref_slice %arg3[%mul3A_4] : memref<322560xi32, #tpu.memory_space<hbm>> -> memref<96xi32, #tpu.memory_space<hbm>>
    tpu.wait_dma2 semaphore(%arg11 : memref<!tpu.dma_semaphore, #tpu.memory_space<semaphore_mem>>) src(%dma_wait3A_348 : memref<96xi32, #tpu.memory_space<hbm>>) dst(%dma_wait3A_347 : memref<96xi32, #tpu.memory_space<vmem>>)
    %dma_wait3A_349 = arith.constant 13 : i32
    %dma_wait3A_350 = arith.constant 0 : i32
    %dma_wait3A_351 = tpu.memref_slice %arg9[%dma_wait3A_349, %dma_wait3A_350] : memref<14x96xi32, #tpu.memory_space<vmem>> -> memref<1x96xi32, #tpu.memory_space<vmem>>
    %dma_wait3A_352 = tpu.memref_squeeze %dma_wait3A_351 : memref<1x96xi32, #tpu.memory_space<vmem>> -> memref<96xi32, #tpu.memory_space<vmem>>
    %dma_wait3A_353 = tpu.memref_slice %arg4[%mul3A_4] : memref<322560xi32, #tpu.memory_space<hbm>> -> memref<96xi32, #tpu.memory_space<hbm>>
    %dma_wait3A_354 = arith.constant 0 : i32
    %dma_wait3A_355 = tpu.memref_slice %arg9[%dma_wait3A_349, %dma_wait3A_354] : memref<14x96xi32, #tpu.memory_space<vmem>> -> memref<1x96xi32, #tpu.memory_space<vmem>>
    %dma_wait3A_356 = tpu.memref_squeeze %dma_wait3A_355 : memref<1x96xi32, #tpu.memory_space<vmem>> -> memref<96xi32, #tpu.memory_space<vmem>>
    %dma_wait3A_357 = tpu.memref_slice %arg4[%mul3A_4] : memref<322560xi32, #tpu.memory_space<hbm>> -> memref<96xi32, #tpu.memory_space<hbm>>
    tpu.wait_dma2 semaphore(%arg11 : memref<!tpu.dma_semaphore, #tpu.memory_space<semaphore_mem>>) src(%dma_wait3A_357 : memref<96xi32, #tpu.memory_space<hbm>>) dst(%dma_wait3A_356 : memref<96xi32, #tpu.memory_space<vmem>>)
    %barrier3A_358 = arith.constant 0 : index
    tpu.barrier barrier_id(%barrier3A_358)
    %mul3A_359 = arith.constant 640 : i32
    %mul3A_360 = arith.muli %arg1, %mul3A_359 : i32
    %mul3A_361 = arith.constant 640 : i32
    %mul3A_362 = arith.muli %arg1, %mul3A_361 : i32
    "tpu.region"() ({
      %run_scoped3A = tpu.sem_alloc : memref<!tpu.dma_semaphore, #tpu.memory_space<semaphore_mem>>
      %dma_start3A_363 = arith.constant 0 : i32
      %dma_start3A_364 = tpu.memref_slice %arg6[%arg0, %mul3A_362, %dma_start3A_363] : memref<2x10240x16xf32, #tpu.memory_space<hbm>> -> memref<1x640x16xf32, #tpu.memory_space<hbm>>
      %dma_start3A_365 = tpu.memref_squeeze %dma_start3A_364 : memref<1x640x16xf32, #tpu.memory_space<hbm>> -> memref<640x16xf32, #tpu.memory_space<hbm>>
      %dma_start3A_366 = arith.constant 0 : i32
      %dma_start3A_367 = tpu.memref_slice %arg7[%mul3A_360, %dma_start3A_366] : memref<10240x16xf32, #tpu.memory_space<vmem_shared>> -> memref<640x16xf32, #tpu.memory_space<vmem_shared>>
      tpu.enqueue_dma source(%dma_start3A_367 : memref<640x16xf32, #tpu.memory_space<vmem_shared>>) target(%dma_start3A_365 : memref<640x16xf32, #tpu.memory_space<hbm>>) target_semaphore(%run_scoped3A : memref<!tpu.dma_semaphore, #tpu.memory_space<semaphore_mem>>)
      %dma_wait3A_368 = arith.constant 0 : i32
      %dma_wait3A_369 = tpu.memref_slice %arg6[%arg0, %mul3A_362, %dma_wait3A_368] : memref<2x10240x16xf32, #tpu.memory_space<hbm>> -> memref<1x640x16xf32, #tpu.memory_space<hbm>>
      %dma_wait3A_370 = tpu.memref_squeeze %dma_wait3A_369 : memref<1x640x16xf32, #tpu.memory_space<hbm>> -> memref<640x16xf32, #tpu.memory_space<hbm>>
      %dma_wait3A_371 = arith.constant 0 : i32
      %dma_wait3A_372 = tpu.memref_slice %arg7[%mul3A_360, %dma_wait3A_371] : memref<10240x16xf32, #tpu.memory_space<vmem_shared>> -> memref<640x16xf32, #tpu.memory_space<vmem_shared>>
      tpu.wait_dma2 semaphore(%run_scoped3A : memref<!tpu.dma_semaphore, #tpu.memory_space<semaphore_mem>>) src(%dma_wait3A_372 : memref<640x16xf32, #tpu.memory_space<vmem_shared>>) dst(%dma_wait3A_370 : memref<640x16xf32, #tpu.memory_space<hbm>>)
      tpu.yield
    }) : () -> ()
    return
  }
}

module attributes {stable_mosaic.version = 14 : i64} {
  func.func @_mid_body(%arg0: i32, %arg1: memref<1xf32, #tpu.memory_space<smem>>, %arg2: memref<1024x128xf32, #tpu.memory_space<vmem>>, %arg3: memref<1024x128xf32, #tpu.memory_space<vmem>>, %arg4: memref<1024x128xf32, #tpu.memory_space<vmem>>, %arg5: memref<2x1024xf32, #tpu.memory_space<vmem>>, %arg6: memref<128x128xf32, #tpu.memory_space<vmem>>, %arg7: memref<1x128xf32, #tpu.memory_space<vmem>>, %arg8: memref<1x128xf32, #tpu.memory_space<vmem>>, %arg9: memref<1x128xf32, #tpu.memory_space<vmem>>, %arg10: memref<128x16xf32, #tpu.memory_space<vmem>>, %arg11: memref<128x16xf32, #tpu.memory_space<vmem>>, %arg12: memref<1024x16xf32, #tpu.memory_space<vmem>>, %arg13: memref<1024x16xf32, #tpu.memory_space<vmem>>, %arg14: memref<1024x16xf32, #tpu.memory_space<vmem>>) attributes {dimension_semantics = [#tpu.dimension_semantics<arbitrary>], iteration_bounds = array<i64: 10>, scalar_prefetch = 0 : i64, scratch_operands = 0 : i64, tpu.core_type = #tpu.core_type<tc>, window_params = [{transform_indices = @transform_0, window_bounds = array<i64: 1>}, {transform_indices = @transform_1, window_bounds = array<i64: 1024, 128>}, {transform_indices = @transform_2, window_bounds = array<i64: 1024, 128>}, {transform_indices = @transform_3, window_bounds = array<i64: 1024, 128>}, {transform_indices = @transform_4, window_bounds = array<i64: 2, 1024>}, {pipeline_mode = #tpu.pipeline_mode<synchronous>, transform_indices = @transform_5, window_bounds = array<i64: 128, 128>}, {pipeline_mode = #tpu.pipeline_mode<synchronous>, transform_indices = @transform_6, window_bounds = array<i64: 1, 128>}, {pipeline_mode = #tpu.pipeline_mode<synchronous>, transform_indices = @transform_7, window_bounds = array<i64: 1, 128>}, {pipeline_mode = #tpu.pipeline_mode<synchronous>, transform_indices = @transform_8, window_bounds = array<i64: 1, 128>}, {pipeline_mode = #tpu.pipeline_mode<synchronous>, transform_indices = @transform_9, window_bounds = array<i64: 128, 16>}, {pipeline_mode = #tpu.pipeline_mode<synchronous>, transform_indices = @transform_10, window_bounds = array<i64: 128, 16>}, {transform_indices = @transform_11, window_bounds = array<i64: 1024, 16>}, {transform_indices = @transform_12, window_bounds = array<i64: 1024, 16>}, {transform_indices = @transform_13, window_bounds = array<i64: 1024, 16>}]} {
    %get3A = arith.constant 0 : index
    %get3A_0 = arith.constant 0 : index
    %get3A_1 = vector.load %arg5[%get3A, %get3A_0] : memref<2x1024xf32, #tpu.memory_space<vmem>>, vector<1x1024xf32>
    %get3A_2 = vector.shape_cast %get3A_1 : vector<1x1024xf32> to vector<1024xf32>
    %get3A_3 = arith.constant 1 : index
    %get3A_4 = arith.constant 0 : index
    %get3A_5 = vector.load %arg5[%get3A_3, %get3A_4] : memref<2x1024xf32, #tpu.memory_space<vmem>>, vector<1x1024xf32>
    %get3A_6 = vector.shape_cast %get3A_5 : vector<1x1024xf32> to vector<1024xf32>
    %add3A = arith.addf %get3A_2, %get3A_6 : vector<1024xf32>
    %max3A = arith.constant 1.000000e+00 : f32
    %max3A_7 = vector.broadcast %max3A : f32 to vector<1024xf32>
    %max3A_8 = arith.maximumf %add3A, %max3A_7 : vector<1024xf32>
    %div3A = arith.constant 1.000000e+00 : f32
    %div3A_9 = vector.broadcast %div3A : f32 to vector<1024xf32>
    %div3A_10 = arith.divf %div3A_9, %max3A_8 : vector<1024xf32>
    %get3A_11 = arith.constant 0 : index
    %get3A_12 = arith.constant 0 : index
    %get3A_13 = vector.load %arg3[%get3A_11, %get3A_12] : memref<1024x128xf32, #tpu.memory_space<vmem>>, vector<1024x128xf32>
    %get3A_14 = arith.constant 0 : index
    %get3A_15 = arith.constant 0 : index
    %get3A_16 = vector.load %arg4[%get3A_14, %get3A_15] : memref<1024x128xf32, #tpu.memory_space<vmem>>, vector<1024x128xf32>
    %add3A_17 = arith.addf %get3A_13, %get3A_16 : vector<1024x128xf32>
    %broadcast_in_dim3A = vector.shape_cast %div3A_10 : vector<1024xf32> to vector<1024x1xf32>
    %mul3A = vector.broadcast %broadcast_in_dim3A : vector<1024x1xf32> to vector<1024x128xf32>
    %mul3A_18 = arith.mulf %add3A_17, %mul3A : vector<1024x128xf32>
    %get3A_19 = arith.constant 0 : index
    %get3A_20 = memref.load %arg1[%get3A_19] : memref<1xf32, #tpu.memory_space<smem>>
    %add3A_21 = arith.constant 1.000000e+00 : f32
    %add3A_22 = arith.addf %add3A_21, %get3A_20 : f32
    %get3A_23 = arith.constant 0 : index
    %get3A_24 = arith.constant 0 : index
    %get3A_25 = vector.load %arg2[%get3A_23, %get3A_24] : memref<1024x128xf32, #tpu.memory_space<vmem>>, vector<1024x128xf32>
    %mul3A_26 = vector.broadcast %add3A_22 : f32 to vector<1024x128xf32>
    %mul3A_27 = arith.mulf %mul3A_26, %get3A_25 : vector<1024x128xf32>
    %add3A_28 = arith.addf %mul3A_27, %mul3A_18 : vector<1024x128xf32>
    %get3A_29 = arith.constant 0 : index
    %get3A_30 = arith.constant 0 : index
    %get3A_31 = vector.load %arg6[%get3A_29, %get3A_30] : memref<128x128xf32, #tpu.memory_space<vmem>>, vector<128x128xf32>
    %dot_general3A = arith.constant dense<0.000000e+00> : vector<1024x128xf32>
    %dot_general3A_32 = tpu.matmul %add3A_28, %get3A_31, %dot_general3A {dimension_numbers = #tpu.dot_dimension_numbers<[1], [0], [0], [1], [0, 0, 1, 1], [], []>, transpose_lhs_hint = false} : vector<1024x128xf32>, vector<128x128xf32>, vector<1024x128xf32> -> vector<1024x128xf32>
    %get3A_33 = arith.constant 0 : index
    %get3A_34 = arith.constant 0 : index
    %get3A_35 = vector.load %arg7[%get3A_33, %get3A_34] : memref<1x128xf32, #tpu.memory_space<vmem>>, vector<1x128xf32>
    %add3A_36 = vector.broadcast %get3A_35 : vector<1x128xf32> to vector<1024x128xf32>
    %add3A_37 = arith.addf %dot_general3A_32, %add3A_36 : vector<1024x128xf32>
    %get3A_38 = arith.constant 0 : index
    %get3A_39 = arith.constant 0 : index
    %get3A_40 = vector.load %arg8[%get3A_38, %get3A_39] : memref<1x128xf32, #tpu.memory_space<vmem>>, vector<1x128xf32>
    %mul3A_41 = arith.constant 0.999994993 : f32
    %mul3A_42 = vector.broadcast %mul3A_41 : f32 to vector<1x128xf32>
    %mul3A_43 = arith.mulf %get3A_40, %mul3A_42 : vector<1x128xf32>
    %mul3A_44 = vector.broadcast %mul3A_43 : vector<1x128xf32> to vector<1024x128xf32>
    %mul3A_45 = arith.mulf %add3A_37, %mul3A_44 : vector<1024x128xf32>
    %get3A_46 = arith.constant 0 : index
    %get3A_47 = arith.constant 0 : index
    %get3A_48 = vector.load %arg9[%get3A_46, %get3A_47] : memref<1x128xf32, #tpu.memory_space<vmem>>, vector<1x128xf32>
    %add3A_49 = vector.broadcast %get3A_48 : vector<1x128xf32> to vector<1024x128xf32>
    %add3A_50 = arith.addf %mul3A_45, %add3A_49 : vector<1024x128xf32>
    %max3A_51 = arith.constant 0.000000e+00 : f32
    %max3A_52 = vector.broadcast %max3A_51 : f32 to vector<1024x128xf32>
    %max3A_53 = arith.maximumf %add3A_50, %max3A_52 : vector<1024x128xf32>
    %get3A_54 = arith.constant 0 : index
    %get3A_55 = arith.constant 0 : index
    %get3A_56 = vector.load %arg10[%get3A_54, %get3A_55] : memref<128x16xf32, #tpu.memory_space<vmem>>, vector<128x16xf32>
    %dot_general3A_57 = arith.constant dense<0.000000e+00> : vector<1024x16xf32>
    %dot_general3A_58 = tpu.matmul %max3A_53, %get3A_56, %dot_general3A_57 {dimension_numbers = #tpu.dot_dimension_numbers<[1], [0], [0], [1], [0, 0, 1, 1], [], []>, transpose_lhs_hint = false} : vector<1024x128xf32>, vector<128x16xf32>, vector<1024x16xf32> -> vector<1024x16xf32>
    %swap3A = arith.constant 0 : index
    %swap3A_59 = arith.constant 0 : index
    %swap3A_60 = vector.load %arg12[%swap3A, %swap3A_59] : memref<1024x16xf32, #tpu.memory_space<vmem>>, vector<1024x16xf32>
    tpu.vector_store %arg12[%swap3A, %swap3A_59], %dot_general3A_58 {strides = array<i32>} : memref<1024x16xf32, #tpu.memory_space<vmem>>, vector<1024x16xf32>,
    %get3A_61 = arith.constant 0 : index
    %get3A_62 = arith.constant 0 : index
    %get3A_63 = vector.load %arg11[%get3A_61, %get3A_62] : memref<128x16xf32, #tpu.memory_space<vmem>>, vector<128x16xf32>
    %dot_general3A_64 = arith.constant dense<0.000000e+00> : vector<1024x16xf32>
    %dot_general3A_65 = tpu.matmul %max3A_53, %get3A_63, %dot_general3A_64 {dimension_numbers = #tpu.dot_dimension_numbers<[1], [0], [0], [1], [0, 0, 1, 1], [], []>, transpose_lhs_hint = false} : vector<1024x128xf32>, vector<128x16xf32>, vector<1024x16xf32> -> vector<1024x16xf32>
    %swap3A_66 = arith.constant 0 : index
    %swap3A_67 = arith.constant 0 : index
    %swap3A_68 = vector.load %arg13[%swap3A_66, %swap3A_67] : memref<1024x16xf32, #tpu.memory_space<vmem>>, vector<1024x16xf32>
    tpu.vector_store %arg13[%swap3A_66, %swap3A_67], %dot_general3A_65 {strides = array<i32>} : memref<1024x16xf32, #tpu.memory_space<vmem>>, vector<1024x16xf32>,
    %broadcast_in_dim3A_69 = vector.shape_cast %div3A_10 : vector<1024xf32> to vector<1024x1xf32>
    %broadcast_in_dim3A_70 = vector.shape_cast %broadcast_in_dim3A_69 : vector<1024x1xf32> to vector<1024x1xf32>
    %broadcast_in_dim3A_71 = vector.broadcast %broadcast_in_dim3A_70 : vector<1024x1xf32> to vector<1024x16xf32>
    %swap3A_72 = arith.constant 0 : index
    %swap3A_73 = arith.constant 0 : index
    %swap3A_74 = vector.load %arg14[%swap3A_72, %swap3A_73] : memref<1024x16xf32, #tpu.memory_space<vmem>>, vector<1024x16xf32>
    tpu.vector_store %arg14[%swap3A_72, %swap3A_73], %broadcast_in_dim3A_71 {strides = array<i32>} : memref<1024x16xf32, #tpu.memory_space<vmem>>, vector<1024x16xf32>,
    return
  }
  func.func @transform_0(%arg0: i32) -> i32 {
    %c0_i32 = arith.constant 0 : i32
    %c0_i32_0 = arith.constant 0 : i32
    return %c0_i32 : i32
  }
  func.func @transform_1(%arg0: i32) -> (i32, i32) {
    %c0_i32 = arith.constant 0 : i32
    %c0_i32_0 = arith.constant 0 : i32
    return %arg0, %c0_i32 : i32, i32
  }
  func.func @transform_2(%arg0: i32) -> (i32, i32) {
    %c0_i32 = arith.constant 0 : i32
    %c0_i32_0 = arith.constant 0 : i32
    return %arg0, %c0_i32 : i32, i32
  }
  func.func @transform_3(%arg0: i32) -> (i32, i32) {
    %c0_i32 = arith.constant 0 : i32
    %c0_i32_0 = arith.constant 0 : i32
    return %arg0, %c0_i32 : i32, i32
  }
  func.func @transform_4(%arg0: i32) -> (i32, i32) {
    %c0_i32 = arith.constant 0 : i32
    %c0_i32_0 = arith.constant 0 : i32
    return %c0_i32, %arg0 : i32, i32
  }
  func.func @transform_5(%arg0: i32) -> (i32, i32) {
    %c0_i32 = arith.constant 0 : i32
    %c0_i32_0 = arith.constant 0 : i32
    %c0_i32_1 = arith.constant 0 : i32
    return %c0_i32, %c0_i32_0 : i32, i32
  }
  func.func @transform_6(%arg0: i32) -> (i32, i32) {
    %c0_i32 = arith.constant 0 : i32
    %c0_i32_0 = arith.constant 0 : i32
    %c0_i32_1 = arith.constant 0 : i32
    return %c0_i32, %c0_i32_0 : i32, i32
  }
  func.func @transform_7(%arg0: i32) -> (i32, i32) {
    %c0_i32 = arith.constant 0 : i32
    %c0_i32_0 = arith.constant 0 : i32
    %c0_i32_1 = arith.constant 0 : i32
    return %c0_i32, %c0_i32_0 : i32, i32
  }
  func.func @transform_8(%arg0: i32) -> (i32, i32) {
    %c0_i32 = arith.constant 0 : i32
    %c0_i32_0 = arith.constant 0 : i32
    %c0_i32_1 = arith.constant 0 : i32
    return %c0_i32, %c0_i32_0 : i32, i32
  }
  func.func @transform_9(%arg0: i32) -> (i32, i32) {
    %c0_i32 = arith.constant 0 : i32
    %c0_i32_0 = arith.constant 0 : i32
    %c0_i32_1 = arith.constant 0 : i32
    return %c0_i32, %c0_i32_0 : i32, i32
  }
  func.func @transform_10(%arg0: i32) -> (i32, i32) {
    %c0_i32 = arith.constant 0 : i32
    %c0_i32_0 = arith.constant 0 : i32
    %c0_i32_1 = arith.constant 0 : i32
    return %c0_i32, %c0_i32_0 : i32, i32
  }
  func.func @transform_11(%arg0: i32) -> (i32, i32) {
    %c0_i32 = arith.constant 0 : i32
    %c0_i32_0 = arith.constant 0 : i32
    return %arg0, %c0_i32 : i32, i32
  }
  func.func @transform_12(%arg0: i32) -> (i32, i32) {
    %c0_i32 = arith.constant 0 : i32
    %c0_i32_0 = arith.constant 0 : i32
    return %arg0, %c0_i32 : i32, i32
  }
  func.func @transform_13(%arg0: i32) -> (i32, i32) {
    %c0_i32 = arith.constant 0 : i32
    %c0_i32_0 = arith.constant 0 : i32
    return %arg0, %c0_i32 : i32, i32
  }
}

module attributes {stable_mosaic.version = 14 : i64} {
  func.func @_fin_body(%arg0: i32, %arg1: memref<1xf32, #tpu.memory_space<smem>>, %arg2: memref<1024x16xf32, #tpu.memory_space<vmem>>, %arg3: memref<1024x16xf32, #tpu.memory_space<vmem>>, %arg4: memref<1024x16xf32, #tpu.memory_space<vmem>>, %arg5: memref<1024x16xf32, #tpu.memory_space<vmem>>, %arg6: memref<1024x16xf32, #tpu.memory_space<vmem>>, %arg7: memref<1x16xf32, #tpu.memory_space<vmem>>, %arg8: memref<1x16xf32, #tpu.memory_space<vmem>>, %arg9: memref<1x16xf32, #tpu.memory_space<vmem>>, %arg10: memref<1024x16xf32, #tpu.memory_space<vmem>>) attributes {dimension_semantics = [#tpu.dimension_semantics<arbitrary>], iteration_bounds = array<i64: 10>, scalar_prefetch = 0 : i64, scratch_operands = 0 : i64, tpu.core_type = #tpu.core_type<tc>, window_params = [{transform_indices = @transform_0, window_bounds = array<i64: 1>}, {transform_indices = @transform_1, window_bounds = array<i64: 1024, 16>}, {transform_indices = @transform_2, window_bounds = array<i64: 1024, 16>}, {transform_indices = @transform_3, window_bounds = array<i64: 1024, 16>}, {transform_indices = @transform_4, window_bounds = array<i64: 1024, 16>}, {transform_indices = @transform_5, window_bounds = array<i64: 1024, 16>}, {pipeline_mode = #tpu.pipeline_mode<synchronous>, transform_indices = @transform_6, window_bounds = array<i64: 1, 16>}, {pipeline_mode = #tpu.pipeline_mode<synchronous>, transform_indices = @transform_7, window_bounds = array<i64: 1, 16>}, {pipeline_mode = #tpu.pipeline_mode<synchronous>, transform_indices = @transform_8, window_bounds = array<i64: 1, 16>}, {transform_indices = @transform_9, window_bounds = array<i64: 1024, 16>}]} {
    %get3A = arith.constant 0 : index
    %get3A_0 = memref.load %arg1[%get3A] : memref<1xf32, #tpu.memory_space<smem>>
    %add3A = arith.constant 1.000000e+00 : f32
    %add3A_1 = arith.addf %add3A, %get3A_0 : f32
    %get3A_2 = arith.constant 0 : index
    %get3A_3 = arith.constant 0 : index
    %get3A_4 = vector.load %arg2[%get3A_2, %get3A_3] : memref<1024x16xf32, #tpu.memory_space<vmem>>, vector<1024x16xf32>
    %mul3A = vector.broadcast %add3A_1 : f32 to vector<1024x16xf32>
    %mul3A_5 = arith.mulf %mul3A, %get3A_4 : vector<1024x16xf32>
    %get3A_6 = arith.constant 0 : index
    %get3A_7 = arith.constant 0 : index
    %get3A_8 = vector.load %arg3[%get3A_6, %get3A_7] : memref<1024x16xf32, #tpu.memory_space<vmem>>, vector<1024x16xf32>
    %get3A_9 = arith.constant 0 : index
    %get3A_10 = arith.constant 0 : index
    %get3A_11 = vector.load %arg4[%get3A_9, %get3A_10] : memref<1024x16xf32, #tpu.memory_space<vmem>>, vector<1024x16xf32>
    %add3A_12 = arith.addf %get3A_8, %get3A_11 : vector<1024x16xf32>
    %get3A_13 = arith.constant 0 : index
    %get3A_14 = arith.constant 0 : index
    %get3A_15 = vector.load %arg5[%get3A_13, %get3A_14] : memref<1024x16xf32, #tpu.memory_space<vmem>>, vector<1024x16xf32>
    %mul3A_16 = arith.mulf %add3A_12, %get3A_15 : vector<1024x16xf32>
    %add3A_17 = arith.addf %mul3A_5, %mul3A_16 : vector<1024x16xf32>
    %get3A_18 = arith.constant 0 : index
    %get3A_19 = arith.constant 0 : index
    %get3A_20 = vector.load %arg7[%get3A_18, %get3A_19] : memref<1x16xf32, #tpu.memory_space<vmem>>, vector<1x16xf32>
    %add3A_21 = vector.broadcast %get3A_20 : vector<1x16xf32> to vector<1024x16xf32>
    %add3A_22 = arith.addf %add3A_17, %add3A_21 : vector<1024x16xf32>
    %get3A_23 = arith.constant 0 : index
    %get3A_24 = arith.constant 0 : index
    %get3A_25 = vector.load %arg8[%get3A_23, %get3A_24] : memref<1x16xf32, #tpu.memory_space<vmem>>, vector<1x16xf32>
    %mul3A_26 = arith.constant 0.999994993 : f32
    %mul3A_27 = vector.broadcast %mul3A_26 : f32 to vector<1x16xf32>
    %mul3A_28 = arith.mulf %get3A_25, %mul3A_27 : vector<1x16xf32>
    %mul3A_29 = vector.broadcast %mul3A_28 : vector<1x16xf32> to vector<1024x16xf32>
    %mul3A_30 = arith.mulf %add3A_22, %mul3A_29 : vector<1024x16xf32>
    %get3A_31 = arith.constant 0 : index
    %get3A_32 = arith.constant 0 : index
    %get3A_33 = vector.load %arg9[%get3A_31, %get3A_32] : memref<1x16xf32, #tpu.memory_space<vmem>>, vector<1x16xf32>
    %add3A_34 = vector.broadcast %get3A_33 : vector<1x16xf32> to vector<1024x16xf32>
    %add3A_35 = arith.addf %mul3A_30, %add3A_34 : vector<1024x16xf32>
    %max3A = arith.constant 0.000000e+00 : f32
    %max3A_36 = vector.broadcast %max3A : f32 to vector<1024x16xf32>
    %max3A_37 = arith.maximumf %add3A_35, %max3A_36 : vector<1024x16xf32>
    %get3A_38 = arith.constant 0 : index
    %get3A_39 = arith.constant 0 : index
    %get3A_40 = vector.load %arg6[%get3A_38, %get3A_39] : memref<1024x16xf32, #tpu.memory_space<vmem>>, vector<1024x16xf32>
    %add3A_41 = arith.addf %get3A_40, %max3A_37 : vector<1024x16xf32>
    %mul3A_42 = arith.constant 5.000000e-01 : f32
    %mul3A_43 = vector.broadcast %mul3A_42 : f32 to vector<1024x16xf32>
    %mul3A_44 = arith.mulf %add3A_41, %mul3A_43 : vector<1024x16xf32>
    %swap3A = arith.constant 0 : index
    %swap3A_45 = arith.constant 0 : index
    %swap3A_46 = vector.load %arg10[%swap3A, %swap3A_45] : memref<1024x16xf32, #tpu.memory_space<vmem>>, vector<1024x16xf32>
    tpu.vector_store %arg10[%swap3A, %swap3A_45], %mul3A_44 {strides = array<i32>} : memref<1024x16xf32, #tpu.memory_space<vmem>>, vector<1024x16xf32>,
    return
  }
  func.func @transform_0(%arg0: i32) -> i32 {
    %c0_i32 = arith.constant 0 : i32
    %c0_i32_0 = arith.constant 0 : i32
    return %c0_i32 : i32
  }
  func.func @transform_1(%arg0: i32) -> (i32, i32) {
    %c0_i32 = arith.constant 0 : i32
    %c0_i32_0 = arith.constant 0 : i32
    return %arg0, %c0_i32 : i32, i32
  }
  func.func @transform_2(%arg0: i32) -> (i32, i32) {
    %c0_i32 = arith.constant 0 : i32
    %c0_i32_0 = arith.constant 0 : i32
    return %arg0, %c0_i32 : i32, i32
  }
  func.func @transform_3(%arg0: i32) -> (i32, i32) {
    %c0_i32 = arith.constant 0 : i32
    %c0_i32_0 = arith.constant 0 : i32
    return %arg0, %c0_i32 : i32, i32
  }
  func.func @transform_4(%arg0: i32) -> (i32, i32) {
    %c0_i32 = arith.constant 0 : i32
    %c0_i32_0 = arith.constant 0 : i32
    return %arg0, %c0_i32 : i32, i32
  }
  func.func @transform_5(%arg0: i32) -> (i32, i32) {
    %c0_i32 = arith.constant 0 : i32
    %c0_i32_0 = arith.constant 0 : i32
    return %arg0, %c0_i32 : i32, i32
  }
  func.func @transform_6(%arg0: i32) -> (i32, i32) {
    %c0_i32 = arith.constant 0 : i32
    %c0_i32_0 = arith.constant 0 : i32
    %c0_i32_1 = arith.constant 0 : i32
    return %c0_i32, %c0_i32_0 : i32, i32
  }
  func.func @transform_7(%arg0: i32) -> (i32, i32) {
    %c0_i32 = arith.constant 0 : i32
    %c0_i32_0 = arith.constant 0 : i32
    %c0_i32_1 = arith.constant 0 : i32
    return %c0_i32, %c0_i32_0 : i32, i32
  }
  func.func @transform_8(%arg0: i32) -> (i32, i32) {
    %c0_i32 = arith.constant 0 : i32
    %c0_i32_0 = arith.constant 0 : i32
    %c0_i32_1 = arith.constant 0 : i32
    return %c0_i32, %c0_i32_0 : i32, i32
  }
  func.func @transform_9(%arg0: i32) -> (i32, i32) {
    %c0_i32 = arith.constant 0 : i32
    %c0_i32_0 = arith.constant 0 : i32
    return %arg0, %c0_i32 : i32, i32
  }
}

</mosaic_0001>

<sc_bundles>
// kernel: kernel.6.cloned.1.call-start
scs
__scs_entry_jumppad:
0x0: {  	(pc) =	sbr.rel $0x88, $3  }
0x1: {  	(tag) =	ssettag $0x0;
	lr =	simm.s32 $0x1  }
0x2: {  	[smem:$0x3F94] =	sst lr;
	_ =	strace $0xD0000000  }
0x3: {  	_ = 	snop  }
0x4: {  	_ = 	snop  }
0x5: {  	_ = 	snop  }
0x6: {  	_ = 	snop  }
0x7: {  	_ = 	snop  }
__scs_overlays_trampoline_lowered:
0x8: {  	[smem:$0x3FA3] =	sst s0  }
0x9: {  	[smem:$0x3FA4] =	sst s1  }
0xa: {  	[smem:$0x3FA5] =	sst s2  }
0xb: {  	[smem:$0x3FA6] =	sst s3  }
0xc: {  	[smem:$0x3FA7] =	sst s4  }
0xd: {  	[smem:$0x3FA8] =	sst s5  }
0xe: {  	[smem:$0x3FA9] =	sst s6  }
0xf: {  	[smem:$0x3FAA] =	sst s7  }
0x10: {  	[smem:$0x3FAB] =	sst s8  }
0x11: {  	[smem:$0x3FAC] =	sst s9;
	s0 =	simm.s32 @!p0 $0x0  }
0x12: {  	s1 =	sld [smem:$0x3F92];
	s0 =	simm.s32 @p0 $0x1  }
0x13: {  	[smem:$0x3FAD] =	sst s0;
	s0 =	simm.s32 @!p1 $0x0  }
0x14: {  	s2 =	sld [smem:$0x3F91];
	s0 =	simm.s32 @p1 $0x1  }
0x15: {  	[smem:$0x3FAE] =	sst s0;
	s0 =	simm.s32 @!p2 $0x0  }
0x16: {  	s3 =	sld [smem:$0x3FDB];
	s0 =	simm.s32 @p2 $0x1  }
0x17: {  	s4 =	simm.s32 $0x1BF5;
	[smem:$0x3FB0] =	sst s0  }
0x18: {  	s0 =	sld [smem:$0x3F93];
	_ =	swait.ge [sflag:s4], $0x0  }
0x19: {  	s7 =	sld [smem:$0x3F94]  }
0x1a: {  	s8 =	sadd.s32 $0xFFFFE003, lr  }
0x1b: {  	s9 =	sadd.s32 $0xFFFFFEF7, lr;
	s5 =	simm.s32 $0xFFFFFFFF;
	p2 =	slt.u32 s8, $0xFFFFF086  }
0x1c: {  	p1 =	slt.u32 s9, $0xF7A;
	s5 =	simm.s32 @!p2 $0x0  }
0x1d: {  	s5 =	simm.s32 @p1 $0x1;
	p0 =	seq.s32 s7, s2  }
0x1e: {  	s7 =	smul.u32 @!p0 $0xF7A, s2;
	p2 =	seq.s32 @!p0 s5, $0x0  }
0x1f: {  	s9 =	smul.u32 $0xF7A, s1;
	s8 =	simm.s32 @!p0 $0x1BF5;
	p2 =	por !p2, p0  }
0x20: {  	[sflag:s8] =	ssyncset.s32 @!p0 $0xFFFFF086;
	s6 =	sadd.s32 @!p0 s3, s7;
	s7 =	simm.s32 @!p0 $0x108  }
0x21: {  	s3 =	sadd.s32 s3, s9;
	s6 =	sadd.s32 @!p0 $0x88, s6;
	s7 =	simm.s32 @p2 $0x1082  }
0x22: {  	[simem:s7], [sflag:s8] =	dma.local @!p0 [hbm:s6], $0xF7A  }
0x23: {  	s9 =	sor.u32 $0xD0000000, s2;
	s6 =	simm.s32 $0x108;
	_ =	swait.ge @!p0 [sflag:s8], $0x0  }
0x24: {  	s3 =	sadd.s32 $0x88, s3;
	s6 =	simm.s32 @!p1 $0x1082;
	[sflag:s4] =	ssyncset.s32 $0xFFFFF086  }
0x25: {  	[simem:s6], [sflag:s4] =	dma.local [hbm:s3], $0xF7A  }
0x26: {  	[smem:$0x3F94] =	sst s1;
	(tag) =	ssettag s2;
	_ =	strace s9  }
0x27: {  	s1 =	sld [smem:$0x3FA4]  }
0x28: {  	s2 =	sld [smem:$0x3FA5]  }
0x29: {  	s4 =	sld [smem:$0x3FA7]  }
0x2a: {  	p0 =	seq.s32 s5, $0x0;
	s5 =	sld [smem:$0x3FA8]  }
0x2b: {  	s6 =	sld [smem:$0x3FA9]  }
0x2c: {  	s7 =	sld [smem:$0x3FAA]  }
0x2d: {  	s3 =	simm.s32 $0x108;
	s8 =	sld [smem:$0x3FAB]  }
0x2e: {  	s3 =	simm.s32 @!p0 $0x1082;
	s9 =	sld [smem:$0x3FAC]  }
0x2f: {  	lr =	sadd.s32 s0, s3;
	s0 =	sld [smem:$0x3FA3]  }
0x30: {  	s3 =	sld [smem:$0x3FA6]  }
0x31: {  	[smem:$0x3FAF] =	sst s10  }
0x32: {  	s10 =	sld [smem:$0x3FAD];
	_ =	sdelay $0x3  }
0x33: {  	p0 =	seq.s32 s10, $0x1;
	s10 =	sld [smem:$0x3FAF];
	_ =	sdelay $0x3  }
0x34: {  	[smem:$0x3FAF] =	sst s10  }
0x35: {  	s10 =	sld [smem:$0x3FAE];
	_ =	sdelay $0x3  }
0x36: {  	p1 =	seq.s32 s10, $0x1;
	s10 =	sld [smem:$0x3FAF];
	_ =	sdelay $0x3  }
0x37: {  	[smem:$0x3FAF] =	sst s10  }
0x38: {  	s10 =	sld [smem:$0x3FB0]  }
0x39: {  	_ = 	snop;
	(pc) =	sbr.ind lr, $3  }
0x3a: {  	_ = 	snop  }
0x3b: {  	_ = 	snop  }
0x3c: {  	p2 =	seq.s32 s10, $0x1;
	s10 =	sld [smem:$0x3FAF]  }
0x3d: {  	_ =	shalt  }
0x3e: {  	_ =	shalt  }
0x3f: {  	_ =	shalt  }
0x40: {  	_ =	shalt  }
0x41: {  	_ =	shalt  }
0x42: {  	_ =	shalt  }
0x43: {  	_ =	shalt  }
0x44: {  	_ =	shalt  }
0x45: {  	_ =	shalt  }
0x46: {  	_ =	shalt  }
0x47: {  	_ =	shalt  }
0x48: {  	_ =	shalt  }
0x49: {  	_ =	shalt  }
0x4a: {  	_ =	shalt  }
0x4b: {  	_ =	shalt  }
0x4c: {  	_ =	shalt  }
0x4d: {  	_ =	shalt  }
0x4e: {  	_ =	shalt  }
0x4f: {  	_ =	shalt  }
0x50: {  	_ =	shalt  }
0x51: {  	_ =	shalt  }
0x52: {  	_ =	shalt  }
0x53: {  	_ =	shalt  }
0x54: {  	_ =	shalt  }
0x55: {  	_ =	shalt  }
0x56: {  	_ =	shalt  }
0x57: {  	_ =	shalt  }
0x58: {  	_ =	shalt  }
0x59: {  	_ =	shalt  }
0x5a: {  	_ =	shalt  }
0x5b: {  	_ =	shalt  }
0x5c: {  	_ =	shalt  }
0x5d: {  	_ =	shalt  }
0x5e: {  	_ =	shalt  }
0x5f: {  	_ =	shalt  }
0x60: {  	_ =	shalt  }
0x61: {  	_ =	shalt  }
0x62: {  	_ =	shalt  }
0x63: {  	_ =	shalt  }
0x64: {  	_ =	shalt  }
0x65: {  	_ =	shalt  }
0x66: {  	_ =	shalt  }
0x67: {  	_ =	shalt  }
0x68: {  	_ =	shalt  }
0x69: {  	_ =	shalt  }
0x6a: {  	_ =	shalt  }
0x6b: {  	_ =	shalt  }
0x6c: {  	_ =	shalt  }
0x6d: {  	_ =	shalt  }
0x6e: {  	_ =	shalt  }
0x6f: {  	_ =	shalt  }
0x70: {  	_ =	shalt  }
0x71: {  	_ =	shalt  }
0x72: {  	_ =	shalt  }
0x73: {  	_ =	shalt  }
0x74: {  	_ =	shalt  }
0x75: {  	_ =	shalt  }
0x76: {  	_ =	shalt  }
0x77: {  	_ =	shalt  }
0x78: {  	_ =	shalt  }
0x79: {  	_ =	shalt  }
0x7a: {  	_ =	shalt  }
0x7b: {  	_ =	shalt  }
0x7c: {  	_ =	shalt  }
0x7d: {  	_ =	shalt  }
0x7e: {  	_ =	shalt  }
0x7f: {  	_ =	shalt  }
0x80: {  	_ =	shalt  }
0x81: {  	_ =	shalt  }
0x82: {  	_ =	shalt  }
0x83: {  	_ =	shalt  }
0x84: {  	_ =	shalt  }
0x85: {  	_ =	shalt  }
0x86: {  	_ =	shalt  }
0x87: {  	_ =	shalt  }
.Lfunc_end0:
.L_simem_size_0:
called_computation_lowered:
.L_overlay_start_0:
0x88: {  	s2 =	sld [smem:$0x3FD9]  }
0x89: {  	s3 =	sld [smem:$0x3FFE];
	_ =	sdelay $0x1  }
0x8a: {  	s1 =	srdreg.scid  }
0x8b: {  	s0 =	sand.u32 $0x1, s1  }
0x8c: {  	s17 =	sshll.u32 s0, $0xA;
	s2 =	sadd.s32 s3, s2  }
0x8d: {  	s2 =	sadd.s32 s2, s17  }
0x8e: {  	[smem:$0x3FBB] =	sst s2  }
0x8f: {  	_ = 	snop  }
0x90: {  	s2 =	sld [smem:$0x3FC8]  }
0x91: {  	s18 =	sld [smem:$0x3FD0];
	(tm) =	ssettm $0x1  }
0x92: {  	s4 =	sld [smem:$0x3FFB];
	_ =	sdelay $0x3  }
0x93: {  	_ =	strace s4  }
0x94: {  	s4 =	sld [smem:$0x3FFC];
	_ =	sdelay $0x3  }
0x95: {  	_ =	strace s4  }
0x96: {  	s4 =	sld [smem:$0x3FFD];
	_ =	sdelay $0x3  }
0x97: {  	_ =	strace s4  }
0x98: {  	_ =	strace $0x8FFFFFFF  }
0x99: {  	s19 =	sld [smem:$0x3FDB];
	_ =	sdelay $0x1  }
0x9a: {  	s5 =	simm.s32 $_scs_section_size  }
0x9b: {  	s6 =	simm.s32 $_size__tile_overlayer_lowered;
	s7 =	simm.s32 $_tile_overlayer_lowered  }
0x9c: {  	s22 =	simm.s32 $0x1BFF;
	s21 =	sshll.u32 s7, $0x1;
	s4 =	sadd.s32 s5, s19  }
0x9d: {  	s8 =	simm.s32 $0x0;
	s20 =	sshll.u32 s6, $0x1;
	s6 =	sadd.s32 s21, s4  }
0x9e: {  	[timem:s8], [sflag:s22] =	dma.local [hbm:s6], s20  }
0x9f: {  	_ =	swait.ge [sflag:s22], s20  }
0xa0: {  	s5 =	ssub.s32 $0x0, s20;
	[sflag:s22] =	ssyncset.done $0x0  }
0xa1: {  	[sflag:s22] =	ssyncadd.s32 s5;
	_ =	sdelay $0x1  }
0xa2: {  	s23 =	simm.s32 $0x1B8B  }
0xa3: {  	_ =	swait.ge [sflag:s23], $0x1  }
0xa4: {  	[sflag:s23] =	ssyncset.done $0x0  }
0xa5: {  	s25 =	simm.s32 $0x1B8E;
	s24 =	sld [smem:$0x3FFE];
	[sflag:s23] =	ssyncadd.s32 $0xFFFFFFFF  }
0xa6: {  	s26 =	simm.s32 $execute0_lowered;
	[smem:$0x3FD2] =	sst s25  }
0xa7: {  	s6 =	sshll.u32 s26, $0x1;
	_ =	strace $0x80000046;
	[dreg:$0x1] =	wrdreg $0xFFFFFFFF  }
0xa8: {  	s28 =	simm.s32 $_size_execute0_lowered;
	s4 =	sadd.s32 s4, s6;
	[dreg:$0x0] =	wrdreg $0x0  }
0xa9: {  	s6 =	sshll.u32 s28, $0x1;
	[dreg:$0x2] =	wrdreg s4  }
0xaa: {  	[dreg:$0x3] =	wrdreg s6  }
0xab: {  	[dreg:$0x4] =	wrdreg $0xC0  }
0xac: {  	_ =	task [dreg:s8], $0x5FFFF  }
0xad: {  	[dreg:$0x1] =	wrdreg $0xFFFFFFFF  }
0xae: {  	[dreg:$0x0] =	wrdreg $0x60  }
0xaf: {  	[dreg:$0x2] =	wrdreg s2  }
0xb0: {  	[dreg:$0x3] =	wrdreg s24  }
0xb1: {  	[dreg:$0x4] =	wrdreg s18  }
0xb2: {  	[dreg:$0x5] =	wrdreg $0x0  }
0xb3: {  	[dreg:$0x6] =	wrdreg $0x140000  }
0xb4: {  	[dreg:$0x7] =	wrdreg $0x9  }
0xb5: {  	_ =	task.clear_ibuf [dreg:s8], $0x8FFFF;
	_ =	strace $0x90000046  }
0xb6: {  	s29 =	simm.s32 $0x9;
	_ =	strace $0x80000048  }
0xb7: {  	_ =	swait.ge [sflag:s29], $0x1  }
0xb8: {  	[sflag:s29] =	ssyncadd.s32 $0xFFFFFFFF  }
0xb9: {  	_ =	strace $0x90000048  }
0xba: {  	_ =	sfence  }
0xbb: {  	s30 =	sld [smem:$0x0];
	_ =	sdelay $0x2  }
0xbc: {  	s31 =	sshll.u32 s1, $0xD;
	s1 =	sshrl.u32 s1, $0x2  }
0xbd: {  	s3 =	sand.u32 $0x4000, s31;
	s1 =	sadd.s32 s1, s30  }
0xbe: {  	s0 =	sor.u32 s3, s0;
	s1 =	sshll.u32 s1, $0x11  }
0xbf: {  	s0 =	sor.u32 s1, s0  }
0xc0: {  	s0 =	sadd.s32 $0x8F2B, s0  }
0xc1: {  	[sflag:s0] =	ssyncadd.remote.s32 $0x1  }
0xc2: {  	_ =	sfence.sel $0xFFFF  }
0xc3: {  	[dreg:$0x0] =	wrdreg $0xFFFFFFFF;
	(pc) =	sbr.abs _section_cstart, $3  }
0xc4: {  	[dreg:$0x1] =	wrdreg $0xFFFFFFFF  }
0xc5: {  	_ =	task.clear_ibuf [dreg:s8], $0x2FFFF;
	_ =	strace $0x9FFFFFFF  }
0xc6: {  	(tm) =	ssettm $0x7FFFFFFF  }
0xc7: {  	_ =	shalt  }
tec
execute0_lowered:
.L_overlay_start_1:
0x0: {  	(tag) =	ssettag $0x1  }
0x1: {  	s1 =	rddreg [dreg:$0x0]  }
0x2: {  	s0 =	rddreg [dreg:$0x1]  }
0x3: {  	s3 =	rddreg [dreg:$0x3]  }
0x4: {  	s4 =	rddreg [dreg:$0x4];
	s6 =	stileid.u32  }
0x5: {  	s2 =	srdreg.scid;
	s8 =	smul.u32 $0x14000, s6  }
0x6: {  	s7 =	simm.s32 $0x0;
	s2 =	sand.u32 $0x1, s2;
	s9 =	smul.u32 $0x500, s6  }
0x7: {  	[smem:$0x7FF] =	sst s7;
	s28 =	sadd.s32 $0x2E00, s0;
	s11 =	smul.u32 $0x50000, s6  }
0x8: {  	s25 =	sadd.s32 $0xCC00, s0;
	s15 =	sadd.s32 $0x16A00, s0;
	s12 =	smul.u32 $0xA00, s6  }
0x9: {  	s17 =	sshll.u32 s6, $0x6;
	s5 =	smul.u32 $0x140000, s2;
	_ =	strace $0x80000047  }
0xa: {  	s10 =	sshll.u32 s2, $0x7;
	[dreg:$0xe] =	wrdreg s15;
	s16 =	sshll.u32 s2, $0x4  }
0xb: {  	s2 =	ssub.s32 $0x2, s2;
	s9 =	sor.u32 s10, s9;
	s11 =	sshrl.u32 s11, $0x2  }
0xc: {  	s10 =	sor.u32 s6, s16;
	s19 =	sshrl.u32 s12, $0x2;
	s3 =	sadd.s32 s11, s3  }
0xd: {  	s18 =	smul.u32 $0x2760, s10;
	s4 =	sadd.s32 s19, s4;
	[dreg:$0xf] =	wrdreg s3  }
0xe: {  	s13 =	sshrl.u32 s2, $0x1;
	s3 =	sor.u32 $0x1C0B, s17;
	[dreg:$0x11] =	wrdreg s4  }
0xf: {  	s5 =	sadd.s32 s8, s5;
	s6 =	sor.u32 $0x18, s18;
	[dreg:$0x10] =	wrdreg s3  }
0x10: {  	s9 =	sshrl.u32 s9, $0x3;
	s4 =	sadd.s32 $0x60, s18;
	[dreg:$0x6] =	wrdreg s6  }
0x11: {  	s20 =	sshrl.u32 s18, $0x3;
	s19 =	sadd.s32 $0x90, s18;
	[dreg:$0x7] =	wrdreg s4  }
0x12: {  	s5 =	sshrl.u32 s5, $0x3;
	s21 =	sadd.s32 s28, s20;
	[dreg:$0x8] =	wrdreg s19  }
0x13: {  	s5 =	sadd.s32 s5, s0;
	s22 =	sadd.s32 s25, s20;
	[dreg:$0x12] =	wrdreg s21  }
0x14: {  	s0 =	sadd.s32 s9, s0;
	s5 =	sadd.s32 $0x16C00, s5;
	[dreg:$0x13] =	wrdreg s22  }
0x15: {  	s23 =	sor.u32 $0x3, s20;
	s0 =	sadd.s32 $0x66C00, s0;
	[smem:$0x7FB] =	sst s5  }
0x16: {  	s31 =	sadd.s32 $0x48, s18;
	s24 =	sadd.s32 s28, s23;
	[smem:$0x7FC] =	sst s0  }
0x17: {  	s8 =	sshrl.u32 s31, $0x3;
	s26 =	sadd.s32 s25, s23;
	[dreg:$0x14] =	wrdreg s24  }
0x18: {  	s2 =	ssub.s32 s2, s13;
	s12 =	sadd.s32 s28, s8;
	[dreg:$0x15] =	wrdreg s26  }
0x19: {  	s13 =	sshrl.u32 s4, $0x3;
	s14 =	sadd.s32 s25, s8;
	[dreg:$0x18] =	wrdreg s12  }
0x1a: {  	s22 =	sadd.s32 $0x30, s18;
	s15 =	sadd.s32 s28, s13;
	[dreg:$0x19] =	wrdreg s14  }
0x1b: {  	s16 =	sadd.s32 s25, s13;
	s23 =	sshrl.u32 s19, $0x3;
	[dreg:$0x1a] =	wrdreg s15  }
0x1c: {  	s29 =	sshrl.u32 s22, $0x3;
	[dreg:$0x1b] =	wrdreg s16;
	s26 =	sadd.s32 s28, s23  }
0x1d: {  	s30 =	sadd.s32 s28, s29;
	[dreg:$0x1e] =	wrdreg s26  }
0x1e: {  	s24 =	sadd.s32 $0x78, s18;
	s11 =	sadd.s32 s25, s29;
	[dreg:$0x16] =	wrdreg s30  }
0x1f: {  	s17 =	sshrl.u32 s24, $0x3;
	s29 =	sadd.s32 s25, s23;
	[dreg:$0x17] =	wrdreg s11  }
0x20: {  	s5 =	simm.s32 $0x0;
	s20 =	sadd.s32 s28, s17;
	[dreg:$0x1f] =	wrdreg s29  }
0x21: {  	s14 =	simm.s32 $0x1;
	s21 =	sadd.s32 s25, s17;
	[dreg:$0x1c] =	wrdreg s20  }
0x22: {  	s15 =	simm.s32 $0x18;
	s30 =	smax.u32 s2, $0x1;
	[dreg:$0x1d] =	wrdreg s21  }
0x23: {  	v0 =	vimm.f32 $1.000000000e+00;
	s23 =	simm.s32 $0x2;
	s2 =	simm.s32 $0xB;
	[smem:$0x7FD] =	sst s30  }
.LBB2_1:
0x24: {  	[smem:$0x7F7] =	sst s5  }
0x25: {  	s0 =	rddreg [dreg:$0xf]  }
0x26: {  	s17 =	rddreg [dreg:$0x2];
	s16 =	sshrl.u32 s0, $0x3  }
0x27: {  	[smem:$0x7F8] =	sst s16  }
0x28: {  	[spmem:s16], [sflag:s3] =	dma.local [hbm:s17], $0x2800  }
0x29: {  	_ =	swait.ge [sflag:s2], $0x2800  }
0x2a: {  	s20 =	rddreg [dreg:$0x11]  }
0x2b: {  	[sflag:s2] =	ssyncset.done $0x0;
	s26 =	rddreg [dreg:$0xe];
	s21 =	sshrl.u32 s20, $0x3  }
0x2c: {  	[sflag:s2] =	ssyncadd.s32 $0xFFFFD800;
	[smem:$0x7F9] =	sst s21  }
0x2d: {  	[spmem:s21], [sflag:s3] =	dma.local [hbm:s26], $0x50  }
0x2e: {  	_ =	swait.ge [sflag:s2], $0x50  }
0x2f: {  	[sflag:s2] =	ssyncset.done $0x0  }
0x30: {  	[sflag:s2] =	ssyncadd.s32 $0xFFFFFFB0  }
0x31: {  	s29 =	simm.s32 $0x15290;
	[tilespmem:$0x15280] =	vst v0  }
0x32: {  	[tilespmem:s29+$0x0] =	vst.msk $0xff, v0  }
0x33: {  	[bflag:$0x0] =	sbarrier.arrive $0xFFFF  }
0x34: {  	s3 =	simm.s32 $0x14280;
	s2 =	rddreg [dreg:$0x12]  }
0x35: {  	[tilespmem:s3], [sflag:$0x1] =	stream.linear.gather [hbm4b:s2+s7], $0x18, $0x38;
	[tilespmem:$0x1FB00] =	vst v63  }
0x36: {  	s6 =	simm.s32 $0x14A80;
	s5 =	rddreg [dreg:$0x13]  }
0x37: {  	[tilespmem:s6], [sflag:$0x1] =	stream.linear.gather [hbm4b:s5+s7], $0x18, $0x38;
	[tilespmem:$0x1FB00] =	vst v63  }
0x38: {  	s9 =	simm.s32 $0x14300;
	s8 =	rddreg [dreg:$0x14]  }
0x39: {  	[tilespmem:s9], [sflag:$0x1] =	stream.linear.gather [hbm4b:s8+s7], $0x18, $0x38;
	[tilespmem:$0x1FB00] =	vst v63  }
0x3a: {  	s11 =	simm.s32 $0x14B00;
	s10 =	rddreg [dreg:$0x15]  }
0x3b: {  	[tilespmem:s11], [sflag:$0x1] =	stream.linear.gather [hbm4b:s10+s7], $0x18, $0x38;
	[tilespmem:$0x1FB00] =	vst v63  }
0x3c: {  	s13 =	simm.s32 $0x14380;
	s12 =	rddreg [dreg:$0x16]  }
0x3d: {  	[tilespmem:s13], [sflag:$0x1] =	stream.linear.gather [hbm4b:s12+s7], $0x18, $0x38;
	[tilespmem:$0x1FB00] =	vst v63  }
0x3e: {  	s17 =	simm.s32 $0x14B80;
	s16 =	rddreg [dreg:$0x17]  }
0x3f: {  	[tilespmem:s17], [sflag:$0x1] =	stream.linear.gather [hbm4b:s16+s7], $0x18, $0x38;
	[tilespmem:$0x1FB00] =	vst v63  }
0x40: {  	s21 =	simm.s32 $0x14400;
	s20 =	rddreg [dreg:$0x18]  }
0x41: {  	[tilespmem:s21], [sflag:$0x1] =	stream.linear.gather [hbm4b:s20+s7], $0x18, $0x38;
	[tilespmem:$0x1FB00] =	vst v63  }
0x42: {  	s29 =	simm.s32 $0x14C00;
	s26 =	rddreg [dreg:$0x19]  }
0x43: {  	[tilespmem:s29], [sflag:$0x1] =	stream.linear.gather [hbm4b:s26+s7], $0x18, $0x38;
	[tilespmem:$0x1FB00] =	vst v63  }
0x44: {  	s2 =	rddreg [dreg:$0x1a];
	s3 =	simm.s32 $0x14480  }
0x45: {  	[tilespmem:s3], [sflag:$0x1] =	stream.linear.gather [hbm4b:s2+s7], $0x18, $0x38;
	[tilespmem:$0x1FB00] =	vst v63  }
0x46: {  	s5 =	rddreg [dreg:$0x1b];
	s6 =	simm.s32 $0x14C80  }
0x47: {  	[tilespmem:s6], [sflag:$0x1] =	stream.linear.gather [hbm4b:s5+s7], $0x18, $0x38;
	[tilespmem:$0x1FB00] =	vst v63  }
0x48: {  	s8 =	rddreg [dreg:$0x1c];
	s9 =	simm.s32 $0x14500  }
0x49: {  	[tilespmem:s9], [sflag:$0x1] =	stream.linear.gather [hbm4b:s8+s7], $0x18, $0x38;
	[tilespmem:$0x1FB00] =	vst v63  }
0x4a: {  	s10 =	rddreg [dreg:$0x1d];
	s11 =	simm.s32 $0x14D00  }
0x4b: {  	[tilespmem:s11], [sflag:$0x1] =	stream.linear.gather [hbm4b:s10+s7], $0x18, $0x38;
	[tilespmem:$0x1FB00] =	vst v63  }
0x4c: {  	s12 =	rddreg [dreg:$0x1e];
	s13 =	simm.s32 $0x14580  }
0x4d: {  	[tilespmem:s13], [sflag:$0x1] =	stream.linear.gather [hbm4b:s12+s7], $0x18, $0x38;
	[tilespmem:$0x1FB00] =	vst v63  }
0x4e: {  	s16 =	rddreg [dreg:$0x1f];
	s17 =	simm.s32 $0x14D80  }
0x4f: {  	[tilespmem:s17], [sflag:$0x1] =	stream.linear.gather [hbm4b:s16+s7], $0x18, $0x38;
	[tilespmem:$0x1FB00] =	vst v63  }
0x50: {  	_ =	swait.ge [sflag:s14], $0x18  }
0x51: {  	[sflag:s14] =	ssyncset.done $0x0  }
0x52: {  	[sflag:s14] =	ssyncadd.s32 $0xFFFFFFE8  }
0x53: {  	_ =	swait.ge [sflag:s14], $0x18  }
0x54: {  	[sflag:s14] =	ssyncset.done $0x0  }
0x55: {  	[sflag:s14] =	ssyncadd.s32 $0xFFFFFFE8  }
0x56: {  	_ =	swait.ge [sflag:s14], $0x18  }
0x57: {  	[sflag:s14] =	ssyncset.done $0x0  }
0x58: {  	[sflag:s14] =	ssyncadd.s32 $0xFFFFFFE8  }
0x59: {  	_ =	swait.ge [sflag:s14], $0x18  }
0x5a: {  	[sflag:s14] =	ssyncset.done $0x0  }
0x5b: {  	[sflag:s14] =	ssyncadd.s32 $0xFFFFFFE8  }
0x5c: {  	_ =	swait.ge [sflag:s14], $0x18  }
0x5d: {  	[sflag:s14] =	ssyncset.done $0x0  }
0x5e: {  	[sflag:s14] =	ssyncadd.s32 $0xFFFFFFE8  }
0x5f: {  	_ =	swait.ge [sflag:s14], $0x18  }
0x60: {  	[sflag:s14] =	ssyncset.done $0x0  }
0x61: {  	[sflag:s14] =	ssyncadd.s32 $0xFFFFFFE8  }
0x62: {  	_ =	swait.ge [sflag:s14], $0x18  }
0x63: {  	[sflag:s14] =	ssyncset.done $0x0  }
0x64: {  	[sflag:s14] =	ssyncadd.s32 $0xFFFFFFE8  }
0x65: {  	_ =	swait.ge [sflag:s14], $0x18  }
0x66: {  	[sflag:s14] =	ssyncset.done $0x0  }
0x67: {  	[sflag:s14] =	ssyncadd.s32 $0xFFFFFFE8  }
0x68: {  	_ =	swait.ge [sflag:s14], $0x18  }
0x69: {  	[sflag:s14] =	ssyncset.done $0x0  }
0x6a: {  	[sflag:s14] =	ssyncadd.s32 $0xFFFFFFE8  }
0x6b: {  	_ =	swait.ge [sflag:s14], $0x18  }
0x6c: {  	[sflag:s14] =	ssyncset.done $0x0  }
0x6d: {  	[sflag:s14] =	ssyncadd.s32 $0xFFFFFFE8  }
0x6e: {  	_ =	swait.ge [sflag:s14], $0x18  }
0x6f: {  	s26 =	sand.u32 $0x1, s7;
	[sflag:s14] =	ssyncset.done $0x0  }
0x70: {  	s21 =	smul.u32 $0x380, s26;
	[sflag:s14] =	ssyncadd.s32 $0xFFFFFFE8  }
0x71: {  	s2 =	smul.u32 $0x15000, s26;
	_ =	swait.ge [sflag:s14], $0x18  }
0x72: {  	p0 =	por $0x1, $0x1;
	s20 =	smul.u32 $0x7, s26;
	[sflag:s14] =	ssyncset.done $0x0  }
0x73: {  	s0 =	sadd.s32 $0x9000, s2;
	[smem:$0x7FA] =	sst s21;
	[sflag:s14] =	ssyncadd.s32 $0xFFFFFFE8  }
0x74: {  	s9 =	sadd.s32 $0x1, s20;
	s8 =	sadd.s32 $0xF000, s2;
	_ =	swait.ge [sflag:s14], $0x18  }
0x75: {  	s6 =	sshll.u32 s9, $0x7;
	s11 =	sadd.s32 $0x6000, s2;
	[sflag:s14] =	ssyncset.done $0x0  }
0x76: {  	s10 =	sshrl.u32 s2, $0x2;
	s29 =	sshrl.u32 s11, $0x2;
	[sflag:s14] =	ssyncadd.s32 $0xFFFFFFE8  }
0x77: {  	s11 =	sshrl.u32 s0, $0x2;
	s16 =	smul.u32 $0x3000, s9;
	_ =	swait.ge [sflag:s14], $0x18  }
0x78: {  	s12 =	sadd.s32 $0x14280, s21;
	s13 =	sadd.s32 $0x15300, s10;
	[sflag:s14] =	ssyncset.done $0x0  }
0x79: {  	s9 =	sshll.u32 s20, $0x7;
	s16 =	sshrl.u32 s16, $0x2;
	[sflag:s14] =	ssyncadd.s32 $0xFFFFFFE8  }
0x7a: {  	[tilespmem:s13], [sflag:$0x2] =	stream.indirect.gather [hbm4b:s1+s15], $0x80, s12, s15, $0xb8;
	[tilespmem:$0x1FB00] =	vst v63  }
0x7b: {  	s17 =	sadd.s32 $0xC000, s2;
	s20 =	sadd.s32 $0x15300, s16;
	s21 =	sadd.s32 $0x14280, s6  }
0x7c: {  	[tilespmem:s20], [sflag:$0x3] =	stream.indirect.gather [hbm4b:s1+s15], $0x80, s21, s15, $0xb8;
	[tilespmem:$0x1FB00] =	vst v63  }
0x7d: {  	s3 =	sshrl.u32 s17, $0x2;
	s10 =	sadd.s32 $0x14380, s9;
	s21 =	sadd.s32 $0x15300, s29  }
0x7e: {  	[tilespmem:s21], [sflag:$0x4] =	stream.indirect.gather [hbm4b:s1+s15], $0x80, s10, s15, $0xb8;
	[tilespmem:$0x1FB00] =	vst v63  }
0x7f: {  	s16 =	sshrl.u32 s8, $0x2;
	s8 =	sadd.s32 $0x15300, s11;
	s29 =	sor.u32 $0x14400, s9  }
0x80: {  	[tilespmem:s8], [sflag:$0x5] =	stream.indirect.gather [hbm4b:s1+s15], $0x80, s29, s15, $0xb8;
	[tilespmem:$0x1FB00] =	vst v63  }
0x81: {  	s2 =	sadd.s32 $0x12000, s2;
	s0 =	sadd.s32 $0x14480, s9;
	s12 =	sadd.s32 $0x15300, s3  }
0x82: {  	[tilespmem:s12], [sflag:$0x6] =	stream.indirect.gather [hbm4b:s1+s15], $0x80, s0, s15, $0xb8;
	[tilespmem:$0x1FB00] =	vst v63  }
0x83: {  	s16 =	sadd.s32 $0x15300, s16;
	s3 =	sshrl.u32 s2, $0x2;
	s10 =	sadd.s32 $0x14500, s9  }
0x84: {  	[tilespmem:s16], [sflag:$0x7] =	stream.indirect.gather [hbm4b:s1+s15], $0x80, s10, s15, $0xb8;
	[tilespmem:$0x1FB00] =	vst v63  }
0x85: {  	s17 =	simm.s32 @!p0 $0x9;
	s29 =	sadd.s32 $0x14580, s9;
	s10 =	sadd.s32 $0x15300, s3  }
0x86: {  	[tilespmem:s10], [sflag:$0x8] =	stream.indirect.gather [hbm4b:s1+s15], $0x80, s29, s15, $0xb8;
	[tilespmem:$0x1FB00] =	vst v63  }
0x87: {  	_ =	swait.ge @!p0 [sflag:s17], $0xC00  }
0x88: {  	[sflag:s17] =	ssyncset.done @!p0 $0x0  }
0x89: {  	s29 =	simm.s32 @!p0 $0xA;
	[sflag:s17] =	ssyncadd.s32 @!p0 $0xFFFFF400  }
0x8a: {  	_ =	swait.ge @!p0 [sflag:s29], $0x18  }
0x8b: {  	[sflag:s29] =	ssyncset.done @!p0 $0x0  }
0x8c: {  	[sflag:s29] =	ssyncadd.s32 @!p0 $0xFFFFFFE8  }
0x8d: {  	_ =	swait.ge @!p0 [sflag:s17], $0xC00  }
0x8e: {  	[sflag:s17] =	ssyncset.done @!p0 $0x0  }
0x8f: {  	[sflag:s17] =	ssyncadd.s32 @!p0 $0xFFFFF400  }
0x90: {  	_ =	swait.ge @!p0 [sflag:s29], $0x18  }
0x91: {  	[sflag:s29] =	ssyncset.done @!p0 $0x0  }
0x92: {  	[sflag:s29] =	ssyncadd.s32 @!p0 $0xFFFFFFE8  }
0x93: {  	_ =	swait.ge @!p0 [sflag:s17], $0xC00  }
0x94: {  	[sflag:s17] =	ssyncset.done @!p0 $0x0  }
0x95: {  	[sflag:s17] =	ssyncadd.s32 @!p0 $0xFFFFF400  }
0x96: {  	_ =	swait.ge @!p0 [sflag:s29], $0x18  }
0x97: {  	[sflag:s29] =	ssyncset.done @!p0 $0x0  }
0x98: {  	[sflag:s29] =	ssyncadd.s32 @!p0 $0xFFFFFFE8  }
0x99: {  	_ =	swait.ge @!p0 [sflag:s17], $0xC00  }
0x9a: {  	[sflag:s17] =	ssyncset.done @!p0 $0x0  }
0x9b: {  	[sflag:s17] =	ssyncadd.s32 @!p0 $0xFFFFF400  }
0x9c: {  	_ =	swait.ge @!p0 [sflag:s29], $0x18  }
0x9d: {  	[sflag:s29] =	ssyncset.done @!p0 $0x0  }
0x9e: {  	[sflag:s29] =	ssyncadd.s32 @!p0 $0xFFFFFFE8  }
0x9f: {  	_ =	swait.ge @!p0 [sflag:s17], $0xC00  }
0xa0: {  	[sflag:s17] =	ssyncset.done @!p0 $0x0  }
0xa1: {  	[sflag:s17] =	ssyncadd.s32 @!p0 $0xFFFFF400  }
0xa2: {  	_ =	swait.ge @!p0 [sflag:s29], $0x18  }
0xa3: {  	[sflag:s29] =	ssyncset.done @!p0 $0x0  }
0xa4: {  	[sflag:s29] =	ssyncadd.s32 @!p0 $0xFFFFFFE8  }
0xa5: {  	_ =	swait.ge @!p0 [sflag:s17], $0xC00  }
0xa6: {  	[sflag:s17] =	ssyncset.done @!p0 $0x0  }
0xa7: {  	[sflag:s17] =	ssyncadd.s32 @!p0 $0xFFFFF400  }
0xa8: {  	_ =	swait.ge @!p0 [sflag:s29], $0x18  }
0xa9: {  	s11 =	simm.s32 $0x1;
	[sflag:s29] =	ssyncset.done @!p0 $0x0  }
0xaa: {  	s30 =	smin.u32 s11, $0x3B;
	[sflag:s29] =	ssyncadd.s32 @!p0 $0xFFFFFFE8  }
0xab: {  	s30 =	smul.u32 $0xA8, s30;
	_ =	swait.ge @!p0 [sflag:s17], $0xC00  }
0xac: {  	[sflag:s17] =	ssyncset.done @!p0 $0x0  }
0xad: {  	s0 =	sadd.s32 s18, s30;
	[sflag:s17] =	ssyncadd.s32 @!p0 $0xFFFFF400  }
0xae: {  	s17 =	smul.u32 $0xFFFFFC80, s26;
	s26 =	sshrl.u32 s0, $0x3;
	_ =	swait.ge @!p0 [sflag:s29], $0x18  }
0xaf: {  	s5 =	sadd.s32 s28, s26;
	[sflag:s29] =	ssyncset.done @!p0 $0x0  }
0xb0: {  	s3 =	rddreg [dreg:$0x6];
	s2 =	sadd.s32 $0x14600, s17;
	[sflag:s29] =	ssyncadd.s32 @!p0 $0xFFFFFFE8  }
0xb1: {  	[tilespmem:s2], [sflag:$0x1] =	stream.linear.gather [hbm4b:s5+s7], $0x18, $0x38;
	[tilespmem:$0x1FB00] =	vst v63  }
0xb2: {  	s2 =	sadd.s32 s30, s3  }
0xb3: {  	s26 =	sadd.s32 s25, s26;
	s5 =	sadd.s32 $0x14E00, s17;
	s3 =	sshrl.u32 s2, $0x3  }
0xb4: {  	[tilespmem:s5], [sflag:$0x1] =	stream.linear.gather [hbm4b:s26+s7], $0x18, $0x38;
	[tilespmem:$0x1FB00] =	vst v63  }
0xb5: {  	s5 =	sadd.s32 $0x14680, s17;
	s29 =	sadd.s32 s28, s3  }
0xb6: {  	[tilespmem:s5], [sflag:$0x1] =	stream.linear.gather [hbm4b:s29+s7], $0x18, $0x38;
	[tilespmem:$0x1FB00] =	vst v63  }
0xb7: {  	s29 =	sadd.s32 s30, s22  }
0xb8: {  	s2 =	sadd.s32 $0x14E80, s17;
	s0 =	sadd.s32 s25, s3;
	s26 =	sshrl.u32 s29, $0x3  }
0xb9: {  	[tilespmem:s2], [sflag:$0x1] =	stream.linear.gather [hbm4b:s0+s7], $0x18, $0x38;
	[tilespmem:$0x1FB00] =	vst v63  }
0xba: {  	s5 =	sadd.s32 $0x14700, s17;
	s29 =	sadd.s32 s30, s31;
	s3 =	sadd.s32 s28, s26  }
0xbb: {  	[tilespmem:s5], [sflag:$0x1] =	stream.linear.gather [hbm4b:s3+s7], $0x18, $0x38;
	[tilespmem:$0x1FB00] =	vst v63  }
0xbc: {  	s0 =	sshrl.u32 s29, $0x3;
	s2 =	sadd.s32 $0x14F00, s17;
	s26 =	sadd.s32 s25, s26  }
0xbd: {  	[tilespmem:s2], [sflag:$0x1] =	stream.linear.gather [hbm4b:s26+s7], $0x18, $0x38;
	[tilespmem:$0x1FB00] =	vst v63  }
0xbe: {  	s3 =	sadd.s32 $0x14780, s17;
	s5 =	sadd.s32 s28, s0;
	s2 =	sadd.s32 s30, s4  }
0xbf: {  	[tilespmem:s3], [sflag:$0x1] =	stream.linear.gather [hbm4b:s5+s7], $0x18, $0x38;
	[tilespmem:$0x1FB00] =	vst v63  }
0xc0: {  	s0 =	sadd.s32 s25, s0;
	s26 =	sshrl.u32 s2, $0x3;
	s3 =	sadd.s32 $0x14F80, s17  }
0xc1: {  	[tilespmem:s3], [sflag:$0x1] =	stream.linear.gather [hbm4b:s0+s7], $0x18, $0x38;
	[tilespmem:$0x1FB00] =	vst v63  }
0xc2: {  	s4 =	sadd.s32 $0x14800, s17;
	s2 =	sadd.s32 s30, s24;
	s5 =	sadd.s32 s28, s26  }
0xc3: {  	[tilespmem:s4], [sflag:$0x1] =	stream.linear.gather [hbm4b:s5+s7], $0x18, $0x38;
	[tilespmem:$0x1FB00] =	vst v63  }
0xc4: {  	s26 =	sadd.s32 s25, s26;
	s3 =	sadd.s32 $0x15000, s17;
	s0 =	sshrl.u32 s2, $0x3  }
0xc5: {  	[tilespmem:s3], [sflag:$0x1] =	stream.linear.gather [hbm4b:s26+s7], $0x18, $0x38;
	[tilespmem:$0x1FB00] =	vst v63  }
0xc6: {  	s2 =	sadd.s32 s30, s19;
	s4 =	sadd.s32 $0x14880, s17;
	s5 =	sadd.s32 s28, s0  }
0xc7: {  	[tilespmem:s4], [sflag:$0x1] =	stream.linear.gather [hbm4b:s5+s7], $0x18, $0x38;
	[tilespmem:$0x1FB00] =	vst v63  }
0xc8: {  	s0 =	sadd.s32 s25, s0;
	s26 =	sshrl.u32 s2, $0x3;
	s3 =	sadd.s32 $0x15080, s17  }
0xc9: {  	[tilespmem:s3], [sflag:$0x1] =	stream.linear.gather [hbm4b:s0+s7], $0x18, $0x38;
	[tilespmem:$0x1FB00] =	vst v63  }
0xca: {  	s4 =	sadd.s32 $0x14900, s17;
	s5 =	sadd.s32 s28, s26  }
0xcb: {  	[tilespmem:s4], [sflag:$0x1] =	stream.linear.gather [hbm4b:s5+s7], $0x18, $0x38;
	[tilespmem:$0x1FB00] =	vst v63  }
0xcc: {  	s19 =	sadd.s32 s25, s26;
	s17 =	sadd.s32 $0x15100, s17  }
0xcd: {  	[tilespmem:s17], [sflag:$0x1] =	stream.linear.gather [hbm4b:s19+s7], $0x18, $0x38;
	[tilespmem:$0x1FB00] =	vst v63  }
0xce: {  	_ =	swait.ge [sflag:s23], $0xC00  }
0xcf: {  	s26 =	sld [smem:$0x7FA]  }
0xd0: {  	[sflag:s23] =	ssyncset.done $0x0  }
0xd1: {  	[sflag:s23] =	ssyncadd.s32 $0xFFFFF400  }
0xd2: {  	s29 =	rddreg [dreg:$0x3];
	s0 =	sadd.s32 $0x14A80, s26  }
0xd3: {  	[spmem:s29] =	stream.indirect.scatter.add.f32 [tilespmem:s13], [sflag:$0x9], $0x80, s0, s15, $0xb8;
	[tilespmem:$0x1FB00] =	vst v63  }
0xd4: {  	s7 =	simm.s32 $0x15280;
	s2 =	rddreg [dreg:$0x4];
	s13 =	simm.s32 $0x3  }
0xd5: {  	[spmem:s2] =	stream.indirect.scatter.add.f32 [tilespmem:s7], [sflag:$0xA], $0x1, s0, s15, $0xb8;
	[tilespmem:$0x1FB00] =	vst v63  }
0xd6: {  	_ =	swait.ge [sflag:s13], $0xC00  }
0xd7: {  	[sflag:s13] =	ssyncset.done $0x0  }
0xd8: {  	s17 =	sadd.s32 $0x14A80, s6;
	[sflag:s13] =	ssyncadd.s32 $0xFFFFF400  }
0xd9: {  	[spmem:s29] =	stream.indirect.scatter.add.f32 [tilespmem:s20], [sflag:$0x9], $0x80, s17, s15, $0xb8;
	[tilespmem:$0x1FB00] =	vst v63  }
0xda: {  	s19 =	simm.s32 $0x4  }
0xdb: {  	[spmem:s2] =	stream.indirect.scatter.add.f32 [tilespmem:s7], [sflag:$0xA], $0x1, s17, s15, $0xb8;
	[tilespmem:$0x1FB00] =	vst v63  }
0xdc: {  	_ =	swait.ge [sflag:s19], $0xC00  }
0xdd: {  	[sflag:s19] =	ssyncset.done $0x0  }
0xde: {  	s20 =	sadd.s32 $0x14B80, s9;
	[sflag:s19] =	ssyncadd.s32 $0xFFFFF400  }
0xdf: {  	[spmem:s29] =	stream.indirect.scatter.add.f32 [tilespmem:s21], [sflag:$0x9], $0x80, s20, s15, $0xb8;
	[tilespmem:$0x1FB00] =	vst v63  }
0xe0: {  	s23 =	simm.s32 $0x5  }
0xe1: {  	[spmem:s2] =	stream.indirect.scatter.add.f32 [tilespmem:s7], [sflag:$0xA], $0x1, s20, s15, $0xb8;
	[tilespmem:$0x1FB00] =	vst v63  }
0xe2: {  	_ =	swait.ge [sflag:s23], $0xC00  }
0xe3: {  	[sflag:s23] =	ssyncset.done $0x0  }
0xe4: {  	s26 =	sor.u32 $0x14C00, s9;
	[sflag:s23] =	ssyncadd.s32 $0xFFFFF400  }
0xe5: {  	[spmem:s29] =	stream.indirect.scatter.add.f32 [tilespmem:s8], [sflag:$0x9], $0x80, s26, s15, $0xb8;
	[tilespmem:$0x1FB00] =	vst v63  }
0xe6: {  	s29 =	simm.s32 $0x6  }
0xe7: {  	[spmem:s2] =	stream.indirect.scatter.add.f32 [tilespmem:s7], [sflag:$0xA], $0x1, s26, s15, $0xb8;
	[tilespmem:$0x1FB00] =	vst v63  }
0xe8: {  	_ =	swait.ge [sflag:s29], $0xC00  }
0xe9: {  	s30 =	simm.s32 $0x0;
	s13 =	sadd.s32 $0x14C80, s9;
	[sflag:s29] =	ssyncset.done $0x0  }
.LBB2_2:
0xea: {  	s0 =	simm.s32 $0x6  }
0xeb: {  	[sflag:s0] =	ssyncadd.s32 $0xFFFFF400  }
0xec: {  	s7 =	rddreg [dreg:$0x3]  }
0xed: {  	[spmem:s7] =	stream.indirect.scatter.add.f32 [tilespmem:s12], [sflag:$0x9], $0x80, s13, s15, $0xb8;
	[tilespmem:$0x1FB00] =	vst v63  }
0xee: {  	s5 =	simm.s32 $0x15280;
	s2 =	simm.s32 $0x7;
	s8 =	rddreg [dreg:$0x4]  }
0xef: {  	[spmem:s8] =	stream.indirect.scatter.add.f32 [tilespmem:s5], [sflag:$0xA], $0x1, s13, s15, $0xb8;
	[tilespmem:$0x1FB00] =	vst v63  }
0xf0: {  	_ =	swait.ge [sflag:s2], $0xC00  }
0xf1: {  	[sflag:s2] =	ssyncset.done $0x0  }
0xf2: {  	s6 =	sadd.s32 $0x14D00, s9;
	[sflag:s2] =	ssyncadd.s32 $0xFFFFF400  }
0xf3: {  	[spmem:s7] =	stream.indirect.scatter.add.f32 [tilespmem:s16], [sflag:$0x9], $0x80, s6, s15, $0xb8;
	[tilespmem:$0x1FB00] =	vst v63  }
0xf4: {  	s3 =	simm.s32 $0x15280;
	s12 =	simm.s32 $0x8  }
0xf5: {  	[spmem:s8] =	stream.indirect.scatter.add.f32 [tilespmem:s3], [sflag:$0xA], $0x1, s6, s15, $0xb8;
	[tilespmem:$0x1FB00] =	vst v63  }
0xf6: {  	_ =	swait.ge [sflag:s12], $0xC00  }
0xf7: {  	[sflag:s12] =	ssyncset.done $0x0  }
0xf8: {  	s13 =	sadd.s32 $0x14D80, s9;
	[sflag:s12] =	ssyncadd.s32 $0xFFFFF400  }
0xf9: {  	[spmem:s7] =	stream.indirect.scatter.add.f32 [tilespmem:s10], [sflag:$0x9], $0x80, s13, s15, $0xb8;
	[tilespmem:$0x1FB00] =	vst v63  }
0xfa: {  	_ = 	snop  }
0xfb: {  	[spmem:s8] =	stream.indirect.scatter.add.f32 [tilespmem:s3], [sflag:$0xA], $0x1, s13, s15, $0xb8;
	[tilespmem:$0x1FB00] =	vst v63  }
0xfc: {  	_ =	swait.ge [sflag:s14], $0x18  }
0xfd: {  	[sflag:s14] =	ssyncset.done $0x0  }
0xfe: {  	[sflag:s14] =	ssyncadd.s32 $0xFFFFFFE8  }
0xff: {  	_ =	swait.ge [sflag:s14], $0x18  }
0x100: {  	[sflag:s14] =	ssyncset.done $0x0  }
0x101: {  	[sflag:s14] =	ssyncadd.s32 $0xFFFFFFE8  }
0x102: {  	_ =	swait.ge [sflag:s14], $0x18  }
0x103: {  	[sflag:s14] =	ssyncset.done $0x0  }
0x104: {  	[sflag:s14] =	ssyncadd.s32 $0xFFFFFFE8  }
0x105: {  	_ =	swait.ge [sflag:s14], $0x18  }
0x106: {  	[sflag:s14] =	ssyncset.done $0x0  }
0x107: {  	[sflag:s14] =	ssyncadd.s32 $0xFFFFFFE8  }
0x108: {  	_ =	swait.ge [sflag:s14], $0x18  }
0x109: {  	[sflag:s14] =	ssyncset.done $0x0  }
0x10a: {  	[sflag:s14] =	ssyncadd.s32 $0xFFFFFFE8  }
0x10b: {  	_ =	swait.ge [sflag:s14], $0x18  }
0x10c: {  	[sflag:s14] =	ssyncset.done $0x0  }
0x10d: {  	[sflag:s14] =	ssyncadd.s32 $0xFFFFFFE8  }
0x10e: {  	_ =	swait.ge [sflag:s14], $0x18  }
0x10f: {  	[sflag:s14] =	ssyncset.done $0x0  }
0x110: {  	[sflag:s14] =	ssyncadd.s32 $0xFFFFFFE8  }
0x111: {  	s21 =	smov.u32 s11;
	_ =	swait.ge [sflag:s14], $0x18  }
0x112: {  	s26 =	sand.u32 $0x1, s21;
	[sflag:s14] =	ssyncset.done $0x0  }
0x113: {  	s19 =	smul.u32 $0x380, s26;
	[sflag:s14] =	ssyncadd.s32 $0xFFFFFFE8  }
0x114: {  	s16 =	smul.u32 $0x15000, s26;
	_ =	swait.ge [sflag:s14], $0x18  }
0x115: {  	s5 =	smul.u32 $0x7, s26;
	[sflag:s14] =	ssyncset.done $0x0  }
0x116: {  	s29 =	sshrl.u32 s16, $0x2;
	[dreg:$0x9] =	wrdreg s19;
	[sflag:s14] =	ssyncadd.s32 $0xFFFFFFE8  }
0x117: {  	s23 =	sadd.s32 $0x1, s5;
	s8 =	sadd.s32 $0x15300, s29;
	_ =	swait.ge [sflag:s14], $0x18  }
0x118: {  	s13 =	sshll.u32 s23, $0x7;
	[dreg:$0xd] =	wrdreg s8;
	[sflag:s14] =	ssyncset.done $0x0  }
0x119: {  	[dreg:$0xa] =	wrdreg s13;
	[sflag:s14] =	ssyncadd.s32 $0xFFFFFFE8  }
0x11a: {  	_ =	swait.ge [sflag:s14], $0x18  }
0x11b: {  	s3 =	sadd.s32 $0x14280, s19;
	s19 =	smul.u32 $0x3000, s23;
	[sflag:s14] =	ssyncset.done $0x0  }
0x11c: {  	[sflag:s14] =	ssyncadd.s32 $0xFFFFFFE8  }
0x11d: {  	s0 =	sshrl.u32 s19, $0x2;
	_ =	swait.ge [sflag:s14], $0x18  }
0x11e: {  	s4 =	sadd.s32 $0x15300, s0;
	[sflag:s14] =	ssyncset.done $0x0  }
0x11f: {  	[dreg:$0xc] =	wrdreg s4;
	[sflag:s14] =	ssyncadd.s32 $0xFFFFFFE8  }
0x120: {  	_ =	swait.ge [sflag:s14], $0x18  }
0x121: {  	[sflag:s14] =	ssyncset.done $0x0  }
0x122: {  	p1 =	seq.s32 s21, $0x0;
	[sflag:s14] =	ssyncadd.s32 $0xFFFFFFE8  }
0x123: {  	s9 =	sshll.u32 s5, $0x7;
	s20 =	sadd.s32 $0x6000, s16;
	_ =	swait.ge [sflag:s14], $0x18  }
0x124: {  	s17 =	sadd.s32 $0xC000, s16;
	s2 =	sadd.s32 $0x12000, s16;
	[sflag:s14] =	ssyncset.done $0x0  }
0x125: {  	s17 =	sshrl.u32 s17, $0x2;
	s7 =	sadd.s32 $0xF000, s16;
	[sflag:s14] =	ssyncadd.s32 $0xFFFFFFE8  }
0x126: {  	[tilespmem:s8], [sflag:$0x2] =	stream.indirect.gather [hbm4b:s1+s15], $0x80, s3, s15, $0xb8;
	[tilespmem:$0x1FB00] =	vst v63  }
0x127: {  	s29 =	sadd.s32 $0x9000, s16;
	s23 =	sshrl.u32 s20, $0x2;
	s20 =	sadd.s32 $0x14280, s13  }
0x128: {  	[tilespmem:s4], [sflag:$0x3] =	stream.indirect.gather [hbm4b:s1+s15], $0x80, s20, s15, $0xb8;
	[tilespmem:$0x1FB00] =	vst v63  }
0x129: {  	s6 =	sshrl.u32 s29, $0x2;
	s8 =	sadd.s32 $0x14380, s9;
	s20 =	sadd.s32 $0x15300, s23  }
0x12a: {  	[tilespmem:s20], [sflag:$0x4] =	stream.indirect.gather [hbm4b:s1+s15], $0x80, s8, s15, $0xb8;
	[tilespmem:$0x1FB00] =	vst v63  }
0x12b: {  	s10 =	sor.u32 $0x14400, s9;
	s16 =	sadd.s32 $0x14480, s9;
	s12 =	sadd.s32 $0x15300, s6  }
0x12c: {  	[tilespmem:s12], [sflag:$0x5] =	stream.indirect.gather [hbm4b:s1+s15], $0x80, s10, s15, $0xb8;
	[tilespmem:$0x1FB00] =	vst v63  }
0x12d: {  	s29 =	sshrl.u32 s7, $0x2;
	[dreg:$0xb] =	wrdreg s12;
	s12 =	sadd.s32 $0x15300, s17  }
0x12e: {  	[tilespmem:s12], [sflag:$0x6] =	stream.indirect.gather [hbm4b:s1+s15], $0x80, s16, s15, $0xb8;
	[tilespmem:$0x1FB00] =	vst v63  }
0x12f: {  	s19 =	sshrl.u32 s2, $0x2;
	s23 =	sadd.s32 $0x14500, s9;
	s8 =	sadd.s32 $0x15300, s29  }
0x130: {  	[tilespmem:s8], [sflag:$0x7] =	stream.indirect.gather [hbm4b:s1+s15], $0x80, s23, s15, $0xb8;
	[tilespmem:$0x1FB00] =	vst v63  }
0x131: {  	s7 =	sadd.s32 $0x15300, s19;
	s29 =	sadd.s32 $0x14580, s9;
	s17 =	simm.s32 @!p1 $0x9  }
0x132: {  	[tilespmem:s7], [sflag:$0x8] =	stream.indirect.gather [hbm4b:s1+s15], $0x80, s29, s15, $0xb8;
	[tilespmem:$0x1FB00] =	vst v63  }
0x133: {  	_ =	swait.ge @!p1 [sflag:s17], $0xC00  }
0x134: {  	[sflag:s17] =	ssyncset.done @!p1 $0x0  }
0x135: {  	s29 =	simm.s32 @!p1 $0xA;
	[sflag:s17] =	ssyncadd.s32 @!p1 $0xFFFFF400  }
0x136: {  	_ =	swait.ge @!p1 [sflag:s29], $0x18  }
0x137: {  	[sflag:s29] =	ssyncset.done @!p1 $0x0  }
0x138: {  	[sflag:s29] =	ssyncadd.s32 @!p1 $0xFFFFFFE8  }
0x139: {  	_ =	swait.ge @!p1 [sflag:s17], $0xC00  }
0x13a: {  	[sflag:s17] =	ssyncset.done @!p1 $0x0  }
0x13b: {  	[sflag:s17] =	ssyncadd.s32 @!p1 $0xFFFFF400  }
0x13c: {  	_ =	swait.ge @!p1 [sflag:s29], $0x18  }
0x13d: {  	[sflag:s29] =	ssyncset.done @!p1 $0x0  }
0x13e: {  	[sflag:s29] =	ssyncadd.s32 @!p1 $0xFFFFFFE8  }
0x13f: {  	_ =	swait.ge @!p1 [sflag:s17], $0xC00  }
0x140: {  	[sflag:s17] =	ssyncset.done @!p1 $0x0  }
0x141: {  	[sflag:s17] =	ssyncadd.s32 @!p1 $0xFFFFF400  }
0x142: {  	_ =	swait.ge @!p1 [sflag:s29], $0x18  }
0x143: {  	[sflag:s29] =	ssyncset.done @!p1 $0x0  }
0x144: {  	[sflag:s29] =	ssyncadd.s32 @!p1 $0xFFFFFFE8  }
0x145: {  	_ =	swait.ge @!p1 [sflag:s17], $0xC00  }
0x146: {  	[sflag:s17] =	ssyncset.done @!p1 $0x0  }
0x147: {  	[sflag:s17] =	ssyncadd.s32 @!p1 $0xFFFFF400  }
0x148: {  	_ =	swait.ge @!p1 [sflag:s29], $0x18  }
0x149: {  	[sflag:s29] =	ssyncset.done @!p1 $0x0  }
0x14a: {  	[sflag:s29] =	ssyncadd.s32 @!p1 $0xFFFFFFE8  }
0x14b: {  	_ =	swait.ge @!p1 [sflag:s17], $0xC00  }
0x14c: {  	[sflag:s17] =	ssyncset.done @!p1 $0x0  }
0x14d: {  	[sflag:s17] =	ssyncadd.s32 @!p1 $0xFFFFF400  }
0x14e: {  	_ =	swait.ge @!p1 [sflag:s29], $0x18  }
0x14f: {  	s11 =	sadd.s32 $0x1, s11;
	[sflag:s29] =	ssyncset.done @!p1 $0x0  }
0x150: {  	s0 =	smin.u32 s11, $0x3B;
	[sflag:s29] =	ssyncadd.s32 @!p1 $0xFFFFFFE8  }
0x151: {  	s19 =	smul.u32 $0xA8, s0;
	_ =	swait.ge @!p1 [sflag:s17], $0xC00  }
0x152: {  	[sflag:s17] =	ssyncset.done @!p1 $0x0  }
0x153: {  	s21 =	smul.u32 $0xFFFFFC80, s26;
	s2 =	sadd.s32 s18, s19;
	[sflag:s17] =	ssyncadd.s32 @!p1 $0xFFFFF400  }
0x154: {  	s26 =	sadd.s32 s19, s24;
	s3 =	sadd.s32 s19, s22;
	_ =	swait.ge @!p1 [sflag:s29], $0x18  }
0x155: {  	s10 =	smov.u32 s22;
	s16 =	sadd.s32 s19, s31;
	[sflag:s29] =	ssyncset.done @!p1 $0x0  }
0x156: {  	s22 =	sshrl.u32 s3, $0x3;
	s0 =	sshrl.u32 s16, $0x3;
	[sflag:s29] =	ssyncadd.s32 @!p1 $0xFFFFFFE8  }
0x157: {  	s23 =	sshrl.u32 s2, $0x3;
	s4 =	rddreg [dreg:$0x7];
	_ =	swait.ge @!p1 [sflag:s17], $0xC00  }
0x158: {  	s2 =	smov.u32 s24;
	s24 =	sadd.s32 $0x14600, s21;
	[sflag:s17] =	ssyncset.done @!p1 $0x0  }
0x159: {  	s5 =	sadd.s32 s25, s23;
	s16 =	rddreg [dreg:$0x8];
	[sflag:s17] =	ssyncadd.s32 @!p1 $0xFFFFF400  }
0x15a: {  	s3 =	sadd.s32 s19, s16;
	s16 =	smov.u32 s31;
	_ =	swait.ge @!p1 [sflag:s29], $0x18  }
0x15b: {  	s31 =	smov.u32 s18;
	[sflag:s29] =	ssyncset.done @!p1 $0x0;
	s18 =	rddreg [dreg:$0x6]  }
0x15c: {  	s23 =	sadd.s32 s28, s23;
	[sflag:s29] =	ssyncadd.s32 @!p1 $0xFFFFFFE8;
	s18 =	sadd.s32 s19, s18  }
0x15d: {  	[tilespmem:s24], [sflag:$0x1] =	stream.linear.gather [hbm4b:s23+s30], $0x18, $0x38;
	[tilespmem:$0x1FB00] =	vst v63  }
0x15e: {  	s6 =	smov.u32 s1;
	s29 =	sadd.s32 $0x14E00, s21;
	s18 =	sshrl.u32 s18, $0x3  }
0x15f: {  	[tilespmem:s29], [sflag:$0x1] =	stream.linear.gather [hbm4b:s5+s30], $0x18, $0x38;
	[tilespmem:$0x1FB00] =	vst v63  }
0x160: {  	s1 =	sadd.s32 s19, s4;
	s19 =	sadd.s32 $0x14680, s21;
	s23 =	sadd.s32 s28, s18  }
0x161: {  	[tilespmem:s19], [sflag:$0x1] =	stream.linear.gather [hbm4b:s23+s30], $0x18, $0x38;
	[tilespmem:$0x1FB00] =	vst v63  }
0x162: {  	s24 =	sadd.s32 $0x14E80, s21;
	s5 =	sadd.s32 s25, s18  }
0x163: {  	[tilespmem:s24], [sflag:$0x1] =	stream.linear.gather [hbm4b:s5+s30], $0x18, $0x38;
	[tilespmem:$0x1FB00] =	vst v63  }
0x164: {  	s4 =	sadd.s32 s28, s22;
	s29 =	sadd.s32 $0x14700, s21  }
0x165: {  	[tilespmem:s29], [sflag:$0x1] =	stream.linear.gather [hbm4b:s4+s30], $0x18, $0x38;
	[tilespmem:$0x1FB00] =	vst v63  }
0x166: {  	s18 =	sadd.s32 $0x14F00, s21;
	s19 =	sadd.s32 s25, s22  }
0x167: {  	[tilespmem:s18], [sflag:$0x1] =	stream.linear.gather [hbm4b:s19+s30], $0x18, $0x38;
	[tilespmem:$0x1FB00] =	vst v63  }
0x168: {  	s1 =	sshrl.u32 s1, $0x3;
	s22 =	sadd.s32 $0x14780, s21;
	s5 =	sadd.s32 s28, s0  }
0x169: {  	[tilespmem:s22], [sflag:$0x1] =	stream.linear.gather [hbm4b:s5+s30], $0x18, $0x38;
	[tilespmem:$0x1FB00] =	vst v63  }
0x16a: {  	s17 =	sshrl.u32 s3, $0x3;
	s23 =	sadd.s32 $0x14F80, s21;
	s29 =	sadd.s32 s25, s0  }
0x16b: {  	[tilespmem:s23], [sflag:$0x1] =	stream.linear.gather [hbm4b:s29+s30], $0x18, $0x38;
	[tilespmem:$0x1FB00] =	vst v63  }
0x16c: {  	s24 =	smov.u32 s2;
	s2 =	sadd.s32 s28, s1;
	s0 =	sadd.s32 $0x14800, s21  }
0x16d: {  	[tilespmem:s0], [sflag:$0x1] =	stream.linear.gather [hbm4b:s2+s30], $0x18, $0x38;
	[tilespmem:$0x1FB00] =	vst v63  }
0x16e: {  	s3 =	sadd.s32 $0x15000, s21;
	s1 =	sadd.s32 s25, s1;
	s5 =	sshrl.u32 s26, $0x3  }
0x16f: {  	[tilespmem:s3], [sflag:$0x1] =	stream.linear.gather [hbm4b:s1+s30], $0x18, $0x38;
	[tilespmem:$0x1FB00] =	vst v63  }
0x170: {  	s26 =	sadd.s32 $0x14880, s21;
	s29 =	sadd.s32 s28, s5  }
0x171: {  	[tilespmem:s26], [sflag:$0x1] =	stream.linear.gather [hbm4b:s29+s30], $0x18, $0x38;
	[tilespmem:$0x1FB00] =	vst v63  }
0x172: {  	s22 =	smov.u32 s10;
	s0 =	sadd.s32 $0x15080, s21;
	s2 =	sadd.s32 s25, s5  }
0x173: {  	[tilespmem:s0], [sflag:$0x1] =	stream.linear.gather [hbm4b:s2+s30], $0x18, $0x38;
	[tilespmem:$0x1FB00] =	vst v63  }
0x174: {  	s10 =	smov.u32 s7;
	s5 =	sadd.s32 s28, s17;
	s3 =	sadd.s32 $0x14900, s21  }
0x175: {  	[tilespmem:s3], [sflag:$0x1] =	stream.linear.gather [hbm4b:s5+s30], $0x18, $0x38;
	[tilespmem:$0x1FB00] =	vst v63  }
0x176: {  	s7 =	sadd.s32 $0x15100, s21;
	s23 =	simm.s32 $0x2;
	s17 =	sadd.s32 s25, s17  }
0x177: {  	[tilespmem:s7], [sflag:$0x1] =	stream.linear.gather [hbm4b:s17+s30], $0x18, $0x38;
	[tilespmem:$0x1FB00] =	vst v63  }
0x178: {  	_ =	swait.ge [sflag:s23], $0xC00  }
0x179: {  	[sflag:s23] =	ssyncset.done $0x0;
	s19 =	rddreg [dreg:$0x9]  }
0x17a: {  	s21 =	rddreg [dreg:$0xd];
	[sflag:s23] =	ssyncadd.s32 $0xFFFFF400  }
0x17b: {  	s0 =	sadd.s32 $0x14A80, s19;
	s3 =	rddreg [dreg:$0x3]  }
0x17c: {  	[spmem:s3] =	stream.indirect.scatter.add.f32 [tilespmem:s21], [sflag:$0x9], $0x80, s0, s15, $0xb8;
	[tilespmem:$0x1FB00] =	vst v63  }
0x17d: {  	s26 =	simm.s32 $0x15280;
	s29 =	simm.s32 $0x3;
	s5 =	rddreg [dreg:$0x4]  }
0x17e: {  	[spmem:s5] =	stream.indirect.scatter.add.f32 [tilespmem:s26], [sflag:$0xA], $0x1, s0, s15, $0xb8;
	[tilespmem:$0x1FB00] =	vst v63  }
0x17f: {  	_ =	swait.ge [sflag:s29], $0xC00  }
0x180: {  	s1 =	smov.u32 s6;
	[sflag:s29] =	ssyncset.done $0x0;
	s6 =	rddreg [dreg:$0xa]  }
0x181: {  	s7 =	rddreg [dreg:$0xc];
	s0 =	sadd.s32 $0x14A80, s6;
	[sflag:s29] =	ssyncadd.s32 $0xFFFFF400  }
0x182: {  	[spmem:s3] =	stream.indirect.scatter.add.f32 [tilespmem:s7], [sflag:$0x9], $0x80, s0, s15, $0xb8;
	[tilespmem:$0x1FB00] =	vst v63  }
0x183: {  	s17 =	simm.s32 $0x4  }
0x184: {  	[spmem:s5] =	stream.indirect.scatter.add.f32 [tilespmem:s26], [sflag:$0xA], $0x1, s0, s15, $0xb8;
	[tilespmem:$0x1FB00] =	vst v63  }
0x185: {  	_ =	swait.ge [sflag:s17], $0xC00  }
0x186: {  	s18 =	smov.u32 s31;
	[sflag:s17] =	ssyncset.done $0x0  }
0x187: {  	s31 =	smov.u32 s16;
	s19 =	sadd.s32 $0x14B80, s9;
	[sflag:s17] =	ssyncadd.s32 $0xFFFFF400  }
0x188: {  	[spmem:s3] =	stream.indirect.scatter.add.f32 [tilespmem:s20], [sflag:$0x9], $0x80, s19, s15, $0xb8;
	[tilespmem:$0x1FB00] =	vst v63  }
0x189: {  	s16 =	smov.u32 s8;
	s8 =	simm.s32 $0x15280;
	s20 =	simm.s32 $0x5  }
0x18a: {  	[spmem:s5] =	stream.indirect.scatter.add.f32 [tilespmem:s8], [sflag:$0xA], $0x1, s19, s15, $0xb8;
	[tilespmem:$0x1FB00] =	vst v63  }
0x18b: {  	_ =	swait.ge [sflag:s20], $0xC00  }
0x18c: {  	p0 =	sne.s32 s11, $0x3C;
	[sflag:s20] =	ssyncset.done $0x0  }
0x18d: {  	s21 =	sor.u32 $0x14C00, s9;
	s26 =	rddreg [dreg:$0xb];
	[sflag:s20] =	ssyncadd.s32 $0xFFFFF400  }
0x18e: {  	[spmem:s3] =	stream.indirect.scatter.add.f32 [tilespmem:s26], [sflag:$0x9], $0x80, s21, s15, $0xb8;
	[tilespmem:$0x1FB00] =	vst v63  }
.Ltmp0:
0x18f: {  	_ = 	snop;
	(pc) =	sbr.rel @p0 .LBB2_2-.Ltmp0, $4  }
0x190: {  	s29 =	simm.s32 $0x6  }
0x191: {  	[spmem:s5] =	stream.indirect.scatter.add.f32 [tilespmem:s8], [sflag:$0xA], $0x1, s21, s15, $0xb8;
	[tilespmem:$0x1FB00] =	vst v63  }
0x192: {  	_ =	swait.ge [sflag:s29], $0xC00  }
0x193: {  	s13 =	sadd.s32 $0x14C80, s9;
	s0 =	simm.s32 $0x6;
	[sflag:s29] =	ssyncset.done $0x0  }
0x194: {  	[sflag:s0] =	ssyncadd.s32 $0xFFFFF400  }
0x195: {  	s3 =	rddreg [dreg:$0x3]  }
0x196: {  	[spmem:s3] =	stream.indirect.scatter.add.f32 [tilespmem:s12], [sflag:$0x9], $0x80, s13, s15, $0xb8;
	[tilespmem:$0x1FB00] =	vst v63  }
0x197: {  	s2 =	simm.s32 $0x15280;
	s5 =	simm.s32 $0x7;
	s4 =	rddreg [dreg:$0x4]  }
0x198: {  	[spmem:s4] =	stream.indirect.scatter.add.f32 [tilespmem:s2], [sflag:$0xA], $0x1, s13, s15, $0xb8;
	[tilespmem:$0x1FB00] =	vst v63  }
0x199: {  	_ =	swait.ge [sflag:s5], $0xC00  }
0x19a: {  	[sflag:s5] =	ssyncset.done $0x0  }
0x19b: {  	s8 =	sadd.s32 $0x14D00, s9;
	[sflag:s5] =	ssyncadd.s32 $0xFFFFF400  }
0x19c: {  	[spmem:s3] =	stream.indirect.scatter.add.f32 [tilespmem:s16], [sflag:$0x9], $0x80, s8, s15, $0xb8;
	[tilespmem:$0x1FB00] =	vst v63  }
0x19d: {  	s11 =	simm.s32 $0x8  }
0x19e: {  	[spmem:s4] =	stream.indirect.scatter.add.f32 [tilespmem:s2], [sflag:$0xA], $0x1, s8, s15, $0xb8;
	[tilespmem:$0x1FB00] =	vst v63  }
0x19f: {  	_ =	swait.ge [sflag:s11], $0xC00  }
0x1a0: {  	[sflag:s11] =	ssyncset.done $0x0  }
0x1a1: {  	s12 =	sadd.s32 $0x14D80, s9;
	[sflag:s11] =	ssyncadd.s32 $0xFFFFF400  }
0x1a2: {  	[spmem:s3] =	stream.indirect.scatter.add.f32 [tilespmem:s10], [sflag:$0x9], $0x80, s12, s15, $0xb8;
	[tilespmem:$0x1FB00] =	vst v63  }
0x1a3: {  	s13 =	simm.s32 $0x9  }
0x1a4: {  	[spmem:s4] =	stream.indirect.scatter.add.f32 [tilespmem:s2], [sflag:$0xA], $0x1, s12, s15, $0xb8;
	[tilespmem:$0x1FB00] =	vst v63  }
0x1a5: {  	_ =	swait.ge [sflag:s13], $0xC00  }
0x1a6: {  	[sflag:s13] =	ssyncset.done $0x0  }
0x1a7: {  	s16 =	simm.s32 $0xA;
	[sflag:s13] =	ssyncadd.s32 $0xFFFFF400  }
0x1a8: {  	_ =	swait.ge [sflag:s16], $0x18  }
0x1a9: {  	[sflag:s16] =	ssyncset.done $0x0  }
0x1aa: {  	[sflag:s16] =	ssyncadd.s32 $0xFFFFFFE8  }
0x1ab: {  	_ =	swait.ge [sflag:s13], $0xC00  }
0x1ac: {  	[sflag:s13] =	ssyncset.done $0x0  }
0x1ad: {  	[sflag:s13] =	ssyncadd.s32 $0xFFFFF400  }
0x1ae: {  	_ =	swait.ge [sflag:s16], $0x18  }
0x1af: {  	[sflag:s16] =	ssyncset.done $0x0  }
0x1b0: {  	[sflag:s16] =	ssyncadd.s32 $0xFFFFFFE8  }
0x1b1: {  	_ =	swait.ge [sflag:s13], $0xC00  }
0x1b2: {  	[sflag:s13] =	ssyncset.done $0x0  }
0x1b3: {  	[sflag:s13] =	ssyncadd.s32 $0xFFFFF400  }
0x1b4: {  	_ =	swait.ge [sflag:s16], $0x18  }
0x1b5: {  	[sflag:s16] =	ssyncset.done $0x0  }
0x1b6: {  	[sflag:s16] =	ssyncadd.s32 $0xFFFFFFE8  }
0x1b7: {  	_ =	swait.ge [sflag:s13], $0xC00  }
0x1b8: {  	[sflag:s13] =	ssyncset.done $0x0  }
0x1b9: {  	[sflag:s13] =	ssyncadd.s32 $0xFFFFF400  }
0x1ba: {  	_ =	swait.ge [sflag:s16], $0x18  }
0x1bb: {  	[sflag:s16] =	ssyncset.done $0x0  }
0x1bc: {  	[sflag:s16] =	ssyncadd.s32 $0xFFFFFFE8  }
0x1bd: {  	_ =	swait.ge [sflag:s13], $0xC00  }
0x1be: {  	[sflag:s13] =	ssyncset.done $0x0  }
0x1bf: {  	[sflag:s13] =	ssyncadd.s32 $0xFFFFF400  }
0x1c0: {  	_ =	swait.ge [sflag:s16], $0x18  }
0x1c1: {  	[sflag:s16] =	ssyncset.done $0x0  }
0x1c2: {  	[sflag:s16] =	ssyncadd.s32 $0xFFFFFFE8  }
0x1c3: {  	_ =	swait.ge [sflag:s13], $0xC00  }
0x1c4: {  	[sflag:s13] =	ssyncset.done $0x0  }
0x1c5: {  	[sflag:s13] =	ssyncadd.s32 $0xFFFFF400  }
0x1c6: {  	_ =	swait.ge [sflag:s16], $0x18  }
0x1c7: {  	[sflag:s16] =	ssyncset.done $0x0  }
0x1c8: {  	[sflag:s16] =	ssyncadd.s32 $0xFFFFFFE8  }
0x1c9: {  	_ =	swait.ge [sflag:s13], $0xC00  }
0x1ca: {  	[sflag:s13] =	ssyncset.done $0x0  }
0x1cb: {  	[sflag:s13] =	ssyncadd.s32 $0xFFFFF400  }
0x1cc: {  	_ =	swait.ge [sflag:s16], $0x18  }
0x1cd: {  	[sflag:s16] =	ssyncset.done $0x0  }
0x1ce: {  	[sflag:s16] =	ssyncadd.s32 $0xFFFFFFE8  }
0x1cf: {  	_ =	swait.ge [sflag:s14], $0x18  }
0x1d0: {  	[sflag:s14] =	ssyncset.done $0x0  }
0x1d1: {  	[sflag:s14] =	ssyncadd.s32 $0xFFFFFFE8  }
0x1d2: {  	_ =	swait.ge [sflag:s14], $0x18  }
0x1d3: {  	[sflag:s14] =	ssyncset.done $0x0  }
0x1d4: {  	[sflag:s14] =	ssyncadd.s32 $0xFFFFFFE8  }
0x1d5: {  	_ =	swait.ge [sflag:s14], $0x18  }
0x1d6: {  	[sflag:s14] =	ssyncset.done $0x0  }
0x1d7: {  	[sflag:s14] =	ssyncadd.s32 $0xFFFFFFE8  }
0x1d8: {  	_ =	swait.ge [sflag:s14], $0x18  }
0x1d9: {  	[sflag:s14] =	ssyncset.done $0x0  }
0x1da: {  	[sflag:s14] =	ssyncadd.s32 $0xFFFFFFE8  }
0x1db: {  	_ =	swait.ge [sflag:s14], $0x18  }
0x1dc: {  	[sflag:s14] =	ssyncset.done $0x0  }
0x1dd: {  	[sflag:s14] =	ssyncadd.s32 $0xFFFFFFE8  }
0x1de: {  	_ =	swait.ge [sflag:s14], $0x18  }
0x1df: {  	[sflag:s14] =	ssyncset.done $0x0  }
0x1e0: {  	[sflag:s14] =	ssyncadd.s32 $0xFFFFFFE8  }
0x1e1: {  	_ =	swait.ge [sflag:s14], $0x18  }
0x1e2: {  	[sflag:s14] =	ssyncset.done $0x0  }
0x1e3: {  	[sflag:s14] =	ssyncadd.s32 $0xFFFFFFE8  }
0x1e4: {  	_ =	swait.ge [sflag:s14], $0x18  }
0x1e5: {  	[sflag:s14] =	ssyncset.done $0x0  }
0x1e6: {  	[sflag:s14] =	ssyncadd.s32 $0xFFFFFFE8  }
0x1e7: {  	_ =	swait.ge [sflag:s14], $0x18  }
0x1e8: {  	[sflag:s14] =	ssyncset.done $0x0  }
0x1e9: {  	[sflag:s14] =	ssyncadd.s32 $0xFFFFFFE8  }
0x1ea: {  	_ =	swait.ge [sflag:s14], $0x18  }
0x1eb: {  	[sflag:s14] =	ssyncset.done $0x0  }
0x1ec: {  	[sflag:s14] =	ssyncadd.s32 $0xFFFFFFE8  }
0x1ed: {  	_ =	swait.ge [sflag:s14], $0x18  }
0x1ee: {  	[sflag:s14] =	ssyncset.done $0x0  }
0x1ef: {  	[sflag:s14] =	ssyncadd.s32 $0xFFFFFFE8  }
0x1f0: {  	_ =	swait.ge [sflag:s14], $0x18  }
0x1f1: {  	[sflag:s14] =	ssyncset.done $0x0  }
0x1f2: {  	[sflag:s14] =	ssyncadd.s32 $0xFFFFFFE8  }
0x1f3: {  	_ =	swait.ge [sflag:s14], $0x18  }
0x1f4: {  	[sflag:s14] =	ssyncset.done $0x0  }
0x1f5: {  	[sflag:s14] =	ssyncadd.s32 $0xFFFFFFE8  }
0x1f6: {  	_ =	swait.ge [sflag:s14], $0x18  }
0x1f7: {  	[sflag:s14] =	ssyncset.done $0x0  }
0x1f8: {  	[sflag:s14] =	ssyncadd.s32 $0xFFFFFFE8  }
0x1f9: {  	[bflag:$0x0] =	sbarrier.arrive $0xFFFF  }
0x1fa: {  	s17 =	sld [smem:$0x7FB]  }
0x1fb: {  	s19 =	sld [smem:$0x7F8];
	_ =	sdelay $0x1  }
0x1fc: {  	s2 =	simm.s32 $0xB;
	s3 =	rddreg [dreg:$0x10]  }
0x1fd: {  	[hbm:s17], [sflag:s3] =	dma.local [spmem:s19], $0x2800  }
0x1fe: {  	_ =	swait.ge [sflag:s2], $0x2800  }
0x1ff: {  	s20 =	sld [smem:$0x7FC]  }
0x200: {  	s6 =	sld [smem:$0x7F9]  }
0x201: {  	[sflag:s2] =	ssyncset.done $0x0  }
0x202: {  	s21 =	simm.s32 $0x20;
	s26 =	simm.s32 $0x10;
	[sflag:s2] =	ssyncadd.s32 $0xFFFFD800  }
0x203: {  	[hbm:s20@s21], [sflag:s3] =	dma.strided [spmem:s6@s26], $0x50, s14, $0x10   }
0x204: {  	_ =	swait.ge [sflag:s2], $0x50  }
0x205: {  	s29 =	sld [smem:$0x7F7]  }
0x206: {  	s30 =	sld [smem:$0x7FD];
	_ =	sdelay $0x1  }
0x207: {  	s5 =	sadd.s32 $0x1, s29  }
0x208: {  	p0 =	sne.s32 s5, s30  }
.Ltmp1:
0x209: {  	_ = 	snop;
	(pc) =	sbr.rel @p0 .LBB2_1-.Ltmp1, $3  }
0x20a: {  	_ =	sdelay $0x1  }
0x20b: {  	[sflag:s2] =	ssyncset.done $0x0;
	s4 =	rddreg [dreg:$0x7]  }
0x20c: {  	s7 =	simm.s32 $0x0;
	s19 =	rddreg [dreg:$0x8];
	[sflag:s2] =	ssyncadd.s32 $0xFFFFFFB0  }
0x20d: {  	_ =	sfence.sel $0x180000  }
0x20e: {  	[bflag:$0x0] =	sbarrier.arrive $0xFFFF  }
0x20f: {  	_ =	strace $0x90000047  }
0x210: {  	s0 =	stileid.u32;
	[bflag:$0x2] =	sbarrier.arrive $0xFFFF  }
0x211: {  	p0 =	sne.s32 s0, $0x0;
	s0 =	rddreg [dreg:$0x5]  }
0x212: {  	s0 =	sadd.s32 @!p0 $0x100000, s0  }
0x213: {  	[sflag:s0] =	ssyncadd.tile.s32 @!p0 $0x1;
	_ =	shalt  }
.Lfunc_end2:
_tile_overlayer_lowered:
.L_overlay_start_2:
0x214: {  	(tag) =	ssettag $0x2  }
0x215: {  	s0 =	rddreg [dreg:$0x0];
	s2 =	stileid.u32  }
0x216: {  	s1 =	rddreg [dreg:$0x1];
	p0 =	sne.s32 s2, $0x0  }
0x217: {  	s3 =	rddreg [dreg:$0x2];
	[bflag:$0x3] =	sbarrier.arrive $0xFFFF;
	s2 =	simm.s32 @!p0 $0x1C0B  }
0x218: {  	[timem:s3], [sflag:s2] =	dma.local @!p0 [hbm:s0], s1  }
0x219: {  	s0 =	simm.s32 @!p0 $0xB  }
0x21a: {  	_ =	swait.ge @!p0 [sflag:s0], s1  }
0x21b: {  	s1 =	ssub.s32 @!p0 $0x0, s1;
	[sflag:s0] =	ssyncset.done @!p0 $0x0  }
0x21c: {  	[sflag:s0] =	ssyncadd.s32 @!p0 s1  }
0x21d: {  	[bflag:$0x3] =	sbarrier.arrive $0xFFFF  }
0x21e: {  	_ =	shalt  }

// kernel: kernel.9.cloned.1.call-start
scs
__scs_entry_jumppad:
0x0: {  	(pc) =	sbr.rel $0x88, $3  }
0x1: {  	(tag) =	ssettag $0x0;
	lr =	simm.s32 $0x1  }
0x2: {  	[smem:$0x3F94] =	sst lr;
	_ =	strace $0xD0000000  }
0x3: {  	_ = 	snop  }
0x4: {  	_ = 	snop  }
0x5: {  	_ = 	snop  }
0x6: {  	_ = 	snop  }
0x7: {  	_ = 	snop  }
__scs_overlays_trampoline_lowered:
0x8: {  	[smem:$0x3FA3] =	sst s0  }
0x9: {  	[smem:$0x3FA4] =	sst s1  }
0xa: {  	[smem:$0x3FA5] =	sst s2  }
0xb: {  	[smem:$0x3FA6] =	sst s3  }
0xc: {  	[smem:$0x3FA7] =	sst s4  }
0xd: {  	[smem:$0x3FA8] =	sst s5  }
0xe: {  	[smem:$0x3FA9] =	sst s6  }
0xf: {  	[smem:$0x3FAA] =	sst s7  }
0x10: {  	[smem:$0x3FAB] =	sst s8  }
0x11: {  	[smem:$0x3FAC] =	sst s9;
	s0 =	simm.s32 @!p0 $0x0  }
0x12: {  	s1 =	sld [smem:$0x3F92];
	s0 =	simm.s32 @p0 $0x1  }
0x13: {  	[smem:$0x3FAD] =	sst s0;
	s0 =	simm.s32 @!p1 $0x0  }
0x14: {  	s2 =	sld [smem:$0x3F91];
	s0 =	simm.s32 @p1 $0x1  }
0x15: {  	[smem:$0x3FAE] =	sst s0;
	s0 =	simm.s32 @!p2 $0x0  }
0x16: {  	s3 =	sld [smem:$0x3FDB];
	s0 =	simm.s32 @p2 $0x1  }
0x17: {  	s4 =	simm.s32 $0x1BF5;
	[smem:$0x3FB0] =	sst s0  }
0x18: {  	s0 =	sld [smem:$0x3F93];
	_ =	swait.ge [sflag:s4], $0x0  }
0x19: {  	s7 =	sld [smem:$0x3F94]  }
0x1a: {  	s8 =	sadd.s32 $0xFFFFE003, lr  }
0x1b: {  	s9 =	sadd.s32 $0xFFFFFEF7, lr;
	s5 =	simm.s32 $0xFFFFFFFF;
	p2 =	slt.u32 s8, $0xFFFFF086  }
0x1c: {  	p1 =	slt.u32 s9, $0xF7A;
	s5 =	simm.s32 @!p2 $0x0  }
0x1d: {  	s5 =	simm.s32 @p1 $0x1;
	p0 =	seq.s32 s7, s2  }
0x1e: {  	s7 =	smul.u32 @!p0 $0xF7A, s2;
	p2 =	seq.s32 @!p0 s5, $0x0  }
0x1f: {  	s9 =	smul.u32 $0xF7A, s1;
	s8 =	simm.s32 @!p0 $0x1BF5;
	p2 =	por !p2, p0  }
0x20: {  	[sflag:s8] =	ssyncset.s32 @!p0 $0xFFFFF086;
	s6 =	sadd.s32 @!p0 s3, s7;
	s7 =	simm.s32 @!p0 $0x108  }
0x21: {  	s3 =	sadd.s32 s3, s9;
	s6 =	sadd.s32 @!p0 $0x88, s6;
	s7 =	simm.s32 @p2 $0x1082  }
0x22: {  	[simem:s7], [sflag:s8] =	dma.local @!p0 [hbm:s6], $0xF7A  }
0x23: {  	s9 =	sor.u32 $0xD0000000, s2;
	s6 =	simm.s32 $0x108;
	_ =	swait.ge @!p0 [sflag:s8], $0x0  }
0x24: {  	s3 =	sadd.s32 $0x88, s3;
	s6 =	simm.s32 @!p1 $0x1082;
	[sflag:s4] =	ssyncset.s32 $0xFFFFF086  }
0x25: {  	[simem:s6], [sflag:s4] =	dma.local [hbm:s3], $0xF7A  }
0x26: {  	[smem:$0x3F94] =	sst s1;
	(tag) =	ssettag s2;
	_ =	strace s9  }
0x27: {  	s1 =	sld [smem:$0x3FA4]  }
0x28: {  	s2 =	sld [smem:$0x3FA5]  }
0x29: {  	s4 =	sld [smem:$0x3FA7]  }
0x2a: {  	p0 =	seq.s32 s5, $0x0;
	s5 =	sld [smem:$0x3FA8]  }
0x2b: {  	s6 =	sld [smem:$0x3FA9]  }
0x2c: {  	s7 =	sld [smem:$0x3FAA]  }
0x2d: {  	s3 =	simm.s32 $0x108;
	s8 =	sld [smem:$0x3FAB]  }
0x2e: {  	s3 =	simm.s32 @!p0 $0x1082;
	s9 =	sld [smem:$0x3FAC]  }
0x2f: {  	lr =	sadd.s32 s0, s3;
	s0 =	sld [smem:$0x3FA3]  }
0x30: {  	s3 =	sld [smem:$0x3FA6]  }
0x31: {  	[smem:$0x3FAF] =	sst s10  }
0x32: {  	s10 =	sld [smem:$0x3FAD];
	_ =	sdelay $0x3  }
0x33: {  	p0 =	seq.s32 s10, $0x1;
	s10 =	sld [smem:$0x3FAF];
	_ =	sdelay $0x3  }
0x34: {  	[smem:$0x3FAF] =	sst s10  }
0x35: {  	s10 =	sld [smem:$0x3FAE];
	_ =	sdelay $0x3  }
0x36: {  	p1 =	seq.s32 s10, $0x1;
	s10 =	sld [smem:$0x3FAF];
	_ =	sdelay $0x3  }
0x37: {  	[smem:$0x3FAF] =	sst s10  }
0x38: {  	s10 =	sld [smem:$0x3FB0]  }
0x39: {  	_ = 	snop;
	(pc) =	sbr.ind lr, $3  }
0x3a: {  	_ = 	snop  }
0x3b: {  	_ = 	snop  }
0x3c: {  	p2 =	seq.s32 s10, $0x1;
	s10 =	sld [smem:$0x3FAF]  }
0x3d: {  	_ =	shalt  }
0x3e: {  	_ =	shalt  }
0x3f: {  	_ =	shalt  }
0x40: {  	_ =	shalt  }
0x41: {  	_ =	shalt  }
0x42: {  	_ =	shalt  }
0x43: {  	_ =	shalt  }
0x44: {  	_ =	shalt  }
0x45: {  	_ =	shalt  }
0x46: {  	_ =	shalt  }
0x47: {  	_ =	shalt  }
0x48: {  	_ =	shalt  }
0x49: {  	_ =	shalt  }
0x4a: {  	_ =	shalt  }
0x4b: {  	_ =	shalt  }
0x4c: {  	_ =	shalt  }
0x4d: {  	_ =	shalt  }
0x4e: {  	_ =	shalt  }
0x4f: {  	_ =	shalt  }
0x50: {  	_ =	shalt  }
0x51: {  	_ =	shalt  }
0x52: {  	_ =	shalt  }
0x53: {  	_ =	shalt  }
0x54: {  	_ =	shalt  }
0x55: {  	_ =	shalt  }
0x56: {  	_ =	shalt  }
0x57: {  	_ =	shalt  }
0x58: {  	_ =	shalt  }
0x59: {  	_ =	shalt  }
0x5a: {  	_ =	shalt  }
0x5b: {  	_ =	shalt  }
0x5c: {  	_ =	shalt  }
0x5d: {  	_ =	shalt  }
0x5e: {  	_ =	shalt  }
0x5f: {  	_ =	shalt  }
0x60: {  	_ =	shalt  }
0x61: {  	_ =	shalt  }
0x62: {  	_ =	shalt  }
0x63: {  	_ =	shalt  }
0x64: {  	_ =	shalt  }
0x65: {  	_ =	shalt  }
0x66: {  	_ =	shalt  }
0x67: {  	_ =	shalt  }
0x68: {  	_ =	shalt  }
0x69: {  	_ =	shalt  }
0x6a: {  	_ =	shalt  }
0x6b: {  	_ =	shalt  }
0x6c: {  	_ =	shalt  }
0x6d: {  	_ =	shalt  }
0x6e: {  	_ =	shalt  }
0x6f: {  	_ =	shalt  }
0x70: {  	_ =	shalt  }
0x71: {  	_ =	shalt  }
0x72: {  	_ =	shalt  }
0x73: {  	_ =	shalt  }
0x74: {  	_ =	shalt  }
0x75: {  	_ =	shalt  }
0x76: {  	_ =	shalt  }
0x77: {  	_ =	shalt  }
0x78: {  	_ =	shalt  }
0x79: {  	_ =	shalt  }
0x7a: {  	_ =	shalt  }
0x7b: {  	_ =	shalt  }
0x7c: {  	_ =	shalt  }
0x7d: {  	_ =	shalt  }
0x7e: {  	_ =	shalt  }
0x7f: {  	_ =	shalt  }
0x80: {  	_ =	shalt  }
0x81: {  	_ =	shalt  }
0x82: {  	_ =	shalt  }
0x83: {  	_ =	shalt  }
0x84: {  	_ =	shalt  }
0x85: {  	_ =	shalt  }
0x86: {  	_ =	shalt  }
0x87: {  	_ =	shalt  }
.Lfunc_end0:
.L_simem_size_0:
called_computation.1_lowered:
.L_overlay_start_0:
0x88: {  	s2 =	sld [smem:$0x3FD9]  }
0x89: {  	s3 =	sld [smem:$0x3FFE];
	_ =	sdelay $0x1  }
0x8a: {  	s1 =	srdreg.scid  }
0x8b: {  	s0 =	sand.u32 $0x1, s1  }
0x8c: {  	s17 =	sshll.u32 s0, $0xA;
	s2 =	sadd.s32 s3, s2  }
0x8d: {  	s2 =	sadd.s32 s2, s17  }
0x8e: {  	[smem:$0x3FBB] =	sst s2  }
0x8f: {  	_ = 	snop  }
0x90: {  	s2 =	sld [smem:$0x3FD0];
	(tm) =	ssettm $0x1  }
0x91: {  	s18 =	sld [smem:$0x3FFB];
	_ =	sdelay $0x3  }
0x92: {  	_ =	strace s18  }
0x93: {  	s3 =	sld [smem:$0x3FFC];
	_ =	sdelay $0x3  }
0x94: {  	_ =	strace s3  }
0x95: {  	s3 =	sld [smem:$0x3FFD];
	_ =	sdelay $0x3  }
0x96: {  	_ =	strace s3  }
0x97: {  	_ =	strace $0x8FFFFFFF  }
0x98: {  	s19 =	sld [smem:$0x3FDB];
	_ =	sdelay $0x1  }
0x99: {  	s4 =	simm.s32 $_scs_section_size  }
0x9a: {  	s5 =	simm.s32 $_size__tile_overlayer_lowered;
	s6 =	simm.s32 $_tile_overlayer_lowered  }
0x9b: {  	s22 =	simm.s32 $0x1BFF;
	s21 =	sshll.u32 s6, $0x1;
	s3 =	sadd.s32 s4, s19  }
0x9c: {  	s7 =	simm.s32 $0x0;
	s20 =	sshll.u32 s5, $0x1;
	s5 =	sadd.s32 s21, s3  }
0x9d: {  	[timem:s7], [sflag:s22] =	dma.local [hbm:s5], s20  }
0x9e: {  	_ =	swait.ge [sflag:s22], s20  }
0x9f: {  	s4 =	ssub.s32 $0x0, s20;
	[sflag:s22] =	ssyncset.done $0x0  }
0xa0: {  	[sflag:s22] =	ssyncadd.s32 s4;
	_ =	sdelay $0x1  }
0xa1: {  	s23 =	simm.s32 $0x1B8B  }
0xa2: {  	_ =	swait.ge [sflag:s23], $0x1  }
0xa3: {  	[sflag:s23] =	ssyncset.done $0x0  }
0xa4: {  	s25 =	simm.s32 $0x1B8E;
	s24 =	sld [smem:$0x3FFE];
	[sflag:s23] =	ssyncadd.s32 $0xFFFFFFFF  }
0xa5: {  	s26 =	simm.s32 $execute0_lowered;
	[smem:$0x3FD2] =	sst s25  }
0xa6: {  	s5 =	sshll.u32 s26, $0x1;
	_ =	strace $0x80000049;
	[dreg:$0x1] =	wrdreg $0xFFFFFFFF  }
0xa7: {  	s28 =	simm.s32 $_size_execute0_lowered;
	s3 =	sadd.s32 s3, s5;
	[dreg:$0x0] =	wrdreg $0x0  }
0xa8: {  	s5 =	sshll.u32 s28, $0x1;
	[dreg:$0x2] =	wrdreg s3  }
0xa9: {  	[dreg:$0x3] =	wrdreg s5  }
0xaa: {  	[dreg:$0x4] =	wrdreg $0xC0  }
0xab: {  	_ =	task [dreg:s7], $0x5FFFF  }
0xac: {  	[dreg:$0x1] =	wrdreg $0xFFFFFFFF  }
0xad: {  	[dreg:$0x0] =	wrdreg $0x60  }
0xae: {  	[dreg:$0x2] =	wrdreg s24  }
0xaf: {  	[dreg:$0x3] =	wrdreg s2  }
0xb0: {  	[dreg:$0x4] =	wrdreg $0x0  }
0xb1: {  	[dreg:$0x5] =	wrdreg $0x9  }
0xb2: {  	_ =	task.clear_ibuf [dreg:s7], $0x6FFFF;
	_ =	strace $0x90000049  }
0xb3: {  	s29 =	simm.s32 $0x9;
	_ =	strace $0x8000004B  }
0xb4: {  	_ =	swait.ge [sflag:s29], $0x1  }
0xb5: {  	[sflag:s29] =	ssyncadd.s32 $0xFFFFFFFF  }
0xb6: {  	_ =	strace $0x9000004B  }
0xb7: {  	_ =	sfence  }
0xb8: {  	s30 =	sld [smem:$0x0];
	_ =	sdelay $0x2  }
0xb9: {  	s31 =	sshll.u32 s1, $0xD;
	s1 =	sshrl.u32 s1, $0x2  }
0xba: {  	s3 =	sand.u32 $0x4000, s31;
	s1 =	sadd.s32 s1, s30  }
0xbb: {  	s0 =	sor.u32 s3, s0;
	s1 =	sshll.u32 s1, $0x11  }
0xbc: {  	s0 =	sor.u32 s1, s0  }
0xbd: {  	s0 =	sadd.s32 $0x8F2B, s0  }
0xbe: {  	[sflag:s0] =	ssyncadd.remote.s32 $0x1  }
0xbf: {  	_ =	sfence.sel $0xFFFF  }
0xc0: {  	[dreg:$0x0] =	wrdreg $0xFFFFFFFF;
	(pc) =	sbr.abs _section_cstart, $3  }
0xc1: {  	[dreg:$0x1] =	wrdreg $0xFFFFFFFF  }
0xc2: {  	_ =	task.clear_ibuf [dreg:s7], $0x2FFFF;
	_ =	strace $0x9FFFFFFF  }
0xc3: {  	(tm) =	ssettm $0x7FFFFFFF  }
tec
execute0_lowered:
.L_overlay_start_1:
0x0: {  	(tag) =	ssettag $0x1  }
0x1: {  	s0 =	rddreg [dreg:$0x0]  }
0x2: {  	s4 =	rddreg [dreg:$0x2];
	s5 =	simm.s32 $0x0;
	s1 =	srdreg.scid  }
0x3: {  	s3 =	stileid.u32;
	[smem:$0x7FF] =	sst s5  }
0x4: {  	s1 =	sand.u32 $0x1, s1;
	s2 =	smul.u32 $0x2800, s3;
	s22 =	sadd.s32 $0x66A00, s0  }
0x5: {  	s6 =	sadd.s32 $0x2E00, s0;
	s28 =	sadd.s32 $0xCC00, s0;
	s25 =	sshll.u32 s3, $0x6  }
0x6: {  	s8 =	smul.u32 $0x28000, s1;
	s9 =	sshll.u32 s1, $0x4;
	s1 =	ssub.s32 $0x2, s1  }
0x7: {  	_ =	strace $0x8000004A;
	s9 =	sor.u32 s3, s9;
	s10 =	sshrl.u32 s1, $0x1  }
0x8: {  	s3 =	sor.u32 $0x1C0A, s25;
	s8 =	sadd.s32 s2, s8;
	s12 =	smul.u32 $0x2760, s9  }
0x9: {  	s2 =	sadd.s32 s2, s4;
	[dreg:$0xe] =	wrdreg s3;
	s8 =	sshrl.u32 s8, $0x3  }
0xa: {  	s1 =	ssub.s32 s1, s10;
	[dreg:$0xd] =	wrdreg s2;
	s0 =	sadd.s32 s8, s0  }
0xb: {  	s26 =	sshrl.u32 s12, $0x3;
	s4 =	sadd.s32 $0x60, s12;
	s24 =	sadd.s32 $0x180, s12  }
0xc: {  	s20 =	sadd.s32 $0xC0, s12;
	s29 =	sadd.s32 s6, s26;
	[dreg:$0x4] =	wrdreg s24  }
0xd: {  	s21 =	sadd.s32 $0x120, s12;
	s7 =	sadd.s32 s28, s26;
	[dreg:$0xf] =	wrdreg s29  }
0xe: {  	s30 =	sshrl.u32 s4, $0x3;
	s0 =	sadd.s32 $0x6BA00, s0;
	[dreg:$0x10] =	wrdreg s7  }
0xf: {  	s25 =	sadd.s32 $0x1E0, s12;
	s9 =	sadd.s32 s6, s30;
	[dreg:$0x1d] =	wrdreg s0  }
0x10: {  	s10 =	sshrl.u32 s20, $0x3;
	s2 =	sadd.s32 s28, s30;
	[dreg:$0x11] =	wrdreg s9  }
0x11: {  	s13 =	sshrl.u32 s21, $0x3;
	s11 =	sadd.s32 s6, s10;
	[dreg:$0x12] =	wrdreg s2  }
0x12: {  	s23 =	sadd.s32 $0x240, s12;
	s14 =	sadd.s32 s6, s13;
	[dreg:$0x13] =	wrdreg s11  }
0x13: {  	s15 =	sshrl.u32 s24, $0x3;
	s16 =	sadd.s32 s28, s13;
	[dreg:$0x15] =	wrdreg s14  }
0x14: {  	s18 =	sshrl.u32 s25, $0x3;
	s17 =	sadd.s32 s6, s15;
	[dreg:$0x16] =	wrdreg s16  }
0x15: {  	s26 =	sshrl.u32 s23, $0x3;
	s19 =	sadd.s32 s6, s18;
	[dreg:$0x17] =	wrdreg s17  }
0x16: {  	s29 =	sadd.s32 s6, s26;
	[dreg:$0x19] =	wrdreg s19  }
0x17: {  	s30 =	smax.u32 s1, $0x1;
	[dreg:$0x1b] =	wrdreg s29  }
0x18: {  	s2 =	sadd.s32 s28, s10;
	[dreg:$0x1e] =	wrdreg s30  }
0x19: {  	[dreg:$0x14] =	wrdreg s2;
	s2 =	sadd.s32 s28, s15  }
0x1a: {  	s31 =	simm.s32 $0x2;
	[dreg:$0x18] =	wrdreg s2;
	s2 =	sadd.s32 s28, s18  }
0x1b: {  	s1 =	simm.s32 $0xA;
	[dreg:$0x1a] =	wrdreg s2;
	s2 =	sadd.s32 s28, s26  }
0x1c: {  	s9 =	simm.s32 $0x1;
	[dreg:$0x1c] =	wrdreg s2;
	s2 =	simm.s32 $0x0  }
.LBB2_1:
0x1d: {  	[dreg:$0x1f] =	wrdreg s2  }
0x1e: {  	s0 =	rddreg [dreg:$0xd]  }
0x1f: {  	s14 =	rddreg [dreg:$0x1];
	s13 =	sshrl.u32 s0, $0x3  }
0x20: {  	[smem:$0x7FD] =	sst s13  }
0x21: {  	[spmem:s13], [sflag:s3] =	dma.local [hbm:s14], $0x500  }
0x22: {  	_ =	swait.ge [sflag:s1], $0x500  }
0x23: {  	[sflag:s1] =	ssyncset.done $0x0  }
0x24: {  	[sflag:s1] =	ssyncadd.s32 $0xFFFFFB00  }
0x25: {  	[bflag:$0x0] =	sbarrier.arrive $0xFFFF  }
0x26: {  	s16 =	simm.s32 $0x2800;
	s15 =	rddreg [dreg:$0xf]  }
0x27: {  	[tilespmem:s16], [sflag:$0x1] =	stream.linear.gather [hbm4b:s15+s5], $0x60, $0x38;
	[tilespmem:$0x8680] =	vst v63  }
0x28: {  	s18 =	simm.s32 $0x2D40;
	s17 =	rddreg [dreg:$0x10]  }
0x29: {  	[tilespmem:s18], [sflag:$0x1] =	stream.linear.gather [hbm4b:s17+s5], $0x60, $0x38;
	[tilespmem:$0x8680] =	vst v63  }
0x2a: {  	s26 =	simm.s32 $0x2860;
	s19 =	rddreg [dreg:$0x11]  }
0x2b: {  	[tilespmem:s26], [sflag:$0x1] =	stream.linear.gather [hbm4b:s19+s5], $0x60, $0x38;
	[tilespmem:$0x8680] =	vst v63  }
0x2c: {  	s3 =	simm.s32 $0x2DA0;
	s2 =	rddreg [dreg:$0x12]  }
0x2d: {  	[tilespmem:s3], [sflag:$0x1] =	stream.linear.gather [hbm4b:s2+s5], $0x60, $0x38;
	[tilespmem:$0x8680] =	vst v63  }
0x2e: {  	s8 =	simm.s32 $0x28C0;
	s7 =	rddreg [dreg:$0x13]  }
0x2f: {  	[tilespmem:s8], [sflag:$0x1] =	stream.linear.gather [hbm4b:s7+s5], $0x60, $0x38;
	[tilespmem:$0x8680] =	vst v63  }
0x30: {  	s11 =	simm.s32 $0x2E00;
	s10 =	rddreg [dreg:$0x14]  }
0x31: {  	[tilespmem:s11], [sflag:$0x1] =	stream.linear.gather [hbm4b:s10+s5], $0x60, $0x38;
	[tilespmem:$0x8680] =	vst v63  }
0x32: {  	s14 =	simm.s32 $0x2920;
	s13 =	rddreg [dreg:$0x15]  }
0x33: {  	[tilespmem:s14], [sflag:$0x1] =	stream.linear.gather [hbm4b:s13+s5], $0x60, $0x38;
	[tilespmem:$0x8680] =	vst v63  }
0x34: {  	s15 =	rddreg [dreg:$0x16];
	s16 =	simm.s32 $0x2E60  }
0x35: {  	[tilespmem:s16], [sflag:$0x1] =	stream.linear.gather [hbm4b:s15+s5], $0x60, $0x38;
	[tilespmem:$0x8680] =	vst v63  }
0x36: {  	s17 =	rddreg [dreg:$0x17];
	s18 =	simm.s32 $0x2980  }
0x37: {  	[tilespmem:s18], [sflag:$0x1] =	stream.linear.gather [hbm4b:s17+s5], $0x60, $0x38;
	[tilespmem:$0x8680] =	vst v63  }
0x38: {  	s19 =	rddreg [dreg:$0x18];
	s26 =	simm.s32 $0x2EC0  }
0x39: {  	[tilespmem:s26], [sflag:$0x1] =	stream.linear.gather [hbm4b:s19+s5], $0x60, $0x38;
	[tilespmem:$0x8680] =	vst v63  }
0x3a: {  	s1 =	rddreg [dreg:$0x19];
	s2 =	simm.s32 $0x29E0  }
0x3b: {  	[tilespmem:s2], [sflag:$0x1] =	stream.linear.gather [hbm4b:s1+s5], $0x60, $0x38;
	[tilespmem:$0x8680] =	vst v63  }
0x3c: {  	s3 =	rddreg [dreg:$0x1a];
	s7 =	simm.s32 $0x2F20  }
0x3d: {  	[tilespmem:s7], [sflag:$0x1] =	stream.linear.gather [hbm4b:s3+s5], $0x60, $0x38;
	[tilespmem:$0x8680] =	vst v63  }
0x3e: {  	s8 =	rddreg [dreg:$0x1b];
	s10 =	simm.s32 $0x2A40  }
0x3f: {  	[tilespmem:s10], [sflag:$0x1] =	stream.linear.gather [hbm4b:s8+s5], $0x60, $0x38;
	[tilespmem:$0x8680] =	vst v63  }
0x40: {  	s11 =	rddreg [dreg:$0x1c];
	s13 =	simm.s32 $0x2F80  }
0x41: {  	[tilespmem:s13], [sflag:$0x1] =	stream.linear.gather [hbm4b:s11+s5], $0x60, $0x38;
	[tilespmem:$0x8680] =	vst v63  }
0x42: {  	_ =	swait.ge [sflag:s9], $0x60  }
0x43: {  	[sflag:s9] =	ssyncset.done $0x0  }
0x44: {  	[sflag:s9] =	ssyncadd.s32 $0xFFFFFFA0  }
0x45: {  	_ =	swait.ge [sflag:s9], $0x60  }
0x46: {  	[sflag:s9] =	ssyncset.done $0x0  }
0x47: {  	[sflag:s9] =	ssyncadd.s32 $0xFFFFFFA0  }
0x48: {  	_ =	swait.ge [sflag:s9], $0x60  }
0x49: {  	[sflag:s9] =	ssyncset.done $0x0  }
0x4a: {  	[sflag:s9] =	ssyncadd.s32 $0xFFFFFFA0  }
0x4b: {  	_ =	swait.ge [sflag:s9], $0x60  }
0x4c: {  	[sflag:s9] =	ssyncset.done $0x0  }
0x4d: {  	[sflag:s9] =	ssyncadd.s32 $0xFFFFFFA0  }
0x4e: {  	_ =	swait.ge [sflag:s9], $0x60  }
0x4f: {  	[sflag:s9] =	ssyncset.done $0x0  }
0x50: {  	[sflag:s9] =	ssyncadd.s32 $0xFFFFFFA0  }
0x51: {  	_ =	swait.ge [sflag:s9], $0x60  }
0x52: {  	[sflag:s9] =	ssyncset.done $0x0  }
0x53: {  	[sflag:s9] =	ssyncadd.s32 $0xFFFFFFA0  }
0x54: {  	_ =	swait.ge [sflag:s9], $0x60  }
0x55: {  	[sflag:s9] =	ssyncset.done $0x0  }
0x56: {  	[sflag:s9] =	ssyncadd.s32 $0xFFFFFFA0  }
0x57: {  	_ =	swait.ge [sflag:s9], $0x60  }
0x58: {  	[sflag:s9] =	ssyncset.done $0x0  }
0x59: {  	[sflag:s9] =	ssyncadd.s32 $0xFFFFFFA0  }
0x5a: {  	_ =	swait.ge [sflag:s9], $0x60  }
0x5b: {  	[sflag:s9] =	ssyncset.done $0x0  }
0x5c: {  	[sflag:s9] =	ssyncadd.s32 $0xFFFFFFA0  }
0x5d: {  	_ =	swait.ge [sflag:s9], $0x60  }
0x5e: {  	[sflag:s9] =	ssyncset.done $0x0  }
0x5f: {  	[sflag:s9] =	ssyncadd.s32 $0xFFFFFFA0  }
0x60: {  	_ =	swait.ge [sflag:s9], $0x60  }
0x61: {  	s14 =	sand.u32 $0x1, s5;
	[sflag:s9] =	ssyncset.done $0x0  }
0x62: {  	s30 =	smul.u32 $0x2A0, s14;
	[sflag:s9] =	ssyncadd.s32 $0xFFFFFFA0  }
0x63: {  	p0 =	por $0x1, $0x1;
	_ =	swait.ge [sflag:s9], $0x60  }
0x64: {  	s17 =	sor.u32 $0x2800, s30;
	s8 =	smul.u32 $0x7, s14;
	[sflag:s9] =	ssyncset.done $0x0  }
0x65: {  	s26 =	simm.s32 $0x60;
	s10 =	smul.u32 $0xA800, s14;
	[sflag:s9] =	ssyncadd.s32 $0xFFFFFFA0  }
0x66: {  	s3 =	sadd.s32 $0x28C0, s30;
	s7 =	sadd.s32 $0x2920, s30;
	_ =	swait.ge [sflag:s9], $0x60  }
0x67: {  	s15 =	sadd.s32 $0x1, s8;
	s16 =	sshrl.u32 s10, $0x2;
	[sflag:s9] =	ssyncset.done $0x0  }
0x68: {  	s13 =	sadd.s32 $0x3000, s10;
	s14 =	sadd.s32 $0x4800, s10;
	[sflag:s9] =	ssyncadd.s32 $0xFFFFFFA0  }
0x69: {  	s18 =	sadd.s32 $0x7800, s10;
	s11 =	smul.u32 $0x1800, s15;
	_ =	swait.ge [sflag:s9], $0x60  }
0x6a: {  	s1 =	smul.u32 $0x60, s15;
	s2 =	sadd.s32 $0x3280, s16;
	[sflag:s9] =	ssyncset.done $0x0  }
0x6b: {  	s13 =	sshrl.u32 s13, $0x2;
	s11 =	sshrl.u32 s11, $0x2;
	[sflag:s9] =	ssyncadd.s32 $0xFFFFFFA0  }
0x6c: {  	[tilespmem:s2], [sflag:$0x2] =	stream.indirect.gather [hbm4b:s22+s26], $0x10, s17, s26, $0xb8;
	[tilespmem:$0x8680] =	vst v63  }
0x6d: {  	s15 =	sadd.s32 $0x6000, s10;
	s16 =	sor.u32 $0x2800, s1;
	s17 =	sadd.s32 $0x3280, s11  }
0x6e: {  	[tilespmem:s17], [sflag:$0x3] =	stream.indirect.gather [hbm4b:s22+s26], $0x10, s16, s26, $0xb8;
	[tilespmem:$0x8680] =	vst v63  }
0x6f: {  	s14 =	sshrl.u32 s14, $0x2;
	s19 =	sshrl.u32 s15, $0x2;
	s15 =	sadd.s32 $0x3280, s13  }
0x70: {  	[tilespmem:s15], [sflag:$0x4] =	stream.indirect.gather [hbm4b:s22+s26], $0x10, s3, s26, $0xb8;
	[tilespmem:$0x8680] =	vst v63  }
0x71: {  	s0 =	sshrl.u32 s18, $0x2;
	s10 =	sadd.s32 $0x9000, s10;
	s11 =	sadd.s32 $0x3280, s14  }
0x72: {  	[tilespmem:s11], [sflag:$0x5] =	stream.indirect.gather [hbm4b:s22+s26], $0x10, s7, s26, $0xb8;
	[tilespmem:$0x8680] =	vst v63  }
0x73: {  	s18 =	sadd.s32 $0x2980, s30;
	s13 =	sshrl.u32 s10, $0x2;
	s7 =	sadd.s32 $0x3280, s19  }
0x74: {  	[tilespmem:s7], [sflag:$0x6] =	stream.indirect.gather [hbm4b:s22+s26], $0x10, s18, s26, $0xb8;
	[tilespmem:$0x8680] =	vst v63  }
0x75: {  	s10 =	sadd.s32 $0x3280, s0;
	s19 =	sadd.s32 $0x29E0, s30;
	s18 =	sadd.s32 $0x3280, s13  }
0x76: {  	[tilespmem:s10], [sflag:$0x7] =	stream.indirect.gather [hbm4b:s22+s26], $0x10, s19, s26, $0xb8;
	[tilespmem:$0x8680] =	vst v63  }
0x77: {  	s14 =	simm.s32 @!p0 $0x9;
	s3 =	sadd.s32 $0x2A40, s30;
	[dreg:$0x5] =	wrdreg s18  }
0x78: {  	[tilespmem:s18], [sflag:$0x8] =	stream.indirect.gather [hbm4b:s22+s26], $0x10, s3, s26, $0xb8;
	[tilespmem:$0x8680] =	vst v63  }
0x79: {  	_ =	swait.ge @!p0 [sflag:s14], $0x600  }
0x7a: {  	[sflag:s14] =	ssyncset.done @!p0 $0x0  }
0x7b: {  	[sflag:s14] =	ssyncadd.s32 @!p0 $0xFFFFFA00  }
0x7c: {  	_ =	swait.ge @!p0 [sflag:s14], $0x600  }
0x7d: {  	[sflag:s14] =	ssyncset.done @!p0 $0x0  }
0x7e: {  	[sflag:s14] =	ssyncadd.s32 @!p0 $0xFFFFFA00  }
0x7f: {  	_ =	swait.ge @!p0 [sflag:s14], $0x600  }
0x80: {  	[sflag:s14] =	ssyncset.done @!p0 $0x0  }
0x81: {  	[sflag:s14] =	ssyncadd.s32 @!p0 $0xFFFFFA00  }
0x82: {  	_ =	swait.ge @!p0 [sflag:s14], $0x600  }
0x83: {  	[sflag:s14] =	ssyncset.done @!p0 $0x0  }
0x84: {  	[sflag:s14] =	ssyncadd.s32 @!p0 $0xFFFFFA00  }
0x85: {  	_ =	swait.ge @!p0 [sflag:s14], $0x600  }
0x86: {  	[sflag:s14] =	ssyncset.done @!p0 $0x0  }
0x87: {  	s29 =	simm.s32 $0x1;
	[sflag:s14] =	ssyncadd.s32 @!p0 $0xFFFFFA00  }
0x88: {  	s19 =	smin.u32 s29, $0xE;
	_ =	swait.ge @!p0 [sflag:s14], $0x600  }
0x89: {  	s13 =	smul.u32 $0x2A0, s19;
	[sflag:s14] =	ssyncset.done @!p0 $0x0  }
0x8a: {  	s0 =	sxor.u32 $0x7, s8;
	[sflag:s14] =	ssyncadd.s32 @!p0 $0xFFFFFA00  }
0x8b: {  	s16 =	smul.u32 $0x60, s0;
	s18 =	sadd.s32 s12, s13;
	_ =	swait.ge @!p0 [sflag:s14], $0x600  }
0x8c: {  	s18 =	sshrl.u32 s18, $0x3;
	[sflag:s14] =	ssyncset.done @!p0 $0x0  }
0x8d: {  	s19 =	sor.u32 $0x2800, s16;
	s3 =	sadd.s32 s6, s18;
	[sflag:s14] =	ssyncadd.s32 @!p0 $0xFFFFFA00  }
0x8e: {  	[tilespmem:s19], [sflag:$0x1] =	stream.linear.gather [hbm4b:s3+s5], $0x60, $0x38;
	[tilespmem:$0x8680] =	vst v63  }
0x8f: {  	s16 =	sadd.s32 $0x2D40, s16;
	s0 =	sadd.s32 s13, s4;
	s3 =	ssub.s32 $0x8, s8  }
0x90: {  	s18 =	sadd.s32 s28, s18;
	s14 =	sshrl.u32 s0, $0x3;
	s19 =	smul.u32 $0x60, s3  }
0x91: {  	[tilespmem:s16], [sflag:$0x1] =	stream.linear.gather [hbm4b:s18+s5], $0x60, $0x38;
	[tilespmem:$0x8680] =	vst v63  }
0x92: {  	s0 =	sadd.s32 s6, s14;
	s3 =	sor.u32 $0x2800, s19  }
0x93: {  	[tilespmem:s3], [sflag:$0x1] =	stream.linear.gather [hbm4b:s0+s5], $0x60, $0x38;
	[tilespmem:$0x8680] =	vst v63  }
0x94: {  	s14 =	sadd.s32 s28, s14;
	s0 =	sadd.s32 s13, s20;
	s3 =	ssub.s32 $0x9, s8  }
0x95: {  	s19 =	sadd.s32 $0x2D40, s19;
	s16 =	sshrl.u32 s0, $0x3;
	s18 =	smul.u32 $0x60, s3  }
0x96: {  	[tilespmem:s19], [sflag:$0x1] =	stream.linear.gather [hbm4b:s14+s5], $0x60, $0x38;
	[tilespmem:$0x8680] =	vst v63  }
0x97: {  	s0 =	sadd.s32 s6, s16;
	s3 =	sor.u32 $0x2800, s18  }
0x98: {  	[tilespmem:s3], [sflag:$0x1] =	stream.linear.gather [hbm4b:s0+s5], $0x60, $0x38;
	[tilespmem:$0x8680] =	vst v63  }
0x99: {  	s16 =	sadd.s32 s28, s16;
	s0 =	sadd.s32 s13, s21;
	s3 =	ssub.s32 $0xA, s8  }
0x9a: {  	s18 =	sadd.s32 $0x2D40, s18;
	s14 =	sshrl.u32 s0, $0x3;
	s19 =	smul.u32 $0x60, s3  }
0x9b: {  	[tilespmem:s18], [sflag:$0x1] =	stream.linear.gather [hbm4b:s16+s5], $0x60, $0x38;
	[tilespmem:$0x8680] =	vst v63  }
0x9c: {  	s0 =	sadd.s32 s6, s14;
	s3 =	sor.u32 $0x2800, s19  }
0x9d: {  	[tilespmem:s3], [sflag:$0x1] =	stream.linear.gather [hbm4b:s0+s5], $0x60, $0x38;
	[tilespmem:$0x8680] =	vst v63  }
0x9e: {  	s14 =	sadd.s32 s28, s14;
	s0 =	sadd.s32 s13, s24;
	s3 =	ssub.s32 $0xB, s8  }
0x9f: {  	s19 =	sadd.s32 $0x2D40, s19;
	s16 =	sshrl.u32 s0, $0x3;
	s18 =	smul.u32 $0x60, s3  }
0xa0: {  	[tilespmem:s19], [sflag:$0x1] =	stream.linear.gather [hbm4b:s14+s5], $0x60, $0x38;
	[tilespmem:$0x8680] =	vst v63  }
0xa1: {  	s0 =	sadd.s32 s6, s16  }
0xa2: {  	s16 =	sadd.s32 s28, s16;
	s3 =	sor.u32 $0x2800, s18;
	s18 =	sadd.s32 $0x2D40, s18  }
0xa3: {  	[tilespmem:s3], [sflag:$0x1] =	stream.linear.gather [hbm4b:s0+s5], $0x60, $0x38;
	[tilespmem:$0x8680] =	vst v63  }
0xa4: {  	s0 =	sadd.s32 s13, s25;
	s3 =	ssub.s32 $0xC, s8;
	s13 =	sadd.s32 s13, s23  }
0xa5: {  	s8 =	ssub.s32 $0xD, s8;
	s14 =	sshrl.u32 s0, $0x3;
	s19 =	smul.u32 $0x60, s3  }
0xa6: {  	[tilespmem:s18], [sflag:$0x1] =	stream.linear.gather [hbm4b:s16+s5], $0x60, $0x38;
	[tilespmem:$0x8680] =	vst v63  }
0xa7: {  	s13 =	sshrl.u32 s13, $0x3;
	s0 =	sadd.s32 s6, s14;
	s3 =	sor.u32 $0x2800, s19  }
0xa8: {  	[tilespmem:s3], [sflag:$0x1] =	stream.linear.gather [hbm4b:s0+s5], $0x60, $0x38;
	[tilespmem:$0x8680] =	vst v63  }
0xa9: {  	s8 =	smul.u32 $0x60, s8;
	s14 =	sadd.s32 s28, s14;
	s18 =	sadd.s32 $0x2D40, s19  }
0xaa: {  	[tilespmem:s18], [sflag:$0x1] =	stream.linear.gather [hbm4b:s14+s5], $0x60, $0x38;
	[tilespmem:$0x8680] =	vst v63  }
0xab: {  	s19 =	sor.u32 $0x2800, s8;
	s0 =	sadd.s32 s6, s13  }
0xac: {  	[tilespmem:s19], [sflag:$0x1] =	stream.linear.gather [hbm4b:s0+s5], $0x60, $0x38;
	[tilespmem:$0x8680] =	vst v63  }
0xad: {  	s8 =	sadd.s32 $0x2D40, s8;
	s13 =	sadd.s32 s28, s13  }
0xae: {  	[tilespmem:s8], [sflag:$0x1] =	stream.linear.gather [hbm4b:s13+s5], $0x60, $0x38;
	[tilespmem:$0x8680] =	vst v63  }
0xaf: {  	_ =	swait.ge [sflag:s31], $0x600  }
0xb0: {  	[sflag:s31] =	ssyncset.done $0x0  }
0xb1: {  	[sflag:s31] =	ssyncadd.s32 $0xFFFFFA00  }
0xb2: {  	s3 =	sadd.s32 $0x2D40, s30;
	s8 =	simm.s32 $0x3;
	s5 =	rddreg [dreg:$0x2]  }
0xb3: {  	[spmem:s5] =	stream.indirect.scatter.add.f32 [tilespmem:s2], [sflag:$0x9], $0x10, s3, s26, $0xb8;
	[tilespmem:$0x8680] =	vst v63  }
0xb4: {  	_ =	swait.ge [sflag:s8], $0x600  }
0xb5: {  	[sflag:s8] =	ssyncset.done $0x0  }
0xb6: {  	s1 =	sadd.s32 $0x2D40, s1;
	s13 =	simm.s32 $0x4;
	[sflag:s8] =	ssyncadd.s32 $0xFFFFFA00  }
0xb7: {  	[spmem:s5] =	stream.indirect.scatter.add.f32 [tilespmem:s17], [sflag:$0x9], $0x10, s1, s26, $0xb8;
	[tilespmem:$0x8680] =	vst v63  }
0xb8: {  	_ =	swait.ge [sflag:s13], $0x600  }
0xb9: {  	[sflag:s13] =	ssyncset.done $0x0  }
0xba: {  	s16 =	simm.s32 $0x5;
	s14 =	sadd.s32 $0x2E00, s30;
	[sflag:s13] =	ssyncadd.s32 $0xFFFFFA00  }
0xbb: {  	[spmem:s5] =	stream.indirect.scatter.add.f32 [tilespmem:s15], [sflag:$0x9], $0x10, s14, s26, $0xb8;
	[tilespmem:$0x8680] =	vst v63  }
0xbc: {  	_ =	swait.ge [sflag:s16], $0x600  }
0xbd: {  	[sflag:s16] =	ssyncset.done $0x0  }
0xbe: {  	s18 =	simm.s32 $0x6;
	s17 =	sadd.s32 $0x2E60, s30;
	[sflag:s16] =	ssyncadd.s32 $0xFFFFFA00  }
0xbf: {  	[spmem:s5] =	stream.indirect.scatter.add.f32 [tilespmem:s11], [sflag:$0x9], $0x10, s17, s26, $0xb8;
	[tilespmem:$0x8680] =	vst v63  }
0xc0: {  	_ =	swait.ge [sflag:s18], $0x600  }
0xc1: {  	[sflag:s18] =	ssyncset.done $0x0  }
0xc2: {  	s19 =	sadd.s32 $0x2EC0, s30;
	s31 =	simm.s32 $0x7;
	[sflag:s18] =	ssyncadd.s32 $0xFFFFFA00  }
0xc3: {  	[spmem:s5] =	stream.indirect.scatter.add.f32 [tilespmem:s7], [sflag:$0x9], $0x10, s19, s26, $0xb8;
	[tilespmem:$0x8680] =	vst v63  }
0xc4: {  	_ =	swait.ge [sflag:s31], $0x600  }
0xc5: {  	s1 =	sadd.s32 $0x2F20, s30;
	[sflag:s31] =	ssyncset.done $0x0  }
0xc6: {  	s11 =	smov.u32 s6;
	s7 =	simm.s32 $0x0;
	[sflag:s31] =	ssyncadd.s32 $0xFFFFFA00  }
.LBB2_2:
0xc7: {  	s5 =	rddreg [dreg:$0x2]  }
0xc8: {  	s6 =	simm.s32 $0x60;
	s0 =	smov.u32 s29;
	s29 =	sadd.s32 $0x1, s29  }
0xc9: {  	[spmem:s5] =	stream.indirect.scatter.add.f32 [tilespmem:s10], [sflag:$0x9], $0x10, s1, s6, $0xb8;
	[tilespmem:$0x8680] =	vst v63  }
0xca: {  	s3 =	simm.s32 $0x8;
	s15 =	smin.u32 s29, $0xE  }
0xcb: {  	_ =	swait.ge [sflag:s3], $0x600;
	s16 =	smul.u32 $0x2A0, s15  }
0xcc: {  	s2 =	sadd.s32 $0x2F80, s30;
	[sflag:s3] =	ssyncset.done $0x0  }
0xcd: {  	s17 =	rddreg [dreg:$0x5];
	[sflag:s3] =	ssyncadd.s32 $0xFFFFFA00;
	s19 =	sadd.s32 s16, s4  }
0xce: {  	[spmem:s5] =	stream.indirect.scatter.add.f32 [tilespmem:s17], [sflag:$0x9], $0x10, s2, s6, $0xb8;
	[tilespmem:$0x8680] =	vst v63  }
0xcf: {  	s3 =	sadd.s32 s16, s21;
	s14 =	sadd.s32 s16, s25;
	_ =	swait.ge [sflag:s9], $0x60  }
0xd0: {  	s26 =	sshrl.u32 s19, $0x3;
	s2 =	sadd.s32 s16, s20;
	[sflag:s9] =	ssyncset.done $0x0  }
0xd1: {  	[dreg:$0xb] =	wrdreg s26;
	s1 =	sshrl.u32 s2, $0x3;
	[sflag:s9] =	ssyncadd.s32 $0xFFFFFFA0  }
0xd2: {  	s5 =	sshrl.u32 s3, $0x3;
	_ =	swait.ge [sflag:s9], $0x60;
	[dreg:$0xa] =	wrdreg s1  }
0xd3: {  	s13 =	sadd.s32 s16, s24;
	s15 =	sshrl.u32 s14, $0x3;
	[dreg:$0x9] =	wrdreg s5  }
0xd4: {  	s1 =	sshrl.u32 s13, $0x3;
	[dreg:$0x7] =	wrdreg s15;
	[sflag:s9] =	ssyncset.done $0x0  }
0xd5: {  	[dreg:$0x8] =	wrdreg s1;
	[sflag:s9] =	ssyncadd.s32 $0xFFFFFFA0  }
0xd6: {  	s18 =	sadd.s32 s12, s16;
	s16 =	sadd.s32 s16, s23;
	_ =	swait.ge [sflag:s9], $0x60  }
0xd7: {  	s17 =	sshrl.u32 s16, $0x3;
	[sflag:s9] =	ssyncset.done $0x0  }
0xd8: {  	[dreg:$0x6] =	wrdreg s17;
	[sflag:s9] =	ssyncadd.s32 $0xFFFFFFA0  }
0xd9: {  	_ =	swait.ge [sflag:s9], $0x60  }
0xda: {  	[sflag:s9] =	ssyncset.done $0x0  }
0xdb: {  	[sflag:s9] =	ssyncadd.s32 $0xFFFFFFA0  }
0xdc: {  	_ =	swait.ge [sflag:s9], $0x60  }
0xdd: {  	[sflag:s9] =	ssyncset.done $0x0  }
0xde: {  	[sflag:s9] =	ssyncadd.s32 $0xFFFFFFA0  }
0xdf: {  	_ =	swait.ge [sflag:s9], $0x60  }
0xe0: {  	[sflag:s9] =	ssyncset.done $0x0  }
0xe1: {  	[sflag:s9] =	ssyncadd.s32 $0xFFFFFFA0  }
0xe2: {  	_ =	swait.ge [sflag:s9], $0x60  }
0xe3: {  	[sflag:s9] =	ssyncset.done $0x0  }
0xe4: {  	[sflag:s9] =	ssyncadd.s32 $0xFFFFFFA0  }
0xe5: {  	_ =	swait.ge [sflag:s9], $0x60  }
0xe6: {  	[sflag:s9] =	ssyncset.done $0x0  }
0xe7: {  	[sflag:s9] =	ssyncadd.s32 $0xFFFFFFA0  }
0xe8: {  	_ =	swait.ge [sflag:s9], $0x60  }
0xe9: {  	[sflag:s9] =	ssyncset.done $0x0  }
0xea: {  	[sflag:s9] =	ssyncadd.s32 $0xFFFFFFA0  }
0xeb: {  	_ =	swait.ge [sflag:s9], $0x60  }
0xec: {  	[sflag:s9] =	ssyncset.done $0x0  }
0xed: {  	[sflag:s9] =	ssyncadd.s32 $0xFFFFFFA0  }
0xee: {  	s8 =	sshrl.u32 s18, $0x3;
	s18 =	sand.u32 $0x1, s0;
	_ =	swait.ge [sflag:s9], $0x60  }
0xef: {  	s14 =	smul.u32 $0x7, s18;
	[sflag:s9] =	ssyncset.done $0x0  }
0xf0: {  	s16 =	smul.u32 $0xA800, s18;
	[sflag:s9] =	ssyncadd.s32 $0xFFFFFFA0  }
0xf1: {  	p1 =	seq.s32 s0, $0x0;
	s30 =	smul.u32 $0x2A0, s18;
	_ =	swait.ge [sflag:s9], $0x60  }
0xf2: {  	s2 =	smov.u32 s20;
	s19 =	sadd.s32 $0x1, s14;
	[sflag:s9] =	ssyncset.done $0x0  }
0xf3: {  	s26 =	sor.u32 $0x2800, s30;
	s18 =	sadd.s32 $0x3000, s16;
	[sflag:s9] =	ssyncadd.s32 $0xFFFFFFA0  }
0xf4: {  	s10 =	sadd.s32 $0x7800, s16;
	s24 =	smul.u32 $0x60, s19;
	_ =	swait.ge [sflag:s9], $0x60  }
0xf5: {  	s20 =	sadd.s32 $0x2920, s30;
	s13 =	sshrl.u32 s16, $0x2;
	[sflag:s9] =	ssyncset.done $0x0  }
0xf6: {  	s18 =	sshrl.u32 s18, $0x2;
	[dreg:$0xc] =	wrdreg s24;
	[sflag:s9] =	ssyncadd.s32 $0xFFFFFFA0  }
0xf7: {  	s5 =	sadd.s32 $0x6000, s16;
	s17 =	smul.u32 $0x1800, s19;
	_ =	swait.ge [sflag:s9], $0x60  }
0xf8: {  	s10 =	sshrl.u32 s10, $0x2;
	s15 =	sadd.s32 $0x3280, s13;
	[sflag:s9] =	ssyncset.done $0x0  }
0xf9: {  	s3 =	sshrl.u32 s5, $0x2;
	s17 =	sshrl.u32 s17, $0x2;
	[sflag:s9] =	ssyncadd.s32 $0xFFFFFFA0  }
0xfa: {  	[tilespmem:s15], [sflag:$0x2] =	stream.indirect.gather [hbm4b:s22+s6], $0x10, s26, s6, $0xb8;
	[tilespmem:$0x8680] =	vst v63  }
0xfb: {  	s19 =	sadd.s32 $0x4800, s16;
	s24 =	sor.u32 $0x2800, s24;
	s26 =	sadd.s32 $0x3280, s17  }
0xfc: {  	[tilespmem:s26], [sflag:$0x3] =	stream.indirect.gather [hbm4b:s22+s6], $0x10, s24, s6, $0xb8;
	[tilespmem:$0x8680] =	vst v63  }
0xfd: {  	s5 =	sadd.s32 $0x28C0, s30;
	s19 =	sshrl.u32 s19, $0x2;
	s24 =	sadd.s32 $0x3280, s18  }
0xfe: {  	[tilespmem:s24], [sflag:$0x4] =	stream.indirect.gather [hbm4b:s22+s6], $0x10, s5, s6, $0xb8;
	[tilespmem:$0x8680] =	vst v63  }
0xff: {  	s1 =	smov.u32 s21;
	s16 =	sadd.s32 $0x9000, s16;
	s19 =	sadd.s32 $0x3280, s19  }
0x100: {  	[tilespmem:s19], [sflag:$0x5] =	stream.indirect.gather [hbm4b:s22+s6], $0x10, s20, s6, $0xb8;
	[tilespmem:$0x8680] =	vst v63  }
0x101: {  	s21 =	sadd.s32 $0x2980, s30;
	s16 =	sshrl.u32 s16, $0x2;
	s17 =	sadd.s32 $0x3280, s3  }
0x102: {  	[tilespmem:s17], [sflag:$0x6] =	stream.indirect.gather [hbm4b:s22+s6], $0x10, s21, s6, $0xb8;
	[tilespmem:$0x8680] =	vst v63  }
0x103: {  	s0 =	sadd.s32 $0x29E0, s30;
	s10 =	sadd.s32 $0x3280, s10;
	s20 =	sadd.s32 $0x3280, s16  }
0x104: {  	[tilespmem:s10], [sflag:$0x7] =	stream.indirect.gather [hbm4b:s22+s6], $0x10, s0, s6, $0xb8;
	[tilespmem:$0x8680] =	vst v63  }
0x105: {  	s13 =	simm.s32 @!p1 $0x9;
	s5 =	sadd.s32 $0x2A40, s30;
	[dreg:$0x5] =	wrdreg s20  }
0x106: {  	[tilespmem:s20], [sflag:$0x8] =	stream.indirect.gather [hbm4b:s22+s6], $0x10, s5, s6, $0xb8;
	[tilespmem:$0x8680] =	vst v63  }
0x107: {  	_ =	swait.ge @!p1 [sflag:s13], $0x600  }
0x108: {  	[sflag:s13] =	ssyncset.done @!p1 $0x0  }
0x109: {  	[sflag:s13] =	ssyncadd.s32 @!p1 $0xFFFFFA00  }
0x10a: {  	_ =	swait.ge @!p1 [sflag:s13], $0x600  }
0x10b: {  	[sflag:s13] =	ssyncset.done @!p1 $0x0  }
0x10c: {  	[sflag:s13] =	ssyncadd.s32 @!p1 $0xFFFFFA00  }
0x10d: {  	_ =	swait.ge @!p1 [sflag:s13], $0x600  }
0x10e: {  	[sflag:s13] =	ssyncset.done @!p1 $0x0  }
0x10f: {  	[sflag:s13] =	ssyncadd.s32 @!p1 $0xFFFFFA00  }
0x110: {  	_ =	swait.ge @!p1 [sflag:s13], $0x600  }
0x111: {  	[sflag:s13] =	ssyncset.done @!p1 $0x0  }
0x112: {  	s31 =	smov.u32 s12;
	[sflag:s13] =	ssyncadd.s32 @!p1 $0xFFFFFA00  }
0x113: {  	s12 =	smov.u32 s22;
	s3 =	sxor.u32 $0x7, s14;
	_ =	swait.ge @!p1 [sflag:s13], $0x600  }
0x114: {  	s3 =	smul.u32 $0x60, s3;
	s18 =	ssub.s32 $0xB, s14;
	[sflag:s13] =	ssyncset.done @!p1 $0x0  }
0x115: {  	s18 =	smul.u32 $0x60, s18;
	s21 =	ssub.s32 $0x8, s14;
	[sflag:s13] =	ssyncadd.s32 @!p1 $0xFFFFFA00  }
0x116: {  	s0 =	ssub.s32 $0x9, s14;
	s22 =	smul.u32 $0x60, s21;
	_ =	swait.ge @!p1 [sflag:s13], $0x600  }
0x117: {  	s21 =	smul.u32 $0x60, s0;
	s5 =	ssub.s32 $0xA, s14;
	[sflag:s13] =	ssyncset.done @!p1 $0x0  }
0x118: {  	s0 =	ssub.s32 $0xC, s14;
	s20 =	smul.u32 $0x60, s5;
	[sflag:s13] =	ssyncadd.s32 @!p1 $0xFFFFFA00  }
0x119: {  	s16 =	smul.u32 $0x60, s0;
	s0 =	smov.u32 s23;
	_ =	swait.ge @!p1 [sflag:s13], $0x600  }
0x11a: {  	s23 =	smov.u32 s25;
	s25 =	smov.u32 s4;
	[sflag:s13] =	ssyncset.done @!p1 $0x0  }
0x11b: {  	s4 =	sor.u32 $0x2800, s3;
	s5 =	sadd.s32 s11, s8;
	[sflag:s13] =	ssyncadd.s32 @!p1 $0xFFFFFA00  }
0x11c: {  	[tilespmem:s4], [sflag:$0x1] =	stream.linear.gather [hbm4b:s5+s7], $0x60, $0x38;
	[tilespmem:$0x8680] =	vst v63  }
0x11d: {  	s8 =	sadd.s32 s28, s8;
	s3 =	sadd.s32 $0x2D40, s3;
	s4 =	rddreg [dreg:$0xb]  }
0x11e: {  	[tilespmem:s3], [sflag:$0x1] =	stream.linear.gather [hbm4b:s8+s7], $0x60, $0x38;
	[tilespmem:$0x8680] =	vst v63  }
0x11f: {  	s14 =	ssub.s32 $0xD, s14;
	s13 =	sadd.s32 s11, s4;
	s8 =	sor.u32 $0x2800, s22  }
0x120: {  	[tilespmem:s8], [sflag:$0x1] =	stream.linear.gather [hbm4b:s13+s7], $0x60, $0x38;
	[tilespmem:$0x8680] =	vst v63  }
0x121: {  	s5 =	sadd.s32 s28, s4;
	s13 =	sadd.s32 $0x2D40, s22;
	s8 =	rddreg [dreg:$0xa]  }
0x122: {  	[tilespmem:s13], [sflag:$0x1] =	stream.linear.gather [hbm4b:s5+s7], $0x60, $0x38;
	[tilespmem:$0x8680] =	vst v63  }
0x123: {  	s14 =	smul.u32 $0x60, s14;
	s4 =	sadd.s32 s11, s8;
	s13 =	sor.u32 $0x2800, s21  }
0x124: {  	[tilespmem:s13], [sflag:$0x1] =	stream.linear.gather [hbm4b:s4+s7], $0x60, $0x38;
	[tilespmem:$0x8680] =	vst v63  }
0x125: {  	s5 =	sadd.s32 s28, s8;
	s13 =	sadd.s32 $0x2D40, s21;
	s4 =	rddreg [dreg:$0x9]  }
0x126: {  	[tilespmem:s13], [sflag:$0x1] =	stream.linear.gather [hbm4b:s5+s7], $0x60, $0x38;
	[tilespmem:$0x8680] =	vst v63  }
0x127: {  	s21 =	smov.u32 s1;
	s8 =	sadd.s32 s11, s4;
	s13 =	sor.u32 $0x2800, s20  }
0x128: {  	[tilespmem:s13], [sflag:$0x1] =	stream.linear.gather [hbm4b:s8+s7], $0x60, $0x38;
	[tilespmem:$0x8680] =	vst v63  }
0x129: {  	s1 =	sadd.s32 s28, s4;
	s4 =	sadd.s32 $0x2D40, s20;
	s8 =	rddreg [dreg:$0x8]  }
0x12a: {  	[tilespmem:s4], [sflag:$0x1] =	stream.linear.gather [hbm4b:s1+s7], $0x60, $0x38;
	[tilespmem:$0x8680] =	vst v63  }
0x12b: {  	s20 =	smov.u32 s2;
	s2 =	sor.u32 $0x2800, s18;
	s13 =	sadd.s32 s11, s8  }
0x12c: {  	[tilespmem:s2], [sflag:$0x1] =	stream.linear.gather [hbm4b:s13+s7], $0x60, $0x38;
	[tilespmem:$0x8680] =	vst v63  }
0x12d: {  	s5 =	sadd.s32 $0x2D40, s18;
	s1 =	sadd.s32 s28, s8;
	s8 =	rddreg [dreg:$0x7]  }
0x12e: {  	[tilespmem:s5], [sflag:$0x1] =	stream.linear.gather [hbm4b:s1+s7], $0x60, $0x38;
	[tilespmem:$0x8680] =	vst v63  }
0x12f: {  	s22 =	smov.u32 s12;
	s18 =	sor.u32 $0x2800, s16;
	s13 =	sadd.s32 s11, s8  }
0x130: {  	[tilespmem:s18], [sflag:$0x1] =	stream.linear.gather [hbm4b:s13+s7], $0x60, $0x38;
	[tilespmem:$0x8680] =	vst v63  }
0x131: {  	s2 =	sadd.s32 s28, s8;
	s5 =	sadd.s32 $0x2D40, s16;
	s13 =	rddreg [dreg:$0x6]  }
0x132: {  	[tilespmem:s5], [sflag:$0x1] =	stream.linear.gather [hbm4b:s2+s7], $0x60, $0x38;
	[tilespmem:$0x8680] =	vst v63  }
0x133: {  	s12 =	smov.u32 s31;
	s8 =	sor.u32 $0x2800, s14;
	s16 =	sadd.s32 s11, s13  }
0x134: {  	[tilespmem:s8], [sflag:$0x1] =	stream.linear.gather [hbm4b:s16+s7], $0x60, $0x38;
	[tilespmem:$0x8680] =	vst v63  }
0x135: {  	s31 =	simm.s32 $0x2;
	s18 =	sadd.s32 $0x2D40, s14;
	s2 =	sadd.s32 s28, s13  }
0x136: {  	[tilespmem:s18], [sflag:$0x1] =	stream.linear.gather [hbm4b:s2+s7], $0x60, $0x38;
	[tilespmem:$0x8680] =	vst v63  }
0x137: {  	_ =	swait.ge [sflag:s31], $0x600  }
0x138: {  	[sflag:s31] =	ssyncset.done $0x0  }
0x139: {  	[sflag:s31] =	ssyncadd.s32 $0xFFFFFA00  }
0x13a: {  	s5 =	simm.s32 $0x3;
	s2 =	sadd.s32 $0x2D40, s30;
	s3 =	rddreg [dreg:$0x2]  }
0x13b: {  	[spmem:s3] =	stream.indirect.scatter.add.f32 [tilespmem:s15], [sflag:$0x9], $0x10, s2, s6, $0xb8;
	[tilespmem:$0x8680] =	vst v63  }
0x13c: {  	_ =	swait.ge [sflag:s5], $0x600  }
0x13d: {  	s8 =	rddreg [dreg:$0xc];
	[sflag:s5] =	ssyncset.done $0x0  }
0x13e: {  	s13 =	simm.s32 $0x4;
	s1 =	sadd.s32 $0x2D40, s8;
	[sflag:s5] =	ssyncadd.s32 $0xFFFFFA00  }
0x13f: {  	[spmem:s3] =	stream.indirect.scatter.add.f32 [tilespmem:s26], [sflag:$0x9], $0x10, s1, s6, $0xb8;
	[tilespmem:$0x8680] =	vst v63  }
0x140: {  	_ =	swait.ge [sflag:s13], $0x600  }
0x141: {  	[sflag:s13] =	ssyncset.done $0x0  }
0x142: {  	s14 =	sadd.s32 $0x2E00, s30;
	s15 =	simm.s32 $0x5;
	[sflag:s13] =	ssyncadd.s32 $0xFFFFFA00  }
0x143: {  	[spmem:s3] =	stream.indirect.scatter.add.f32 [tilespmem:s24], [sflag:$0x9], $0x10, s14, s6, $0xb8;
	[tilespmem:$0x8680] =	vst v63  }
0x144: {  	s24 =	rddreg [dreg:$0x4];
	_ =	swait.ge [sflag:s15], $0x600  }
0x145: {  	[sflag:s15] =	ssyncset.done $0x0  }
0x146: {  	s16 =	sadd.s32 $0x2E60, s30;
	s18 =	simm.s32 $0x6;
	[sflag:s15] =	ssyncadd.s32 $0xFFFFFA00  }
0x147: {  	[spmem:s3] =	stream.indirect.scatter.add.f32 [tilespmem:s19], [sflag:$0x9], $0x10, s16, s6, $0xb8;
	[tilespmem:$0x8680] =	vst v63  }
0x148: {  	_ =	swait.ge [sflag:s18], $0x600  }
0x149: {  	p0 =	sne.s32 s29, $0xF;
	s26 =	simm.s32 $0x7;
	[sflag:s18] =	ssyncset.done $0x0  }
.Ltmp0:
0x14a: {  	s19 =	sadd.s32 $0x2EC0, s30;
	[sflag:s18] =	ssyncadd.s32 $0xFFFFFA00;
	(pc) =	sbr.rel @p0 .LBB2_2-.Ltmp0, $4  }
0x14b: {  	[spmem:s3] =	stream.indirect.scatter.add.f32 [tilespmem:s17], [sflag:$0x9], $0x10, s19, s6, $0xb8;
	[tilespmem:$0x8680] =	vst v63  }
0x14c: {  	_ =	swait.ge [sflag:s26], $0x600  }
0x14d: {  	s4 =	smov.u32 s25;
	s25 =	smov.u32 s23;
	[sflag:s26] =	ssyncset.done $0x0  }
0x14e: {  	s23 =	smov.u32 s0;
	s1 =	sadd.s32 $0x2F20, s30;
	[sflag:s26] =	ssyncadd.s32 $0xFFFFFA00  }
0x14f: {  	s2 =	rddreg [dreg:$0x2];
	s3 =	simm.s32 $0x60;
	s16 =	simm.s32 $0x8  }
0x150: {  	[spmem:s2] =	stream.indirect.scatter.add.f32 [tilespmem:s10], [sflag:$0x9], $0x10, s1, s3, $0xb8;
	[tilespmem:$0x8680] =	vst v63  }
0x151: {  	_ =	swait.ge [sflag:s16], $0x600  }
0x152: {  	s0 =	sadd.s32 $0x2F80, s30;
	[sflag:s16] =	ssyncset.done $0x0  }
0x153: {  	s18 =	simm.s32 $0x9;
	s17 =	rddreg [dreg:$0x5];
	[sflag:s16] =	ssyncadd.s32 $0xFFFFFA00  }
0x154: {  	[spmem:s2] =	stream.indirect.scatter.add.f32 [tilespmem:s17], [sflag:$0x9], $0x10, s0, s3, $0xb8;
	[tilespmem:$0x8680] =	vst v63  }
0x155: {  	_ =	swait.ge [sflag:s18], $0x600  }
0x156: {  	[sflag:s18] =	ssyncset.done $0x0  }
0x157: {  	[sflag:s18] =	ssyncadd.s32 $0xFFFFFA00  }
0x158: {  	_ =	swait.ge [sflag:s18], $0x600  }
0x159: {  	[sflag:s18] =	ssyncset.done $0x0  }
0x15a: {  	[sflag:s18] =	ssyncadd.s32 $0xFFFFFA00  }
0x15b: {  	_ =	swait.ge [sflag:s18], $0x600  }
0x15c: {  	[sflag:s18] =	ssyncset.done $0x0  }
0x15d: {  	[sflag:s18] =	ssyncadd.s32 $0xFFFFFA00  }
0x15e: {  	_ =	swait.ge [sflag:s18], $0x600  }
0x15f: {  	[sflag:s18] =	ssyncset.done $0x0  }
0x160: {  	[sflag:s18] =	ssyncadd.s32 $0xFFFFFA00  }
0x161: {  	_ =	swait.ge [sflag:s18], $0x600  }
0x162: {  	[sflag:s18] =	ssyncset.done $0x0  }
0x163: {  	[sflag:s18] =	ssyncadd.s32 $0xFFFFFA00  }
0x164: {  	_ =	swait.ge [sflag:s18], $0x600  }
0x165: {  	[sflag:s18] =	ssyncset.done $0x0  }
0x166: {  	[sflag:s18] =	ssyncadd.s32 $0xFFFFFA00  }
0x167: {  	_ =	swait.ge [sflag:s18], $0x600  }
0x168: {  	[sflag:s18] =	ssyncset.done $0x0  }
0x169: {  	[sflag:s18] =	ssyncadd.s32 $0xFFFFFA00  }
0x16a: {  	_ =	swait.ge [sflag:s9], $0x60  }
0x16b: {  	[sflag:s9] =	ssyncset.done $0x0  }
0x16c: {  	[sflag:s9] =	ssyncadd.s32 $0xFFFFFFA0  }
0x16d: {  	_ =	swait.ge [sflag:s9], $0x60  }
0x16e: {  	[sflag:s9] =	ssyncset.done $0x0  }
0x16f: {  	[sflag:s9] =	ssyncadd.s32 $0xFFFFFFA0  }
0x170: {  	_ =	swait.ge [sflag:s9], $0x60  }
0x171: {  	[sflag:s9] =	ssyncset.done $0x0  }
0x172: {  	[sflag:s9] =	ssyncadd.s32 $0xFFFFFFA0  }
0x173: {  	_ =	swait.ge [sflag:s9], $0x60  }
0x174: {  	[sflag:s9] =	ssyncset.done $0x0  }
0x175: {  	[sflag:s9] =	ssyncadd.s32 $0xFFFFFFA0  }
0x176: {  	_ =	swait.ge [sflag:s9], $0x60  }
0x177: {  	[sflag:s9] =	ssyncset.done $0x0  }
0x178: {  	[sflag:s9] =	ssyncadd.s32 $0xFFFFFFA0  }
0x179: {  	_ =	swait.ge [sflag:s9], $0x60  }
0x17a: {  	[sflag:s9] =	ssyncset.done $0x0  }
0x17b: {  	[sflag:s9] =	ssyncadd.s32 $0xFFFFFFA0  }
0x17c: {  	_ =	swait.ge [sflag:s9], $0x60  }
0x17d: {  	[sflag:s9] =	ssyncset.done $0x0  }
0x17e: {  	[sflag:s9] =	ssyncadd.s32 $0xFFFFFFA0  }
0x17f: {  	_ =	swait.ge [sflag:s9], $0x60  }
0x180: {  	[sflag:s9] =	ssyncset.done $0x0  }
0x181: {  	[sflag:s9] =	ssyncadd.s32 $0xFFFFFFA0  }
0x182: {  	_ =	swait.ge [sflag:s9], $0x60  }
0x183: {  	[sflag:s9] =	ssyncset.done $0x0  }
0x184: {  	[sflag:s9] =	ssyncadd.s32 $0xFFFFFFA0  }
0x185: {  	_ =	swait.ge [sflag:s9], $0x60  }
0x186: {  	[sflag:s9] =	ssyncset.done $0x0  }
0x187: {  	[sflag:s9] =	ssyncadd.s32 $0xFFFFFFA0  }
0x188: {  	_ =	swait.ge [sflag:s9], $0x60  }
0x189: {  	[sflag:s9] =	ssyncset.done $0x0  }
0x18a: {  	[sflag:s9] =	ssyncadd.s32 $0xFFFFFFA0  }
0x18b: {  	_ =	swait.ge [sflag:s9], $0x60  }
0x18c: {  	[sflag:s9] =	ssyncset.done $0x0  }
0x18d: {  	[sflag:s9] =	ssyncadd.s32 $0xFFFFFFA0  }
0x18e: {  	_ =	swait.ge [sflag:s9], $0x60  }
0x18f: {  	[sflag:s9] =	ssyncset.done $0x0  }
0x190: {  	[sflag:s9] =	ssyncadd.s32 $0xFFFFFFA0  }
0x191: {  	_ =	swait.ge [sflag:s9], $0x60  }
0x192: {  	[sflag:s9] =	ssyncset.done $0x0  }
0x193: {  	[sflag:s9] =	ssyncadd.s32 $0xFFFFFFA0  }
0x194: {  	[bflag:$0x0] =	sbarrier.arrive $0xFFFF  }
0x195: {  	s26 =	sld [smem:$0x7FD]  }
0x196: {  	s3 =	rddreg [dreg:$0xe]  }
0x197: {  	s1 =	simm.s32 $0xA;
	s19 =	rddreg [dreg:$0x1d]  }
0x198: {  	[hbm:s19], [sflag:s3] =	dma.local [spmem:s26], $0x500  }
0x199: {  	_ =	swait.ge [sflag:s1], $0x500  }
0x19a: {  	s29 =	rddreg [dreg:$0x1f]  }
0x19b: {  	s30 =	rddreg [dreg:$0x1e];
	s2 =	sadd.s32 $0x1, s29  }
0x19c: {  	p0 =	sne.s32 s2, s30  }
.Ltmp1:
0x19d: {  	_ = 	snop;
	(pc) =	sbr.rel @p0 .LBB2_1-.Ltmp1, $3  }
0x19e: {  	_ =	sdelay $0x1  }
0x19f: {  	[sflag:s1] =	ssyncset.done $0x0  }
0x1a0: {  	s5 =	simm.s32 $0x0;
	s6 =	smov.u32 s11;
	[sflag:s1] =	ssyncadd.s32 $0xFFFFFB00  }
0x1a1: {  	_ =	sfence.sel $0x180000  }
0x1a2: {  	[bflag:$0x0] =	sbarrier.arrive $0xFFFF  }
0x1a3: {  	_ =	strace $0x9000004A  }
0x1a4: {  	s0 =	stileid.u32;
	[bflag:$0x2] =	sbarrier.arrive $0xFFFF  }
0x1a5: {  	p0 =	sne.s32 s0, $0x0;
	s0 =	rddreg [dreg:$0x3]  }
0x1a6: {  	s0 =	sadd.s32 @!p0 $0x100000, s0  }
0x1a7: {  	[sflag:s0] =	ssyncadd.tile.s32 @!p0 $0x1;
	_ =	shalt  }
.Lfunc_end2:
_tile_overlayer_lowered:
.L_overlay_start_2:
0x1a8: {  	(tag) =	ssettag $0x2  }
0x1a9: {  	s0 =	rddreg [dreg:$0x0];
	s2 =	stileid.u32  }
0x1aa: {  	s1 =	rddreg [dreg:$0x1];
	p0 =	sne.s32 s2, $0x0  }
0x1ab: {  	s3 =	rddreg [dreg:$0x2];
	[bflag:$0x3] =	sbarrier.arrive $0xFFFF;
	s2 =	simm.s32 @!p0 $0x1C0A  }
0x1ac: {  	[timem:s3], [sflag:s2] =	dma.local @!p0 [hbm:s0], s1  }
0x1ad: {  	s0 =	simm.s32 @!p0 $0xA  }
0x1ae: {  	_ =	swait.ge @!p0 [sflag:s0], s1  }
0x1af: {  	s1 =	ssub.s32 @!p0 $0x0, s1;
	[sflag:s0] =	ssyncset.done @!p0 $0x0  }
0x1b0: {  	[sflag:s0] =	ssyncadd.s32 @!p0 s1  }
0x1b1: {  	[bflag:$0x3] =	sbarrier.arrive $0xFFFF  }
0x1b2: {  	_ =	shalt  }

</sc_bundles>
